<compile_context>
chip_gen: v7x
topology: tpu7x:2x2x1
jax: 0.10.2.dev20260603
libtpu: 0.0.44.dev20260713+nightly
codegen_flags: <defaults>
</compile_context>

<pallas_src>
import jax
import jax.numpy as jnp
from jax import lax
from jax.experimental import pallas as pl
from jax.experimental.pallas import tpu as pltpu, tpu_sc as plsc

EMBED = 64
BATCH = 16384
NC, NS, L = 2, 16, 16
NW = NC * NS
B_PER_W = BATCH // NW
CH = 64
NCHUNK = B_PER_W // CH


def _body(idx_hbm, ent, rel, o_pos, o_neg, o_ph, o_pt, o_nh, o_nt,
          idxv, b0, b1, b2, b3, b4, b5, c0, c1, c2, c3, c4, c5,
          sem_g, sem_o):
    wid = lax.axis_index("s") * NC + lax.axis_index("c")
    pltpu.sync_copy(idx_hbm.at[:, pl.ds(wid * B_PER_W, B_PER_W)], idxv)

    sets = ((b0, b1, b2, b3, b4, b5), (c0, c1, c2, c3, c4, c5))
    tables = (ent, ent, rel, ent, ent, rel)
    outs = (o_ph, o_pt, o_pos, o_nh, o_nt, o_neg)

    def issue_gathers(c):
        bufs = sets[c % 2]
        return [
            pltpu.async_copy(tables[k].at[idxv.at[k, pl.ds(c * CH, CH)]],
                             bufs[k], sem_g)
            for k in range(6)
        ]

    gh = {0: issue_gathers(0)}
    oh = {}
    for c in range(NCHUNK):
        bufs = sets[c % 2]
        b_ph, b_pt, b_pr, b_nh, b_nt, b_nr = bufs
        for g in gh.pop(c):
            g.wait()
        if c - 1 in oh:
            for o in oh.pop(c - 1):
                o.wait()
        if c + 1 < NCHUNK:
            gh[c + 1] = issue_gathers(c + 1)

        def compute(i, _):
            for j in range(EMBED // L):
                sl = pl.ds(j * L, L)
                b_pr[i, sl] = b_ph[i, sl] + b_pr[i, sl] - b_pt[i, sl]
                b_nr[i, sl] = b_nh[i, sl] + b_nr[i, sl] - b_nt[i, sl]
            return ()

        lax.fori_loop(0, CH, compute, ())

        row0 = wid * B_PER_W + c * CH
        oh[c] = [
            pltpu.async_copy(bufs[k], outs[k].at[pl.ds(row0, CH)], sem_o)
            for k in range(6)
        ]
    for hs in oh.values():
        for o in hs:
            o.wait()


def kernel(pos_h, pos_t, pos_r, neg_h, neg_t, neg_r, ent_emb, rel_emb):
    idx_all = jnp.stack([x.astype(jnp.int32) for x in
                         (pos_h, pos_t, pos_r, neg_h, neg_t, neg_r)])

    out = jax.ShapeDtypeStruct((BATCH, EMBED), jnp.float32)
    run = pl.kernel(
        _body,
        out_type=(out,) * 6,
        mesh=plsc.VectorSubcoreMesh(core_axis_name="c", subcore_axis_name="s"),
        scratch_types=[
            pltpu.VMEM((6, B_PER_W), jnp.int32),
        ] + [pltpu.VMEM((CH, EMBED), jnp.float32)] * 12 + [
            pltpu.SemaphoreType.DMA,
            pltpu.SemaphoreType.DMA,
        ],
        compiler_params=pltpu.CompilerParams(use_tc_tiling_on_sc=False),
    )
    return run(idx_all, ent_emb, rel_emb)

# --- scband reference (transcript-rebuilt; emitter-appended) ---
"""Pipeline reference for scband-trans-e-51771535786343 (READ-ONLY COPY).

The authoritative reference and input builder live on the scoring server;
editing this copy changes nothing except your own understanding.
"""

import jax, jax.numpy as jnp
import numpy as np

ENTITY_TOTAL = 1000000
RELATION_TOTAL = 1000
EMBED = 64
BATCH = 16384


def setup_inputs(seed: int = 0) -> dict:
    key = jax.random.key(seed)
    k_ent, k_rel, k1, k2, k3, k4, k5, k6 = jax.random.split(key, 8)
    # xavier_uniform-style init then L2-normalize rows (as in TransE.__init__)
    limit_e = np.sqrt(6.0 / (ENTITY_TOTAL + EMBED))
    limit_r = np.sqrt(6.0 / (RELATION_TOTAL + EMBED))
    ent_emb = jax.random.uniform(k_ent, (ENTITY_TOTAL, EMBED), dtype=jnp.float32, minval=-limit_e, maxval=limit_e)
    rel_emb = jax.random.uniform(k_rel, (RELATION_TOTAL, EMBED), dtype=jnp.float32, minval=-limit_r, maxval=limit_r)
    ent_emb = ent_emb / jnp.clip(jnp.linalg.norm(ent_emb, axis=1, keepdims=True), 1e-12)
    rel_emb = rel_emb / jnp.clip(jnp.linalg.norm(rel_emb, axis=1, keepdims=True), 1e-12)
    return {
        "pos_h": jax.random.randint(k1, (BATCH,), 0, ENTITY_TOTAL, dtype=jnp.int64) if jax.config.jax_enable_x64 else jax.random.randint(k1, (BATCH,), 0, ENTITY_TOTAL).astype(jnp.int32),
        "pos_t": jax.random.randint(k2, (BATCH,), 0, ENTITY_TOTAL).astype(jnp.int32),
        "pos_r": jax.random.randint(k3, (BATCH,), 0, RELATION_TOTAL).astype(jnp.int32),
        "neg_h": jax.random.randint(k4, (BATCH,), 0, ENTITY_TOTAL).astype(jnp.int32),
        "neg_t": jax.random.randint(k5, (BATCH,), 0, ENTITY_TOTAL).astype(jnp.int32),
        "neg_r": jax.random.randint(k6, (BATCH,), 0, RELATION_TOTAL).astype(jnp.int32),
        "ent_emb": ent_emb,
        "rel_emb": rel_emb,
    }


def reference(pos_h, pos_t, pos_r, neg_h, neg_t, neg_r, ent_emb, rel_emb):
    pos_h_e = jnp.take(ent_emb, pos_h, axis=0)
    pos_t_e = jnp.take(ent_emb, pos_t, axis=0)
    pos_r_e = jnp.take(rel_emb, pos_r, axis=0)
    neg_h_e = jnp.take(ent_emb, neg_h, axis=0)
    neg_t_e = jnp.take(ent_emb, neg_t, axis=0)
    neg_r_e = jnp.take(rel_emb, neg_r, axis=0)
    pos = pos_h_e + pos_r_e - pos_t_e
    neg = neg_h_e + neg_r_e - neg_t_e
    return (pos, neg, pos_h_e, pos_t_e, neg_h_e, neg_t_e)

if __name__ == "__main__":
    import jax
    _d = setup_inputs()
    print(jax.jit(kernel)(*tuple(_d.values())))

</pallas_src>

<mosaic_0001>
#map = affine_map<(d0, d1) -> (0, 0)>
module attributes {stable_mosaic.version = 14 : i64} {
  func.func @_body(%arg0: i32, %arg1: i32, %arg2: memref<6x16384xi32, #tpu.memory_space<hbm>>, %arg3: memref<1000000x64xf32, #tpu.memory_space<hbm>>, %arg4: memref<1000x64xf32, #tpu.memory_space<hbm>>, %arg5: memref<16384x64xf32, #tpu.memory_space<hbm>>, %arg6: memref<16384x64xf32, #tpu.memory_space<hbm>>, %arg7: memref<16384x64xf32, #tpu.memory_space<hbm>>, %arg8: memref<16384x64xf32, #tpu.memory_space<hbm>>, %arg9: memref<16384x64xf32, #tpu.memory_space<hbm>>, %arg10: memref<16384x64xf32, #tpu.memory_space<hbm>>, %arg11: memref<6x512xi32, #tpu.memory_space<vmem>>, %arg12: memref<64x64xf32, #tpu.memory_space<vmem>>, %arg13: memref<64x64xf32, #tpu.memory_space<vmem>>, %arg14: memref<64x64xf32, #tpu.memory_space<vmem>>, %arg15: memref<64x64xf32, #tpu.memory_space<vmem>>, %arg16: memref<64x64xf32, #tpu.memory_space<vmem>>, %arg17: memref<64x64xf32, #tpu.memory_space<vmem>>, %arg18: memref<64x64xf32, #tpu.memory_space<vmem>>, %arg19: memref<64x64xf32, #tpu.memory_space<vmem>>, %arg20: memref<64x64xf32, #tpu.memory_space<vmem>>, %arg21: memref<64x64xf32, #tpu.memory_space<vmem>>, %arg22: memref<64x64xf32, #tpu.memory_space<vmem>>, %arg23: memref<64x64xf32, #tpu.memory_space<vmem>>, %arg24: memref<!tpu.dma_semaphore, #tpu.memory_space<semaphore_mem>>, %arg25: memref<!tpu.dma_semaphore, #tpu.memory_space<semaphore_mem>>) attributes {dimension_semantics = [#tpu.dimension_semantics<core_parallel>, #tpu.dimension_semantics<subcore_parallel>], iteration_bounds = array<i64: 2, 16>, scalar_prefetch = 0 : i64, scratch_operands = 15 : i64, tpu.core_type = #tpu.core_type<sc_vector_subcore>, window_params = [{transform_indices = #map}, {transform_indices = #map}, {transform_indices = #map}, {transform_indices = #map}, {transform_indices = #map}, {transform_indices = #map}, {transform_indices = #map}, {transform_indices = #map}, {transform_indices = #map}]} {
    %mul3A = arith.constant 2 : i32
    %mul3A_0 = arith.muli %arg1, %mul3A : i32
    %add3A = arith.addi %mul3A_0, %arg0 : i32
    %mul3A_1 = arith.constant 512 : i32
    %mul3A_2 = arith.muli %add3A, %mul3A_1 : i32
    "tpu.region"() ({
      %run_scoped3A = tpu.sem_alloc : memref<!tpu.dma_semaphore, #tpu.memory_space<semaphore_mem>>
      %dma_start3A_1128 = arith.constant 0 : i32
      %dma_start3A_1129 = tpu.memref_slice %arg2[%dma_start3A_1128, %mul3A_2] : memref<6x16384xi32, #tpu.memory_space<hbm>> -> memref<6x512xi32, #tpu.memory_space<hbm>>
      %dma_start3A_1130 = arith.constant 0 : i32
      %dma_start3A_1131 = tpu.memref_slice %arg2[%dma_start3A_1130, %mul3A_2] : memref<6x16384xi32, #tpu.memory_space<hbm>> -> memref<6x512xi32, #tpu.memory_space<hbm>>
      tpu.enqueue_dma source(%dma_start3A_1131 : memref<6x512xi32, #tpu.memory_space<hbm>>) target(%arg11 : memref<6x512xi32, #tpu.memory_space<vmem>>) target_semaphore(%run_scoped3A : memref<!tpu.dma_semaphore, #tpu.memory_space<semaphore_mem>>)
      %dma_wait3A_1132 = arith.constant 0 : i32
      %dma_wait3A_1133 = tpu.memref_slice %arg2[%dma_wait3A_1132, %mul3A_2] : memref<6x16384xi32, #tpu.memory_space<hbm>> -> memref<6x512xi32, #tpu.memory_space<hbm>>
      %dma_wait3A_1134 = arith.constant 0 : i32
      %dma_wait3A_1135 = tpu.memref_slice %arg2[%dma_wait3A_1134, %mul3A_2] : memref<6x16384xi32, #tpu.memory_space<hbm>> -> memref<6x512xi32, #tpu.memory_space<hbm>>
      tpu.wait_dma2 semaphore(%run_scoped3A : memref<!tpu.dma_semaphore, #tpu.memory_space<semaphore_mem>>) src(%dma_wait3A_1135 : memref<6x512xi32, #tpu.memory_space<hbm>>) dst(%arg11 : memref<6x512xi32, #tpu.memory_space<vmem>>)
      tpu.yield
    }) : () -> ()
    %dma_start3A = arith.constant 0 : i32
    %dma_start3A_3 = arith.constant 0 : i32
    %dma_start3A_4 = tpu.memref_slice %arg11[%dma_start3A, %dma_start3A_3] : memref<6x512xi32, #tpu.memory_space<vmem>> -> memref<1x64xi32, #tpu.memory_space<vmem>>
    %dma_start3A_5 = tpu.memref_squeeze %dma_start3A_4 : memref<1x64xi32, #tpu.memory_space<vmem>> -> memref<64xi32, #tpu.memory_space<vmem>>
    %dma_start3A_6 = arith.constant 0 : i32
    %dma_start3A_7 = arith.constant 0 : i32
    %dma_start3A_8 = tpu.memref_slice %arg3[%dma_start3A_6, %dma_start3A_7] : memref<1000000x64xf32, #tpu.memory_space<hbm>> -> memref<1000000x64xf32, #tpu.memory_space<hbm>>
    tpu.enqueue_indirect_dma source(%dma_start3A_8 : memref<1000000x64xf32, #tpu.memory_space<hbm>>) target(%arg12 : memref<64x64xf32, #tpu.memory_space<vmem>>) offsets(%dma_start3A_5 : memref<64xi32, #tpu.memory_space<vmem>>) semaphore(%arg24 : memref<!tpu.dma_semaphore, #tpu.memory_space<semaphore_mem>>)
    %dma_start3A_9 = arith.constant 1 : i32
    %dma_start3A_10 = arith.constant 0 : i32
    %dma_start3A_11 = tpu.memref_slice %arg11[%dma_start3A_9, %dma_start3A_10] : memref<6x512xi32, #tpu.memory_space<vmem>> -> memref<1x64xi32, #tpu.memory_space<vmem>>
    %dma_start3A_12 = tpu.memref_squeeze %dma_start3A_11 : memref<1x64xi32, #tpu.memory_space<vmem>> -> memref<64xi32, #tpu.memory_space<vmem>>
    %dma_start3A_13 = arith.constant 0 : i32
    %dma_start3A_14 = arith.constant 0 : i32
    %dma_start3A_15 = tpu.memref_slice %arg3[%dma_start3A_13, %dma_start3A_14] : memref<1000000x64xf32, #tpu.memory_space<hbm>> -> memref<1000000x64xf32, #tpu.memory_space<hbm>>
    tpu.enqueue_indirect_dma source(%dma_start3A_15 : memref<1000000x64xf32, #tpu.memory_space<hbm>>) target(%arg13 : memref<64x64xf32, #tpu.memory_space<vmem>>) offsets(%dma_start3A_12 : memref<64xi32, #tpu.memory_space<vmem>>) semaphore(%arg24 : memref<!tpu.dma_semaphore, #tpu.memory_space<semaphore_mem>>)
    %dma_start3A_16 = arith.constant 2 : i32
    %dma_start3A_17 = arith.constant 0 : i32
    %dma_start3A_18 = tpu.memref_slice %arg11[%dma_start3A_16, %dma_start3A_17] : memref<6x512xi32, #tpu.memory_space<vmem>> -> memref<1x64xi32, #tpu.memory_space<vmem>>
    %dma_start3A_19 = tpu.memref_squeeze %dma_start3A_18 : memref<1x64xi32, #tpu.memory_space<vmem>> -> memref<64xi32, #tpu.memory_space<vmem>>
    %dma_start3A_20 = arith.constant 0 : i32
    %dma_start3A_21 = arith.constant 0 : i32
    %dma_start3A_22 = tpu.memref_slice %arg4[%dma_start3A_20, %dma_start3A_21] : memref<1000x64xf32, #tpu.memory_space<hbm>> -> memref<1000x64xf32, #tpu.memory_space<hbm>>
    tpu.enqueue_indirect_dma source(%dma_start3A_22 : memref<1000x64xf32, #tpu.memory_space<hbm>>) target(%arg14 : memref<64x64xf32, #tpu.memory_space<vmem>>) offsets(%dma_start3A_19 : memref<64xi32, #tpu.memory_space<vmem>>) semaphore(%arg24 : memref<!tpu.dma_semaphore, #tpu.memory_space<semaphore_mem>>)
    %dma_start3A_23 = arith.constant 3 : i32
    %dma_start3A_24 = arith.constant 0 : i32
    %dma_start3A_25 = tpu.memref_slice %arg11[%dma_start3A_23, %dma_start3A_24] : memref<6x512xi32, #tpu.memory_space<vmem>> -> memref<1x64xi32, #tpu.memory_space<vmem>>
    %dma_start3A_26 = tpu.memref_squeeze %dma_start3A_25 : memref<1x64xi32, #tpu.memory_space<vmem>> -> memref<64xi32, #tpu.memory_space<vmem>>
    %dma_start3A_27 = arith.constant 0 : i32
    %dma_start3A_28 = arith.constant 0 : i32
    %dma_start3A_29 = tpu.memref_slice %arg3[%dma_start3A_27, %dma_start3A_28] : memref<1000000x64xf32, #tpu.memory_space<hbm>> -> memref<1000000x64xf32, #tpu.memory_space<hbm>>
    tpu.enqueue_indirect_dma source(%dma_start3A_29 : memref<1000000x64xf32, #tpu.memory_space<hbm>>) target(%arg15 : memref<64x64xf32, #tpu.memory_space<vmem>>) offsets(%dma_start3A_26 : memref<64xi32, #tpu.memory_space<vmem>>) semaphore(%arg24 : memref<!tpu.dma_semaphore, #tpu.memory_space<semaphore_mem>>)
    %dma_start3A_30 = arith.constant 4 : i32
    %dma_start3A_31 = arith.constant 0 : i32
    %dma_start3A_32 = tpu.memref_slice %arg11[%dma_start3A_30, %dma_start3A_31] : memref<6x512xi32, #tpu.memory_space<vmem>> -> memref<1x64xi32, #tpu.memory_space<vmem>>
    %dma_start3A_33 = tpu.memref_squeeze %dma_start3A_32 : memref<1x64xi32, #tpu.memory_space<vmem>> -> memref<64xi32, #tpu.memory_space<vmem>>
    %dma_start3A_34 = arith.constant 0 : i32
    %dma_start3A_35 = arith.constant 0 : i32
    %dma_start3A_36 = tpu.memref_slice %arg3[%dma_start3A_34, %dma_start3A_35] : memref<1000000x64xf32, #tpu.memory_space<hbm>> -> memref<1000000x64xf32, #tpu.memory_space<hbm>>
    tpu.enqueue_indirect_dma source(%dma_start3A_36 : memref<1000000x64xf32, #tpu.memory_space<hbm>>) target(%arg16 : memref<64x64xf32, #tpu.memory_space<vmem>>) offsets(%dma_start3A_33 : memref<64xi32, #tpu.memory_space<vmem>>) semaphore(%arg24 : memref<!tpu.dma_semaphore, #tpu.memory_space<semaphore_mem>>)
    %dma_start3A_37 = arith.constant 5 : i32
    %dma_start3A_38 = arith.constant 0 : i32
    %dma_start3A_39 = tpu.memref_slice %arg11[%dma_start3A_37, %dma_start3A_38] : memref<6x512xi32, #tpu.memory_space<vmem>> -> memref<1x64xi32, #tpu.memory_space<vmem>>
    %dma_start3A_40 = tpu.memref_squeeze %dma_start3A_39 : memref<1x64xi32, #tpu.memory_space<vmem>> -> memref<64xi32, #tpu.memory_space<vmem>>
    %dma_start3A_41 = arith.constant 0 : i32
    %dma_start3A_42 = arith.constant 0 : i32
    %dma_start3A_43 = tpu.memref_slice %arg4[%dma_start3A_41, %dma_start3A_42] : memref<1000x64xf32, #tpu.memory_space<hbm>> -> memref<1000x64xf32, #tpu.memory_space<hbm>>
    tpu.enqueue_indirect_dma source(%dma_start3A_43 : memref<1000x64xf32, #tpu.memory_space<hbm>>) target(%arg17 : memref<64x64xf32, #tpu.memory_space<vmem>>) offsets(%dma_start3A_40 : memref<64xi32, #tpu.memory_space<vmem>>) semaphore(%arg24 : memref<!tpu.dma_semaphore, #tpu.memory_space<semaphore_mem>>)
    %dma_wait3A = arith.constant 0 : i32
    %dma_wait3A_44 = arith.constant 0 : i32
    %dma_wait3A_45 = tpu.memref_slice %arg11[%dma_wait3A, %dma_wait3A_44] : memref<6x512xi32, #tpu.memory_space<vmem>> -> memref<1x64xi32, #tpu.memory_space<vmem>>
    %dma_wait3A_46 = tpu.memref_squeeze %dma_wait3A_45 : memref<1x64xi32, #tpu.memory_space<vmem>> -> memref<64xi32, #tpu.memory_space<vmem>>
    %dma_wait3A_47 = arith.constant 0 : i32
    %dma_wait3A_48 = arith.constant 0 : i32
    %dma_wait3A_49 = tpu.memref_slice %arg3[%dma_wait3A_47, %dma_wait3A_48] : memref<1000000x64xf32, #tpu.memory_space<hbm>> -> memref<1000000x64xf32, #tpu.memory_space<hbm>>
    tpu.wait_indirect_dma semaphore(%arg24 : memref<!tpu.dma_semaphore, #tpu.memory_space<semaphore_mem>>) src(%dma_wait3A_49 : memref<1000000x64xf32, #tpu.memory_space<hbm>>) dst(%arg12 : memref<64x64xf32, #tpu.memory_space<vmem>>)
    %dma_wait3A_50 = arith.constant 1 : i32
    %dma_wait3A_51 = arith.constant 0 : i32
    %dma_wait3A_52 = tpu.memref_slice %arg11[%dma_wait3A_50, %dma_wait3A_51] : memref<6x512xi32, #tpu.memory_space<vmem>> -> memref<1x64xi32, #tpu.memory_space<vmem>>
    %dma_wait3A_53 = tpu.memref_squeeze %dma_wait3A_52 : memref<1x64xi32, #tpu.memory_space<vmem>> -> memref<64xi32, #tpu.memory_space<vmem>>
    %dma_wait3A_54 = arith.constant 0 : i32
    %dma_wait3A_55 = arith.constant 0 : i32
    %dma_wait3A_56 = tpu.memref_slice %arg3[%dma_wait3A_54, %dma_wait3A_55] : memref<1000000x64xf32, #tpu.memory_space<hbm>> -> memref<1000000x64xf32, #tpu.memory_space<hbm>>
    tpu.wait_indirect_dma semaphore(%arg24 : memref<!tpu.dma_semaphore, #tpu.memory_space<semaphore_mem>>) src(%dma_wait3A_56 : memref<1000000x64xf32, #tpu.memory_space<hbm>>) dst(%arg13 : memref<64x64xf32, #tpu.memory_space<vmem>>)
    %dma_wait3A_57 = arith.constant 2 : i32
    %dma_wait3A_58 = arith.constant 0 : i32
    %dma_wait3A_59 = tpu.memref_slice %arg11[%dma_wait3A_57, %dma_wait3A_58] : memref<6x512xi32, #tpu.memory_space<vmem>> -> memref<1x64xi32, #tpu.memory_space<vmem>>
    %dma_wait3A_60 = tpu.memref_squeeze %dma_wait3A_59 : memref<1x64xi32, #tpu.memory_space<vmem>> -> memref<64xi32, #tpu.memory_space<vmem>>
    %dma_wait3A_61 = arith.constant 0 : i32
    %dma_wait3A_62 = arith.constant 0 : i32
    %dma_wait3A_63 = tpu.memref_slice %arg4[%dma_wait3A_61, %dma_wait3A_62] : memref<1000x64xf32, #tpu.memory_space<hbm>> -> memref<1000x64xf32, #tpu.memory_space<hbm>>
    tpu.wait_indirect_dma semaphore(%arg24 : memref<!tpu.dma_semaphore, #tpu.memory_space<semaphore_mem>>) src(%dma_wait3A_63 : memref<1000x64xf32, #tpu.memory_space<hbm>>) dst(%arg14 : memref<64x64xf32, #tpu.memory_space<vmem>>)
    %dma_wait3A_64 = arith.constant 3 : i32
    %dma_wait3A_65 = arith.constant 0 : i32
    %dma_wait3A_66 = tpu.memref_slice %arg11[%dma_wait3A_64, %dma_wait3A_65] : memref<6x512xi32, #tpu.memory_space<vmem>> -> memref<1x64xi32, #tpu.memory_space<vmem>>
    %dma_wait3A_67 = tpu.memref_squeeze %dma_wait3A_66 : memref<1x64xi32, #tpu.memory_space<vmem>> -> memref<64xi32, #tpu.memory_space<vmem>>
    %dma_wait3A_68 = arith.constant 0 : i32
    %dma_wait3A_69 = arith.constant 0 : i32
    %dma_wait3A_70 = tpu.memref_slice %arg3[%dma_wait3A_68, %dma_wait3A_69] : memref<1000000x64xf32, #tpu.memory_space<hbm>> -> memref<1000000x64xf32, #tpu.memory_space<hbm>>
    tpu.wait_indirect_dma semaphore(%arg24 : memref<!tpu.dma_semaphore, #tpu.memory_space<semaphore_mem>>) src(%dma_wait3A_70 : memref<1000000x64xf32, #tpu.memory_space<hbm>>) dst(%arg15 : memref<64x64xf32, #tpu.memory_space<vmem>>)
    %dma_wait3A_71 = arith.constant 4 : i32
    %dma_wait3A_72 = arith.constant 0 : i32
    %dma_wait3A_73 = tpu.memref_slice %arg11[%dma_wait3A_71, %dma_wait3A_72] : memref<6x512xi32, #tpu.memory_space<vmem>> -> memref<1x64xi32, #tpu.memory_space<vmem>>
    %dma_wait3A_74 = tpu.memref_squeeze %dma_wait3A_73 : memref<1x64xi32, #tpu.memory_space<vmem>> -> memref<64xi32, #tpu.memory_space<vmem>>
    %dma_wait3A_75 = arith.constant 0 : i32
    %dma_wait3A_76 = arith.constant 0 : i32
    %dma_wait3A_77 = tpu.memref_slice %arg3[%dma_wait3A_75, %dma_wait3A_76] : memref<1000000x64xf32, #tpu.memory_space<hbm>> -> memref<1000000x64xf32, #tpu.memory_space<hbm>>
    tpu.wait_indirect_dma semaphore(%arg24 : memref<!tpu.dma_semaphore, #tpu.memory_space<semaphore_mem>>) src(%dma_wait3A_77 : memref<1000000x64xf32, #tpu.memory_space<hbm>>) dst(%arg16 : memref<64x64xf32, #tpu.memory_space<vmem>>)
    %dma_wait3A_78 = arith.constant 5 : i32
    %dma_wait3A_79 = arith.constant 0 : i32
    %dma_wait3A_80 = tpu.memref_slice %arg11[%dma_wait3A_78, %dma_wait3A_79] : memref<6x512xi32, #tpu.memory_space<vmem>> -> memref<1x64xi32, #tpu.memory_space<vmem>>
    %dma_wait3A_81 = tpu.memref_squeeze %dma_wait3A_80 : memref<1x64xi32, #tpu.memory_space<vmem>> -> memref<64xi32, #tpu.memory_space<vmem>>
    %dma_wait3A_82 = arith.constant 0 : i32
    %dma_wait3A_83 = arith.constant 0 : i32
    %dma_wait3A_84 = tpu.memref_slice %arg4[%dma_wait3A_82, %dma_wait3A_83] : memref<1000x64xf32, #tpu.memory_space<hbm>> -> memref<1000x64xf32, #tpu.memory_space<hbm>>
    tpu.wait_indirect_dma semaphore(%arg24 : memref<!tpu.dma_semaphore, #tpu.memory_space<semaphore_mem>>) src(%dma_wait3A_84 : memref<1000x64xf32, #tpu.memory_space<hbm>>) dst(%arg17 : memref<64x64xf32, #tpu.memory_space<vmem>>)
    %dma_start3A_85 = arith.constant 0 : i32
    %dma_start3A_86 = arith.constant 64 : i32
    %dma_start3A_87 = tpu.memref_slice %arg11[%dma_start3A_85, %dma_start3A_86] : memref<6x512xi32, #tpu.memory_space<vmem>> -> memref<1x64xi32, #tpu.memory_space<vmem>>
    %dma_start3A_88 = tpu.memref_squeeze %dma_start3A_87 : memref<1x64xi32, #tpu.memory_space<vmem>> -> memref<64xi32, #tpu.memory_space<vmem>>
    %dma_start3A_89 = arith.constant 0 : i32
    %dma_start3A_90 = arith.constant 0 : i32
    %dma_start3A_91 = tpu.memref_slice %arg3[%dma_start3A_89, %dma_start3A_90] : memref<1000000x64xf32, #tpu.memory_space<hbm>> -> memref<1000000x64xf32, #tpu.memory_space<hbm>>
    tpu.enqueue_indirect_dma source(%dma_start3A_91 : memref<1000000x64xf32, #tpu.memory_space<hbm>>) target(%arg18 : memref<64x64xf32, #tpu.memory_space<vmem>>) offsets(%dma_start3A_88 : memref<64xi32, #tpu.memory_space<vmem>>) semaphore(%arg24 : memref<!tpu.dma_semaphore, #tpu.memory_space<semaphore_mem>>)
    %dma_start3A_92 = arith.constant 1 : i32
    %dma_start3A_93 = arith.constant 64 : i32
    %dma_start3A_94 = tpu.memref_slice %arg11[%dma_start3A_92, %dma_start3A_93] : memref<6x512xi32, #tpu.memory_space<vmem>> -> memref<1x64xi32, #tpu.memory_space<vmem>>
    %dma_start3A_95 = tpu.memref_squeeze %dma_start3A_94 : memref<1x64xi32, #tpu.memory_space<vmem>> -> memref<64xi32, #tpu.memory_space<vmem>>
    %dma_start3A_96 = arith.constant 0 : i32
    %dma_start3A_97 = arith.constant 0 : i32
    %dma_start3A_98 = tpu.memref_slice %arg3[%dma_start3A_96, %dma_start3A_97] : memref<1000000x64xf32, #tpu.memory_space<hbm>> -> memref<1000000x64xf32, #tpu.memory_space<hbm>>
    tpu.enqueue_indirect_dma source(%dma_start3A_98 : memref<1000000x64xf32, #tpu.memory_space<hbm>>) target(%arg19 : memref<64x64xf32, #tpu.memory_space<vmem>>) offsets(%dma_start3A_95 : memref<64xi32, #tpu.memory_space<vmem>>) semaphore(%arg24 : memref<!tpu.dma_semaphore, #tpu.memory_space<semaphore_mem>>)
    %dma_start3A_99 = arith.constant 2 : i32
    %dma_start3A_100 = arith.constant 64 : i32
    %dma_start3A_101 = tpu.memref_slice %arg11[%dma_start3A_99, %dma_start3A_100] : memref<6x512xi32, #tpu.memory_space<vmem>> -> memref<1x64xi32, #tpu.memory_space<vmem>>
    %dma_start3A_102 = tpu.memref_squeeze %dma_start3A_101 : memref<1x64xi32, #tpu.memory_space<vmem>> -> memref<64xi32, #tpu.memory_space<vmem>>
    %dma_start3A_103 = arith.constant 0 : i32
    %dma_start3A_104 = arith.constant 0 : i32
    %dma_start3A_105 = tpu.memref_slice %arg4[%dma_start3A_103, %dma_start3A_104] : memref<1000x64xf32, #tpu.memory_space<hbm>> -> memref<1000x64xf32, #tpu.memory_space<hbm>>
    tpu.enqueue_indirect_dma source(%dma_start3A_105 : memref<1000x64xf32, #tpu.memory_space<hbm>>) target(%arg20 : memref<64x64xf32, #tpu.memory_space<vmem>>) offsets(%dma_start3A_102 : memref<64xi32, #tpu.memory_space<vmem>>) semaphore(%arg24 : memref<!tpu.dma_semaphore, #tpu.memory_space<semaphore_mem>>)
    %dma_start3A_106 = arith.constant 3 : i32
    %dma_start3A_107 = arith.constant 64 : i32
    %dma_start3A_108 = tpu.memref_slice %arg11[%dma_start3A_106, %dma_start3A_107] : memref<6x512xi32, #tpu.memory_space<vmem>> -> memref<1x64xi32, #tpu.memory_space<vmem>>
    %dma_start3A_109 = tpu.memref_squeeze %dma_start3A_108 : memref<1x64xi32, #tpu.memory_space<vmem>> -> memref<64xi32, #tpu.memory_space<vmem>>
    %dma_start3A_110 = arith.constant 0 : i32
    %dma_start3A_111 = arith.constant 0 : i32
    %dma_start3A_112 = tpu.memref_slice %arg3[%dma_start3A_110, %dma_start3A_111] : memref<1000000x64xf32, #tpu.memory_space<hbm>> -> memref<1000000x64xf32, #tpu.memory_space<hbm>>
    tpu.enqueue_indirect_dma source(%dma_start3A_112 : memref<1000000x64xf32, #tpu.memory_space<hbm>>) target(%arg21 : memref<64x64xf32, #tpu.memory_space<vmem>>) offsets(%dma_start3A_109 : memref<64xi32, #tpu.memory_space<vmem>>) semaphore(%arg24 : memref<!tpu.dma_semaphore, #tpu.memory_space<semaphore_mem>>)
    %dma_start3A_113 = arith.constant 4 : i32
    %dma_start3A_114 = arith.constant 64 : i32
    %dma_start3A_115 = tpu.memref_slice %arg11[%dma_start3A_113, %dma_start3A_114] : memref<6x512xi32, #tpu.memory_space<vmem>> -> memref<1x64xi32, #tpu.memory_space<vmem>>
    %dma_start3A_116 = tpu.memref_squeeze %dma_start3A_115 : memref<1x64xi32, #tpu.memory_space<vmem>> -> memref<64xi32, #tpu.memory_space<vmem>>
    %dma_start3A_117 = arith.constant 0 : i32
    %dma_start3A_118 = arith.constant 0 : i32
    %dma_start3A_119 = tpu.memref_slice %arg3[%dma_start3A_117, %dma_start3A_118] : memref<1000000x64xf32, #tpu.memory_space<hbm>> -> memref<1000000x64xf32, #tpu.memory_space<hbm>>
    tpu.enqueue_indirect_dma source(%dma_start3A_119 : memref<1000000x64xf32, #tpu.memory_space<hbm>>) target(%arg22 : memref<64x64xf32, #tpu.memory_space<vmem>>) offsets(%dma_start3A_116 : memref<64xi32, #tpu.memory_space<vmem>>) semaphore(%arg24 : memref<!tpu.dma_semaphore, #tpu.memory_space<semaphore_mem>>)
    %dma_start3A_120 = arith.constant 5 : i32
    %dma_start3A_121 = arith.constant 64 : i32
    %dma_start3A_122 = tpu.memref_slice %arg11[%dma_start3A_120, %dma_start3A_121] : memref<6x512xi32, #tpu.memory_space<vmem>> -> memref<1x64xi32, #tpu.memory_space<vmem>>
    %dma_start3A_123 = tpu.memref_squeeze %dma_start3A_122 : memref<1x64xi32, #tpu.memory_space<vmem>> -> memref<64xi32, #tpu.memory_space<vmem>>
    %dma_start3A_124 = arith.constant 0 : i32
    %dma_start3A_125 = arith.constant 0 : i32
    %dma_start3A_126 = tpu.memref_slice %arg4[%dma_start3A_124, %dma_start3A_125] : memref<1000x64xf32, #tpu.memory_space<hbm>> -> memref<1000x64xf32, #tpu.memory_space<hbm>>
    tpu.enqueue_indirect_dma source(%dma_start3A_126 : memref<1000x64xf32, #tpu.memory_space<hbm>>) target(%arg23 : memref<64x64xf32, #tpu.memory_space<vmem>>) offsets(%dma_start3A_123 : memref<64xi32, #tpu.memory_space<vmem>>) semaphore(%arg24 : memref<!tpu.dma_semaphore, #tpu.memory_space<semaphore_mem>>)
    %scan3A = arith.constant 0 : i32
    %scan3A_127 = arith.constant 64 : i32
    %scan3A_128 = arith.addi %scan3A, %scan3A_127 : i32
    %scan3A_129 = arith.constant 1 : i32
    scf.for %scan3A_1128 = %scan3A to %scan3A_128 step %scan3A_129  : i32 {
      %get3A = arith.index_cast %scan3A_1128 : i32 to index
      %get3A_1129 = arith.constant 0 : index
      %get3A_1130 = tpu.vector_load %arg12[%get3A, %get3A_1129] {strides = array<i32>} : memref<64x64xf32, #tpu.memory_space<vmem>>, vector<1x16xf32>,
      %get3A_1131 = vector.shape_cast %get3A_1130 : vector<1x16xf32> to vector<16xf32>
      %get3A_1132 = arith.index_cast %scan3A_1128 : i32 to index
      %get3A_1133 = arith.constant 0 : index
      %get3A_1134 = tpu.vector_load %arg14[%get3A_1132, %get3A_1133] {strides = array<i32>} : memref<64x64xf32, #tpu.memory_space<vmem>>, vector<1x16xf32>,
      %get3A_1135 = vector.shape_cast %get3A_1134 : vector<1x16xf32> to vector<16xf32>
      %add3A_1136 = arith.addf %get3A_1131, %get3A_1135 : vector<16xf32>
      %get3A_1137 = arith.index_cast %scan3A_1128 : i32 to index
      %get3A_1138 = arith.constant 0 : index
      %get3A_1139 = tpu.vector_load %arg13[%get3A_1137, %get3A_1138] {strides = array<i32>} : memref<64x64xf32, #tpu.memory_space<vmem>>, vector<1x16xf32>,
      %get3A_1140 = vector.shape_cast %get3A_1139 : vector<1x16xf32> to vector<16xf32>
      %sub3A = arith.subf %add3A_1136, %get3A_1140 : vector<16xf32>
      %swap3A = arith.index_cast %scan3A_1128 : i32 to index
      %swap3A_1141 = arith.constant 0 : index
      %swap3A_1142 = tpu.vector_load %arg14[%swap3A, %swap3A_1141] {strides = array<i32>} : memref<64x64xf32, #tpu.memory_space<vmem>>, vector<1x16xf32>,
      %swap3A_1143 = vector.shape_cast %swap3A_1142 : vector<1x16xf32> to vector<16xf32>
      %swap3A_1144 = vector.shape_cast %sub3A : vector<16xf32> to vector<1x16xf32>
      tpu.vector_store %arg14[%swap3A, %swap3A_1141], %swap3A_1144 {strides = array<i32>} : memref<64x64xf32, #tpu.memory_space<vmem>>, vector<1x16xf32>,
      %get3A_1145 = arith.index_cast %scan3A_1128 : i32 to index
      %get3A_1146 = arith.constant 0 : index
      %get3A_1147 = tpu.vector_load %arg15[%get3A_1145, %get3A_1146] {strides = array<i32>} : memref<64x64xf32, #tpu.memory_space<vmem>>, vector<1x16xf32>,
      %get3A_1148 = vector.shape_cast %get3A_1147 : vector<1x16xf32> to vector<16xf32>
      %get3A_1149 = arith.index_cast %scan3A_1128 : i32 to index
      %get3A_1150 = arith.constant 0 : index
      %get3A_1151 = tpu.vector_load %arg17[%get3A_1149, %get3A_1150] {strides = array<i32>} : memref<64x64xf32, #tpu.memory_space<vmem>>, vector<1x16xf32>,
      %get3A_1152 = vector.shape_cast %get3A_1151 : vector<1x16xf32> to vector<16xf32>
      %add3A_1153 = arith.addf %get3A_1148, %get3A_1152 : vector<16xf32>
      %get3A_1154 = arith.index_cast %scan3A_1128 : i32 to index
      %get3A_1155 = arith.constant 0 : index
      %get3A_1156 = tpu.vector_load %arg16[%get3A_1154, %get3A_1155] {strides = array<i32>} : memref<64x64xf32, #tpu.memory_space<vmem>>, vector<1x16xf32>,
      %get3A_1157 = vector.shape_cast %get3A_1156 : vector<1x16xf32> to vector<16xf32>
      %sub3A_1158 = arith.subf %add3A_1153, %get3A_1157 : vector<16xf32>
      %swap3A_1159 = arith.index_cast %scan3A_1128 : i32 to index
      %swap3A_1160 = arith.constant 0 : index
      %swap3A_1161 = tpu.vector_load %arg17[%swap3A_1159, %swap3A_1160] {strides = array<i32>} : memref<64x64xf32, #tpu.memory_space<vmem>>, vector<1x16xf32>,
      %swap3A_1162 = vector.shape_cast %swap3A_1161 : vector<1x16xf32> to vector<16xf32>
      %swap3A_1163 = vector.shape_cast %sub3A_1158 : vector<16xf32> to vector<1x16xf32>
      tpu.vector_store %arg17[%swap3A_1159, %swap3A_1160], %swap3A_1163 {strides = array<i32>} : memref<64x64xf32, #tpu.memory_space<vmem>>, vector<1x16xf32>,
      %get3A_1164 = arith.index_cast %scan3A_1128 : i32 to index
      %get3A_1165 = arith.constant 16 : index
      %get3A_1166 = tpu.vector_load %arg12[%get3A_1164, %get3A_1165] {strides = array<i32>} : memref<64x64xf32, #tpu.memory_space<vmem>>, vector<1x16xf32>,
      %get3A_1167 = vector.shape_cast %get3A_1166 : vector<1x16xf32> to vector<16xf32>
      %get3A_1168 = arith.index_cast %scan3A_1128 : i32 to index
      %get3A_1169 = arith.constant 16 : index
      %get3A_1170 = tpu.vector_load %arg14[%get3A_1168, %get3A_1169] {strides = array<i32>} : memref<64x64xf32, #tpu.memory_space<vmem>>, vector<1x16xf32>,
      %get3A_1171 = vector.shape_cast %get3A_1170 : vector<1x16xf32> to vector<16xf32>
      %add3A_1172 = arith.addf %get3A_1167, %get3A_1171 : vector<16xf32>
      %get3A_1173 = arith.index_cast %scan3A_1128 : i32 to index
      %get3A_1174 = arith.constant 16 : index
      %get3A_1175 = tpu.vector_load %arg13[%get3A_1173, %get3A_1174] {strides = array<i32>} : memref<64x64xf32, #tpu.memory_space<vmem>>, vector<1x16xf32>,
      %get3A_1176 = vector.shape_cast %get3A_1175 : vector<1x16xf32> to vector<16xf32>
      %sub3A_1177 = arith.subf %add3A_1172, %get3A_1176 : vector<16xf32>
      %swap3A_1178 = arith.index_cast %scan3A_1128 : i32 to index
      %swap3A_1179 = arith.constant 16 : index
      %swap3A_1180 = tpu.vector_load %arg14[%swap3A_1178, %swap3A_1179] {strides = array<i32>} : memref<64x64xf32, #tpu.memory_space<vmem>>, vector<1x16xf32>,
      %swap3A_1181 = vector.shape_cast %swap3A_1180 : vector<1x16xf32> to vector<16xf32>
      %swap3A_1182 = vector.shape_cast %sub3A_1177 : vector<16xf32> to vector<1x16xf32>
      tpu.vector_store %arg14[%swap3A_1178, %swap3A_1179], %swap3A_1182 {strides = array<i32>} : memref<64x64xf32, #tpu.memory_space<vmem>>, vector<1x16xf32>,
      %get3A_1183 = arith.index_cast %scan3A_1128 : i32 to index
      %get3A_1184 = arith.constant 16 : index
      %get3A_1185 = tpu.vector_load %arg15[%get3A_1183, %get3A_1184] {strides = array<i32>} : memref<64x64xf32, #tpu.memory_space<vmem>>, vector<1x16xf32>,
      %get3A_1186 = vector.shape_cast %get3A_1185 : vector<1x16xf32> to vector<16xf32>
      %get3A_1187 = arith.index_cast %scan3A_1128 : i32 to index
      %get3A_1188 = arith.constant 16 : index
      %get3A_1189 = tpu.vector_load %arg17[%get3A_1187, %get3A_1188] {strides = array<i32>} : memref<64x64xf32, #tpu.memory_space<vmem>>, vector<1x16xf32>,
      %get3A_1190 = vector.shape_cast %get3A_1189 : vector<1x16xf32> to vector<16xf32>
      %add3A_1191 = arith.addf %get3A_1186, %get3A_1190 : vector<16xf32>
      %get3A_1192 = arith.index_cast %scan3A_1128 : i32 to index
      %get3A_1193 = arith.constant 16 : index
      %get3A_1194 = tpu.vector_load %arg16[%get3A_1192, %get3A_1193] {strides = array<i32>} : memref<64x64xf32, #tpu.memory_space<vmem>>, vector<1x16xf32>,
      %get3A_1195 = vector.shape_cast %get3A_1194 : vector<1x16xf32> to vector<16xf32>
      %sub3A_1196 = arith.subf %add3A_1191, %get3A_1195 : vector<16xf32>
      %swap3A_1197 = arith.index_cast %scan3A_1128 : i32 to index
      %swap3A_1198 = arith.constant 16 : index
      %swap3A_1199 = tpu.vector_load %arg17[%swap3A_1197, %swap3A_1198] {strides = array<i32>} : memref<64x64xf32, #tpu.memory_space<vmem>>, vector<1x16xf32>,
      %swap3A_1200 = vector.shape_cast %swap3A_1199 : vector<1x16xf32> to vector<16xf32>
      %swap3A_1201 = vector.shape_cast %sub3A_1196 : vector<16xf32> to vector<1x16xf32>
      tpu.vector_store %arg17[%swap3A_1197, %swap3A_1198], %swap3A_1201 {strides = array<i32>} : memref<64x64xf32, #tpu.memory_space<vmem>>, vector<1x16xf32>,
      %get3A_1202 = arith.index_cast %scan3A_1128 : i32 to index
      %get3A_1203 = arith.constant 32 : index
      %get3A_1204 = tpu.vector_load %arg12[%get3A_1202, %get3A_1203] {strides = array<i32>} : memref<64x64xf32, #tpu.memory_space<vmem>>, vector<1x16xf32>,
      %get3A_1205 = vector.shape_cast %get3A_1204 : vector<1x16xf32> to vector<16xf32>
      %get3A_1206 = arith.index_cast %scan3A_1128 : i32 to index
      %get3A_1207 = arith.constant 32 : index
      %get3A_1208 = tpu.vector_load %arg14[%get3A_1206, %get3A_1207] {strides = array<i32>} : memref<64x64xf32, #tpu.memory_space<vmem>>, vector<1x16xf32>,
      %get3A_1209 = vector.shape_cast %get3A_1208 : vector<1x16xf32> to vector<16xf32>
      %add3A_1210 = arith.addf %get3A_1205, %get3A_1209 : vector<16xf32>
      %get3A_1211 = arith.index_cast %scan3A_1128 : i32 to index
      %get3A_1212 = arith.constant 32 : index
      %get3A_1213 = tpu.vector_load %arg13[%get3A_1211, %get3A_1212] {strides = array<i32>} : memref<64x64xf32, #tpu.memory_space<vmem>>, vector<1x16xf32>,
      %get3A_1214 = vector.shape_cast %get3A_1213 : vector<1x16xf32> to vector<16xf32>
      %sub3A_1215 = arith.subf %add3A_1210, %get3A_1214 : vector<16xf32>
      %swap3A_1216 = arith.index_cast %scan3A_1128 : i32 to index
      %swap3A_1217 = arith.constant 32 : index
      %swap3A_1218 = tpu.vector_load %arg14[%swap3A_1216, %swap3A_1217] {strides = array<i32>} : memref<64x64xf32, #tpu.memory_space<vmem>>, vector<1x16xf32>,
      %swap3A_1219 = vector.shape_cast %swap3A_1218 : vector<1x16xf32> to vector<16xf32>
      %swap3A_1220 = vector.shape_cast %sub3A_1215 : vector<16xf32> to vector<1x16xf32>
      tpu.vector_store %arg14[%swap3A_1216, %swap3A_1217], %swap3A_1220 {strides = array<i32>} : memref<64x64xf32, #tpu.memory_space<vmem>>, vector<1x16xf32>,
      %get3A_1221 = arith.index_cast %scan3A_1128 : i32 to index
      %get3A_1222 = arith.constant 32 : index
      %get3A_1223 = tpu.vector_load %arg15[%get3A_1221, %get3A_1222] {strides = array<i32>} : memref<64x64xf32, #tpu.memory_space<vmem>>, vector<1x16xf32>,
      %get3A_1224 = vector.shape_cast %get3A_1223 : vector<1x16xf32> to vector<16xf32>
      %get3A_1225 = arith.index_cast %scan3A_1128 : i32 to index
      %get3A_1226 = arith.constant 32 : index
      %get3A_1227 = tpu.vector_load %arg17[%get3A_1225, %get3A_1226] {strides = array<i32>} : memref<64x64xf32, #tpu.memory_space<vmem>>, vector<1x16xf32>,
      %get3A_1228 = vector.shape_cast %get3A_1227 : vector<1x16xf32> to vector<16xf32>
      %add3A_1229 = arith.addf %get3A_1224, %get3A_1228 : vector<16xf32>
      %get3A_1230 = arith.index_cast %scan3A_1128 : i32 to index
      %get3A_1231 = arith.constant 32 : index
      %get3A_1232 = tpu.vector_load %arg16[%get3A_1230, %get3A_1231] {strides = array<i32>} : memref<64x64xf32, #tpu.memory_space<vmem>>, vector<1x16xf32>,
      %get3A_1233 = vector.shape_cast %get3A_1232 : vector<1x16xf32> to vector<16xf32>
      %sub3A_1234 = arith.subf %add3A_1229, %get3A_1233 : vector<16xf32>
      %swap3A_1235 = arith.index_cast %scan3A_1128 : i32 to index
      %swap3A_1236 = arith.constant 32 : index
      %swap3A_1237 = tpu.vector_load %arg17[%swap3A_1235, %swap3A_1236] {strides = array<i32>} : memref<64x64xf32, #tpu.memory_space<vmem>>, vector<1x16xf32>,
      %swap3A_1238 = vector.shape_cast %swap3A_1237 : vector<1x16xf32> to vector<16xf32>
      %swap3A_1239 = vector.shape_cast %sub3A_1234 : vector<16xf32> to vector<1x16xf32>
      tpu.vector_store %arg17[%swap3A_1235, %swap3A_1236], %swap3A_1239 {strides = array<i32>} : memref<64x64xf32, #tpu.memory_space<vmem>>, vector<1x16xf32>,
      %get3A_1240 = arith.index_cast %scan3A_1128 : i32 to index
      %get3A_1241 = arith.constant 48 : index
      %get3A_1242 = tpu.vector_load %arg12[%get3A_1240, %get3A_1241] {strides = array<i32>} : memref<64x64xf32, #tpu.memory_space<vmem>>, vector<1x16xf32>,
      %get3A_1243 = vector.shape_cast %get3A_1242 : vector<1x16xf32> to vector<16xf32>
      %get3A_1244 = arith.index_cast %scan3A_1128 : i32 to index
      %get3A_1245 = arith.constant 48 : index
      %get3A_1246 = tpu.vector_load %arg14[%get3A_1244, %get3A_1245] {strides = array<i32>} : memref<64x64xf32, #tpu.memory_space<vmem>>, vector<1x16xf32>,
      %get3A_1247 = vector.shape_cast %get3A_1246 : vector<1x16xf32> to vector<16xf32>
      %add3A_1248 = arith.addf %get3A_1243, %get3A_1247 : vector<16xf32>
      %get3A_1249 = arith.index_cast %scan3A_1128 : i32 to index
      %get3A_1250 = arith.constant 48 : index
      %get3A_1251 = tpu.vector_load %arg13[%get3A_1249, %get3A_1250] {strides = array<i32>} : memref<64x64xf32, #tpu.memory_space<vmem>>, vector<1x16xf32>,
      %get3A_1252 = vector.shape_cast %get3A_1251 : vector<1x16xf32> to vector<16xf32>
      %sub3A_1253 = arith.subf %add3A_1248, %get3A_1252 : vector<16xf32>
      %swap3A_1254 = arith.index_cast %scan3A_1128 : i32 to index
      %swap3A_1255 = arith.constant 48 : index
      %swap3A_1256 = tpu.vector_load %arg14[%swap3A_1254, %swap3A_1255] {strides = array<i32>} : memref<64x64xf32, #tpu.memory_space<vmem>>, vector<1x16xf32>,
      %swap3A_1257 = vector.shape_cast %swap3A_1256 : vector<1x16xf32> to vector<16xf32>
      %swap3A_1258 = vector.shape_cast %sub3A_1253 : vector<16xf32> to vector<1x16xf32>
      tpu.vector_store %arg14[%swap3A_1254, %swap3A_1255], %swap3A_1258 {strides = array<i32>} : memref<64x64xf32, #tpu.memory_space<vmem>>, vector<1x16xf32>,
      %get3A_1259 = arith.index_cast %scan3A_1128 : i32 to index
      %get3A_1260 = arith.constant 48 : index
      %get3A_1261 = tpu.vector_load %arg15[%get3A_1259, %get3A_1260] {strides = array<i32>} : memref<64x64xf32, #tpu.memory_space<vmem>>, vector<1x16xf32>,
      %get3A_1262 = vector.shape_cast %get3A_1261 : vector<1x16xf32> to vector<16xf32>
      %get3A_1263 = arith.index_cast %scan3A_1128 : i32 to index
      %get3A_1264 = arith.constant 48 : index
      %get3A_1265 = tpu.vector_load %arg17[%get3A_1263, %get3A_1264] {strides = array<i32>} : memref<64x64xf32, #tpu.memory_space<vmem>>, vector<1x16xf32>,
      %get3A_1266 = vector.shape_cast %get3A_1265 : vector<1x16xf32> to vector<16xf32>
      %add3A_1267 = arith.addf %get3A_1262, %get3A_1266 : vector<16xf32>
      %get3A_1268 = arith.index_cast %scan3A_1128 : i32 to index
      %get3A_1269 = arith.constant 48 : index
      %get3A_1270 = tpu.vector_load %arg16[%get3A_1268, %get3A_1269] {strides = array<i32>} : memref<64x64xf32, #tpu.memory_space<vmem>>, vector<1x16xf32>,
      %get3A_1271 = vector.shape_cast %get3A_1270 : vector<1x16xf32> to vector<16xf32>
      %sub3A_1272 = arith.subf %add3A_1267, %get3A_1271 : vector<16xf32>
      %swap3A_1273 = arith.index_cast %scan3A_1128 : i32 to index
      %swap3A_1274 = arith.constant 48 : index
      %swap3A_1275 = tpu.vector_load %arg17[%swap3A_1273, %swap3A_1274] {strides = array<i32>} : memref<64x64xf32, #tpu.memory_space<vmem>>, vector<1x16xf32>,
      %swap3A_1276 = vector.shape_cast %swap3A_1275 : vector<1x16xf32> to vector<16xf32>
      %swap3A_1277 = vector.shape_cast %sub3A_1272 : vector<16xf32> to vector<1x16xf32>
      tpu.vector_store %arg17[%swap3A_1273, %swap3A_1274], %swap3A_1277 {strides = array<i32>} : memref<64x64xf32, #tpu.memory_space<vmem>>, vector<1x16xf32>,
    }
    %scan3A_130 = arith.constant 64 : i32
    %mul3A_131 = arith.constant 512 : i32
    %mul3A_132 = arith.muli %add3A, %mul3A_131 : i32
    %add3A_133 = arith.constant 0 : i32
    %add3A_134 = arith.addi %mul3A_132, %add3A_133 : i32
    %dma_start3A_135 = arith.constant 0 : i32
    %dma_start3A_136 = tpu.memref_slice %arg7[%add3A_134, %dma_start3A_135] : memref<16384x64xf32, #tpu.memory_space<hbm>> -> memref<64x64xf32, #tpu.memory_space<hbm>>
    %dma_start3A_137 = arith.constant 0 : i32
    %dma_start3A_138 = tpu.memref_slice %arg7[%add3A_134, %dma_start3A_137] : memref<16384x64xf32, #tpu.memory_space<hbm>> -> memref<64x64xf32, #tpu.memory_space<hbm>>
    tpu.enqueue_dma source(%arg12 : memref<64x64xf32, #tpu.memory_space<vmem>>) target(%dma_start3A_138 : memref<64x64xf32, #tpu.memory_space<hbm>>) target_semaphore(%arg25 : memref<!tpu.dma_semaphore, #tpu.memory_space<semaphore_mem>>)
    %dma_start3A_139 = arith.constant 0 : i32
    %dma_start3A_140 = tpu.memref_slice %arg8[%add3A_134, %dma_start3A_139] : memref<16384x64xf32, #tpu.memory_space<hbm>> -> memref<64x64xf32, #tpu.memory_space<hbm>>
    %dma_start3A_141 = arith.constant 0 : i32
    %dma_start3A_142 = tpu.memref_slice %arg8[%add3A_134, %dma_start3A_141] : memref<16384x64xf32, #tpu.memory_space<hbm>> -> memref<64x64xf32, #tpu.memory_space<hbm>>
    tpu.enqueue_dma source(%arg13 : memref<64x64xf32, #tpu.memory_space<vmem>>) target(%dma_start3A_142 : memref<64x64xf32, #tpu.memory_space<hbm>>) target_semaphore(%arg25 : memref<!tpu.dma_semaphore, #tpu.memory_space<semaphore_mem>>)
    %dma_start3A_143 = arith.constant 0 : i32
    %dma_start3A_144 = tpu.memref_slice %arg5[%add3A_134, %dma_start3A_143] : memref<16384x64xf32, #tpu.memory_space<hbm>> -> memref<64x64xf32, #tpu.memory_space<hbm>>
    %dma_start3A_145 = arith.constant 0 : i32
    %dma_start3A_146 = tpu.memref_slice %arg5[%add3A_134, %dma_start3A_145] : memref<16384x64xf32, #tpu.memory_space<hbm>> -> memref<64x64xf32, #tpu.memory_space<hbm>>
    tpu.enqueue_dma source(%arg14 : memref<64x64xf32, #tpu.memory_space<vmem>>) target(%dma_start3A_146 : memref<64x64xf32, #tpu.memory_space<hbm>>) target_semaphore(%arg25 : memref<!tpu.dma_semaphore, #tpu.memory_space<semaphore_mem>>)
    %dma_start3A_147 = arith.constant 0 : i32
    %dma_start3A_148 = tpu.memref_slice %arg9[%add3A_134, %dma_start3A_147] : memref<16384x64xf32, #tpu.memory_space<hbm>> -> memref<64x64xf32, #tpu.memory_space<hbm>>
    %dma_start3A_149 = arith.constant 0 : i32
    %dma_start3A_150 = tpu.memref_slice %arg9[%add3A_134, %dma_start3A_149] : memref<16384x64xf32, #tpu.memory_space<hbm>> -> memref<64x64xf32, #tpu.memory_space<hbm>>
    tpu.enqueue_dma source(%arg15 : memref<64x64xf32, #tpu.memory_space<vmem>>) target(%dma_start3A_150 : memref<64x64xf32, #tpu.memory_space<hbm>>) target_semaphore(%arg25 : memref<!tpu.dma_semaphore, #tpu.memory_space<semaphore_mem>>)
    %dma_start3A_151 = arith.constant 0 : i32
    %dma_start3A_152 = tpu.memref_slice %arg10[%add3A_134, %dma_start3A_151] : memref<16384x64xf32, #tpu.memory_space<hbm>> -> memref<64x64xf32, #tpu.memory_space<hbm>>
    %dma_start3A_153 = arith.constant 0 : i32
    %dma_start3A_154 = tpu.memref_slice %arg10[%add3A_134, %dma_start3A_153] : memref<16384x64xf32, #tpu.memory_space<hbm>> -> memref<64x64xf32, #tpu.memory_space<hbm>>
    tpu.enqueue_dma source(%arg16 : memref<64x64xf32, #tpu.memory_space<vmem>>) target(%dma_start3A_154 : memref<64x64xf32, #tpu.memory_space<hbm>>) target_semaphore(%arg25 : memref<!tpu.dma_semaphore, #tpu.memory_space<semaphore_mem>>)
    %dma_start3A_155 = arith.constant 0 : i32
    %dma_start3A_156 = tpu.memref_slice %arg6[%add3A_134, %dma_start3A_155] : memref<16384x64xf32, #tpu.memory_space<hbm>> -> memref<64x64xf32, #tpu.memory_space<hbm>>
    %dma_start3A_157 = arith.constant 0 : i32
    %dma_start3A_158 = tpu.memref_slice %arg6[%add3A_134, %dma_start3A_157] : memref<16384x64xf32, #tpu.memory_space<hbm>> -> memref<64x64xf32, #tpu.memory_space<hbm>>
    tpu.enqueue_dma source(%arg17 : memref<64x64xf32, #tpu.memory_space<vmem>>) target(%dma_start3A_158 : memref<64x64xf32, #tpu.memory_space<hbm>>) target_semaphore(%arg25 : memref<!tpu.dma_semaphore, #tpu.memory_space<semaphore_mem>>)
    %dma_wait3A_159 = arith.constant 0 : i32
    %dma_wait3A_160 = arith.constant 64 : i32
    %dma_wait3A_161 = tpu.memref_slice %arg11[%dma_wait3A_159, %dma_wait3A_160] : memref<6x512xi32, #tpu.memory_space<vmem>> -> memref<1x64xi32, #tpu.memory_space<vmem>>
    %dma_wait3A_162 = tpu.memref_squeeze %dma_wait3A_161 : memref<1x64xi32, #tpu.memory_space<vmem>> -> memref<64xi32, #tpu.memory_space<vmem>>
    %dma_wait3A_163 = arith.constant 0 : i32
    %dma_wait3A_164 = arith.constant 0 : i32
    %dma_wait3A_165 = tpu.memref_slice %arg3[%dma_wait3A_163, %dma_wait3A_164] : memref<1000000x64xf32, #tpu.memory_space<hbm>> -> memref<1000000x64xf32, #tpu.memory_space<hbm>>
    tpu.wait_indirect_dma semaphore(%arg24 : memref<!tpu.dma_semaphore, #tpu.memory_space<semaphore_mem>>) src(%dma_wait3A_165 : memref<1000000x64xf32, #tpu.memory_space<hbm>>) dst(%arg18 : memref<64x64xf32, #tpu.memory_space<vmem>>)
    %dma_wait3A_166 = arith.constant 1 : i32
    %dma_wait3A_167 = arith.constant 64 : i32
    %dma_wait3A_168 = tpu.memref_slice %arg11[%dma_wait3A_166, %dma_wait3A_167] : memref<6x512xi32, #tpu.memory_space<vmem>> -> memref<1x64xi32, #tpu.memory_space<vmem>>
    %dma_wait3A_169 = tpu.memref_squeeze %dma_wait3A_168 : memref<1x64xi32, #tpu.memory_space<vmem>> -> memref<64xi32, #tpu.memory_space<vmem>>
    %dma_wait3A_170 = arith.constant 0 : i32
    %dma_wait3A_171 = arith.constant 0 : i32
    %dma_wait3A_172 = tpu.memref_slice %arg3[%dma_wait3A_170, %dma_wait3A_171] : memref<1000000x64xf32, #tpu.memory_space<hbm>> -> memref<1000000x64xf32, #tpu.memory_space<hbm>>
    tpu.wait_indirect_dma semaphore(%arg24 : memref<!tpu.dma_semaphore, #tpu.memory_space<semaphore_mem>>) src(%dma_wait3A_172 : memref<1000000x64xf32, #tpu.memory_space<hbm>>) dst(%arg19 : memref<64x64xf32, #tpu.memory_space<vmem>>)
    %dma_wait3A_173 = arith.constant 2 : i32
    %dma_wait3A_174 = arith.constant 64 : i32
    %dma_wait3A_175 = tpu.memref_slice %arg11[%dma_wait3A_173, %dma_wait3A_174] : memref<6x512xi32, #tpu.memory_space<vmem>> -> memref<1x64xi32, #tpu.memory_space<vmem>>
    %dma_wait3A_176 = tpu.memref_squeeze %dma_wait3A_175 : memref<1x64xi32, #tpu.memory_space<vmem>> -> memref<64xi32, #tpu.memory_space<vmem>>
    %dma_wait3A_177 = arith.constant 0 : i32
    %dma_wait3A_178 = arith.constant 0 : i32
    %dma_wait3A_179 = tpu.memref_slice %arg4[%dma_wait3A_177, %dma_wait3A_178] : memref<1000x64xf32, #tpu.memory_space<hbm>> -> memref<1000x64xf32, #tpu.memory_space<hbm>>
    tpu.wait_indirect_dma semaphore(%arg24 : memref<!tpu.dma_semaphore, #tpu.memory_space<semaphore_mem>>) src(%dma_wait3A_179 : memref<1000x64xf32, #tpu.memory_space<hbm>>) dst(%arg20 : memref<64x64xf32, #tpu.memory_space<vmem>>)
    %dma_wait3A_180 = arith.constant 3 : i32
    %dma_wait3A_181 = arith.constant 64 : i32
    %dma_wait3A_182 = tpu.memref_slice %arg11[%dma_wait3A_180, %dma_wait3A_181] : memref<6x512xi32, #tpu.memory_space<vmem>> -> memref<1x64xi32, #tpu.memory_space<vmem>>
    %dma_wait3A_183 = tpu.memref_squeeze %dma_wait3A_182 : memref<1x64xi32, #tpu.memory_space<vmem>> -> memref<64xi32, #tpu.memory_space<vmem>>
    %dma_wait3A_184 = arith.constant 0 : i32
    %dma_wait3A_185 = arith.constant 0 : i32
    %dma_wait3A_186 = tpu.memref_slice %arg3[%dma_wait3A_184, %dma_wait3A_185] : memref<1000000x64xf32, #tpu.memory_space<hbm>> -> memref<1000000x64xf32, #tpu.memory_space<hbm>>
    tpu.wait_indirect_dma semaphore(%arg24 : memref<!tpu.dma_semaphore, #tpu.memory_space<semaphore_mem>>) src(%dma_wait3A_186 : memref<1000000x64xf32, #tpu.memory_space<hbm>>) dst(%arg21 : memref<64x64xf32, #tpu.memory_space<vmem>>)
    %dma_wait3A_187 = arith.constant 4 : i32
    %dma_wait3A_188 = arith.constant 64 : i32
    %dma_wait3A_189 = tpu.memref_slice %arg11[%dma_wait3A_187, %dma_wait3A_188] : memref<6x512xi32, #tpu.memory_space<vmem>> -> memref<1x64xi32, #tpu.memory_space<vmem>>
    %dma_wait3A_190 = tpu.memref_squeeze %dma_wait3A_189 : memref<1x64xi32, #tpu.memory_space<vmem>> -> memref<64xi32, #tpu.memory_space<vmem>>
    %dma_wait3A_191 = arith.constant 0 : i32
    %dma_wait3A_192 = arith.constant 0 : i32
    %dma_wait3A_193 = tpu.memref_slice %arg3[%dma_wait3A_191, %dma_wait3A_192] : memref<1000000x64xf32, #tpu.memory_space<hbm>> -> memref<1000000x64xf32, #tpu.memory_space<hbm>>
    tpu.wait_indirect_dma semaphore(%arg24 : memref<!tpu.dma_semaphore, #tpu.memory_space<semaphore_mem>>) src(%dma_wait3A_193 : memref<1000000x64xf32, #tpu.memory_space<hbm>>) dst(%arg22 : memref<64x64xf32, #tpu.memory_space<vmem>>)
    %dma_wait3A_194 = arith.constant 5 : i32
    %dma_wait3A_195 = arith.constant 64 : i32
    %dma_wait3A_196 = tpu.memref_slice %arg11[%dma_wait3A_194, %dma_wait3A_195] : memref<6x512xi32, #tpu.memory_space<vmem>> -> memref<1x64xi32, #tpu.memory_space<vmem>>
    %dma_wait3A_197 = tpu.memref_squeeze %dma_wait3A_196 : memref<1x64xi32, #tpu.memory_space<vmem>> -> memref<64xi32, #tpu.memory_space<vmem>>
    %dma_wait3A_198 = arith.constant 0 : i32
    %dma_wait3A_199 = arith.constant 0 : i32
    %dma_wait3A_200 = tpu.memref_slice %arg4[%dma_wait3A_198, %dma_wait3A_199] : memref<1000x64xf32, #tpu.memory_space<hbm>> -> memref<1000x64xf32, #tpu.memory_space<hbm>>
    tpu.wait_indirect_dma semaphore(%arg24 : memref<!tpu.dma_semaphore, #tpu.memory_space<semaphore_mem>>) src(%dma_wait3A_200 : memref<1000x64xf32, #tpu.memory_space<hbm>>) dst(%arg23 : memref<64x64xf32, #tpu.memory_space<vmem>>)
    %dma_wait3A_201 = arith.constant 0 : i32
    %dma_wait3A_202 = tpu.memref_slice %arg7[%add3A_134, %dma_wait3A_201] : memref<16384x64xf32, #tpu.memory_space<hbm>> -> memref<64x64xf32, #tpu.memory_space<hbm>>
    %dma_wait3A_203 = arith.constant 0 : i32
    %dma_wait3A_204 = tpu.memref_slice %arg7[%add3A_134, %dma_wait3A_203] : memref<16384x64xf32, #tpu.memory_space<hbm>> -> memref<64x64xf32, #tpu.memory_space<hbm>>
    tpu.wait_dma2 semaphore(%arg25 : memref<!tpu.dma_semaphore, #tpu.memory_space<semaphore_mem>>) src(%arg12 : memref<64x64xf32, #tpu.memory_space<vmem>>) dst(%dma_wait3A_204 : memref<64x64xf32, #tpu.memory_space<hbm>>)
    %dma_wait3A_205 = arith.constant 0 : i32
    %dma_wait3A_206 = tpu.memref_slice %arg8[%add3A_134, %dma_wait3A_205] : memref<16384x64xf32, #tpu.memory_space<hbm>> -> memref<64x64xf32, #tpu.memory_space<hbm>>
    %dma_wait3A_207 = arith.constant 0 : i32
    %dma_wait3A_208 = tpu.memref_slice %arg8[%add3A_134, %dma_wait3A_207] : memref<16384x64xf32, #tpu.memory_space<hbm>> -> memref<64x64xf32, #tpu.memory_space<hbm>>
    tpu.wait_dma2 semaphore(%arg25 : memref<!tpu.dma_semaphore, #tpu.memory_space<semaphore_mem>>) src(%arg13 : memref<64x64xf32, #tpu.memory_space<vmem>>) dst(%dma_wait3A_208 : memref<64x64xf32, #tpu.memory_space<hbm>>)
    %dma_wait3A_209 = arith.constant 0 : i32
    %dma_wait3A_210 = tpu.memref_slice %arg5[%add3A_134, %dma_wait3A_209] : memref<16384x64xf32, #tpu.memory_space<hbm>> -> memref<64x64xf32, #tpu.memory_space<hbm>>
    %dma_wait3A_211 = arith.constant 0 : i32
    %dma_wait3A_212 = tpu.memref_slice %arg5[%add3A_134, %dma_wait3A_211] : memref<16384x64xf32, #tpu.memory_space<hbm>> -> memref<64x64xf32, #tpu.memory_space<hbm>>
    tpu.wait_dma2 semaphore(%arg25 : memref<!tpu.dma_semaphore, #tpu.memory_space<semaphore_mem>>) src(%arg14 : memref<64x64xf32, #tpu.memory_space<vmem>>) dst(%dma_wait3A_212 : memref<64x64xf32, #tpu.memory_space<hbm>>)
    %dma_wait3A_213 = arith.constant 0 : i32
    %dma_wait3A_214 = tpu.memref_slice %arg9[%add3A_134, %dma_wait3A_213] : memref<16384x64xf32, #tpu.memory_space<hbm>> -> memref<64x64xf32, #tpu.memory_space<hbm>>
    %dma_wait3A_215 = arith.constant 0 : i32
    %dma_wait3A_216 = tpu.memref_slice %arg9[%add3A_134, %dma_wait3A_215] : memref<16384x64xf32, #tpu.memory_space<hbm>> -> memref<64x64xf32, #tpu.memory_space<hbm>>
    tpu.wait_dma2 semaphore(%arg25 : memref<!tpu.dma_semaphore, #tpu.memory_space<semaphore_mem>>) src(%arg15 : memref<64x64xf32, #tpu.memory_space<vmem>>) dst(%dma_wait3A_216 : memref<64x64xf32, #tpu.memory_space<hbm>>)
    %dma_wait3A_217 = arith.constant 0 : i32
    %dma_wait3A_218 = tpu.memref_slice %arg10[%add3A_134, %dma_wait3A_217] : memref<16384x64xf32, #tpu.memory_space<hbm>> -> memref<64x64xf32, #tpu.memory_space<hbm>>
    %dma_wait3A_219 = arith.constant 0 : i32
    %dma_wait3A_220 = tpu.memref_slice %arg10[%add3A_134, %dma_wait3A_219] : memref<16384x64xf32, #tpu.memory_space<hbm>> -> memref<64x64xf32, #tpu.memory_space<hbm>>
    tpu.wait_dma2 semaphore(%arg25 : memref<!tpu.dma_semaphore, #tpu.memory_space<semaphore_mem>>) src(%arg16 : memref<64x64xf32, #tpu.memory_space<vmem>>) dst(%dma_wait3A_220 : memref<64x64xf32, #tpu.memory_space<hbm>>)
    %dma_wait3A_221 = arith.constant 0 : i32
    %dma_wait3A_222 = tpu.memref_slice %arg6[%add3A_134, %dma_wait3A_221] : memref<16384x64xf32, #tpu.memory_space<hbm>> -> memref<64x64xf32, #tpu.memory_space<hbm>>
    %dma_wait3A_223 = arith.constant 0 : i32
    %dma_wait3A_224 = tpu.memref_slice %arg6[%add3A_134, %dma_wait3A_223] : memref<16384x64xf32, #tpu.memory_space<hbm>> -> memref<64x64xf32, #tpu.memory_space<hbm>>
    tpu.wait_dma2 semaphore(%arg25 : memref<!tpu.dma_semaphore, #tpu.memory_space<semaphore_mem>>) src(%arg17 : memref<64x64xf32, #tpu.memory_space<vmem>>) dst(%dma_wait3A_224 : memref<64x64xf32, #tpu.memory_space<hbm>>)
    %dma_start3A_225 = arith.constant 0 : i32
    %dma_start3A_226 = arith.constant 128 : i32
    %dma_start3A_227 = tpu.memref_slice %arg11[%dma_start3A_225, %dma_start3A_226] : memref<6x512xi32, #tpu.memory_space<vmem>> -> memref<1x64xi32, #tpu.memory_space<vmem>>
    %dma_start3A_228 = tpu.memref_squeeze %dma_start3A_227 : memref<1x64xi32, #tpu.memory_space<vmem>> -> memref<64xi32, #tpu.memory_space<vmem>>
    %dma_start3A_229 = arith.constant 0 : i32
    %dma_start3A_230 = arith.constant 0 : i32
    %dma_start3A_231 = tpu.memref_slice %arg3[%dma_start3A_229, %dma_start3A_230] : memref<1000000x64xf32, #tpu.memory_space<hbm>> -> memref<1000000x64xf32, #tpu.memory_space<hbm>>
    tpu.enqueue_indirect_dma source(%dma_start3A_231 : memref<1000000x64xf32, #tpu.memory_space<hbm>>) target(%arg12 : memref<64x64xf32, #tpu.memory_space<vmem>>) offsets(%dma_start3A_228 : memref<64xi32, #tpu.memory_space<vmem>>) semaphore(%arg24 : memref<!tpu.dma_semaphore, #tpu.memory_space<semaphore_mem>>)
    %dma_start3A_232 = arith.constant 1 : i32
    %dma_start3A_233 = arith.constant 128 : i32
    %dma_start3A_234 = tpu.memref_slice %arg11[%dma_start3A_232, %dma_start3A_233] : memref<6x512xi32, #tpu.memory_space<vmem>> -> memref<1x64xi32, #tpu.memory_space<vmem>>
    %dma_start3A_235 = tpu.memref_squeeze %dma_start3A_234 : memref<1x64xi32, #tpu.memory_space<vmem>> -> memref<64xi32, #tpu.memory_space<vmem>>
    %dma_start3A_236 = arith.constant 0 : i32
    %dma_start3A_237 = arith.constant 0 : i32
    %dma_start3A_238 = tpu.memref_slice %arg3[%dma_start3A_236, %dma_start3A_237] : memref<1000000x64xf32, #tpu.memory_space<hbm>> -> memref<1000000x64xf32, #tpu.memory_space<hbm>>
    tpu.enqueue_indirect_dma source(%dma_start3A_238 : memref<1000000x64xf32, #tpu.memory_space<hbm>>) target(%arg13 : memref<64x64xf32, #tpu.memory_space<vmem>>) offsets(%dma_start3A_235 : memref<64xi32, #tpu.memory_space<vmem>>) semaphore(%arg24 : memref<!tpu.dma_semaphore, #tpu.memory_space<semaphore_mem>>)
    %dma_start3A_239 = arith.constant 2 : i32
    %dma_start3A_240 = arith.constant 128 : i32
    %dma_start3A_241 = tpu.memref_slice %arg11[%dma_start3A_239, %dma_start3A_240] : memref<6x512xi32, #tpu.memory_space<vmem>> -> memref<1x64xi32, #tpu.memory_space<vmem>>
    %dma_start3A_242 = tpu.memref_squeeze %dma_start3A_241 : memref<1x64xi32, #tpu.memory_space<vmem>> -> memref<64xi32, #tpu.memory_space<vmem>>
    %dma_start3A_243 = arith.constant 0 : i32
    %dma_start3A_244 = arith.constant 0 : i32
    %dma_start3A_245 = tpu.memref_slice %arg4[%dma_start3A_243, %dma_start3A_244] : memref<1000x64xf32, #tpu.memory_space<hbm>> -> memref<1000x64xf32, #tpu.memory_space<hbm>>
    tpu.enqueue_indirect_dma source(%dma_start3A_245 : memref<1000x64xf32, #tpu.memory_space<hbm>>) target(%arg14 : memref<64x64xf32, #tpu.memory_space<vmem>>) offsets(%dma_start3A_242 : memref<64xi32, #tpu.memory_space<vmem>>) semaphore(%arg24 : memref<!tpu.dma_semaphore, #tpu.memory_space<semaphore_mem>>)
    %dma_start3A_246 = arith.constant 3 : i32
    %dma_start3A_247 = arith.constant 128 : i32
    %dma_start3A_248 = tpu.memref_slice %arg11[%dma_start3A_246, %dma_start3A_247] : memref<6x512xi32, #tpu.memory_space<vmem>> -> memref<1x64xi32, #tpu.memory_space<vmem>>
    %dma_start3A_249 = tpu.memref_squeeze %dma_start3A_248 : memref<1x64xi32, #tpu.memory_space<vmem>> -> memref<64xi32, #tpu.memory_space<vmem>>
    %dma_start3A_250 = arith.constant 0 : i32
    %dma_start3A_251 = arith.constant 0 : i32
    %dma_start3A_252 = tpu.memref_slice %arg3[%dma_start3A_250, %dma_start3A_251] : memref<1000000x64xf32, #tpu.memory_space<hbm>> -> memref<1000000x64xf32, #tpu.memory_space<hbm>>
    tpu.enqueue_indirect_dma source(%dma_start3A_252 : memref<1000000x64xf32, #tpu.memory_space<hbm>>) target(%arg15 : memref<64x64xf32, #tpu.memory_space<vmem>>) offsets(%dma_start3A_249 : memref<64xi32, #tpu.memory_space<vmem>>) semaphore(%arg24 : memref<!tpu.dma_semaphore, #tpu.memory_space<semaphore_mem>>)
    %dma_start3A_253 = arith.constant 4 : i32
    %dma_start3A_254 = arith.constant 128 : i32
    %dma_start3A_255 = tpu.memref_slice %arg11[%dma_start3A_253, %dma_start3A_254] : memref<6x512xi32, #tpu.memory_space<vmem>> -> memref<1x64xi32, #tpu.memory_space<vmem>>
    %dma_start3A_256 = tpu.memref_squeeze %dma_start3A_255 : memref<1x64xi32, #tpu.memory_space<vmem>> -> memref<64xi32, #tpu.memory_space<vmem>>
    %dma_start3A_257 = arith.constant 0 : i32
    %dma_start3A_258 = arith.constant 0 : i32
    %dma_start3A_259 = tpu.memref_slice %arg3[%dma_start3A_257, %dma_start3A_258] : memref<1000000x64xf32, #tpu.memory_space<hbm>> -> memref<1000000x64xf32, #tpu.memory_space<hbm>>
    tpu.enqueue_indirect_dma source(%dma_start3A_259 : memref<1000000x64xf32, #tpu.memory_space<hbm>>) target(%arg16 : memref<64x64xf32, #tpu.memory_space<vmem>>) offsets(%dma_start3A_256 : memref<64xi32, #tpu.memory_space<vmem>>) semaphore(%arg24 : memref<!tpu.dma_semaphore, #tpu.memory_space<semaphore_mem>>)
    %dma_start3A_260 = arith.constant 5 : i32
    %dma_start3A_261 = arith.constant 128 : i32
    %dma_start3A_262 = tpu.memref_slice %arg11[%dma_start3A_260, %dma_start3A_261] : memref<6x512xi32, #tpu.memory_space<vmem>> -> memref<1x64xi32, #tpu.memory_space<vmem>>
    %dma_start3A_263 = tpu.memref_squeeze %dma_start3A_262 : memref<1x64xi32, #tpu.memory_space<vmem>> -> memref<64xi32, #tpu.memory_space<vmem>>
    %dma_start3A_264 = arith.constant 0 : i32
    %dma_start3A_265 = arith.constant 0 : i32
    %dma_start3A_266 = tpu.memref_slice %arg4[%dma_start3A_264, %dma_start3A_265] : memref<1000x64xf32, #tpu.memory_space<hbm>> -> memref<1000x64xf32, #tpu.memory_space<hbm>>
    tpu.enqueue_indirect_dma source(%dma_start3A_266 : memref<1000x64xf32, #tpu.memory_space<hbm>>) target(%arg17 : memref<64x64xf32, #tpu.memory_space<vmem>>) offsets(%dma_start3A_263 : memref<64xi32, #tpu.memory_space<vmem>>) semaphore(%arg24 : memref<!tpu.dma_semaphore, #tpu.memory_space<semaphore_mem>>)
    %scan3A_267 = arith.constant 0 : i32
    %scan3A_268 = arith.constant 64 : i32
    %scan3A_269 = arith.addi %scan3A_267, %scan3A_268 : i32
    %scan3A_270 = arith.constant 1 : i32
    scf.for %scan3A_1128 = %scan3A_267 to %scan3A_269 step %scan3A_270  : i32 {
      %get3A = arith.index_cast %scan3A_1128 : i32 to index
      %get3A_1129 = arith.constant 0 : index
      %get3A_1130 = tpu.vector_load %arg18[%get3A, %get3A_1129] {strides = array<i32>} : memref<64x64xf32, #tpu.memory_space<vmem>>, vector<1x16xf32>,
      %get3A_1131 = vector.shape_cast %get3A_1130 : vector<1x16xf32> to vector<16xf32>
      %get3A_1132 = arith.index_cast %scan3A_1128 : i32 to index
      %get3A_1133 = arith.constant 0 : index
      %get3A_1134 = tpu.vector_load %arg20[%get3A_1132, %get3A_1133] {strides = array<i32>} : memref<64x64xf32, #tpu.memory_space<vmem>>, vector<1x16xf32>,
      %get3A_1135 = vector.shape_cast %get3A_1134 : vector<1x16xf32> to vector<16xf32>
      %add3A_1136 = arith.addf %get3A_1131, %get3A_1135 : vector<16xf32>
      %get3A_1137 = arith.index_cast %scan3A_1128 : i32 to index
      %get3A_1138 = arith.constant 0 : index
      %get3A_1139 = tpu.vector_load %arg19[%get3A_1137, %get3A_1138] {strides = array<i32>} : memref<64x64xf32, #tpu.memory_space<vmem>>, vector<1x16xf32>,
      %get3A_1140 = vector.shape_cast %get3A_1139 : vector<1x16xf32> to vector<16xf32>
      %sub3A = arith.subf %add3A_1136, %get3A_1140 : vector<16xf32>
      %swap3A = arith.index_cast %scan3A_1128 : i32 to index
      %swap3A_1141 = arith.constant 0 : index
      %swap3A_1142 = tpu.vector_load %arg20[%swap3A, %swap3A_1141] {strides = array<i32>} : memref<64x64xf32, #tpu.memory_space<vmem>>, vector<1x16xf32>,
      %swap3A_1143 = vector.shape_cast %swap3A_1142 : vector<1x16xf32> to vector<16xf32>
      %swap3A_1144 = vector.shape_cast %sub3A : vector<16xf32> to vector<1x16xf32>
      tpu.vector_store %arg20[%swap3A, %swap3A_1141], %swap3A_1144 {strides = array<i32>} : memref<64x64xf32, #tpu.memory_space<vmem>>, vector<1x16xf32>,
      %get3A_1145 = arith.index_cast %scan3A_1128 : i32 to index
      %get3A_1146 = arith.constant 0 : index
      %get3A_1147 = tpu.vector_load %arg21[%get3A_1145, %get3A_1146] {strides = array<i32>} : memref<64x64xf32, #tpu.memory_space<vmem>>, vector<1x16xf32>,
      %get3A_1148 = vector.shape_cast %get3A_1147 : vector<1x16xf32> to vector<16xf32>
      %get3A_1149 = arith.index_cast %scan3A_1128 : i32 to index
      %get3A_1150 = arith.constant 0 : index
      %get3A_1151 = tpu.vector_load %arg23[%get3A_1149, %get3A_1150] {strides = array<i32>} : memref<64x64xf32, #tpu.memory_space<vmem>>, vector<1x16xf32>,
      %get3A_1152 = vector.shape_cast %get3A_1151 : vector<1x16xf32> to vector<16xf32>
      %add3A_1153 = arith.addf %get3A_1148, %get3A_1152 : vector<16xf32>
      %get3A_1154 = arith.index_cast %scan3A_1128 : i32 to index
      %get3A_1155 = arith.constant 0 : index
      %get3A_1156 = tpu.vector_load %arg22[%get3A_1154, %get3A_1155] {strides = array<i32>} : memref<64x64xf32, #tpu.memory_space<vmem>>, vector<1x16xf32>,
      %get3A_1157 = vector.shape_cast %get3A_1156 : vector<1x16xf32> to vector<16xf32>
      %sub3A_1158 = arith.subf %add3A_1153, %get3A_1157 : vector<16xf32>
      %swap3A_1159 = arith.index_cast %scan3A_1128 : i32 to index
      %swap3A_1160 = arith.constant 0 : index
      %swap3A_1161 = tpu.vector_load %arg23[%swap3A_1159, %swap3A_1160] {strides = array<i32>} : memref<64x64xf32, #tpu.memory_space<vmem>>, vector<1x16xf32>,
      %swap3A_1162 = vector.shape_cast %swap3A_1161 : vector<1x16xf32> to vector<16xf32>
      %swap3A_1163 = vector.shape_cast %sub3A_1158 : vector<16xf32> to vector<1x16xf32>
      tpu.vector_store %arg23[%swap3A_1159, %swap3A_1160], %swap3A_1163 {strides = array<i32>} : memref<64x64xf32, #tpu.memory_space<vmem>>, vector<1x16xf32>,
      %get3A_1164 = arith.index_cast %scan3A_1128 : i32 to index
      %get3A_1165 = arith.constant 16 : index
      %get3A_1166 = tpu.vector_load %arg18[%get3A_1164, %get3A_1165] {strides = array<i32>} : memref<64x64xf32, #tpu.memory_space<vmem>>, vector<1x16xf32>,
      %get3A_1167 = vector.shape_cast %get3A_1166 : vector<1x16xf32> to vector<16xf32>
      %get3A_1168 = arith.index_cast %scan3A_1128 : i32 to index
      %get3A_1169 = arith.constant 16 : index
      %get3A_1170 = tpu.vector_load %arg20[%get3A_1168, %get3A_1169] {strides = array<i32>} : memref<64x64xf32, #tpu.memory_space<vmem>>, vector<1x16xf32>,
      %get3A_1171 = vector.shape_cast %get3A_1170 : vector<1x16xf32> to vector<16xf32>
      %add3A_1172 = arith.addf %get3A_1167, %get3A_1171 : vector<16xf32>
      %get3A_1173 = arith.index_cast %scan3A_1128 : i32 to index
      %get3A_1174 = arith.constant 16 : index
      %get3A_1175 = tpu.vector_load %arg19[%get3A_1173, %get3A_1174] {strides = array<i32>} : memref<64x64xf32, #tpu.memory_space<vmem>>, vector<1x16xf32>,
      %get3A_1176 = vector.shape_cast %get3A_1175 : vector<1x16xf32> to vector<16xf32>
      %sub3A_1177 = arith.subf %add3A_1172, %get3A_1176 : vector<16xf32>
      %swap3A_1178 = arith.index_cast %scan3A_1128 : i32 to index
      %swap3A_1179 = arith.constant 16 : index
      %swap3A_1180 = tpu.vector_load %arg20[%swap3A_1178, %swap3A_1179] {strides = array<i32>} : memref<64x64xf32, #tpu.memory_space<vmem>>, vector<1x16xf32>,
      %swap3A_1181 = vector.shape_cast %swap3A_1180 : vector<1x16xf32> to vector<16xf32>
      %swap3A_1182 = vector.shape_cast %sub3A_1177 : vector<16xf32> to vector<1x16xf32>
      tpu.vector_store %arg20[%swap3A_1178, %swap3A_1179], %swap3A_1182 {strides = array<i32>} : memref<64x64xf32, #tpu.memory_space<vmem>>, vector<1x16xf32>,
      %get3A_1183 = arith.index_cast %scan3A_1128 : i32 to index
      %get3A_1184 = arith.constant 16 : index
      %get3A_1185 = tpu.vector_load %arg21[%get3A_1183, %get3A_1184] {strides = array<i32>} : memref<64x64xf32, #tpu.memory_space<vmem>>, vector<1x16xf32>,
      %get3A_1186 = vector.shape_cast %get3A_1185 : vector<1x16xf32> to vector<16xf32>
      %get3A_1187 = arith.index_cast %scan3A_1128 : i32 to index
      %get3A_1188 = arith.constant 16 : index
      %get3A_1189 = tpu.vector_load %arg23[%get3A_1187, %get3A_1188] {strides = array<i32>} : memref<64x64xf32, #tpu.memory_space<vmem>>, vector<1x16xf32>,
      %get3A_1190 = vector.shape_cast %get3A_1189 : vector<1x16xf32> to vector<16xf32>
      %add3A_1191 = arith.addf %get3A_1186, %get3A_1190 : vector<16xf32>
      %get3A_1192 = arith.index_cast %scan3A_1128 : i32 to index
      %get3A_1193 = arith.constant 16 : index
      %get3A_1194 = tpu.vector_load %arg22[%get3A_1192, %get3A_1193] {strides = array<i32>} : memref<64x64xf32, #tpu.memory_space<vmem>>, vector<1x16xf32>,
      %get3A_1195 = vector.shape_cast %get3A_1194 : vector<1x16xf32> to vector<16xf32>
      %sub3A_1196 = arith.subf %add3A_1191, %get3A_1195 : vector<16xf32>
      %swap3A_1197 = arith.index_cast %scan3A_1128 : i32 to index
      %swap3A_1198 = arith.constant 16 : index
      %swap3A_1199 = tpu.vector_load %arg23[%swap3A_1197, %swap3A_1198] {strides = array<i32>} : memref<64x64xf32, #tpu.memory_space<vmem>>, vector<1x16xf32>,
      %swap3A_1200 = vector.shape_cast %swap3A_1199 : vector<1x16xf32> to vector<16xf32>
      %swap3A_1201 = vector.shape_cast %sub3A_1196 : vector<16xf32> to vector<1x16xf32>
      tpu.vector_store %arg23[%swap3A_1197, %swap3A_1198], %swap3A_1201 {strides = array<i32>} : memref<64x64xf32, #tpu.memory_space<vmem>>, vector<1x16xf32>,
      %get3A_1202 = arith.index_cast %scan3A_1128 : i32 to index
      %get3A_1203 = arith.constant 32 : index
      %get3A_1204 = tpu.vector_load %arg18[%get3A_1202, %get3A_1203] {strides = array<i32>} : memref<64x64xf32, #tpu.memory_space<vmem>>, vector<1x16xf32>,
      %get3A_1205 = vector.shape_cast %get3A_1204 : vector<1x16xf32> to vector<16xf32>
      %get3A_1206 = arith.index_cast %scan3A_1128 : i32 to index
      %get3A_1207 = arith.constant 32 : index
      %get3A_1208 = tpu.vector_load %arg20[%get3A_1206, %get3A_1207] {strides = array<i32>} : memref<64x64xf32, #tpu.memory_space<vmem>>, vector<1x16xf32>,
      %get3A_1209 = vector.shape_cast %get3A_1208 : vector<1x16xf32> to vector<16xf32>
      %add3A_1210 = arith.addf %get3A_1205, %get3A_1209 : vector<16xf32>
      %get3A_1211 = arith.index_cast %scan3A_1128 : i32 to index
      %get3A_1212 = arith.constant 32 : index
      %get3A_1213 = tpu.vector_load %arg19[%get3A_1211, %get3A_1212] {strides = array<i32>} : memref<64x64xf32, #tpu.memory_space<vmem>>, vector<1x16xf32>,
      %get3A_1214 = vector.shape_cast %get3A_1213 : vector<1x16xf32> to vector<16xf32>
      %sub3A_1215 = arith.subf %add3A_1210, %get3A_1214 : vector<16xf32>
      %swap3A_1216 = arith.index_cast %scan3A_1128 : i32 to index
      %swap3A_1217 = arith.constant 32 : index
      %swap3A_1218 = tpu.vector_load %arg20[%swap3A_1216, %swap3A_1217] {strides = array<i32>} : memref<64x64xf32, #tpu.memory_space<vmem>>, vector<1x16xf32>,
      %swap3A_1219 = vector.shape_cast %swap3A_1218 : vector<1x16xf32> to vector<16xf32>
      %swap3A_1220 = vector.shape_cast %sub3A_1215 : vector<16xf32> to vector<1x16xf32>
      tpu.vector_store %arg20[%swap3A_1216, %swap3A_1217], %swap3A_1220 {strides = array<i32>} : memref<64x64xf32, #tpu.memory_space<vmem>>, vector<1x16xf32>,
      %get3A_1221 = arith.index_cast %scan3A_1128 : i32 to index
      %get3A_1222 = arith.constant 32 : index
      %get3A_1223 = tpu.vector_load %arg21[%get3A_1221, %get3A_1222] {strides = array<i32>} : memref<64x64xf32, #tpu.memory_space<vmem>>, vector<1x16xf32>,
      %get3A_1224 = vector.shape_cast %get3A_1223 : vector<1x16xf32> to vector<16xf32>
      %get3A_1225 = arith.index_cast %scan3A_1128 : i32 to index
      %get3A_1226 = arith.constant 32 : index
      %get3A_1227 = tpu.vector_load %arg23[%get3A_1225, %get3A_1226] {strides = array<i32>} : memref<64x64xf32, #tpu.memory_space<vmem>>, vector<1x16xf32>,
      %get3A_1228 = vector.shape_cast %get3A_1227 : vector<1x16xf32> to vector<16xf32>
      %add3A_1229 = arith.addf %get3A_1224, %get3A_1228 : vector<16xf32>
      %get3A_1230 = arith.index_cast %scan3A_1128 : i32 to index
      %get3A_1231 = arith.constant 32 : index
      %get3A_1232 = tpu.vector_load %arg22[%get3A_1230, %get3A_1231] {strides = array<i32>} : memref<64x64xf32, #tpu.memory_space<vmem>>, vector<1x16xf32>,
      %get3A_1233 = vector.shape_cast %get3A_1232 : vector<1x16xf32> to vector<16xf32>
      %sub3A_1234 = arith.subf %add3A_1229, %get3A_1233 : vector<16xf32>
      %swap3A_1235 = arith.index_cast %scan3A_1128 : i32 to index
      %swap3A_1236 = arith.constant 32 : index
      %swap3A_1237 = tpu.vector_load %arg23[%swap3A_1235, %swap3A_1236] {strides = array<i32>} : memref<64x64xf32, #tpu.memory_space<vmem>>, vector<1x16xf32>,
      %swap3A_1238 = vector.shape_cast %swap3A_1237 : vector<1x16xf32> to vector<16xf32>
      %swap3A_1239 = vector.shape_cast %sub3A_1234 : vector<16xf32> to vector<1x16xf32>
      tpu.vector_store %arg23[%swap3A_1235, %swap3A_1236], %swap3A_1239 {strides = array<i32>} : memref<64x64xf32, #tpu.memory_space<vmem>>, vector<1x16xf32>,
      %get3A_1240 = arith.index_cast %scan3A_1128 : i32 to index
      %get3A_1241 = arith.constant 48 : index
      %get3A_1242 = tpu.vector_load %arg18[%get3A_1240, %get3A_1241] {strides = array<i32>} : memref<64x64xf32, #tpu.memory_space<vmem>>, vector<1x16xf32>,
      %get3A_1243 = vector.shape_cast %get3A_1242 : vector<1x16xf32> to vector<16xf32>
      %get3A_1244 = arith.index_cast %scan3A_1128 : i32 to index
      %get3A_1245 = arith.constant 48 : index
      %get3A_1246 = tpu.vector_load %arg20[%get3A_1244, %get3A_1245] {strides = array<i32>} : memref<64x64xf32, #tpu.memory_space<vmem>>, vector<1x16xf32>,
      %get3A_1247 = vector.shape_cast %get3A_1246 : vector<1x16xf32> to vector<16xf32>
      %add3A_1248 = arith.addf %get3A_1243, %get3A_1247 : vector<16xf32>
      %get3A_1249 = arith.index_cast %scan3A_1128 : i32 to index
      %get3A_1250 = arith.constant 48 : index
      %get3A_1251 = tpu.vector_load %arg19[%get3A_1249, %get3A_1250] {strides = array<i32>} : memref<64x64xf32, #tpu.memory_space<vmem>>, vector<1x16xf32>,
      %get3A_1252 = vector.shape_cast %get3A_1251 : vector<1x16xf32> to vector<16xf32>
      %sub3A_1253 = arith.subf %add3A_1248, %get3A_1252 : vector<16xf32>
      %swap3A_1254 = arith.index_cast %scan3A_1128 : i32 to index
      %swap3A_1255 = arith.constant 48 : index
      %swap3A_1256 = tpu.vector_load %arg20[%swap3A_1254, %swap3A_1255] {strides = array<i32>} : memref<64x64xf32, #tpu.memory_space<vmem>>, vector<1x16xf32>,
      %swap3A_1257 = vector.shape_cast %swap3A_1256 : vector<1x16xf32> to vector<16xf32>
      %swap3A_1258 = vector.shape_cast %sub3A_1253 : vector<16xf32> to vector<1x16xf32>
      tpu.vector_store %arg20[%swap3A_1254, %swap3A_1255], %swap3A_1258 {strides = array<i32>} : memref<64x64xf32, #tpu.memory_space<vmem>>, vector<1x16xf32>,
      %get3A_1259 = arith.index_cast %scan3A_1128 : i32 to index
      %get3A_1260 = arith.constant 48 : index
      %get3A_1261 = tpu.vector_load %arg21[%get3A_1259, %get3A_1260] {strides = array<i32>} : memref<64x64xf32, #tpu.memory_space<vmem>>, vector<1x16xf32>,
      %get3A_1262 = vector.shape_cast %get3A_1261 : vector<1x16xf32> to vector<16xf32>
      %get3A_1263 = arith.index_cast %scan3A_1128 : i32 to index
      %get3A_1264 = arith.constant 48 : index
      %get3A_1265 = tpu.vector_load %arg23[%get3A_1263, %get3A_1264] {strides = array<i32>} : memref<64x64xf32, #tpu.memory_space<vmem>>, vector<1x16xf32>,
      %get3A_1266 = vector.shape_cast %get3A_1265 : vector<1x16xf32> to vector<16xf32>
      %add3A_1267 = arith.addf %get3A_1262, %get3A_1266 : vector<16xf32>
      %get3A_1268 = arith.index_cast %scan3A_1128 : i32 to index
      %get3A_1269 = arith.constant 48 : index
      %get3A_1270 = tpu.vector_load %arg22[%get3A_1268, %get3A_1269] {strides = array<i32>} : memref<64x64xf32, #tpu.memory_space<vmem>>, vector<1x16xf32>,
      %get3A_1271 = vector.shape_cast %get3A_1270 : vector<1x16xf32> to vector<16xf32>
      %sub3A_1272 = arith.subf %add3A_1267, %get3A_1271 : vector<16xf32>
      %swap3A_1273 = arith.index_cast %scan3A_1128 : i32 to index
      %swap3A_1274 = arith.constant 48 : index
      %swap3A_1275 = tpu.vector_load %arg23[%swap3A_1273, %swap3A_1274] {strides = array<i32>} : memref<64x64xf32, #tpu.memory_space<vmem>>, vector<1x16xf32>,
      %swap3A_1276 = vector.shape_cast %swap3A_1275 : vector<1x16xf32> to vector<16xf32>
      %swap3A_1277 = vector.shape_cast %sub3A_1272 : vector<16xf32> to vector<1x16xf32>
      tpu.vector_store %arg23[%swap3A_1273, %swap3A_1274], %swap3A_1277 {strides = array<i32>} : memref<64x64xf32, #tpu.memory_space<vmem>>, vector<1x16xf32>,
    }
    %scan3A_271 = arith.constant 64 : i32
    %mul3A_272 = arith.constant 512 : i32
    %mul3A_273 = arith.muli %add3A, %mul3A_272 : i32
    %add3A_274 = arith.constant 64 : i32
    %add3A_275 = arith.addi %mul3A_273, %add3A_274 : i32
    %dma_start3A_276 = arith.constant 0 : i32
    %dma_start3A_277 = tpu.memref_slice %arg7[%add3A_275, %dma_start3A_276] : memref<16384x64xf32, #tpu.memory_space<hbm>> -> memref<64x64xf32, #tpu.memory_space<hbm>>
    %dma_start3A_278 = arith.constant 0 : i32
    %dma_start3A_279 = tpu.memref_slice %arg7[%add3A_275, %dma_start3A_278] : memref<16384x64xf32, #tpu.memory_space<hbm>> -> memref<64x64xf32, #tpu.memory_space<hbm>>
    tpu.enqueue_dma source(%arg18 : memref<64x64xf32, #tpu.memory_space<vmem>>) target(%dma_start3A_279 : memref<64x64xf32, #tpu.memory_space<hbm>>) target_semaphore(%arg25 : memref<!tpu.dma_semaphore, #tpu.memory_space<semaphore_mem>>)
    %dma_start3A_280 = arith.constant 0 : i32
    %dma_start3A_281 = tpu.memref_slice %arg8[%add3A_275, %dma_start3A_280] : memref<16384x64xf32, #tpu.memory_space<hbm>> -> memref<64x64xf32, #tpu.memory_space<hbm>>
    %dma_start3A_282 = arith.constant 0 : i32
    %dma_start3A_283 = tpu.memref_slice %arg8[%add3A_275, %dma_start3A_282] : memref<16384x64xf32, #tpu.memory_space<hbm>> -> memref<64x64xf32, #tpu.memory_space<hbm>>
    tpu.enqueue_dma source(%arg19 : memref<64x64xf32, #tpu.memory_space<vmem>>) target(%dma_start3A_283 : memref<64x64xf32, #tpu.memory_space<hbm>>) target_semaphore(%arg25 : memref<!tpu.dma_semaphore, #tpu.memory_space<semaphore_mem>>)
    %dma_start3A_284 = arith.constant 0 : i32
    %dma_start3A_285 = tpu.memref_slice %arg5[%add3A_275, %dma_start3A_284] : memref<16384x64xf32, #tpu.memory_space<hbm>> -> memref<64x64xf32, #tpu.memory_space<hbm>>
    %dma_start3A_286 = arith.constant 0 : i32
    %dma_start3A_287 = tpu.memref_slice %arg5[%add3A_275, %dma_start3A_286] : memref<16384x64xf32, #tpu.memory_space<hbm>> -> memref<64x64xf32, #tpu.memory_space<hbm>>
    tpu.enqueue_dma source(%arg20 : memref<64x64xf32, #tpu.memory_space<vmem>>) target(%dma_start3A_287 : memref<64x64xf32, #tpu.memory_space<hbm>>) target_semaphore(%arg25 : memref<!tpu.dma_semaphore, #tpu.memory_space<semaphore_mem>>)
    %dma_start3A_288 = arith.constant 0 : i32
    %dma_start3A_289 = tpu.memref_slice %arg9[%add3A_275, %dma_start3A_288] : memref<16384x64xf32, #tpu.memory_space<hbm>> -> memref<64x64xf32, #tpu.memory_space<hbm>>
    %dma_start3A_290 = arith.constant 0 : i32
    %dma_start3A_291 = tpu.memref_slice %arg9[%add3A_275, %dma_start3A_290] : memref<16384x64xf32, #tpu.memory_space<hbm>> -> memref<64x64xf32, #tpu.memory_space<hbm>>
    tpu.enqueue_dma source(%arg21 : memref<64x64xf32, #tpu.memory_space<vmem>>) target(%dma_start3A_291 : memref<64x64xf32, #tpu.memory_space<hbm>>) target_semaphore(%arg25 : memref<!tpu.dma_semaphore, #tpu.memory_space<semaphore_mem>>)
    %dma_start3A_292 = arith.constant 0 : i32
    %dma_start3A_293 = tpu.memref_slice %arg10[%add3A_275, %dma_start3A_292] : memref<16384x64xf32, #tpu.memory_space<hbm>> -> memref<64x64xf32, #tpu.memory_space<hbm>>
    %dma_start3A_294 = arith.constant 0 : i32
    %dma_start3A_295 = tpu.memref_slice %arg10[%add3A_275, %dma_start3A_294] : memref<16384x64xf32, #tpu.memory_space<hbm>> -> memref<64x64xf32, #tpu.memory_space<hbm>>
    tpu.enqueue_dma source(%arg22 : memref<64x64xf32, #tpu.memory_space<vmem>>) target(%dma_start3A_295 : memref<64x64xf32, #tpu.memory_space<hbm>>) target_semaphore(%arg25 : memref<!tpu.dma_semaphore, #tpu.memory_space<semaphore_mem>>)
    %dma_start3A_296 = arith.constant 0 : i32
    %dma_start3A_297 = tpu.memref_slice %arg6[%add3A_275, %dma_start3A_296] : memref<16384x64xf32, #tpu.memory_space<hbm>> -> memref<64x64xf32, #tpu.memory_space<hbm>>
    %dma_start3A_298 = arith.constant 0 : i32
    %dma_start3A_299 = tpu.memref_slice %arg6[%add3A_275, %dma_start3A_298] : memref<16384x64xf32, #tpu.memory_space<hbm>> -> memref<64x64xf32, #tpu.memory_space<hbm>>
    tpu.enqueue_dma source(%arg23 : memref<64x64xf32, #tpu.memory_space<vmem>>) target(%dma_start3A_299 : memref<64x64xf32, #tpu.memory_space<hbm>>) target_semaphore(%arg25 : memref<!tpu.dma_semaphore, #tpu.memory_space<semaphore_mem>>)
    %dma_wait3A_300 = arith.constant 0 : i32
    %dma_wait3A_301 = arith.constant 128 : i32
    %dma_wait3A_302 = tpu.memref_slice %arg11[%dma_wait3A_300, %dma_wait3A_301] : memref<6x512xi32, #tpu.memory_space<vmem>> -> memref<1x64xi32, #tpu.memory_space<vmem>>
    %dma_wait3A_303 = tpu.memref_squeeze %dma_wait3A_302 : memref<1x64xi32, #tpu.memory_space<vmem>> -> memref<64xi32, #tpu.memory_space<vmem>>
    %dma_wait3A_304 = arith.constant 0 : i32
    %dma_wait3A_305 = arith.constant 0 : i32
    %dma_wait3A_306 = tpu.memref_slice %arg3[%dma_wait3A_304, %dma_wait3A_305] : memref<1000000x64xf32, #tpu.memory_space<hbm>> -> memref<1000000x64xf32, #tpu.memory_space<hbm>>
    tpu.wait_indirect_dma semaphore(%arg24 : memref<!tpu.dma_semaphore, #tpu.memory_space<semaphore_mem>>) src(%dma_wait3A_306 : memref<1000000x64xf32, #tpu.memory_space<hbm>>) dst(%arg12 : memref<64x64xf32, #tpu.memory_space<vmem>>)
    %dma_wait3A_307 = arith.constant 1 : i32
    %dma_wait3A_308 = arith.constant 128 : i32
    %dma_wait3A_309 = tpu.memref_slice %arg11[%dma_wait3A_307, %dma_wait3A_308] : memref<6x512xi32, #tpu.memory_space<vmem>> -> memref<1x64xi32, #tpu.memory_space<vmem>>
    %dma_wait3A_310 = tpu.memref_squeeze %dma_wait3A_309 : memref<1x64xi32, #tpu.memory_space<vmem>> -> memref<64xi32, #tpu.memory_space<vmem>>
    %dma_wait3A_311 = arith.constant 0 : i32
    %dma_wait3A_312 = arith.constant 0 : i32
    %dma_wait3A_313 = tpu.memref_slice %arg3[%dma_wait3A_311, %dma_wait3A_312] : memref<1000000x64xf32, #tpu.memory_space<hbm>> -> memref<1000000x64xf32, #tpu.memory_space<hbm>>
    tpu.wait_indirect_dma semaphore(%arg24 : memref<!tpu.dma_semaphore, #tpu.memory_space<semaphore_mem>>) src(%dma_wait3A_313 : memref<1000000x64xf32, #tpu.memory_space<hbm>>) dst(%arg13 : memref<64x64xf32, #tpu.memory_space<vmem>>)
    %dma_wait3A_314 = arith.constant 2 : i32
    %dma_wait3A_315 = arith.constant 128 : i32
    %dma_wait3A_316 = tpu.memref_slice %arg11[%dma_wait3A_314, %dma_wait3A_315] : memref<6x512xi32, #tpu.memory_space<vmem>> -> memref<1x64xi32, #tpu.memory_space<vmem>>
    %dma_wait3A_317 = tpu.memref_squeeze %dma_wait3A_316 : memref<1x64xi32, #tpu.memory_space<vmem>> -> memref<64xi32, #tpu.memory_space<vmem>>
    %dma_wait3A_318 = arith.constant 0 : i32
    %dma_wait3A_319 = arith.constant 0 : i32
    %dma_wait3A_320 = tpu.memref_slice %arg4[%dma_wait3A_318, %dma_wait3A_319] : memref<1000x64xf32, #tpu.memory_space<hbm>> -> memref<1000x64xf32, #tpu.memory_space<hbm>>
    tpu.wait_indirect_dma semaphore(%arg24 : memref<!tpu.dma_semaphore, #tpu.memory_space<semaphore_mem>>) src(%dma_wait3A_320 : memref<1000x64xf32, #tpu.memory_space<hbm>>) dst(%arg14 : memref<64x64xf32, #tpu.memory_space<vmem>>)
    %dma_wait3A_321 = arith.constant 3 : i32
    %dma_wait3A_322 = arith.constant 128 : i32
    %dma_wait3A_323 = tpu.memref_slice %arg11[%dma_wait3A_321, %dma_wait3A_322] : memref<6x512xi32, #tpu.memory_space<vmem>> -> memref<1x64xi32, #tpu.memory_space<vmem>>
    %dma_wait3A_324 = tpu.memref_squeeze %dma_wait3A_323 : memref<1x64xi32, #tpu.memory_space<vmem>> -> memref<64xi32, #tpu.memory_space<vmem>>
    %dma_wait3A_325 = arith.constant 0 : i32
    %dma_wait3A_326 = arith.constant 0 : i32
    %dma_wait3A_327 = tpu.memref_slice %arg3[%dma_wait3A_325, %dma_wait3A_326] : memref<1000000x64xf32, #tpu.memory_space<hbm>> -> memref<1000000x64xf32, #tpu.memory_space<hbm>>
    tpu.wait_indirect_dma semaphore(%arg24 : memref<!tpu.dma_semaphore, #tpu.memory_space<semaphore_mem>>) src(%dma_wait3A_327 : memref<1000000x64xf32, #tpu.memory_space<hbm>>) dst(%arg15 : memref<64x64xf32, #tpu.memory_space<vmem>>)
    %dma_wait3A_328 = arith.constant 4 : i32
    %dma_wait3A_329 = arith.constant 128 : i32
    %dma_wait3A_330 = tpu.memref_slice %arg11[%dma_wait3A_328, %dma_wait3A_329] : memref<6x512xi32, #tpu.memory_space<vmem>> -> memref<1x64xi32, #tpu.memory_space<vmem>>
    %dma_wait3A_331 = tpu.memref_squeeze %dma_wait3A_330 : memref<1x64xi32, #tpu.memory_space<vmem>> -> memref<64xi32, #tpu.memory_space<vmem>>
    %dma_wait3A_332 = arith.constant 0 : i32
    %dma_wait3A_333 = arith.constant 0 : i32
    %dma_wait3A_334 = tpu.memref_slice %arg3[%dma_wait3A_332, %dma_wait3A_333] : memref<1000000x64xf32, #tpu.memory_space<hbm>> -> memref<1000000x64xf32, #tpu.memory_space<hbm>>
    tpu.wait_indirect_dma semaphore(%arg24 : memref<!tpu.dma_semaphore, #tpu.memory_space<semaphore_mem>>) src(%dma_wait3A_334 : memref<1000000x64xf32, #tpu.memory_space<hbm>>) dst(%arg16 : memref<64x64xf32, #tpu.memory_space<vmem>>)
    %dma_wait3A_335 = arith.constant 5 : i32
    %dma_wait3A_336 = arith.constant 128 : i32
    %dma_wait3A_337 = tpu.memref_slice %arg11[%dma_wait3A_335, %dma_wait3A_336] : memref<6x512xi32, #tpu.memory_space<vmem>> -> memref<1x64xi32, #tpu.memory_space<vmem>>
    %dma_wait3A_338 = tpu.memref_squeeze %dma_wait3A_337 : memref<1x64xi32, #tpu.memory_space<vmem>> -> memref<64xi32, #tpu.memory_space<vmem>>
    %dma_wait3A_339 = arith.constant 0 : i32
    %dma_wait3A_340 = arith.constant 0 : i32
    %dma_wait3A_341 = tpu.memref_slice %arg4[%dma_wait3A_339, %dma_wait3A_340] : memref<1000x64xf32, #tpu.memory_space<hbm>> -> memref<1000x64xf32, #tpu.memory_space<hbm>>
    tpu.wait_indirect_dma semaphore(%arg24 : memref<!tpu.dma_semaphore, #tpu.memory_space<semaphore_mem>>) src(%dma_wait3A_341 : memref<1000x64xf32, #tpu.memory_space<hbm>>) dst(%arg17 : memref<64x64xf32, #tpu.memory_space<vmem>>)
    %dma_wait3A_342 = arith.constant 0 : i32
    %dma_wait3A_343 = tpu.memref_slice %arg7[%add3A_275, %dma_wait3A_342] : memref<16384x64xf32, #tpu.memory_space<hbm>> -> memref<64x64xf32, #tpu.memory_space<hbm>>
    %dma_wait3A_344 = arith.constant 0 : i32
    %dma_wait3A_345 = tpu.memref_slice %arg7[%add3A_275, %dma_wait3A_344] : memref<16384x64xf32, #tpu.memory_space<hbm>> -> memref<64x64xf32, #tpu.memory_space<hbm>>
    tpu.wait_dma2 semaphore(%arg25 : memref<!tpu.dma_semaphore, #tpu.memory_space<semaphore_mem>>) src(%arg18 : memref<64x64xf32, #tpu.memory_space<vmem>>) dst(%dma_wait3A_345 : memref<64x64xf32, #tpu.memory_space<hbm>>)
    %dma_wait3A_346 = arith.constant 0 : i32
    %dma_wait3A_347 = tpu.memref_slice %arg8[%add3A_275, %dma_wait3A_346] : memref<16384x64xf32, #tpu.memory_space<hbm>> -> memref<64x64xf32, #tpu.memory_space<hbm>>
    %dma_wait3A_348 = arith.constant 0 : i32
    %dma_wait3A_349 = tpu.memref_slice %arg8[%add3A_275, %dma_wait3A_348] : memref<16384x64xf32, #tpu.memory_space<hbm>> -> memref<64x64xf32, #tpu.memory_space<hbm>>
    tpu.wait_dma2 semaphore(%arg25 : memref<!tpu.dma_semaphore, #tpu.memory_space<semaphore_mem>>) src(%arg19 : memref<64x64xf32, #tpu.memory_space<vmem>>) dst(%dma_wait3A_349 : memref<64x64xf32, #tpu.memory_space<hbm>>)
    %dma_wait3A_350 = arith.constant 0 : i32
    %dma_wait3A_351 = tpu.memref_slice %arg5[%add3A_275, %dma_wait3A_350] : memref<16384x64xf32, #tpu.memory_space<hbm>> -> memref<64x64xf32, #tpu.memory_space<hbm>>
    %dma_wait3A_352 = arith.constant 0 : i32
    %dma_wait3A_353 = tpu.memref_slice %arg5[%add3A_275, %dma_wait3A_352] : memref<16384x64xf32, #tpu.memory_space<hbm>> -> memref<64x64xf32, #tpu.memory_space<hbm>>
    tpu.wait_dma2 semaphore(%arg25 : memref<!tpu.dma_semaphore, #tpu.memory_space<semaphore_mem>>) src(%arg20 : memref<64x64xf32, #tpu.memory_space<vmem>>) dst(%dma_wait3A_353 : memref<64x64xf32, #tpu.memory_space<hbm>>)
    %dma_wait3A_354 = arith.constant 0 : i32
    %dma_wait3A_355 = tpu.memref_slice %arg9[%add3A_275, %dma_wait3A_354] : memref<16384x64xf32, #tpu.memory_space<hbm>> -> memref<64x64xf32, #tpu.memory_space<hbm>>
    %dma_wait3A_356 = arith.constant 0 : i32
    %dma_wait3A_357 = tpu.memref_slice %arg9[%add3A_275, %dma_wait3A_356] : memref<16384x64xf32, #tpu.memory_space<hbm>> -> memref<64x64xf32, #tpu.memory_space<hbm>>
    tpu.wait_dma2 semaphore(%arg25 : memref<!tpu.dma_semaphore, #tpu.memory_space<semaphore_mem>>) src(%arg21 : memref<64x64xf32, #tpu.memory_space<vmem>>) dst(%dma_wait3A_357 : memref<64x64xf32, #tpu.memory_space<hbm>>)
    %dma_wait3A_358 = arith.constant 0 : i32
    %dma_wait3A_359 = tpu.memref_slice %arg10[%add3A_275, %dma_wait3A_358] : memref<16384x64xf32, #tpu.memory_space<hbm>> -> memref<64x64xf32, #tpu.memory_space<hbm>>
    %dma_wait3A_360 = arith.constant 0 : i32
    %dma_wait3A_361 = tpu.memref_slice %arg10[%add3A_275, %dma_wait3A_360] : memref<16384x64xf32, #tpu.memory_space<hbm>> -> memref<64x64xf32, #tpu.memory_space<hbm>>
    tpu.wait_dma2 semaphore(%arg25 : memref<!tpu.dma_semaphore, #tpu.memory_space<semaphore_mem>>) src(%arg22 : memref<64x64xf32, #tpu.memory_space<vmem>>) dst(%dma_wait3A_361 : memref<64x64xf32, #tpu.memory_space<hbm>>)
    %dma_wait3A_362 = arith.constant 0 : i32
    %dma_wait3A_363 = tpu.memref_slice %arg6[%add3A_275, %dma_wait3A_362] : memref<16384x64xf32, #tpu.memory_space<hbm>> -> memref<64x64xf32, #tpu.memory_space<hbm>>
    %dma_wait3A_364 = arith.constant 0 : i32
    %dma_wait3A_365 = tpu.memref_slice %arg6[%add3A_275, %dma_wait3A_364] : memref<16384x64xf32, #tpu.memory_space<hbm>> -> memref<64x64xf32, #tpu.memory_space<hbm>>
    tpu.wait_dma2 semaphore(%arg25 : memref<!tpu.dma_semaphore, #tpu.memory_space<semaphore_mem>>) src(%arg23 : memref<64x64xf32, #tpu.memory_space<vmem>>) dst(%dma_wait3A_365 : memref<64x64xf32, #tpu.memory_space<hbm>>)
    %dma_start3A_366 = arith.constant 0 : i32
    %dma_start3A_367 = arith.constant 192 : i32
    %dma_start3A_368 = tpu.memref_slice %arg11[%dma_start3A_366, %dma_start3A_367] : memref<6x512xi32, #tpu.memory_space<vmem>> -> memref<1x64xi32, #tpu.memory_space<vmem>>
    %dma_start3A_369 = tpu.memref_squeeze %dma_start3A_368 : memref<1x64xi32, #tpu.memory_space<vmem>> -> memref<64xi32, #tpu.memory_space<vmem>>
    %dma_start3A_370 = arith.constant 0 : i32
    %dma_start3A_371 = arith.constant 0 : i32
    %dma_start3A_372 = tpu.memref_slice %arg3[%dma_start3A_370, %dma_start3A_371] : memref<1000000x64xf32, #tpu.memory_space<hbm>> -> memref<1000000x64xf32, #tpu.memory_space<hbm>>
    tpu.enqueue_indirect_dma source(%dma_start3A_372 : memref<1000000x64xf32, #tpu.memory_space<hbm>>) target(%arg18 : memref<64x64xf32, #tpu.memory_space<vmem>>) offsets(%dma_start3A_369 : memref<64xi32, #tpu.memory_space<vmem>>) semaphore(%arg24 : memref<!tpu.dma_semaphore, #tpu.memory_space<semaphore_mem>>)
    %dma_start3A_373 = arith.constant 1 : i32
    %dma_start3A_374 = arith.constant 192 : i32
    %dma_start3A_375 = tpu.memref_slice %arg11[%dma_start3A_373, %dma_start3A_374] : memref<6x512xi32, #tpu.memory_space<vmem>> -> memref<1x64xi32, #tpu.memory_space<vmem>>
    %dma_start3A_376 = tpu.memref_squeeze %dma_start3A_375 : memref<1x64xi32, #tpu.memory_space<vmem>> -> memref<64xi32, #tpu.memory_space<vmem>>
    %dma_start3A_377 = arith.constant 0 : i32
    %dma_start3A_378 = arith.constant 0 : i32
    %dma_start3A_379 = tpu.memref_slice %arg3[%dma_start3A_377, %dma_start3A_378] : memref<1000000x64xf32, #tpu.memory_space<hbm>> -> memref<1000000x64xf32, #tpu.memory_space<hbm>>
    tpu.enqueue_indirect_dma source(%dma_start3A_379 : memref<1000000x64xf32, #tpu.memory_space<hbm>>) target(%arg19 : memref<64x64xf32, #tpu.memory_space<vmem>>) offsets(%dma_start3A_376 : memref<64xi32, #tpu.memory_space<vmem>>) semaphore(%arg24 : memref<!tpu.dma_semaphore, #tpu.memory_space<semaphore_mem>>)
    %dma_start3A_380 = arith.constant 2 : i32
    %dma_start3A_381 = arith.constant 192 : i32
    %dma_start3A_382 = tpu.memref_slice %arg11[%dma_start3A_380, %dma_start3A_381] : memref<6x512xi32, #tpu.memory_space<vmem>> -> memref<1x64xi32, #tpu.memory_space<vmem>>
    %dma_start3A_383 = tpu.memref_squeeze %dma_start3A_382 : memref<1x64xi32, #tpu.memory_space<vmem>> -> memref<64xi32, #tpu.memory_space<vmem>>
    %dma_start3A_384 = arith.constant 0 : i32
    %dma_start3A_385 = arith.constant 0 : i32
    %dma_start3A_386 = tpu.memref_slice %arg4[%dma_start3A_384, %dma_start3A_385] : memref<1000x64xf32, #tpu.memory_space<hbm>> -> memref<1000x64xf32, #tpu.memory_space<hbm>>
    tpu.enqueue_indirect_dma source(%dma_start3A_386 : memref<1000x64xf32, #tpu.memory_space<hbm>>) target(%arg20 : memref<64x64xf32, #tpu.memory_space<vmem>>) offsets(%dma_start3A_383 : memref<64xi32, #tpu.memory_space<vmem>>) semaphore(%arg24 : memref<!tpu.dma_semaphore, #tpu.memory_space<semaphore_mem>>)
    %dma_start3A_387 = arith.constant 3 : i32
    %dma_start3A_388 = arith.constant 192 : i32
    %dma_start3A_389 = tpu.memref_slice %arg11[%dma_start3A_387, %dma_start3A_388] : memref<6x512xi32, #tpu.memory_space<vmem>> -> memref<1x64xi32, #tpu.memory_space<vmem>>
    %dma_start3A_390 = tpu.memref_squeeze %dma_start3A_389 : memref<1x64xi32, #tpu.memory_space<vmem>> -> memref<64xi32, #tpu.memory_space<vmem>>
    %dma_start3A_391 = arith.constant 0 : i32
    %dma_start3A_392 = arith.constant 0 : i32
    %dma_start3A_393 = tpu.memref_slice %arg3[%dma_start3A_391, %dma_start3A_392] : memref<1000000x64xf32, #tpu.memory_space<hbm>> -> memref<1000000x64xf32, #tpu.memory_space<hbm>>
    tpu.enqueue_indirect_dma source(%dma_start3A_393 : memref<1000000x64xf32, #tpu.memory_space<hbm>>) target(%arg21 : memref<64x64xf32, #tpu.memory_space<vmem>>) offsets(%dma_start3A_390 : memref<64xi32, #tpu.memory_space<vmem>>) semaphore(%arg24 : memref<!tpu.dma_semaphore, #tpu.memory_space<semaphore_mem>>)
    %dma_start3A_394 = arith.constant 4 : i32
    %dma_start3A_395 = arith.constant 192 : i32
    %dma_start3A_396 = tpu.memref_slice %arg11[%dma_start3A_394, %dma_start3A_395] : memref<6x512xi32, #tpu.memory_space<vmem>> -> memref<1x64xi32, #tpu.memory_space<vmem>>
    %dma_start3A_397 = tpu.memref_squeeze %dma_start3A_396 : memref<1x64xi32, #tpu.memory_space<vmem>> -> memref<64xi32, #tpu.memory_space<vmem>>
    %dma_start3A_398 = arith.constant 0 : i32
    %dma_start3A_399 = arith.constant 0 : i32
    %dma_start3A_400 = tpu.memref_slice %arg3[%dma_start3A_398, %dma_start3A_399] : memref<1000000x64xf32, #tpu.memory_space<hbm>> -> memref<1000000x64xf32, #tpu.memory_space<hbm>>
    tpu.enqueue_indirect_dma source(%dma_start3A_400 : memref<1000000x64xf32, #tpu.memory_space<hbm>>) target(%arg22 : memref<64x64xf32, #tpu.memory_space<vmem>>) offsets(%dma_start3A_397 : memref<64xi32, #tpu.memory_space<vmem>>) semaphore(%arg24 : memref<!tpu.dma_semaphore, #tpu.memory_space<semaphore_mem>>)
    %dma_start3A_401 = arith.constant 5 : i32
    %dma_start3A_402 = arith.constant 192 : i32
    %dma_start3A_403 = tpu.memref_slice %arg11[%dma_start3A_401, %dma_start3A_402] : memref<6x512xi32, #tpu.memory_space<vmem>> -> memref<1x64xi32, #tpu.memory_space<vmem>>
    %dma_start3A_404 = tpu.memref_squeeze %dma_start3A_403 : memref<1x64xi32, #tpu.memory_space<vmem>> -> memref<64xi32, #tpu.memory_space<vmem>>
    %dma_start3A_405 = arith.constant 0 : i32
    %dma_start3A_406 = arith.constant 0 : i32
    %dma_start3A_407 = tpu.memref_slice %arg4[%dma_start3A_405, %dma_start3A_406] : memref<1000x64xf32, #tpu.memory_space<hbm>> -> memref<1000x64xf32, #tpu.memory_space<hbm>>
    tpu.enqueue_indirect_dma source(%dma_start3A_407 : memref<1000x64xf32, #tpu.memory_space<hbm>>) target(%arg23 : memref<64x64xf32, #tpu.memory_space<vmem>>) offsets(%dma_start3A_404 : memref<64xi32, #tpu.memory_space<vmem>>) semaphore(%arg24 : memref<!tpu.dma_semaphore, #tpu.memory_space<semaphore_mem>>)
    %scan3A_408 = arith.constant 0 : i32
    %scan3A_409 = arith.constant 64 : i32
    %scan3A_410 = arith.addi %scan3A_408, %scan3A_409 : i32
    %scan3A_411 = arith.constant 1 : i32
    scf.for %scan3A_1128 = %scan3A_408 to %scan3A_410 step %scan3A_411  : i32 {
      %get3A = arith.index_cast %scan3A_1128 : i32 to index
      %get3A_1129 = arith.constant 0 : index
      %get3A_1130 = tpu.vector_load %arg12[%get3A, %get3A_1129] {strides = array<i32>} : memref<64x64xf32, #tpu.memory_space<vmem>>, vector<1x16xf32>,
      %get3A_1131 = vector.shape_cast %get3A_1130 : vector<1x16xf32> to vector<16xf32>
      %get3A_1132 = arith.index_cast %scan3A_1128 : i32 to index
      %get3A_1133 = arith.constant 0 : index
      %get3A_1134 = tpu.vector_load %arg14[%get3A_1132, %get3A_1133] {strides = array<i32>} : memref<64x64xf32, #tpu.memory_space<vmem>>, vector<1x16xf32>,
      %get3A_1135 = vector.shape_cast %get3A_1134 : vector<1x16xf32> to vector<16xf32>
      %add3A_1136 = arith.addf %get3A_1131, %get3A_1135 : vector<16xf32>
      %get3A_1137 = arith.index_cast %scan3A_1128 : i32 to index
      %get3A_1138 = arith.constant 0 : index
      %get3A_1139 = tpu.vector_load %arg13[%get3A_1137, %get3A_1138] {strides = array<i32>} : memref<64x64xf32, #tpu.memory_space<vmem>>, vector<1x16xf32>,
      %get3A_1140 = vector.shape_cast %get3A_1139 : vector<1x16xf32> to vector<16xf32>
      %sub3A = arith.subf %add3A_1136, %get3A_1140 : vector<16xf32>
      %swap3A = arith.index_cast %scan3A_1128 : i32 to index
      %swap3A_1141 = arith.constant 0 : index
      %swap3A_1142 = tpu.vector_load %arg14[%swap3A, %swap3A_1141] {strides = array<i32>} : memref<64x64xf32, #tpu.memory_space<vmem>>, vector<1x16xf32>,
      %swap3A_1143 = vector.shape_cast %swap3A_1142 : vector<1x16xf32> to vector<16xf32>
      %swap3A_1144 = vector.shape_cast %sub3A : vector<16xf32> to vector<1x16xf32>
      tpu.vector_store %arg14[%swap3A, %swap3A_1141], %swap3A_1144 {strides = array<i32>} : memref<64x64xf32, #tpu.memory_space<vmem>>, vector<1x16xf32>,
      %get3A_1145 = arith.index_cast %scan3A_1128 : i32 to index
      %get3A_1146 = arith.constant 0 : index
      %get3A_1147 = tpu.vector_load %arg15[%get3A_1145, %get3A_1146] {strides = array<i32>} : memref<64x64xf32, #tpu.memory_space<vmem>>, vector<1x16xf32>,
      %get3A_1148 = vector.shape_cast %get3A_1147 : vector<1x16xf32> to vector<16xf32>
      %get3A_1149 = arith.index_cast %scan3A_1128 : i32 to index
      %get3A_1150 = arith.constant 0 : index
      %get3A_1151 = tpu.vector_load %arg17[%get3A_1149, %get3A_1150] {strides = array<i32>} : memref<64x64xf32, #tpu.memory_space<vmem>>, vector<1x16xf32>,
      %get3A_1152 = vector.shape_cast %get3A_1151 : vector<1x16xf32> to vector<16xf32>
      %add3A_1153 = arith.addf %get3A_1148, %get3A_1152 : vector<16xf32>
      %get3A_1154 = arith.index_cast %scan3A_1128 : i32 to index
      %get3A_1155 = arith.constant 0 : index
      %get3A_1156 = tpu.vector_load %arg16[%get3A_1154, %get3A_1155] {strides = array<i32>} : memref<64x64xf32, #tpu.memory_space<vmem>>, vector<1x16xf32>,
      %get3A_1157 = vector.shape_cast %get3A_1156 : vector<1x16xf32> to vector<16xf32>
      %sub3A_1158 = arith.subf %add3A_1153, %get3A_1157 : vector<16xf32>
      %swap3A_1159 = arith.index_cast %scan3A_1128 : i32 to index
      %swap3A_1160 = arith.constant 0 : index
      %swap3A_1161 = tpu.vector_load %arg17[%swap3A_1159, %swap3A_1160] {strides = array<i32>} : memref<64x64xf32, #tpu.memory_space<vmem>>, vector<1x16xf32>,
      %swap3A_1162 = vector.shape_cast %swap3A_1161 : vector<1x16xf32> to vector<16xf32>
      %swap3A_1163 = vector.shape_cast %sub3A_1158 : vector<16xf32> to vector<1x16xf32>
      tpu.vector_store %arg17[%swap3A_1159, %swap3A_1160], %swap3A_1163 {strides = array<i32>} : memref<64x64xf32, #tpu.memory_space<vmem>>, vector<1x16xf32>,
      %get3A_1164 = arith.index_cast %scan3A_1128 : i32 to index
      %get3A_1165 = arith.constant 16 : index
      %get3A_1166 = tpu.vector_load %arg12[%get3A_1164, %get3A_1165] {strides = array<i32>} : memref<64x64xf32, #tpu.memory_space<vmem>>, vector<1x16xf32>,
      %get3A_1167 = vector.shape_cast %get3A_1166 : vector<1x16xf32> to vector<16xf32>
      %get3A_1168 = arith.index_cast %scan3A_1128 : i32 to index
      %get3A_1169 = arith.constant 16 : index
      %get3A_1170 = tpu.vector_load %arg14[%get3A_1168, %get3A_1169] {strides = array<i32>} : memref<64x64xf32, #tpu.memory_space<vmem>>, vector<1x16xf32>,
      %get3A_1171 = vector.shape_cast %get3A_1170 : vector<1x16xf32> to vector<16xf32>
      %add3A_1172 = arith.addf %get3A_1167, %get3A_1171 : vector<16xf32>
      %get3A_1173 = arith.index_cast %scan3A_1128 : i32 to index
      %get3A_1174 = arith.constant 16 : index
      %get3A_1175 = tpu.vector_load %arg13[%get3A_1173, %get3A_1174] {strides = array<i32>} : memref<64x64xf32, #tpu.memory_space<vmem>>, vector<1x16xf32>,
      %get3A_1176 = vector.shape_cast %get3A_1175 : vector<1x16xf32> to vector<16xf32>
      %sub3A_1177 = arith.subf %add3A_1172, %get3A_1176 : vector<16xf32>
      %swap3A_1178 = arith.index_cast %scan3A_1128 : i32 to index
      %swap3A_1179 = arith.constant 16 : index
      %swap3A_1180 = tpu.vector_load %arg14[%swap3A_1178, %swap3A_1179] {strides = array<i32>} : memref<64x64xf32, #tpu.memory_space<vmem>>, vector<1x16xf32>,
      %swap3A_1181 = vector.shape_cast %swap3A_1180 : vector<1x16xf32> to vector<16xf32>
      %swap3A_1182 = vector.shape_cast %sub3A_1177 : vector<16xf32> to vector<1x16xf32>
      tpu.vector_store %arg14[%swap3A_1178, %swap3A_1179], %swap3A_1182 {strides = array<i32>} : memref<64x64xf32, #tpu.memory_space<vmem>>, vector<1x16xf32>,
      %get3A_1183 = arith.index_cast %scan3A_1128 : i32 to index
      %get3A_1184 = arith.constant 16 : index
      %get3A_1185 = tpu.vector_load %arg15[%get3A_1183, %get3A_1184] {strides = array<i32>} : memref<64x64xf32, #tpu.memory_space<vmem>>, vector<1x16xf32>,
      %get3A_1186 = vector.shape_cast %get3A_1185 : vector<1x16xf32> to vector<16xf32>
      %get3A_1187 = arith.index_cast %scan3A_1128 : i32 to index
      %get3A_1188 = arith.constant 16 : index
      %get3A_1189 = tpu.vector_load %arg17[%get3A_1187, %get3A_1188] {strides = array<i32>} : memref<64x64xf32, #tpu.memory_space<vmem>>, vector<1x16xf32>,
      %get3A_1190 = vector.shape_cast %get3A_1189 : vector<1x16xf32> to vector<16xf32>
      %add3A_1191 = arith.addf %get3A_1186, %get3A_1190 : vector<16xf32>
      %get3A_1192 = arith.index_cast %scan3A_1128 : i32 to index
      %get3A_1193 = arith.constant 16 : index
      %get3A_1194 = tpu.vector_load %arg16[%get3A_1192, %get3A_1193] {strides = array<i32>} : memref<64x64xf32, #tpu.memory_space<vmem>>, vector<1x16xf32>,
      %get3A_1195 = vector.shape_cast %get3A_1194 : vector<1x16xf32> to vector<16xf32>
      %sub3A_1196 = arith.subf %add3A_1191, %get3A_1195 : vector<16xf32>
      %swap3A_1197 = arith.index_cast %scan3A_1128 : i32 to index
      %swap3A_1198 = arith.constant 16 : index
      %swap3A_1199 = tpu.vector_load %arg17[%swap3A_1197, %swap3A_1198] {strides = array<i32>} : memref<64x64xf32, #tpu.memory_space<vmem>>, vector<1x16xf32>,
      %swap3A_1200 = vector.shape_cast %swap3A_1199 : vector<1x16xf32> to vector<16xf32>
      %swap3A_1201 = vector.shape_cast %sub3A_1196 : vector<16xf32> to vector<1x16xf32>
      tpu.vector_store %arg17[%swap3A_1197, %swap3A_1198], %swap3A_1201 {strides = array<i32>} : memref<64x64xf32, #tpu.memory_space<vmem>>, vector<1x16xf32>,
      %get3A_1202 = arith.index_cast %scan3A_1128 : i32 to index
      %get3A_1203 = arith.constant 32 : index
      %get3A_1204 = tpu.vector_load %arg12[%get3A_1202, %get3A_1203] {strides = array<i32>} : memref<64x64xf32, #tpu.memory_space<vmem>>, vector<1x16xf32>,
      %get3A_1205 = vector.shape_cast %get3A_1204 : vector<1x16xf32> to vector<16xf32>
      %get3A_1206 = arith.index_cast %scan3A_1128 : i32 to index
      %get3A_1207 = arith.constant 32 : index
      %get3A_1208 = tpu.vector_load %arg14[%get3A_1206, %get3A_1207] {strides = array<i32>} : memref<64x64xf32, #tpu.memory_space<vmem>>, vector<1x16xf32>,
      %get3A_1209 = vector.shape_cast %get3A_1208 : vector<1x16xf32> to vector<16xf32>
      %add3A_1210 = arith.addf %get3A_1205, %get3A_1209 : vector<16xf32>
      %get3A_1211 = arith.index_cast %scan3A_1128 : i32 to index
      %get3A_1212 = arith.constant 32 : index
      %get3A_1213 = tpu.vector_load %arg13[%get3A_1211, %get3A_1212] {strides = array<i32>} : memref<64x64xf32, #tpu.memory_space<vmem>>, vector<1x16xf32>,
      %get3A_1214 = vector.shape_cast %get3A_1213 : vector<1x16xf32> to vector<16xf32>
      %sub3A_1215 = arith.subf %add3A_1210, %get3A_1214 : vector<16xf32>
      %swap3A_1216 = arith.index_cast %scan3A_1128 : i32 to index
      %swap3A_1217 = arith.constant 32 : index
      %swap3A_1218 = tpu.vector_load %arg14[%swap3A_1216, %swap3A_1217] {strides = array<i32>} : memref<64x64xf32, #tpu.memory_space<vmem>>, vector<1x16xf32>,
      %swap3A_1219 = vector.shape_cast %swap3A_1218 : vector<1x16xf32> to vector<16xf32>
      %swap3A_1220 = vector.shape_cast %sub3A_1215 : vector<16xf32> to vector<1x16xf32>
      tpu.vector_store %arg14[%swap3A_1216, %swap3A_1217], %swap3A_1220 {strides = array<i32>} : memref<64x64xf32, #tpu.memory_space<vmem>>, vector<1x16xf32>,
      %get3A_1221 = arith.index_cast %scan3A_1128 : i32 to index
      %get3A_1222 = arith.constant 32 : index
      %get3A_1223 = tpu.vector_load %arg15[%get3A_1221, %get3A_1222] {strides = array<i32>} : memref<64x64xf32, #tpu.memory_space<vmem>>, vector<1x16xf32>,
      %get3A_1224 = vector.shape_cast %get3A_1223 : vector<1x16xf32> to vector<16xf32>
      %get3A_1225 = arith.index_cast %scan3A_1128 : i32 to index
      %get3A_1226 = arith.constant 32 : index
      %get3A_1227 = tpu.vector_load %arg17[%get3A_1225, %get3A_1226] {strides = array<i32>} : memref<64x64xf32, #tpu.memory_space<vmem>>, vector<1x16xf32>,
      %get3A_1228 = vector.shape_cast %get3A_1227 : vector<1x16xf32> to vector<16xf32>
      %add3A_1229 = arith.addf %get3A_1224, %get3A_1228 : vector<16xf32>
      %get3A_1230 = arith.index_cast %scan3A_1128 : i32 to index
      %get3A_1231 = arith.constant 32 : index
      %get3A_1232 = tpu.vector_load %arg16[%get3A_1230, %get3A_1231] {strides = array<i32>} : memref<64x64xf32, #tpu.memory_space<vmem>>, vector<1x16xf32>,
      %get3A_1233 = vector.shape_cast %get3A_1232 : vector<1x16xf32> to vector<16xf32>
      %sub3A_1234 = arith.subf %add3A_1229, %get3A_1233 : vector<16xf32>
      %swap3A_1235 = arith.index_cast %scan3A_1128 : i32 to index
      %swap3A_1236 = arith.constant 32 : index
      %swap3A_1237 = tpu.vector_load %arg17[%swap3A_1235, %swap3A_1236] {strides = array<i32>} : memref<64x64xf32, #tpu.memory_space<vmem>>, vector<1x16xf32>,
      %swap3A_1238 = vector.shape_cast %swap3A_1237 : vector<1x16xf32> to vector<16xf32>
      %swap3A_1239 = vector.shape_cast %sub3A_1234 : vector<16xf32> to vector<1x16xf32>
      tpu.vector_store %arg17[%swap3A_1235, %swap3A_1236], %swap3A_1239 {strides = array<i32>} : memref<64x64xf32, #tpu.memory_space<vmem>>, vector<1x16xf32>,
      %get3A_1240 = arith.index_cast %scan3A_1128 : i32 to index
      %get3A_1241 = arith.constant 48 : index
      %get3A_1242 = tpu.vector_load %arg12[%get3A_1240, %get3A_1241] {strides = array<i32>} : memref<64x64xf32, #tpu.memory_space<vmem>>, vector<1x16xf32>,
      %get3A_1243 = vector.shape_cast %get3A_1242 : vector<1x16xf32> to vector<16xf32>
      %get3A_1244 = arith.index_cast %scan3A_1128 : i32 to index
      %get3A_1245 = arith.constant 48 : index
      %get3A_1246 = tpu.vector_load %arg14[%get3A_1244, %get3A_1245] {strides = array<i32>} : memref<64x64xf32, #tpu.memory_space<vmem>>, vector<1x16xf32>,
      %get3A_1247 = vector.shape_cast %get3A_1246 : vector<1x16xf32> to vector<16xf32>
      %add3A_1248 = arith.addf %get3A_1243, %get3A_1247 : vector<16xf32>
      %get3A_1249 = arith.index_cast %scan3A_1128 : i32 to index
      %get3A_1250 = arith.constant 48 : index
      %get3A_1251 = tpu.vector_load %arg13[%get3A_1249, %get3A_1250] {strides = array<i32>} : memref<64x64xf32, #tpu.memory_space<vmem>>, vector<1x16xf32>,
      %get3A_1252 = vector.shape_cast %get3A_1251 : vector<1x16xf32> to vector<16xf32>
      %sub3A_1253 = arith.subf %add3A_1248, %get3A_1252 : vector<16xf32>
      %swap3A_1254 = arith.index_cast %scan3A_1128 : i32 to index
      %swap3A_1255 = arith.constant 48 : index
      %swap3A_1256 = tpu.vector_load %arg14[%swap3A_1254, %swap3A_1255] {strides = array<i32>} : memref<64x64xf32, #tpu.memory_space<vmem>>, vector<1x16xf32>,
      %swap3A_1257 = vector.shape_cast %swap3A_1256 : vector<1x16xf32> to vector<16xf32>
      %swap3A_1258 = vector.shape_cast %sub3A_1253 : vector<16xf32> to vector<1x16xf32>
      tpu.vector_store %arg14[%swap3A_1254, %swap3A_1255], %swap3A_1258 {strides = array<i32>} : memref<64x64xf32, #tpu.memory_space<vmem>>, vector<1x16xf32>,
      %get3A_1259 = arith.index_cast %scan3A_1128 : i32 to index
      %get3A_1260 = arith.constant 48 : index
      %get3A_1261 = tpu.vector_load %arg15[%get3A_1259, %get3A_1260] {strides = array<i32>} : memref<64x64xf32, #tpu.memory_space<vmem>>, vector<1x16xf32>,
      %get3A_1262 = vector.shape_cast %get3A_1261 : vector<1x16xf32> to vector<16xf32>
      %get3A_1263 = arith.index_cast %scan3A_1128 : i32 to index
      %get3A_1264 = arith.constant 48 : index
      %get3A_1265 = tpu.vector_load %arg17[%get3A_1263, %get3A_1264] {strides = array<i32>} : memref<64x64xf32, #tpu.memory_space<vmem>>, vector<1x16xf32>,
      %get3A_1266 = vector.shape_cast %get3A_1265 : vector<1x16xf32> to vector<16xf32>
      %add3A_1267 = arith.addf %get3A_1262, %get3A_1266 : vector<16xf32>
      %get3A_1268 = arith.index_cast %scan3A_1128 : i32 to index
      %get3A_1269 = arith.constant 48 : index
      %get3A_1270 = tpu.vector_load %arg16[%get3A_1268, %get3A_1269] {strides = array<i32>} : memref<64x64xf32, #tpu.memory_space<vmem>>, vector<1x16xf32>,
      %get3A_1271 = vector.shape_cast %get3A_1270 : vector<1x16xf32> to vector<16xf32>
      %sub3A_1272 = arith.subf %add3A_1267, %get3A_1271 : vector<16xf32>
      %swap3A_1273 = arith.index_cast %scan3A_1128 : i32 to index
      %swap3A_1274 = arith.constant 48 : index
      %swap3A_1275 = tpu.vector_load %arg17[%swap3A_1273, %swap3A_1274] {strides = array<i32>} : memref<64x64xf32, #tpu.memory_space<vmem>>, vector<1x16xf32>,
      %swap3A_1276 = vector.shape_cast %swap3A_1275 : vector<1x16xf32> to vector<16xf32>
      %swap3A_1277 = vector.shape_cast %sub3A_1272 : vector<16xf32> to vector<1x16xf32>
      tpu.vector_store %arg17[%swap3A_1273, %swap3A_1274], %swap3A_1277 {strides = array<i32>} : memref<64x64xf32, #tpu.memory_space<vmem>>, vector<1x16xf32>,
    }
    %scan3A_412 = arith.constant 64 : i32
    %mul3A_413 = arith.constant 512 : i32
    %mul3A_414 = arith.muli %add3A, %mul3A_413 : i32
    %add3A_415 = arith.constant 128 : i32
    %add3A_416 = arith.addi %mul3A_414, %add3A_415 : i32
    %dma_start3A_417 = arith.constant 0 : i32
    %dma_start3A_418 = tpu.memref_slice %arg7[%add3A_416, %dma_start3A_417] : memref<16384x64xf32, #tpu.memory_space<hbm>> -> memref<64x64xf32, #tpu.memory_space<hbm>>
    %dma_start3A_419 = arith.constant 0 : i32
    %dma_start3A_420 = tpu.memref_slice %arg7[%add3A_416, %dma_start3A_419] : memref<16384x64xf32, #tpu.memory_space<hbm>> -> memref<64x64xf32, #tpu.memory_space<hbm>>
    tpu.enqueue_dma source(%arg12 : memref<64x64xf32, #tpu.memory_space<vmem>>) target(%dma_start3A_420 : memref<64x64xf32, #tpu.memory_space<hbm>>) target_semaphore(%arg25 : memref<!tpu.dma_semaphore, #tpu.memory_space<semaphore_mem>>)
    %dma_start3A_421 = arith.constant 0 : i32
    %dma_start3A_422 = tpu.memref_slice %arg8[%add3A_416, %dma_start3A_421] : memref<16384x64xf32, #tpu.memory_space<hbm>> -> memref<64x64xf32, #tpu.memory_space<hbm>>
    %dma_start3A_423 = arith.constant 0 : i32
    %dma_start3A_424 = tpu.memref_slice %arg8[%add3A_416, %dma_start3A_423] : memref<16384x64xf32, #tpu.memory_space<hbm>> -> memref<64x64xf32, #tpu.memory_space<hbm>>
    tpu.enqueue_dma source(%arg13 : memref<64x64xf32, #tpu.memory_space<vmem>>) target(%dma_start3A_424 : memref<64x64xf32, #tpu.memory_space<hbm>>) target_semaphore(%arg25 : memref<!tpu.dma_semaphore, #tpu.memory_space<semaphore_mem>>)
    %dma_start3A_425 = arith.constant 0 : i32
    %dma_start3A_426 = tpu.memref_slice %arg5[%add3A_416, %dma_start3A_425] : memref<16384x64xf32, #tpu.memory_space<hbm>> -> memref<64x64xf32, #tpu.memory_space<hbm>>
    %dma_start3A_427 = arith.constant 0 : i32
    %dma_start3A_428 = tpu.memref_slice %arg5[%add3A_416, %dma_start3A_427] : memref<16384x64xf32, #tpu.memory_space<hbm>> -> memref<64x64xf32, #tpu.memory_space<hbm>>
    tpu.enqueue_dma source(%arg14 : memref<64x64xf32, #tpu.memory_space<vmem>>) target(%dma_start3A_428 : memref<64x64xf32, #tpu.memory_space<hbm>>) target_semaphore(%arg25 : memref<!tpu.dma_semaphore, #tpu.memory_space<semaphore_mem>>)
    %dma_start3A_429 = arith.constant 0 : i32
    %dma_start3A_430 = tpu.memref_slice %arg9[%add3A_416, %dma_start3A_429] : memref<16384x64xf32, #tpu.memory_space<hbm>> -> memref<64x64xf32, #tpu.memory_space<hbm>>
    %dma_start3A_431 = arith.constant 0 : i32
    %dma_start3A_432 = tpu.memref_slice %arg9[%add3A_416, %dma_start3A_431] : memref<16384x64xf32, #tpu.memory_space<hbm>> -> memref<64x64xf32, #tpu.memory_space<hbm>>
    tpu.enqueue_dma source(%arg15 : memref<64x64xf32, #tpu.memory_space<vmem>>) target(%dma_start3A_432 : memref<64x64xf32, #tpu.memory_space<hbm>>) target_semaphore(%arg25 : memref<!tpu.dma_semaphore, #tpu.memory_space<semaphore_mem>>)
    %dma_start3A_433 = arith.constant 0 : i32
    %dma_start3A_434 = tpu.memref_slice %arg10[%add3A_416, %dma_start3A_433] : memref<16384x64xf32, #tpu.memory_space<hbm>> -> memref<64x64xf32, #tpu.memory_space<hbm>>
    %dma_start3A_435 = arith.constant 0 : i32
    %dma_start3A_436 = tpu.memref_slice %arg10[%add3A_416, %dma_start3A_435] : memref<16384x64xf32, #tpu.memory_space<hbm>> -> memref<64x64xf32, #tpu.memory_space<hbm>>
    tpu.enqueue_dma source(%arg16 : memref<64x64xf32, #tpu.memory_space<vmem>>) target(%dma_start3A_436 : memref<64x64xf32, #tpu.memory_space<hbm>>) target_semaphore(%arg25 : memref<!tpu.dma_semaphore, #tpu.memory_space<semaphore_mem>>)
    %dma_start3A_437 = arith.constant 0 : i32
    %dma_start3A_438 = tpu.memref_slice %arg6[%add3A_416, %dma_start3A_437] : memref<16384x64xf32, #tpu.memory_space<hbm>> -> memref<64x64xf32, #tpu.memory_space<hbm>>
    %dma_start3A_439 = arith.constant 0 : i32
    %dma_start3A_440 = tpu.memref_slice %arg6[%add3A_416, %dma_start3A_439] : memref<16384x64xf32, #tpu.memory_space<hbm>> -> memref<64x64xf32, #tpu.memory_space<hbm>>
    tpu.enqueue_dma source(%arg17 : memref<64x64xf32, #tpu.memory_space<vmem>>) target(%dma_start3A_440 : memref<64x64xf32, #tpu.memory_space<hbm>>) target_semaphore(%arg25 : memref<!tpu.dma_semaphore, #tpu.memory_space<semaphore_mem>>)
    %dma_wait3A_441 = arith.constant 0 : i32
    %dma_wait3A_442 = arith.constant 192 : i32
    %dma_wait3A_443 = tpu.memref_slice %arg11[%dma_wait3A_441, %dma_wait3A_442] : memref<6x512xi32, #tpu.memory_space<vmem>> -> memref<1x64xi32, #tpu.memory_space<vmem>>
    %dma_wait3A_444 = tpu.memref_squeeze %dma_wait3A_443 : memref<1x64xi32, #tpu.memory_space<vmem>> -> memref<64xi32, #tpu.memory_space<vmem>>
    %dma_wait3A_445 = arith.constant 0 : i32
    %dma_wait3A_446 = arith.constant 0 : i32
    %dma_wait3A_447 = tpu.memref_slice %arg3[%dma_wait3A_445, %dma_wait3A_446] : memref<1000000x64xf32, #tpu.memory_space<hbm>> -> memref<1000000x64xf32, #tpu.memory_space<hbm>>
    tpu.wait_indirect_dma semaphore(%arg24 : memref<!tpu.dma_semaphore, #tpu.memory_space<semaphore_mem>>) src(%dma_wait3A_447 : memref<1000000x64xf32, #tpu.memory_space<hbm>>) dst(%arg18 : memref<64x64xf32, #tpu.memory_space<vmem>>)
    %dma_wait3A_448 = arith.constant 1 : i32
    %dma_wait3A_449 = arith.constant 192 : i32
    %dma_wait3A_450 = tpu.memref_slice %arg11[%dma_wait3A_448, %dma_wait3A_449] : memref<6x512xi32, #tpu.memory_space<vmem>> -> memref<1x64xi32, #tpu.memory_space<vmem>>
    %dma_wait3A_451 = tpu.memref_squeeze %dma_wait3A_450 : memref<1x64xi32, #tpu.memory_space<vmem>> -> memref<64xi32, #tpu.memory_space<vmem>>
    %dma_wait3A_452 = arith.constant 0 : i32
    %dma_wait3A_453 = arith.constant 0 : i32
    %dma_wait3A_454 = tpu.memref_slice %arg3[%dma_wait3A_452, %dma_wait3A_453] : memref<1000000x64xf32, #tpu.memory_space<hbm>> -> memref<1000000x64xf32, #tpu.memory_space<hbm>>
    tpu.wait_indirect_dma semaphore(%arg24 : memref<!tpu.dma_semaphore, #tpu.memory_space<semaphore_mem>>) src(%dma_wait3A_454 : memref<1000000x64xf32, #tpu.memory_space<hbm>>) dst(%arg19 : memref<64x64xf32, #tpu.memory_space<vmem>>)
    %dma_wait3A_455 = arith.constant 2 : i32
    %dma_wait3A_456 = arith.constant 192 : i32
    %dma_wait3A_457 = tpu.memref_slice %arg11[%dma_wait3A_455, %dma_wait3A_456] : memref<6x512xi32, #tpu.memory_space<vmem>> -> memref<1x64xi32, #tpu.memory_space<vmem>>
    %dma_wait3A_458 = tpu.memref_squeeze %dma_wait3A_457 : memref<1x64xi32, #tpu.memory_space<vmem>> -> memref<64xi32, #tpu.memory_space<vmem>>
    %dma_wait3A_459 = arith.constant 0 : i32
    %dma_wait3A_460 = arith.constant 0 : i32
    %dma_wait3A_461 = tpu.memref_slice %arg4[%dma_wait3A_459, %dma_wait3A_460] : memref<1000x64xf32, #tpu.memory_space<hbm>> -> memref<1000x64xf32, #tpu.memory_space<hbm>>
    tpu.wait_indirect_dma semaphore(%arg24 : memref<!tpu.dma_semaphore, #tpu.memory_space<semaphore_mem>>) src(%dma_wait3A_461 : memref<1000x64xf32, #tpu.memory_space<hbm>>) dst(%arg20 : memref<64x64xf32, #tpu.memory_space<vmem>>)
    %dma_wait3A_462 = arith.constant 3 : i32
    %dma_wait3A_463 = arith.constant 192 : i32
    %dma_wait3A_464 = tpu.memref_slice %arg11[%dma_wait3A_462, %dma_wait3A_463] : memref<6x512xi32, #tpu.memory_space<vmem>> -> memref<1x64xi32, #tpu.memory_space<vmem>>
    %dma_wait3A_465 = tpu.memref_squeeze %dma_wait3A_464 : memref<1x64xi32, #tpu.memory_space<vmem>> -> memref<64xi32, #tpu.memory_space<vmem>>
    %dma_wait3A_466 = arith.constant 0 : i32
    %dma_wait3A_467 = arith.constant 0 : i32
    %dma_wait3A_468 = tpu.memref_slice %arg3[%dma_wait3A_466, %dma_wait3A_467] : memref<1000000x64xf32, #tpu.memory_space<hbm>> -> memref<1000000x64xf32, #tpu.memory_space<hbm>>
    tpu.wait_indirect_dma semaphore(%arg24 : memref<!tpu.dma_semaphore, #tpu.memory_space<semaphore_mem>>) src(%dma_wait3A_468 : memref<1000000x64xf32, #tpu.memory_space<hbm>>) dst(%arg21 : memref<64x64xf32, #tpu.memory_space<vmem>>)
    %dma_wait3A_469 = arith.constant 4 : i32
    %dma_wait3A_470 = arith.constant 192 : i32
    %dma_wait3A_471 = tpu.memref_slice %arg11[%dma_wait3A_469, %dma_wait3A_470] : memref<6x512xi32, #tpu.memory_space<vmem>> -> memref<1x64xi32, #tpu.memory_space<vmem>>
    %dma_wait3A_472 = tpu.memref_squeeze %dma_wait3A_471 : memref<1x64xi32, #tpu.memory_space<vmem>> -> memref<64xi32, #tpu.memory_space<vmem>>
    %dma_wait3A_473 = arith.constant 0 : i32
    %dma_wait3A_474 = arith.constant 0 : i32
    %dma_wait3A_475 = tpu.memref_slice %arg3[%dma_wait3A_473, %dma_wait3A_474] : memref<1000000x64xf32, #tpu.memory_space<hbm>> -> memref<1000000x64xf32, #tpu.memory_space<hbm>>
    tpu.wait_indirect_dma semaphore(%arg24 : memref<!tpu.dma_semaphore, #tpu.memory_space<semaphore_mem>>) src(%dma_wait3A_475 : memref<1000000x64xf32, #tpu.memory_space<hbm>>) dst(%arg22 : memref<64x64xf32, #tpu.memory_space<vmem>>)
    %dma_wait3A_476 = arith.constant 5 : i32
    %dma_wait3A_477 = arith.constant 192 : i32
    %dma_wait3A_478 = tpu.memref_slice %arg11[%dma_wait3A_476, %dma_wait3A_477] : memref<6x512xi32, #tpu.memory_space<vmem>> -> memref<1x64xi32, #tpu.memory_space<vmem>>
    %dma_wait3A_479 = tpu.memref_squeeze %dma_wait3A_478 : memref<1x64xi32, #tpu.memory_space<vmem>> -> memref<64xi32, #tpu.memory_space<vmem>>
    %dma_wait3A_480 = arith.constant 0 : i32
    %dma_wait3A_481 = arith.constant 0 : i32
    %dma_wait3A_482 = tpu.memref_slice %arg4[%dma_wait3A_480, %dma_wait3A_481] : memref<1000x64xf32, #tpu.memory_space<hbm>> -> memref<1000x64xf32, #tpu.memory_space<hbm>>
    tpu.wait_indirect_dma semaphore(%arg24 : memref<!tpu.dma_semaphore, #tpu.memory_space<semaphore_mem>>) src(%dma_wait3A_482 : memref<1000x64xf32, #tpu.memory_space<hbm>>) dst(%arg23 : memref<64x64xf32, #tpu.memory_space<vmem>>)
    %dma_wait3A_483 = arith.constant 0 : i32
    %dma_wait3A_484 = tpu.memref_slice %arg7[%add3A_416, %dma_wait3A_483] : memref<16384x64xf32, #tpu.memory_space<hbm>> -> memref<64x64xf32, #tpu.memory_space<hbm>>
    %dma_wait3A_485 = arith.constant 0 : i32
    %dma_wait3A_486 = tpu.memref_slice %arg7[%add3A_416, %dma_wait3A_485] : memref<16384x64xf32, #tpu.memory_space<hbm>> -> memref<64x64xf32, #tpu.memory_space<hbm>>
    tpu.wait_dma2 semaphore(%arg25 : memref<!tpu.dma_semaphore, #tpu.memory_space<semaphore_mem>>) src(%arg12 : memref<64x64xf32, #tpu.memory_space<vmem>>) dst(%dma_wait3A_486 : memref<64x64xf32, #tpu.memory_space<hbm>>)
    %dma_wait3A_487 = arith.constant 0 : i32
    %dma_wait3A_488 = tpu.memref_slice %arg8[%add3A_416, %dma_wait3A_487] : memref<16384x64xf32, #tpu.memory_space<hbm>> -> memref<64x64xf32, #tpu.memory_space<hbm>>
    %dma_wait3A_489 = arith.constant 0 : i32
    %dma_wait3A_490 = tpu.memref_slice %arg8[%add3A_416, %dma_wait3A_489] : memref<16384x64xf32, #tpu.memory_space<hbm>> -> memref<64x64xf32, #tpu.memory_space<hbm>>
    tpu.wait_dma2 semaphore(%arg25 : memref<!tpu.dma_semaphore, #tpu.memory_space<semaphore_mem>>) src(%arg13 : memref<64x64xf32, #tpu.memory_space<vmem>>) dst(%dma_wait3A_490 : memref<64x64xf32, #tpu.memory_space<hbm>>)
    %dma_wait3A_491 = arith.constant 0 : i32
    %dma_wait3A_492 = tpu.memref_slice %arg5[%add3A_416, %dma_wait3A_491] : memref<16384x64xf32, #tpu.memory_space<hbm>> -> memref<64x64xf32, #tpu.memory_space<hbm>>
    %dma_wait3A_493 = arith.constant 0 : i32
    %dma_wait3A_494 = tpu.memref_slice %arg5[%add3A_416, %dma_wait3A_493] : memref<16384x64xf32, #tpu.memory_space<hbm>> -> memref<64x64xf32, #tpu.memory_space<hbm>>
    tpu.wait_dma2 semaphore(%arg25 : memref<!tpu.dma_semaphore, #tpu.memory_space<semaphore_mem>>) src(%arg14 : memref<64x64xf32, #tpu.memory_space<vmem>>) dst(%dma_wait3A_494 : memref<64x64xf32, #tpu.memory_space<hbm>>)
    %dma_wait3A_495 = arith.constant 0 : i32
    %dma_wait3A_496 = tpu.memref_slice %arg9[%add3A_416, %dma_wait3A_495] : memref<16384x64xf32, #tpu.memory_space<hbm>> -> memref<64x64xf32, #tpu.memory_space<hbm>>
    %dma_wait3A_497 = arith.constant 0 : i32
    %dma_wait3A_498 = tpu.memref_slice %arg9[%add3A_416, %dma_wait3A_497] : memref<16384x64xf32, #tpu.memory_space<hbm>> -> memref<64x64xf32, #tpu.memory_space<hbm>>
    tpu.wait_dma2 semaphore(%arg25 : memref<!tpu.dma_semaphore, #tpu.memory_space<semaphore_mem>>) src(%arg15 : memref<64x64xf32, #tpu.memory_space<vmem>>) dst(%dma_wait3A_498 : memref<64x64xf32, #tpu.memory_space<hbm>>)
    %dma_wait3A_499 = arith.constant 0 : i32
    %dma_wait3A_500 = tpu.memref_slice %arg10[%add3A_416, %dma_wait3A_499] : memref<16384x64xf32, #tpu.memory_space<hbm>> -> memref<64x64xf32, #tpu.memory_space<hbm>>
    %dma_wait3A_501 = arith.constant 0 : i32
    %dma_wait3A_502 = tpu.memref_slice %arg10[%add3A_416, %dma_wait3A_501] : memref<16384x64xf32, #tpu.memory_space<hbm>> -> memref<64x64xf32, #tpu.memory_space<hbm>>
    tpu.wait_dma2 semaphore(%arg25 : memref<!tpu.dma_semaphore, #tpu.memory_space<semaphore_mem>>) src(%arg16 : memref<64x64xf32, #tpu.memory_space<vmem>>) dst(%dma_wait3A_502 : memref<64x64xf32, #tpu.memory_space<hbm>>)
    %dma_wait3A_503 = arith.constant 0 : i32
    %dma_wait3A_504 = tpu.memref_slice %arg6[%add3A_416, %dma_wait3A_503] : memref<16384x64xf32, #tpu.memory_space<hbm>> -> memref<64x64xf32, #tpu.memory_space<hbm>>
    %dma_wait3A_505 = arith.constant 0 : i32
    %dma_wait3A_506 = tpu.memref_slice %arg6[%add3A_416, %dma_wait3A_505] : memref<16384x64xf32, #tpu.memory_space<hbm>> -> memref<64x64xf32, #tpu.memory_space<hbm>>
    tpu.wait_dma2 semaphore(%arg25 : memref<!tpu.dma_semaphore, #tpu.memory_space<semaphore_mem>>) src(%arg17 : memref<64x64xf32, #tpu.memory_space<vmem>>) dst(%dma_wait3A_506 : memref<64x64xf32, #tpu.memory_space<hbm>>)
    %dma_start3A_507 = arith.constant 0 : i32
    %dma_start3A_508 = arith.constant 256 : i32
    %dma_start3A_509 = tpu.memref_slice %arg11[%dma_start3A_507, %dma_start3A_508] : memref<6x512xi32, #tpu.memory_space<vmem>> -> memref<1x64xi32, #tpu.memory_space<vmem>>
    %dma_start3A_510 = tpu.memref_squeeze %dma_start3A_509 : memref<1x64xi32, #tpu.memory_space<vmem>> -> memref<64xi32, #tpu.memory_space<vmem>>
    %dma_start3A_511 = arith.constant 0 : i32
    %dma_start3A_512 = arith.constant 0 : i32
    %dma_start3A_513 = tpu.memref_slice %arg3[%dma_start3A_511, %dma_start3A_512] : memref<1000000x64xf32, #tpu.memory_space<hbm>> -> memref<1000000x64xf32, #tpu.memory_space<hbm>>
    tpu.enqueue_indirect_dma source(%dma_start3A_513 : memref<1000000x64xf32, #tpu.memory_space<hbm>>) target(%arg12 : memref<64x64xf32, #tpu.memory_space<vmem>>) offsets(%dma_start3A_510 : memref<64xi32, #tpu.memory_space<vmem>>) semaphore(%arg24 : memref<!tpu.dma_semaphore, #tpu.memory_space<semaphore_mem>>)
    %dma_start3A_514 = arith.constant 1 : i32
    %dma_start3A_515 = arith.constant 256 : i32
    %dma_start3A_516 = tpu.memref_slice %arg11[%dma_start3A_514, %dma_start3A_515] : memref<6x512xi32, #tpu.memory_space<vmem>> -> memref<1x64xi32, #tpu.memory_space<vmem>>
    %dma_start3A_517 = tpu.memref_squeeze %dma_start3A_516 : memref<1x64xi32, #tpu.memory_space<vmem>> -> memref<64xi32, #tpu.memory_space<vmem>>
    %dma_start3A_518 = arith.constant 0 : i32
    %dma_start3A_519 = arith.constant 0 : i32
    %dma_start3A_520 = tpu.memref_slice %arg3[%dma_start3A_518, %dma_start3A_519] : memref<1000000x64xf32, #tpu.memory_space<hbm>> -> memref<1000000x64xf32, #tpu.memory_space<hbm>>
    tpu.enqueue_indirect_dma source(%dma_start3A_520 : memref<1000000x64xf32, #tpu.memory_space<hbm>>) target(%arg13 : memref<64x64xf32, #tpu.memory_space<vmem>>) offsets(%dma_start3A_517 : memref<64xi32, #tpu.memory_space<vmem>>) semaphore(%arg24 : memref<!tpu.dma_semaphore, #tpu.memory_space<semaphore_mem>>)
    %dma_start3A_521 = arith.constant 2 : i32
    %dma_start3A_522 = arith.constant 256 : i32
    %dma_start3A_523 = tpu.memref_slice %arg11[%dma_start3A_521, %dma_start3A_522] : memref<6x512xi32, #tpu.memory_space<vmem>> -> memref<1x64xi32, #tpu.memory_space<vmem>>
    %dma_start3A_524 = tpu.memref_squeeze %dma_start3A_523 : memref<1x64xi32, #tpu.memory_space<vmem>> -> memref<64xi32, #tpu.memory_space<vmem>>
    %dma_start3A_525 = arith.constant 0 : i32
    %dma_start3A_526 = arith.constant 0 : i32
    %dma_start3A_527 = tpu.memref_slice %arg4[%dma_start3A_525, %dma_start3A_526] : memref<1000x64xf32, #tpu.memory_space<hbm>> -> memref<1000x64xf32, #tpu.memory_space<hbm>>
    tpu.enqueue_indirect_dma source(%dma_start3A_527 : memref<1000x64xf32, #tpu.memory_space<hbm>>) target(%arg14 : memref<64x64xf32, #tpu.memory_space<vmem>>) offsets(%dma_start3A_524 : memref<64xi32, #tpu.memory_space<vmem>>) semaphore(%arg24 : memref<!tpu.dma_semaphore, #tpu.memory_space<semaphore_mem>>)
    %dma_start3A_528 = arith.constant 3 : i32
    %dma_start3A_529 = arith.constant 256 : i32
    %dma_start3A_530 = tpu.memref_slice %arg11[%dma_start3A_528, %dma_start3A_529] : memref<6x512xi32, #tpu.memory_space<vmem>> -> memref<1x64xi32, #tpu.memory_space<vmem>>
    %dma_start3A_531 = tpu.memref_squeeze %dma_start3A_530 : memref<1x64xi32, #tpu.memory_space<vmem>> -> memref<64xi32, #tpu.memory_space<vmem>>
    %dma_start3A_532 = arith.constant 0 : i32
    %dma_start3A_533 = arith.constant 0 : i32
    %dma_start3A_534 = tpu.memref_slice %arg3[%dma_start3A_532, %dma_start3A_533] : memref<1000000x64xf32, #tpu.memory_space<hbm>> -> memref<1000000x64xf32, #tpu.memory_space<hbm>>
    tpu.enqueue_indirect_dma source(%dma_start3A_534 : memref<1000000x64xf32, #tpu.memory_space<hbm>>) target(%arg15 : memref<64x64xf32, #tpu.memory_space<vmem>>) offsets(%dma_start3A_531 : memref<64xi32, #tpu.memory_space<vmem>>) semaphore(%arg24 : memref<!tpu.dma_semaphore, #tpu.memory_space<semaphore_mem>>)
    %dma_start3A_535 = arith.constant 4 : i32
    %dma_start3A_536 = arith.constant 256 : i32
    %dma_start3A_537 = tpu.memref_slice %arg11[%dma_start3A_535, %dma_start3A_536] : memref<6x512xi32, #tpu.memory_space<vmem>> -> memref<1x64xi32, #tpu.memory_space<vmem>>
    %dma_start3A_538 = tpu.memref_squeeze %dma_start3A_537 : memref<1x64xi32, #tpu.memory_space<vmem>> -> memref<64xi32, #tpu.memory_space<vmem>>
    %dma_start3A_539 = arith.constant 0 : i32
    %dma_start3A_540 = arith.constant 0 : i32
    %dma_start3A_541 = tpu.memref_slice %arg3[%dma_start3A_539, %dma_start3A_540] : memref<1000000x64xf32, #tpu.memory_space<hbm>> -> memref<1000000x64xf32, #tpu.memory_space<hbm>>
    tpu.enqueue_indirect_dma source(%dma_start3A_541 : memref<1000000x64xf32, #tpu.memory_space<hbm>>) target(%arg16 : memref<64x64xf32, #tpu.memory_space<vmem>>) offsets(%dma_start3A_538 : memref<64xi32, #tpu.memory_space<vmem>>) semaphore(%arg24 : memref<!tpu.dma_semaphore, #tpu.memory_space<semaphore_mem>>)
    %dma_start3A_542 = arith.constant 5 : i32
    %dma_start3A_543 = arith.constant 256 : i32
    %dma_start3A_544 = tpu.memref_slice %arg11[%dma_start3A_542, %dma_start3A_543] : memref<6x512xi32, #tpu.memory_space<vmem>> -> memref<1x64xi32, #tpu.memory_space<vmem>>
    %dma_start3A_545 = tpu.memref_squeeze %dma_start3A_544 : memref<1x64xi32, #tpu.memory_space<vmem>> -> memref<64xi32, #tpu.memory_space<vmem>>
    %dma_start3A_546 = arith.constant 0 : i32
    %dma_start3A_547 = arith.constant 0 : i32
    %dma_start3A_548 = tpu.memref_slice %arg4[%dma_start3A_546, %dma_start3A_547] : memref<1000x64xf32, #tpu.memory_space<hbm>> -> memref<1000x64xf32, #tpu.memory_space<hbm>>
    tpu.enqueue_indirect_dma source(%dma_start3A_548 : memref<1000x64xf32, #tpu.memory_space<hbm>>) target(%arg17 : memref<64x64xf32, #tpu.memory_space<vmem>>) offsets(%dma_start3A_545 : memref<64xi32, #tpu.memory_space<vmem>>) semaphore(%arg24 : memref<!tpu.dma_semaphore, #tpu.memory_space<semaphore_mem>>)
    %scan3A_549 = arith.constant 0 : i32
    %scan3A_550 = arith.constant 64 : i32
    %scan3A_551 = arith.addi %scan3A_549, %scan3A_550 : i32
    %scan3A_552 = arith.constant 1 : i32
    scf.for %scan3A_1128 = %scan3A_549 to %scan3A_551 step %scan3A_552  : i32 {
      %get3A = arith.index_cast %scan3A_1128 : i32 to index
      %get3A_1129 = arith.constant 0 : index
      %get3A_1130 = tpu.vector_load %arg18[%get3A, %get3A_1129] {strides = array<i32>} : memref<64x64xf32, #tpu.memory_space<vmem>>, vector<1x16xf32>,
      %get3A_1131 = vector.shape_cast %get3A_1130 : vector<1x16xf32> to vector<16xf32>
      %get3A_1132 = arith.index_cast %scan3A_1128 : i32 to index
      %get3A_1133 = arith.constant 0 : index
      %get3A_1134 = tpu.vector_load %arg20[%get3A_1132, %get3A_1133] {strides = array<i32>} : memref<64x64xf32, #tpu.memory_space<vmem>>, vector<1x16xf32>,
      %get3A_1135 = vector.shape_cast %get3A_1134 : vector<1x16xf32> to vector<16xf32>
      %add3A_1136 = arith.addf %get3A_1131, %get3A_1135 : vector<16xf32>
      %get3A_1137 = arith.index_cast %scan3A_1128 : i32 to index
      %get3A_1138 = arith.constant 0 : index
      %get3A_1139 = tpu.vector_load %arg19[%get3A_1137, %get3A_1138] {strides = array<i32>} : memref<64x64xf32, #tpu.memory_space<vmem>>, vector<1x16xf32>,
      %get3A_1140 = vector.shape_cast %get3A_1139 : vector<1x16xf32> to vector<16xf32>
      %sub3A = arith.subf %add3A_1136, %get3A_1140 : vector<16xf32>
      %swap3A = arith.index_cast %scan3A_1128 : i32 to index
      %swap3A_1141 = arith.constant 0 : index
      %swap3A_1142 = tpu.vector_load %arg20[%swap3A, %swap3A_1141] {strides = array<i32>} : memref<64x64xf32, #tpu.memory_space<vmem>>, vector<1x16xf32>,
      %swap3A_1143 = vector.shape_cast %swap3A_1142 : vector<1x16xf32> to vector<16xf32>
      %swap3A_1144 = vector.shape_cast %sub3A : vector<16xf32> to vector<1x16xf32>
      tpu.vector_store %arg20[%swap3A, %swap3A_1141], %swap3A_1144 {strides = array<i32>} : memref<64x64xf32, #tpu.memory_space<vmem>>, vector<1x16xf32>,
      %get3A_1145 = arith.index_cast %scan3A_1128 : i32 to index
      %get3A_1146 = arith.constant 0 : index
      %get3A_1147 = tpu.vector_load %arg21[%get3A_1145, %get3A_1146] {strides = array<i32>} : memref<64x64xf32, #tpu.memory_space<vmem>>, vector<1x16xf32>,
      %get3A_1148 = vector.shape_cast %get3A_1147 : vector<1x16xf32> to vector<16xf32>
      %get3A_1149 = arith.index_cast %scan3A_1128 : i32 to index
      %get3A_1150 = arith.constant 0 : index
      %get3A_1151 = tpu.vector_load %arg23[%get3A_1149, %get3A_1150] {strides = array<i32>} : memref<64x64xf32, #tpu.memory_space<vmem>>, vector<1x16xf32>,
      %get3A_1152 = vector.shape_cast %get3A_1151 : vector<1x16xf32> to vector<16xf32>
      %add3A_1153 = arith.addf %get3A_1148, %get3A_1152 : vector<16xf32>
      %get3A_1154 = arith.index_cast %scan3A_1128 : i32 to index
      %get3A_1155 = arith.constant 0 : index
      %get3A_1156 = tpu.vector_load %arg22[%get3A_1154, %get3A_1155] {strides = array<i32>} : memref<64x64xf32, #tpu.memory_space<vmem>>, vector<1x16xf32>,
      %get3A_1157 = vector.shape_cast %get3A_1156 : vector<1x16xf32> to vector<16xf32>
      %sub3A_1158 = arith.subf %add3A_1153, %get3A_1157 : vector<16xf32>
      %swap3A_1159 = arith.index_cast %scan3A_1128 : i32 to index
      %swap3A_1160 = arith.constant 0 : index
      %swap3A_1161 = tpu.vector_load %arg23[%swap3A_1159, %swap3A_1160] {strides = array<i32>} : memref<64x64xf32, #tpu.memory_space<vmem>>, vector<1x16xf32>,
      %swap3A_1162 = vector.shape_cast %swap3A_1161 : vector<1x16xf32> to vector<16xf32>
      %swap3A_1163 = vector.shape_cast %sub3A_1158 : vector<16xf32> to vector<1x16xf32>
      tpu.vector_store %arg23[%swap3A_1159, %swap3A_1160], %swap3A_1163 {strides = array<i32>} : memref<64x64xf32, #tpu.memory_space<vmem>>, vector<1x16xf32>,
      %get3A_1164 = arith.index_cast %scan3A_1128 : i32 to index
      %get3A_1165 = arith.constant 16 : index
      %get3A_1166 = tpu.vector_load %arg18[%get3A_1164, %get3A_1165] {strides = array<i32>} : memref<64x64xf32, #tpu.memory_space<vmem>>, vector<1x16xf32>,
      %get3A_1167 = vector.shape_cast %get3A_1166 : vector<1x16xf32> to vector<16xf32>
      %get3A_1168 = arith.index_cast %scan3A_1128 : i32 to index
      %get3A_1169 = arith.constant 16 : index
      %get3A_1170 = tpu.vector_load %arg20[%get3A_1168, %get3A_1169] {strides = array<i32>} : memref<64x64xf32, #tpu.memory_space<vmem>>, vector<1x16xf32>,
      %get3A_1171 = vector.shape_cast %get3A_1170 : vector<1x16xf32> to vector<16xf32>
      %add3A_1172 = arith.addf %get3A_1167, %get3A_1171 : vector<16xf32>
      %get3A_1173 = arith.index_cast %scan3A_1128 : i32 to index
      %get3A_1174 = arith.constant 16 : index
      %get3A_1175 = tpu.vector_load %arg19[%get3A_1173, %get3A_1174] {strides = array<i32>} : memref<64x64xf32, #tpu.memory_space<vmem>>, vector<1x16xf32>,
      %get3A_1176 = vector.shape_cast %get3A_1175 : vector<1x16xf32> to vector<16xf32>
      %sub3A_1177 = arith.subf %add3A_1172, %get3A_1176 : vector<16xf32>
      %swap3A_1178 = arith.index_cast %scan3A_1128 : i32 to index
      %swap3A_1179 = arith.constant 16 : index
      %swap3A_1180 = tpu.vector_load %arg20[%swap3A_1178, %swap3A_1179] {strides = array<i32>} : memref<64x64xf32, #tpu.memory_space<vmem>>, vector<1x16xf32>,
      %swap3A_1181 = vector.shape_cast %swap3A_1180 : vector<1x16xf32> to vector<16xf32>
      %swap3A_1182 = vector.shape_cast %sub3A_1177 : vector<16xf32> to vector<1x16xf32>
      tpu.vector_store %arg20[%swap3A_1178, %swap3A_1179], %swap3A_1182 {strides = array<i32>} : memref<64x64xf32, #tpu.memory_space<vmem>>, vector<1x16xf32>,
      %get3A_1183 = arith.index_cast %scan3A_1128 : i32 to index
      %get3A_1184 = arith.constant 16 : index
      %get3A_1185 = tpu.vector_load %arg21[%get3A_1183, %get3A_1184] {strides = array<i32>} : memref<64x64xf32, #tpu.memory_space<vmem>>, vector<1x16xf32>,
      %get3A_1186 = vector.shape_cast %get3A_1185 : vector<1x16xf32> to vector<16xf32>
      %get3A_1187 = arith.index_cast %scan3A_1128 : i32 to index
      %get3A_1188 = arith.constant 16 : index
      %get3A_1189 = tpu.vector_load %arg23[%get3A_1187, %get3A_1188] {strides = array<i32>} : memref<64x64xf32, #tpu.memory_space<vmem>>, vector<1x16xf32>,
      %get3A_1190 = vector.shape_cast %get3A_1189 : vector<1x16xf32> to vector<16xf32>
      %add3A_1191 = arith.addf %get3A_1186, %get3A_1190 : vector<16xf32>
      %get3A_1192 = arith.index_cast %scan3A_1128 : i32 to index
      %get3A_1193 = arith.constant 16 : index
      %get3A_1194 = tpu.vector_load %arg22[%get3A_1192, %get3A_1193] {strides = array<i32>} : memref<64x64xf32, #tpu.memory_space<vmem>>, vector<1x16xf32>,
      %get3A_1195 = vector.shape_cast %get3A_1194 : vector<1x16xf32> to vector<16xf32>
      %sub3A_1196 = arith.subf %add3A_1191, %get3A_1195 : vector<16xf32>
      %swap3A_1197 = arith.index_cast %scan3A_1128 : i32 to index
      %swap3A_1198 = arith.constant 16 : index
      %swap3A_1199 = tpu.vector_load %arg23[%swap3A_1197, %swap3A_1198] {strides = array<i32>} : memref<64x64xf32, #tpu.memory_space<vmem>>, vector<1x16xf32>,
      %swap3A_1200 = vector.shape_cast %swap3A_1199 : vector<1x16xf32> to vector<16xf32>
      %swap3A_1201 = vector.shape_cast %sub3A_1196 : vector<16xf32> to vector<1x16xf32>
      tpu.vector_store %arg23[%swap3A_1197, %swap3A_1198], %swap3A_1201 {strides = array<i32>} : memref<64x64xf32, #tpu.memory_space<vmem>>, vector<1x16xf32>,
      %get3A_1202 = arith.index_cast %scan3A_1128 : i32 to index
      %get3A_1203 = arith.constant 32 : index
      %get3A_1204 = tpu.vector_load %arg18[%get3A_1202, %get3A_1203] {strides = array<i32>} : memref<64x64xf32, #tpu.memory_space<vmem>>, vector<1x16xf32>,
      %get3A_1205 = vector.shape_cast %get3A_1204 : vector<1x16xf32> to vector<16xf32>
      %get3A_1206 = arith.index_cast %scan3A_1128 : i32 to index
      %get3A_1207 = arith.constant 32 : index
      %get3A_1208 = tpu.vector_load %arg20[%get3A_1206, %get3A_1207] {strides = array<i32>} : memref<64x64xf32, #tpu.memory_space<vmem>>, vector<1x16xf32>,
      %get3A_1209 = vector.shape_cast %get3A_1208 : vector<1x16xf32> to vector<16xf32>
      %add3A_1210 = arith.addf %get3A_1205, %get3A_1209 : vector<16xf32>
      %get3A_1211 = arith.index_cast %scan3A_1128 : i32 to index
      %get3A_1212 = arith.constant 32 : index
      %get3A_1213 = tpu.vector_load %arg19[%get3A_1211, %get3A_1212] {strides = array<i32>} : memref<64x64xf32, #tpu.memory_space<vmem>>, vector<1x16xf32>,
      %get3A_1214 = vector.shape_cast %get3A_1213 : vector<1x16xf32> to vector<16xf32>
      %sub3A_1215 = arith.subf %add3A_1210, %get3A_1214 : vector<16xf32>
      %swap3A_1216 = arith.index_cast %scan3A_1128 : i32 to index
      %swap3A_1217 = arith.constant 32 : index
      %swap3A_1218 = tpu.vector_load %arg20[%swap3A_1216, %swap3A_1217] {strides = array<i32>} : memref<64x64xf32, #tpu.memory_space<vmem>>, vector<1x16xf32>,
      %swap3A_1219 = vector.shape_cast %swap3A_1218 : vector<1x16xf32> to vector<16xf32>
      %swap3A_1220 = vector.shape_cast %sub3A_1215 : vector<16xf32> to vector<1x16xf32>
      tpu.vector_store %arg20[%swap3A_1216, %swap3A_1217], %swap3A_1220 {strides = array<i32>} : memref<64x64xf32, #tpu.memory_space<vmem>>, vector<1x16xf32>,
      %get3A_1221 = arith.index_cast %scan3A_1128 : i32 to index
      %get3A_1222 = arith.constant 32 : index
      %get3A_1223 = tpu.vector_load %arg21[%get3A_1221, %get3A_1222] {strides = array<i32>} : memref<64x64xf32, #tpu.memory_space<vmem>>, vector<1x16xf32>,
      %get3A_1224 = vector.shape_cast %get3A_1223 : vector<1x16xf32> to vector<16xf32>
      %get3A_1225 = arith.index_cast %scan3A_1128 : i32 to index
      %get3A_1226 = arith.constant 32 : index
      %get3A_1227 = tpu.vector_load %arg23[%get3A_1225, %get3A_1226] {strides = array<i32>} : memref<64x64xf32, #tpu.memory_space<vmem>>, vector<1x16xf32>,
      %get3A_1228 = vector.shape_cast %get3A_1227 : vector<1x16xf32> to vector<16xf32>
      %add3A_1229 = arith.addf %get3A_1224, %get3A_1228 : vector<16xf32>
      %get3A_1230 = arith.index_cast %scan3A_1128 : i32 to index
      %get3A_1231 = arith.constant 32 : index
      %get3A_1232 = tpu.vector_load %arg22[%get3A_1230, %get3A_1231] {strides = array<i32>} : memref<64x64xf32, #tpu.memory_space<vmem>>, vector<1x16xf32>,
      %get3A_1233 = vector.shape_cast %get3A_1232 : vector<1x16xf32> to vector<16xf32>
      %sub3A_1234 = arith.subf %add3A_1229, %get3A_1233 : vector<16xf32>
      %swap3A_1235 = arith.index_cast %scan3A_1128 : i32 to index
      %swap3A_1236 = arith.constant 32 : index
      %swap3A_1237 = tpu.vector_load %arg23[%swap3A_1235, %swap3A_1236] {strides = array<i32>} : memref<64x64xf32, #tpu.memory_space<vmem>>, vector<1x16xf32>,
      %swap3A_1238 = vector.shape_cast %swap3A_1237 : vector<1x16xf32> to vector<16xf32>
      %swap3A_1239 = vector.shape_cast %sub3A_1234 : vector<16xf32> to vector<1x16xf32>
      tpu.vector_store %arg23[%swap3A_1235, %swap3A_1236], %swap3A_1239 {strides = array<i32>} : memref<64x64xf32, #tpu.memory_space<vmem>>, vector<1x16xf32>,
      %get3A_1240 = arith.index_cast %scan3A_1128 : i32 to index
      %get3A_1241 = arith.constant 48 : index
      %get3A_1242 = tpu.vector_load %arg18[%get3A_1240, %get3A_1241] {strides = array<i32>} : memref<64x64xf32, #tpu.memory_space<vmem>>, vector<1x16xf32>,
      %get3A_1243 = vector.shape_cast %get3A_1242 : vector<1x16xf32> to vector<16xf32>
      %get3A_1244 = arith.index_cast %scan3A_1128 : i32 to index
      %get3A_1245 = arith.constant 48 : index
      %get3A_1246 = tpu.vector_load %arg20[%get3A_1244, %get3A_1245] {strides = array<i32>} : memref<64x64xf32, #tpu.memory_space<vmem>>, vector<1x16xf32>,
      %get3A_1247 = vector.shape_cast %get3A_1246 : vector<1x16xf32> to vector<16xf32>
      %add3A_1248 = arith.addf %get3A_1243, %get3A_1247 : vector<16xf32>
      %get3A_1249 = arith.index_cast %scan3A_1128 : i32 to index
      %get3A_1250 = arith.constant 48 : index
      %get3A_1251 = tpu.vector_load %arg19[%get3A_1249, %get3A_1250] {strides = array<i32>} : memref<64x64xf32, #tpu.memory_space<vmem>>, vector<1x16xf32>,
      %get3A_1252 = vector.shape_cast %get3A_1251 : vector<1x16xf32> to vector<16xf32>
      %sub3A_1253 = arith.subf %add3A_1248, %get3A_1252 : vector<16xf32>
      %swap3A_1254 = arith.index_cast %scan3A_1128 : i32 to index
      %swap3A_1255 = arith.constant 48 : index
      %swap3A_1256 = tpu.vector_load %arg20[%swap3A_1254, %swap3A_1255] {strides = array<i32>} : memref<64x64xf32, #tpu.memory_space<vmem>>, vector<1x16xf32>,
      %swap3A_1257 = vector.shape_cast %swap3A_1256 : vector<1x16xf32> to vector<16xf32>
      %swap3A_1258 = vector.shape_cast %sub3A_1253 : vector<16xf32> to vector<1x16xf32>
      tpu.vector_store %arg20[%swap3A_1254, %swap3A_1255], %swap3A_1258 {strides = array<i32>} : memref<64x64xf32, #tpu.memory_space<vmem>>, vector<1x16xf32>,
      %get3A_1259 = arith.index_cast %scan3A_1128 : i32 to index
      %get3A_1260 = arith.constant 48 : index
      %get3A_1261 = tpu.vector_load %arg21[%get3A_1259, %get3A_1260] {strides = array<i32>} : memref<64x64xf32, #tpu.memory_space<vmem>>, vector<1x16xf32>,
      %get3A_1262 = vector.shape_cast %get3A_1261 : vector<1x16xf32> to vector<16xf32>
      %get3A_1263 = arith.index_cast %scan3A_1128 : i32 to index
      %get3A_1264 = arith.constant 48 : index
      %get3A_1265 = tpu.vector_load %arg23[%get3A_1263, %get3A_1264] {strides = array<i32>} : memref<64x64xf32, #tpu.memory_space<vmem>>, vector<1x16xf32>,
      %get3A_1266 = vector.shape_cast %get3A_1265 : vector<1x16xf32> to vector<16xf32>
      %add3A_1267 = arith.addf %get3A_1262, %get3A_1266 : vector<16xf32>
      %get3A_1268 = arith.index_cast %scan3A_1128 : i32 to index
      %get3A_1269 = arith.constant 48 : index
      %get3A_1270 = tpu.vector_load %arg22[%get3A_1268, %get3A_1269] {strides = array<i32>} : memref<64x64xf32, #tpu.memory_space<vmem>>, vector<1x16xf32>,
      %get3A_1271 = vector.shape_cast %get3A_1270 : vector<1x16xf32> to vector<16xf32>
      %sub3A_1272 = arith.subf %add3A_1267, %get3A_1271 : vector<16xf32>
      %swap3A_1273 = arith.index_cast %scan3A_1128 : i32 to index
      %swap3A_1274 = arith.constant 48 : index
      %swap3A_1275 = tpu.vector_load %arg23[%swap3A_1273, %swap3A_1274] {strides = array<i32>} : memref<64x64xf32, #tpu.memory_space<vmem>>, vector<1x16xf32>,
      %swap3A_1276 = vector.shape_cast %swap3A_1275 : vector<1x16xf32> to vector<16xf32>
      %swap3A_1277 = vector.shape_cast %sub3A_1272 : vector<16xf32> to vector<1x16xf32>
      tpu.vector_store %arg23[%swap3A_1273, %swap3A_1274], %swap3A_1277 {strides = array<i32>} : memref<64x64xf32, #tpu.memory_space<vmem>>, vector<1x16xf32>,
    }
    %scan3A_553 = arith.constant 64 : i32
    %mul3A_554 = arith.constant 512 : i32
    %mul3A_555 = arith.muli %add3A, %mul3A_554 : i32
    %add3A_556 = arith.constant 192 : i32
    %add3A_557 = arith.addi %mul3A_555, %add3A_556 : i32
    %dma_start3A_558 = arith.constant 0 : i32
    %dma_start3A_559 = tpu.memref_slice %arg7[%add3A_557, %dma_start3A_558] : memref<16384x64xf32, #tpu.memory_space<hbm>> -> memref<64x64xf32, #tpu.memory_space<hbm>>
    %dma_start3A_560 = arith.constant 0 : i32
    %dma_start3A_561 = tpu.memref_slice %arg7[%add3A_557, %dma_start3A_560] : memref<16384x64xf32, #tpu.memory_space<hbm>> -> memref<64x64xf32, #tpu.memory_space<hbm>>
    tpu.enqueue_dma source(%arg18 : memref<64x64xf32, #tpu.memory_space<vmem>>) target(%dma_start3A_561 : memref<64x64xf32, #tpu.memory_space<hbm>>) target_semaphore(%arg25 : memref<!tpu.dma_semaphore, #tpu.memory_space<semaphore_mem>>)
    %dma_start3A_562 = arith.constant 0 : i32
    %dma_start3A_563 = tpu.memref_slice %arg8[%add3A_557, %dma_start3A_562] : memref<16384x64xf32, #tpu.memory_space<hbm>> -> memref<64x64xf32, #tpu.memory_space<hbm>>
    %dma_start3A_564 = arith.constant 0 : i32
    %dma_start3A_565 = tpu.memref_slice %arg8[%add3A_557, %dma_start3A_564] : memref<16384x64xf32, #tpu.memory_space<hbm>> -> memref<64x64xf32, #tpu.memory_space<hbm>>
    tpu.enqueue_dma source(%arg19 : memref<64x64xf32, #tpu.memory_space<vmem>>) target(%dma_start3A_565 : memref<64x64xf32, #tpu.memory_space<hbm>>) target_semaphore(%arg25 : memref<!tpu.dma_semaphore, #tpu.memory_space<semaphore_mem>>)
    %dma_start3A_566 = arith.constant 0 : i32
    %dma_start3A_567 = tpu.memref_slice %arg5[%add3A_557, %dma_start3A_566] : memref<16384x64xf32, #tpu.memory_space<hbm>> -> memref<64x64xf32, #tpu.memory_space<hbm>>
    %dma_start3A_568 = arith.constant 0 : i32
    %dma_start3A_569 = tpu.memref_slice %arg5[%add3A_557, %dma_start3A_568] : memref<16384x64xf32, #tpu.memory_space<hbm>> -> memref<64x64xf32, #tpu.memory_space<hbm>>
    tpu.enqueue_dma source(%arg20 : memref<64x64xf32, #tpu.memory_space<vmem>>) target(%dma_start3A_569 : memref<64x64xf32, #tpu.memory_space<hbm>>) target_semaphore(%arg25 : memref<!tpu.dma_semaphore, #tpu.memory_space<semaphore_mem>>)
    %dma_start3A_570 = arith.constant 0 : i32
    %dma_start3A_571 = tpu.memref_slice %arg9[%add3A_557, %dma_start3A_570] : memref<16384x64xf32, #tpu.memory_space<hbm>> -> memref<64x64xf32, #tpu.memory_space<hbm>>
    %dma_start3A_572 = arith.constant 0 : i32
    %dma_start3A_573 = tpu.memref_slice %arg9[%add3A_557, %dma_start3A_572] : memref<16384x64xf32, #tpu.memory_space<hbm>> -> memref<64x64xf32, #tpu.memory_space<hbm>>
    tpu.enqueue_dma source(%arg21 : memref<64x64xf32, #tpu.memory_space<vmem>>) target(%dma_start3A_573 : memref<64x64xf32, #tpu.memory_space<hbm>>) target_semaphore(%arg25 : memref<!tpu.dma_semaphore, #tpu.memory_space<semaphore_mem>>)
    %dma_start3A_574 = arith.constant 0 : i32
    %dma_start3A_575 = tpu.memref_slice %arg10[%add3A_557, %dma_start3A_574] : memref<16384x64xf32, #tpu.memory_space<hbm>> -> memref<64x64xf32, #tpu.memory_space<hbm>>
    %dma_start3A_576 = arith.constant 0 : i32
    %dma_start3A_577 = tpu.memref_slice %arg10[%add3A_557, %dma_start3A_576] : memref<16384x64xf32, #tpu.memory_space<hbm>> -> memref<64x64xf32, #tpu.memory_space<hbm>>
    tpu.enqueue_dma source(%arg22 : memref<64x64xf32, #tpu.memory_space<vmem>>) target(%dma_start3A_577 : memref<64x64xf32, #tpu.memory_space<hbm>>) target_semaphore(%arg25 : memref<!tpu.dma_semaphore, #tpu.memory_space<semaphore_mem>>)
    %dma_start3A_578 = arith.constant 0 : i32
    %dma_start3A_579 = tpu.memref_slice %arg6[%add3A_557, %dma_start3A_578] : memref<16384x64xf32, #tpu.memory_space<hbm>> -> memref<64x64xf32, #tpu.memory_space<hbm>>
    %dma_start3A_580 = arith.constant 0 : i32
    %dma_start3A_581 = tpu.memref_slice %arg6[%add3A_557, %dma_start3A_580] : memref<16384x64xf32, #tpu.memory_space<hbm>> -> memref<64x64xf32, #tpu.memory_space<hbm>>
    tpu.enqueue_dma source(%arg23 : memref<64x64xf32, #tpu.memory_space<vmem>>) target(%dma_start3A_581 : memref<64x64xf32, #tpu.memory_space<hbm>>) target_semaphore(%arg25 : memref<!tpu.dma_semaphore, #tpu.memory_space<semaphore_mem>>)
    %dma_wait3A_582 = arith.constant 0 : i32
    %dma_wait3A_583 = arith.constant 256 : i32
    %dma_wait3A_584 = tpu.memref_slice %arg11[%dma_wait3A_582, %dma_wait3A_583] : memref<6x512xi32, #tpu.memory_space<vmem>> -> memref<1x64xi32, #tpu.memory_space<vmem>>
    %dma_wait3A_585 = tpu.memref_squeeze %dma_wait3A_584 : memref<1x64xi32, #tpu.memory_space<vmem>> -> memref<64xi32, #tpu.memory_space<vmem>>
    %dma_wait3A_586 = arith.constant 0 : i32
    %dma_wait3A_587 = arith.constant 0 : i32
    %dma_wait3A_588 = tpu.memref_slice %arg3[%dma_wait3A_586, %dma_wait3A_587] : memref<1000000x64xf32, #tpu.memory_space<hbm>> -> memref<1000000x64xf32, #tpu.memory_space<hbm>>
    tpu.wait_indirect_dma semaphore(%arg24 : memref<!tpu.dma_semaphore, #tpu.memory_space<semaphore_mem>>) src(%dma_wait3A_588 : memref<1000000x64xf32, #tpu.memory_space<hbm>>) dst(%arg12 : memref<64x64xf32, #tpu.memory_space<vmem>>)
    %dma_wait3A_589 = arith.constant 1 : i32
    %dma_wait3A_590 = arith.constant 256 : i32
    %dma_wait3A_591 = tpu.memref_slice %arg11[%dma_wait3A_589, %dma_wait3A_590] : memref<6x512xi32, #tpu.memory_space<vmem>> -> memref<1x64xi32, #tpu.memory_space<vmem>>
    %dma_wait3A_592 = tpu.memref_squeeze %dma_wait3A_591 : memref<1x64xi32, #tpu.memory_space<vmem>> -> memref<64xi32, #tpu.memory_space<vmem>>
    %dma_wait3A_593 = arith.constant 0 : i32
    %dma_wait3A_594 = arith.constant 0 : i32
    %dma_wait3A_595 = tpu.memref_slice %arg3[%dma_wait3A_593, %dma_wait3A_594] : memref<1000000x64xf32, #tpu.memory_space<hbm>> -> memref<1000000x64xf32, #tpu.memory_space<hbm>>
    tpu.wait_indirect_dma semaphore(%arg24 : memref<!tpu.dma_semaphore, #tpu.memory_space<semaphore_mem>>) src(%dma_wait3A_595 : memref<1000000x64xf32, #tpu.memory_space<hbm>>) dst(%arg13 : memref<64x64xf32, #tpu.memory_space<vmem>>)
    %dma_wait3A_596 = arith.constant 2 : i32
    %dma_wait3A_597 = arith.constant 256 : i32
    %dma_wait3A_598 = tpu.memref_slice %arg11[%dma_wait3A_596, %dma_wait3A_597] : memref<6x512xi32, #tpu.memory_space<vmem>> -> memref<1x64xi32, #tpu.memory_space<vmem>>
    %dma_wait3A_599 = tpu.memref_squeeze %dma_wait3A_598 : memref<1x64xi32, #tpu.memory_space<vmem>> -> memref<64xi32, #tpu.memory_space<vmem>>
    %dma_wait3A_600 = arith.constant 0 : i32
    %dma_wait3A_601 = arith.constant 0 : i32
    %dma_wait3A_602 = tpu.memref_slice %arg4[%dma_wait3A_600, %dma_wait3A_601] : memref<1000x64xf32, #tpu.memory_space<hbm>> -> memref<1000x64xf32, #tpu.memory_space<hbm>>
    tpu.wait_indirect_dma semaphore(%arg24 : memref<!tpu.dma_semaphore, #tpu.memory_space<semaphore_mem>>) src(%dma_wait3A_602 : memref<1000x64xf32, #tpu.memory_space<hbm>>) dst(%arg14 : memref<64x64xf32, #tpu.memory_space<vmem>>)
    %dma_wait3A_603 = arith.constant 3 : i32
    %dma_wait3A_604 = arith.constant 256 : i32
    %dma_wait3A_605 = tpu.memref_slice %arg11[%dma_wait3A_603, %dma_wait3A_604] : memref<6x512xi32, #tpu.memory_space<vmem>> -> memref<1x64xi32, #tpu.memory_space<vmem>>
    %dma_wait3A_606 = tpu.memref_squeeze %dma_wait3A_605 : memref<1x64xi32, #tpu.memory_space<vmem>> -> memref<64xi32, #tpu.memory_space<vmem>>
    %dma_wait3A_607 = arith.constant 0 : i32
    %dma_wait3A_608 = arith.constant 0 : i32
    %dma_wait3A_609 = tpu.memref_slice %arg3[%dma_wait3A_607, %dma_wait3A_608] : memref<1000000x64xf32, #tpu.memory_space<hbm>> -> memref<1000000x64xf32, #tpu.memory_space<hbm>>
    tpu.wait_indirect_dma semaphore(%arg24 : memref<!tpu.dma_semaphore, #tpu.memory_space<semaphore_mem>>) src(%dma_wait3A_609 : memref<1000000x64xf32, #tpu.memory_space<hbm>>) dst(%arg15 : memref<64x64xf32, #tpu.memory_space<vmem>>)
    %dma_wait3A_610 = arith.constant 4 : i32
    %dma_wait3A_611 = arith.constant 256 : i32
    %dma_wait3A_612 = tpu.memref_slice %arg11[%dma_wait3A_610, %dma_wait3A_611] : memref<6x512xi32, #tpu.memory_space<vmem>> -> memref<1x64xi32, #tpu.memory_space<vmem>>
    %dma_wait3A_613 = tpu.memref_squeeze %dma_wait3A_612 : memref<1x64xi32, #tpu.memory_space<vmem>> -> memref<64xi32, #tpu.memory_space<vmem>>
    %dma_wait3A_614 = arith.constant 0 : i32
    %dma_wait3A_615 = arith.constant 0 : i32
    %dma_wait3A_616 = tpu.memref_slice %arg3[%dma_wait3A_614, %dma_wait3A_615] : memref<1000000x64xf32, #tpu.memory_space<hbm>> -> memref<1000000x64xf32, #tpu.memory_space<hbm>>
    tpu.wait_indirect_dma semaphore(%arg24 : memref<!tpu.dma_semaphore, #tpu.memory_space<semaphore_mem>>) src(%dma_wait3A_616 : memref<1000000x64xf32, #tpu.memory_space<hbm>>) dst(%arg16 : memref<64x64xf32, #tpu.memory_space<vmem>>)
    %dma_wait3A_617 = arith.constant 5 : i32
    %dma_wait3A_618 = arith.constant 256 : i32
    %dma_wait3A_619 = tpu.memref_slice %arg11[%dma_wait3A_617, %dma_wait3A_618] : memref<6x512xi32, #tpu.memory_space<vmem>> -> memref<1x64xi32, #tpu.memory_space<vmem>>
    %dma_wait3A_620 = tpu.memref_squeeze %dma_wait3A_619 : memref<1x64xi32, #tpu.memory_space<vmem>> -> memref<64xi32, #tpu.memory_space<vmem>>
    %dma_wait3A_621 = arith.constant 0 : i32
    %dma_wait3A_622 = arith.constant 0 : i32
    %dma_wait3A_623 = tpu.memref_slice %arg4[%dma_wait3A_621, %dma_wait3A_622] : memref<1000x64xf32, #tpu.memory_space<hbm>> -> memref<1000x64xf32, #tpu.memory_space<hbm>>
    tpu.wait_indirect_dma semaphore(%arg24 : memref<!tpu.dma_semaphore, #tpu.memory_space<semaphore_mem>>) src(%dma_wait3A_623 : memref<1000x64xf32, #tpu.memory_space<hbm>>) dst(%arg17 : memref<64x64xf32, #tpu.memory_space<vmem>>)
    %dma_wait3A_624 = arith.constant 0 : i32
    %dma_wait3A_625 = tpu.memref_slice %arg7[%add3A_557, %dma_wait3A_624] : memref<16384x64xf32, #tpu.memory_space<hbm>> -> memref<64x64xf32, #tpu.memory_space<hbm>>
    %dma_wait3A_626 = arith.constant 0 : i32
    %dma_wait3A_627 = tpu.memref_slice %arg7[%add3A_557, %dma_wait3A_626] : memref<16384x64xf32, #tpu.memory_space<hbm>> -> memref<64x64xf32, #tpu.memory_space<hbm>>
    tpu.wait_dma2 semaphore(%arg25 : memref<!tpu.dma_semaphore, #tpu.memory_space<semaphore_mem>>) src(%arg18 : memref<64x64xf32, #tpu.memory_space<vmem>>) dst(%dma_wait3A_627 : memref<64x64xf32, #tpu.memory_space<hbm>>)
    %dma_wait3A_628 = arith.constant 0 : i32
    %dma_wait3A_629 = tpu.memref_slice %arg8[%add3A_557, %dma_wait3A_628] : memref<16384x64xf32, #tpu.memory_space<hbm>> -> memref<64x64xf32, #tpu.memory_space<hbm>>
    %dma_wait3A_630 = arith.constant 0 : i32
    %dma_wait3A_631 = tpu.memref_slice %arg8[%add3A_557, %dma_wait3A_630] : memref<16384x64xf32, #tpu.memory_space<hbm>> -> memref<64x64xf32, #tpu.memory_space<hbm>>
    tpu.wait_dma2 semaphore(%arg25 : memref<!tpu.dma_semaphore, #tpu.memory_space<semaphore_mem>>) src(%arg19 : memref<64x64xf32, #tpu.memory_space<vmem>>) dst(%dma_wait3A_631 : memref<64x64xf32, #tpu.memory_space<hbm>>)
    %dma_wait3A_632 = arith.constant 0 : i32
    %dma_wait3A_633 = tpu.memref_slice %arg5[%add3A_557, %dma_wait3A_632] : memref<16384x64xf32, #tpu.memory_space<hbm>> -> memref<64x64xf32, #tpu.memory_space<hbm>>
    %dma_wait3A_634 = arith.constant 0 : i32
    %dma_wait3A_635 = tpu.memref_slice %arg5[%add3A_557, %dma_wait3A_634] : memref<16384x64xf32, #tpu.memory_space<hbm>> -> memref<64x64xf32, #tpu.memory_space<hbm>>
    tpu.wait_dma2 semaphore(%arg25 : memref<!tpu.dma_semaphore, #tpu.memory_space<semaphore_mem>>) src(%arg20 : memref<64x64xf32, #tpu.memory_space<vmem>>) dst(%dma_wait3A_635 : memref<64x64xf32, #tpu.memory_space<hbm>>)
    %dma_wait3A_636 = arith.constant 0 : i32
    %dma_wait3A_637 = tpu.memref_slice %arg9[%add3A_557, %dma_wait3A_636] : memref<16384x64xf32, #tpu.memory_space<hbm>> -> memref<64x64xf32, #tpu.memory_space<hbm>>
    %dma_wait3A_638 = arith.constant 0 : i32
    %dma_wait3A_639 = tpu.memref_slice %arg9[%add3A_557, %dma_wait3A_638] : memref<16384x64xf32, #tpu.memory_space<hbm>> -> memref<64x64xf32, #tpu.memory_space<hbm>>
    tpu.wait_dma2 semaphore(%arg25 : memref<!tpu.dma_semaphore, #tpu.memory_space<semaphore_mem>>) src(%arg21 : memref<64x64xf32, #tpu.memory_space<vmem>>) dst(%dma_wait3A_639 : memref<64x64xf32, #tpu.memory_space<hbm>>)
    %dma_wait3A_640 = arith.constant 0 : i32
    %dma_wait3A_641 = tpu.memref_slice %arg10[%add3A_557, %dma_wait3A_640] : memref<16384x64xf32, #tpu.memory_space<hbm>> -> memref<64x64xf32, #tpu.memory_space<hbm>>
    %dma_wait3A_642 = arith.constant 0 : i32
    %dma_wait3A_643 = tpu.memref_slice %arg10[%add3A_557, %dma_wait3A_642] : memref<16384x64xf32, #tpu.memory_space<hbm>> -> memref<64x64xf32, #tpu.memory_space<hbm>>
    tpu.wait_dma2 semaphore(%arg25 : memref<!tpu.dma_semaphore, #tpu.memory_space<semaphore_mem>>) src(%arg22 : memref<64x64xf32, #tpu.memory_space<vmem>>) dst(%dma_wait3A_643 : memref<64x64xf32, #tpu.memory_space<hbm>>)
    %dma_wait3A_644 = arith.constant 0 : i32
    %dma_wait3A_645 = tpu.memref_slice %arg6[%add3A_557, %dma_wait3A_644] : memref<16384x64xf32, #tpu.memory_space<hbm>> -> memref<64x64xf32, #tpu.memory_space<hbm>>
    %dma_wait3A_646 = arith.constant 0 : i32
    %dma_wait3A_647 = tpu.memref_slice %arg6[%add3A_557, %dma_wait3A_646] : memref<16384x64xf32, #tpu.memory_space<hbm>> -> memref<64x64xf32, #tpu.memory_space<hbm>>
    tpu.wait_dma2 semaphore(%arg25 : memref<!tpu.dma_semaphore, #tpu.memory_space<semaphore_mem>>) src(%arg23 : memref<64x64xf32, #tpu.memory_space<vmem>>) dst(%dma_wait3A_647 : memref<64x64xf32, #tpu.memory_space<hbm>>)
    %dma_start3A_648 = arith.constant 0 : i32
    %dma_start3A_649 = arith.constant 320 : i32
    %dma_start3A_650 = tpu.memref_slice %arg11[%dma_start3A_648, %dma_start3A_649] : memref<6x512xi32, #tpu.memory_space<vmem>> -> memref<1x64xi32, #tpu.memory_space<vmem>>
    %dma_start3A_651 = tpu.memref_squeeze %dma_start3A_650 : memref<1x64xi32, #tpu.memory_space<vmem>> -> memref<64xi32, #tpu.memory_space<vmem>>
    %dma_start3A_652 = arith.constant 0 : i32
    %dma_start3A_653 = arith.constant 0 : i32
    %dma_start3A_654 = tpu.memref_slice %arg3[%dma_start3A_652, %dma_start3A_653] : memref<1000000x64xf32, #tpu.memory_space<hbm>> -> memref<1000000x64xf32, #tpu.memory_space<hbm>>
    tpu.enqueue_indirect_dma source(%dma_start3A_654 : memref<1000000x64xf32, #tpu.memory_space<hbm>>) target(%arg18 : memref<64x64xf32, #tpu.memory_space<vmem>>) offsets(%dma_start3A_651 : memref<64xi32, #tpu.memory_space<vmem>>) semaphore(%arg24 : memref<!tpu.dma_semaphore, #tpu.memory_space<semaphore_mem>>)
    %dma_start3A_655 = arith.constant 1 : i32
    %dma_start3A_656 = arith.constant 320 : i32
    %dma_start3A_657 = tpu.memref_slice %arg11[%dma_start3A_655, %dma_start3A_656] : memref<6x512xi32, #tpu.memory_space<vmem>> -> memref<1x64xi32, #tpu.memory_space<vmem>>
    %dma_start3A_658 = tpu.memref_squeeze %dma_start3A_657 : memref<1x64xi32, #tpu.memory_space<vmem>> -> memref<64xi32, #tpu.memory_space<vmem>>
    %dma_start3A_659 = arith.constant 0 : i32
    %dma_start3A_660 = arith.constant 0 : i32
    %dma_start3A_661 = tpu.memref_slice %arg3[%dma_start3A_659, %dma_start3A_660] : memref<1000000x64xf32, #tpu.memory_space<hbm>> -> memref<1000000x64xf32, #tpu.memory_space<hbm>>
    tpu.enqueue_indirect_dma source(%dma_start3A_661 : memref<1000000x64xf32, #tpu.memory_space<hbm>>) target(%arg19 : memref<64x64xf32, #tpu.memory_space<vmem>>) offsets(%dma_start3A_658 : memref<64xi32, #tpu.memory_space<vmem>>) semaphore(%arg24 : memref<!tpu.dma_semaphore, #tpu.memory_space<semaphore_mem>>)
    %dma_start3A_662 = arith.constant 2 : i32
    %dma_start3A_663 = arith.constant 320 : i32
    %dma_start3A_664 = tpu.memref_slice %arg11[%dma_start3A_662, %dma_start3A_663] : memref<6x512xi32, #tpu.memory_space<vmem>> -> memref<1x64xi32, #tpu.memory_space<vmem>>
    %dma_start3A_665 = tpu.memref_squeeze %dma_start3A_664 : memref<1x64xi32, #tpu.memory_space<vmem>> -> memref<64xi32, #tpu.memory_space<vmem>>
    %dma_start3A_666 = arith.constant 0 : i32
    %dma_start3A_667 = arith.constant 0 : i32
    %dma_start3A_668 = tpu.memref_slice %arg4[%dma_start3A_666, %dma_start3A_667] : memref<1000x64xf32, #tpu.memory_space<hbm>> -> memref<1000x64xf32, #tpu.memory_space<hbm>>
    tpu.enqueue_indirect_dma source(%dma_start3A_668 : memref<1000x64xf32, #tpu.memory_space<hbm>>) target(%arg20 : memref<64x64xf32, #tpu.memory_space<vmem>>) offsets(%dma_start3A_665 : memref<64xi32, #tpu.memory_space<vmem>>) semaphore(%arg24 : memref<!tpu.dma_semaphore, #tpu.memory_space<semaphore_mem>>)
    %dma_start3A_669 = arith.constant 3 : i32
    %dma_start3A_670 = arith.constant 320 : i32
    %dma_start3A_671 = tpu.memref_slice %arg11[%dma_start3A_669, %dma_start3A_670] : memref<6x512xi32, #tpu.memory_space<vmem>> -> memref<1x64xi32, #tpu.memory_space<vmem>>
    %dma_start3A_672 = tpu.memref_squeeze %dma_start3A_671 : memref<1x64xi32, #tpu.memory_space<vmem>> -> memref<64xi32, #tpu.memory_space<vmem>>
    %dma_start3A_673 = arith.constant 0 : i32
    %dma_start3A_674 = arith.constant 0 : i32
    %dma_start3A_675 = tpu.memref_slice %arg3[%dma_start3A_673, %dma_start3A_674] : memref<1000000x64xf32, #tpu.memory_space<hbm>> -> memref<1000000x64xf32, #tpu.memory_space<hbm>>
    tpu.enqueue_indirect_dma source(%dma_start3A_675 : memref<1000000x64xf32, #tpu.memory_space<hbm>>) target(%arg21 : memref<64x64xf32, #tpu.memory_space<vmem>>) offsets(%dma_start3A_672 : memref<64xi32, #tpu.memory_space<vmem>>) semaphore(%arg24 : memref<!tpu.dma_semaphore, #tpu.memory_space<semaphore_mem>>)
    %dma_start3A_676 = arith.constant 4 : i32
    %dma_start3A_677 = arith.constant 320 : i32
    %dma_start3A_678 = tpu.memref_slice %arg11[%dma_start3A_676, %dma_start3A_677] : memref<6x512xi32, #tpu.memory_space<vmem>> -> memref<1x64xi32, #tpu.memory_space<vmem>>
    %dma_start3A_679 = tpu.memref_squeeze %dma_start3A_678 : memref<1x64xi32, #tpu.memory_space<vmem>> -> memref<64xi32, #tpu.memory_space<vmem>>
    %dma_start3A_680 = arith.constant 0 : i32
    %dma_start3A_681 = arith.constant 0 : i32
    %dma_start3A_682 = tpu.memref_slice %arg3[%dma_start3A_680, %dma_start3A_681] : memref<1000000x64xf32, #tpu.memory_space<hbm>> -> memref<1000000x64xf32, #tpu.memory_space<hbm>>
    tpu.enqueue_indirect_dma source(%dma_start3A_682 : memref<1000000x64xf32, #tpu.memory_space<hbm>>) target(%arg22 : memref<64x64xf32, #tpu.memory_space<vmem>>) offsets(%dma_start3A_679 : memref<64xi32, #tpu.memory_space<vmem>>) semaphore(%arg24 : memref<!tpu.dma_semaphore, #tpu.memory_space<semaphore_mem>>)
    %dma_start3A_683 = arith.constant 5 : i32
    %dma_start3A_684 = arith.constant 320 : i32
    %dma_start3A_685 = tpu.memref_slice %arg11[%dma_start3A_683, %dma_start3A_684] : memref<6x512xi32, #tpu.memory_space<vmem>> -> memref<1x64xi32, #tpu.memory_space<vmem>>
    %dma_start3A_686 = tpu.memref_squeeze %dma_start3A_685 : memref<1x64xi32, #tpu.memory_space<vmem>> -> memref<64xi32, #tpu.memory_space<vmem>>
    %dma_start3A_687 = arith.constant 0 : i32
    %dma_start3A_688 = arith.constant 0 : i32
    %dma_start3A_689 = tpu.memref_slice %arg4[%dma_start3A_687, %dma_start3A_688] : memref<1000x64xf32, #tpu.memory_space<hbm>> -> memref<1000x64xf32, #tpu.memory_space<hbm>>
    tpu.enqueue_indirect_dma source(%dma_start3A_689 : memref<1000x64xf32, #tpu.memory_space<hbm>>) target(%arg23 : memref<64x64xf32, #tpu.memory_space<vmem>>) offsets(%dma_start3A_686 : memref<64xi32, #tpu.memory_space<vmem>>) semaphore(%arg24 : memref<!tpu.dma_semaphore, #tpu.memory_space<semaphore_mem>>)
    %scan3A_690 = arith.constant 0 : i32
    %scan3A_691 = arith.constant 64 : i32
    %scan3A_692 = arith.addi %scan3A_690, %scan3A_691 : i32
    %scan3A_693 = arith.constant 1 : i32
    scf.for %scan3A_1128 = %scan3A_690 to %scan3A_692 step %scan3A_693  : i32 {
      %get3A = arith.index_cast %scan3A_1128 : i32 to index
      %get3A_1129 = arith.constant 0 : index
      %get3A_1130 = tpu.vector_load %arg12[%get3A, %get3A_1129] {strides = array<i32>} : memref<64x64xf32, #tpu.memory_space<vmem>>, vector<1x16xf32>,
      %get3A_1131 = vector.shape_cast %get3A_1130 : vector<1x16xf32> to vector<16xf32>
      %get3A_1132 = arith.index_cast %scan3A_1128 : i32 to index
      %get3A_1133 = arith.constant 0 : index
      %get3A_1134 = tpu.vector_load %arg14[%get3A_1132, %get3A_1133] {strides = array<i32>} : memref<64x64xf32, #tpu.memory_space<vmem>>, vector<1x16xf32>,
      %get3A_1135 = vector.shape_cast %get3A_1134 : vector<1x16xf32> to vector<16xf32>
      %add3A_1136 = arith.addf %get3A_1131, %get3A_1135 : vector<16xf32>
      %get3A_1137 = arith.index_cast %scan3A_1128 : i32 to index
      %get3A_1138 = arith.constant 0 : index
      %get3A_1139 = tpu.vector_load %arg13[%get3A_1137, %get3A_1138] {strides = array<i32>} : memref<64x64xf32, #tpu.memory_space<vmem>>, vector<1x16xf32>,
      %get3A_1140 = vector.shape_cast %get3A_1139 : vector<1x16xf32> to vector<16xf32>
      %sub3A = arith.subf %add3A_1136, %get3A_1140 : vector<16xf32>
      %swap3A = arith.index_cast %scan3A_1128 : i32 to index
      %swap3A_1141 = arith.constant 0 : index
      %swap3A_1142 = tpu.vector_load %arg14[%swap3A, %swap3A_1141] {strides = array<i32>} : memref<64x64xf32, #tpu.memory_space<vmem>>, vector<1x16xf32>,
      %swap3A_1143 = vector.shape_cast %swap3A_1142 : vector<1x16xf32> to vector<16xf32>
      %swap3A_1144 = vector.shape_cast %sub3A : vector<16xf32> to vector<1x16xf32>
      tpu.vector_store %arg14[%swap3A, %swap3A_1141], %swap3A_1144 {strides = array<i32>} : memref<64x64xf32, #tpu.memory_space<vmem>>, vector<1x16xf32>,
      %get3A_1145 = arith.index_cast %scan3A_1128 : i32 to index
      %get3A_1146 = arith.constant 0 : index
      %get3A_1147 = tpu.vector_load %arg15[%get3A_1145, %get3A_1146] {strides = array<i32>} : memref<64x64xf32, #tpu.memory_space<vmem>>, vector<1x16xf32>,
      %get3A_1148 = vector.shape_cast %get3A_1147 : vector<1x16xf32> to vector<16xf32>
      %get3A_1149 = arith.index_cast %scan3A_1128 : i32 to index
      %get3A_1150 = arith.constant 0 : index
      %get3A_1151 = tpu.vector_load %arg17[%get3A_1149, %get3A_1150] {strides = array<i32>} : memref<64x64xf32, #tpu.memory_space<vmem>>, vector<1x16xf32>,
      %get3A_1152 = vector.shape_cast %get3A_1151 : vector<1x16xf32> to vector<16xf32>
      %add3A_1153 = arith.addf %get3A_1148, %get3A_1152 : vector<16xf32>
      %get3A_1154 = arith.index_cast %scan3A_1128 : i32 to index
      %get3A_1155 = arith.constant 0 : index
      %get3A_1156 = tpu.vector_load %arg16[%get3A_1154, %get3A_1155] {strides = array<i32>} : memref<64x64xf32, #tpu.memory_space<vmem>>, vector<1x16xf32>,
      %get3A_1157 = vector.shape_cast %get3A_1156 : vector<1x16xf32> to vector<16xf32>
      %sub3A_1158 = arith.subf %add3A_1153, %get3A_1157 : vector<16xf32>
      %swap3A_1159 = arith.index_cast %scan3A_1128 : i32 to index
      %swap3A_1160 = arith.constant 0 : index
      %swap3A_1161 = tpu.vector_load %arg17[%swap3A_1159, %swap3A_1160] {strides = array<i32>} : memref<64x64xf32, #tpu.memory_space<vmem>>, vector<1x16xf32>,
      %swap3A_1162 = vector.shape_cast %swap3A_1161 : vector<1x16xf32> to vector<16xf32>
      %swap3A_1163 = vector.shape_cast %sub3A_1158 : vector<16xf32> to vector<1x16xf32>
      tpu.vector_store %arg17[%swap3A_1159, %swap3A_1160], %swap3A_1163 {strides = array<i32>} : memref<64x64xf32, #tpu.memory_space<vmem>>, vector<1x16xf32>,
      %get3A_1164 = arith.index_cast %scan3A_1128 : i32 to index
      %get3A_1165 = arith.constant 16 : index
      %get3A_1166 = tpu.vector_load %arg12[%get3A_1164, %get3A_1165] {strides = array<i32>} : memref<64x64xf32, #tpu.memory_space<vmem>>, vector<1x16xf32>,
      %get3A_1167 = vector.shape_cast %get3A_1166 : vector<1x16xf32> to vector<16xf32>
      %get3A_1168 = arith.index_cast %scan3A_1128 : i32 to index
      %get3A_1169 = arith.constant 16 : index
      %get3A_1170 = tpu.vector_load %arg14[%get3A_1168, %get3A_1169] {strides = array<i32>} : memref<64x64xf32, #tpu.memory_space<vmem>>, vector<1x16xf32>,
      %get3A_1171 = vector.shape_cast %get3A_1170 : vector<1x16xf32> to vector<16xf32>
      %add3A_1172 = arith.addf %get3A_1167, %get3A_1171 : vector<16xf32>
      %get3A_1173 = arith.index_cast %scan3A_1128 : i32 to index
      %get3A_1174 = arith.constant 16 : index
      %get3A_1175 = tpu.vector_load %arg13[%get3A_1173, %get3A_1174] {strides = array<i32>} : memref<64x64xf32, #tpu.memory_space<vmem>>, vector<1x16xf32>,
      %get3A_1176 = vector.shape_cast %get3A_1175 : vector<1x16xf32> to vector<16xf32>
      %sub3A_1177 = arith.subf %add3A_1172, %get3A_1176 : vector<16xf32>
      %swap3A_1178 = arith.index_cast %scan3A_1128 : i32 to index
      %swap3A_1179 = arith.constant 16 : index
      %swap3A_1180 = tpu.vector_load %arg14[%swap3A_1178, %swap3A_1179] {strides = array<i32>} : memref<64x64xf32, #tpu.memory_space<vmem>>, vector<1x16xf32>,
      %swap3A_1181 = vector.shape_cast %swap3A_1180 : vector<1x16xf32> to vector<16xf32>
      %swap3A_1182 = vector.shape_cast %sub3A_1177 : vector<16xf32> to vector<1x16xf32>
      tpu.vector_store %arg14[%swap3A_1178, %swap3A_1179], %swap3A_1182 {strides = array<i32>} : memref<64x64xf32, #tpu.memory_space<vmem>>, vector<1x16xf32>,
      %get3A_1183 = arith.index_cast %scan3A_1128 : i32 to index
      %get3A_1184 = arith.constant 16 : index
      %get3A_1185 = tpu.vector_load %arg15[%get3A_1183, %get3A_1184] {strides = array<i32>} : memref<64x64xf32, #tpu.memory_space<vmem>>, vector<1x16xf32>,
      %get3A_1186 = vector.shape_cast %get3A_1185 : vector<1x16xf32> to vector<16xf32>
      %get3A_1187 = arith.index_cast %scan3A_1128 : i32 to index
      %get3A_1188 = arith.constant 16 : index
      %get3A_1189 = tpu.vector_load %arg17[%get3A_1187, %get3A_1188] {strides = array<i32>} : memref<64x64xf32, #tpu.memory_space<vmem>>, vector<1x16xf32>,
      %get3A_1190 = vector.shape_cast %get3A_1189 : vector<1x16xf32> to vector<16xf32>
      %add3A_1191 = arith.addf %get3A_1186, %get3A_1190 : vector<16xf32>
      %get3A_1192 = arith.index_cast %scan3A_1128 : i32 to index
      %get3A_1193 = arith.constant 16 : index
      %get3A_1194 = tpu.vector_load %arg16[%get3A_1192, %get3A_1193] {strides = array<i32>} : memref<64x64xf32, #tpu.memory_space<vmem>>, vector<1x16xf32>,
      %get3A_1195 = vector.shape_cast %get3A_1194 : vector<1x16xf32> to vector<16xf32>
      %sub3A_1196 = arith.subf %add3A_1191, %get3A_1195 : vector<16xf32>
      %swap3A_1197 = arith.index_cast %scan3A_1128 : i32 to index
      %swap3A_1198 = arith.constant 16 : index
      %swap3A_1199 = tpu.vector_load %arg17[%swap3A_1197, %swap3A_1198] {strides = array<i32>} : memref<64x64xf32, #tpu.memory_space<vmem>>, vector<1x16xf32>,
      %swap3A_1200 = vector.shape_cast %swap3A_1199 : vector<1x16xf32> to vector<16xf32>
      %swap3A_1201 = vector.shape_cast %sub3A_1196 : vector<16xf32> to vector<1x16xf32>
      tpu.vector_store %arg17[%swap3A_1197, %swap3A_1198], %swap3A_1201 {strides = array<i32>} : memref<64x64xf32, #tpu.memory_space<vmem>>, vector<1x16xf32>,
      %get3A_1202 = arith.index_cast %scan3A_1128 : i32 to index
      %get3A_1203 = arith.constant 32 : index
      %get3A_1204 = tpu.vector_load %arg12[%get3A_1202, %get3A_1203] {strides = array<i32>} : memref<64x64xf32, #tpu.memory_space<vmem>>, vector<1x16xf32>,
      %get3A_1205 = vector.shape_cast %get3A_1204 : vector<1x16xf32> to vector<16xf32>
      %get3A_1206 = arith.index_cast %scan3A_1128 : i32 to index
      %get3A_1207 = arith.constant 32 : index
      %get3A_1208 = tpu.vector_load %arg14[%get3A_1206, %get3A_1207] {strides = array<i32>} : memref<64x64xf32, #tpu.memory_space<vmem>>, vector<1x16xf32>,
      %get3A_1209 = vector.shape_cast %get3A_1208 : vector<1x16xf32> to vector<16xf32>
      %add3A_1210 = arith.addf %get3A_1205, %get3A_1209 : vector<16xf32>
      %get3A_1211 = arith.index_cast %scan3A_1128 : i32 to index
      %get3A_1212 = arith.constant 32 : index
      %get3A_1213 = tpu.vector_load %arg13[%get3A_1211, %get3A_1212] {strides = array<i32>} : memref<64x64xf32, #tpu.memory_space<vmem>>, vector<1x16xf32>,
      %get3A_1214 = vector.shape_cast %get3A_1213 : vector<1x16xf32> to vector<16xf32>
      %sub3A_1215 = arith.subf %add3A_1210, %get3A_1214 : vector<16xf32>
      %swap3A_1216 = arith.index_cast %scan3A_1128 : i32 to index
      %swap3A_1217 = arith.constant 32 : index
      %swap3A_1218 = tpu.vector_load %arg14[%swap3A_1216, %swap3A_1217] {strides = array<i32>} : memref<64x64xf32, #tpu.memory_space<vmem>>, vector<1x16xf32>,
      %swap3A_1219 = vector.shape_cast %swap3A_1218 : vector<1x16xf32> to vector<16xf32>
      %swap3A_1220 = vector.shape_cast %sub3A_1215 : vector<16xf32> to vector<1x16xf32>
      tpu.vector_store %arg14[%swap3A_1216, %swap3A_1217], %swap3A_1220 {strides = array<i32>} : memref<64x64xf32, #tpu.memory_space<vmem>>, vector<1x16xf32>,
      %get3A_1221 = arith.index_cast %scan3A_1128 : i32 to index
      %get3A_1222 = arith.constant 32 : index
      %get3A_1223 = tpu.vector_load %arg15[%get3A_1221, %get3A_1222] {strides = array<i32>} : memref<64x64xf32, #tpu.memory_space<vmem>>, vector<1x16xf32>,
      %get3A_1224 = vector.shape_cast %get3A_1223 : vector<1x16xf32> to vector<16xf32>
      %get3A_1225 = arith.index_cast %scan3A_1128 : i32 to index
      %get3A_1226 = arith.constant 32 : index
      %get3A_1227 = tpu.vector_load %arg17[%get3A_1225, %get3A_1226] {strides = array<i32>} : memref<64x64xf32, #tpu.memory_space<vmem>>, vector<1x16xf32>,
      %get3A_1228 = vector.shape_cast %get3A_1227 : vector<1x16xf32> to vector<16xf32>
      %add3A_1229 = arith.addf %get3A_1224, %get3A_1228 : vector<16xf32>
      %get3A_1230 = arith.index_cast %scan3A_1128 : i32 to index
      %get3A_1231 = arith.constant 32 : index
      %get3A_1232 = tpu.vector_load %arg16[%get3A_1230, %get3A_1231] {strides = array<i32>} : memref<64x64xf32, #tpu.memory_space<vmem>>, vector<1x16xf32>,
      %get3A_1233 = vector.shape_cast %get3A_1232 : vector<1x16xf32> to vector<16xf32>
      %sub3A_1234 = arith.subf %add3A_1229, %get3A_1233 : vector<16xf32>
      %swap3A_1235 = arith.index_cast %scan3A_1128 : i32 to index
      %swap3A_1236 = arith.constant 32 : index
      %swap3A_1237 = tpu.vector_load %arg17[%swap3A_1235, %swap3A_1236] {strides = array<i32>} : memref<64x64xf32, #tpu.memory_space<vmem>>, vector<1x16xf32>,
      %swap3A_1238 = vector.shape_cast %swap3A_1237 : vector<1x16xf32> to vector<16xf32>
      %swap3A_1239 = vector.shape_cast %sub3A_1234 : vector<16xf32> to vector<1x16xf32>
      tpu.vector_store %arg17[%swap3A_1235, %swap3A_1236], %swap3A_1239 {strides = array<i32>} : memref<64x64xf32, #tpu.memory_space<vmem>>, vector<1x16xf32>,
      %get3A_1240 = arith.index_cast %scan3A_1128 : i32 to index
      %get3A_1241 = arith.constant 48 : index
      %get3A_1242 = tpu.vector_load %arg12[%get3A_1240, %get3A_1241] {strides = array<i32>} : memref<64x64xf32, #tpu.memory_space<vmem>>, vector<1x16xf32>,
      %get3A_1243 = vector.shape_cast %get3A_1242 : vector<1x16xf32> to vector<16xf32>
      %get3A_1244 = arith.index_cast %scan3A_1128 : i32 to index
      %get3A_1245 = arith.constant 48 : index
      %get3A_1246 = tpu.vector_load %arg14[%get3A_1244, %get3A_1245] {strides = array<i32>} : memref<64x64xf32, #tpu.memory_space<vmem>>, vector<1x16xf32>,
      %get3A_1247 = vector.shape_cast %get3A_1246 : vector<1x16xf32> to vector<16xf32>
      %add3A_1248 = arith.addf %get3A_1243, %get3A_1247 : vector<16xf32>
      %get3A_1249 = arith.index_cast %scan3A_1128 : i32 to index
      %get3A_1250 = arith.constant 48 : index
      %get3A_1251 = tpu.vector_load %arg13[%get3A_1249, %get3A_1250] {strides = array<i32>} : memref<64x64xf32, #tpu.memory_space<vmem>>, vector<1x16xf32>,
      %get3A_1252 = vector.shape_cast %get3A_1251 : vector<1x16xf32> to vector<16xf32>
      %sub3A_1253 = arith.subf %add3A_1248, %get3A_1252 : vector<16xf32>
      %swap3A_1254 = arith.index_cast %scan3A_1128 : i32 to index
      %swap3A_1255 = arith.constant 48 : index
      %swap3A_1256 = tpu.vector_load %arg14[%swap3A_1254, %swap3A_1255] {strides = array<i32>} : memref<64x64xf32, #tpu.memory_space<vmem>>, vector<1x16xf32>,
      %swap3A_1257 = vector.shape_cast %swap3A_1256 : vector<1x16xf32> to vector<16xf32>
      %swap3A_1258 = vector.shape_cast %sub3A_1253 : vector<16xf32> to vector<1x16xf32>
      tpu.vector_store %arg14[%swap3A_1254, %swap3A_1255], %swap3A_1258 {strides = array<i32>} : memref<64x64xf32, #tpu.memory_space<vmem>>, vector<1x16xf32>,
      %get3A_1259 = arith.index_cast %scan3A_1128 : i32 to index
      %get3A_1260 = arith.constant 48 : index
      %get3A_1261 = tpu.vector_load %arg15[%get3A_1259, %get3A_1260] {strides = array<i32>} : memref<64x64xf32, #tpu.memory_space<vmem>>, vector<1x16xf32>,
      %get3A_1262 = vector.shape_cast %get3A_1261 : vector<1x16xf32> to vector<16xf32>
      %get3A_1263 = arith.index_cast %scan3A_1128 : i32 to index
      %get3A_1264 = arith.constant 48 : index
      %get3A_1265 = tpu.vector_load %arg17[%get3A_1263, %get3A_1264] {strides = array<i32>} : memref<64x64xf32, #tpu.memory_space<vmem>>, vector<1x16xf32>,
      %get3A_1266 = vector.shape_cast %get3A_1265 : vector<1x16xf32> to vector<16xf32>
      %add3A_1267 = arith.addf %get3A_1262, %get3A_1266 : vector<16xf32>
      %get3A_1268 = arith.index_cast %scan3A_1128 : i32 to index
      %get3A_1269 = arith.constant 48 : index
      %get3A_1270 = tpu.vector_load %arg16[%get3A_1268, %get3A_1269] {strides = array<i32>} : memref<64x64xf32, #tpu.memory_space<vmem>>, vector<1x16xf32>,
      %get3A_1271 = vector.shape_cast %get3A_1270 : vector<1x16xf32> to vector<16xf32>
      %sub3A_1272 = arith.subf %add3A_1267, %get3A_1271 : vector<16xf32>
      %swap3A_1273 = arith.index_cast %scan3A_1128 : i32 to index
      %swap3A_1274 = arith.constant 48 : index
      %swap3A_1275 = tpu.vector_load %arg17[%swap3A_1273, %swap3A_1274] {strides = array<i32>} : memref<64x64xf32, #tpu.memory_space<vmem>>, vector<1x16xf32>,
      %swap3A_1276 = vector.shape_cast %swap3A_1275 : vector<1x16xf32> to vector<16xf32>
      %swap3A_1277 = vector.shape_cast %sub3A_1272 : vector<16xf32> to vector<1x16xf32>
      tpu.vector_store %arg17[%swap3A_1273, %swap3A_1274], %swap3A_1277 {strides = array<i32>} : memref<64x64xf32, #tpu.memory_space<vmem>>, vector<1x16xf32>,
    }
    %scan3A_694 = arith.constant 64 : i32
    %mul3A_695 = arith.constant 512 : i32
    %mul3A_696 = arith.muli %add3A, %mul3A_695 : i32
    %add3A_697 = arith.constant 256 : i32
    %add3A_698 = arith.addi %mul3A_696, %add3A_697 : i32
    %dma_start3A_699 = arith.constant 0 : i32
    %dma_start3A_700 = tpu.memref_slice %arg7[%add3A_698, %dma_start3A_699] : memref<16384x64xf32, #tpu.memory_space<hbm>> -> memref<64x64xf32, #tpu.memory_space<hbm>>
    %dma_start3A_701 = arith.constant 0 : i32
    %dma_start3A_702 = tpu.memref_slice %arg7[%add3A_698, %dma_start3A_701] : memref<16384x64xf32, #tpu.memory_space<hbm>> -> memref<64x64xf32, #tpu.memory_space<hbm>>
    tpu.enqueue_dma source(%arg12 : memref<64x64xf32, #tpu.memory_space<vmem>>) target(%dma_start3A_702 : memref<64x64xf32, #tpu.memory_space<hbm>>) target_semaphore(%arg25 : memref<!tpu.dma_semaphore, #tpu.memory_space<semaphore_mem>>)
    %dma_start3A_703 = arith.constant 0 : i32
    %dma_start3A_704 = tpu.memref_slice %arg8[%add3A_698, %dma_start3A_703] : memref<16384x64xf32, #tpu.memory_space<hbm>> -> memref<64x64xf32, #tpu.memory_space<hbm>>
    %dma_start3A_705 = arith.constant 0 : i32
    %dma_start3A_706 = tpu.memref_slice %arg8[%add3A_698, %dma_start3A_705] : memref<16384x64xf32, #tpu.memory_space<hbm>> -> memref<64x64xf32, #tpu.memory_space<hbm>>
    tpu.enqueue_dma source(%arg13 : memref<64x64xf32, #tpu.memory_space<vmem>>) target(%dma_start3A_706 : memref<64x64xf32, #tpu.memory_space<hbm>>) target_semaphore(%arg25 : memref<!tpu.dma_semaphore, #tpu.memory_space<semaphore_mem>>)
    %dma_start3A_707 = arith.constant 0 : i32
    %dma_start3A_708 = tpu.memref_slice %arg5[%add3A_698, %dma_start3A_707] : memref<16384x64xf32, #tpu.memory_space<hbm>> -> memref<64x64xf32, #tpu.memory_space<hbm>>
    %dma_start3A_709 = arith.constant 0 : i32
    %dma_start3A_710 = tpu.memref_slice %arg5[%add3A_698, %dma_start3A_709] : memref<16384x64xf32, #tpu.memory_space<hbm>> -> memref<64x64xf32, #tpu.memory_space<hbm>>
    tpu.enqueue_dma source(%arg14 : memref<64x64xf32, #tpu.memory_space<vmem>>) target(%dma_start3A_710 : memref<64x64xf32, #tpu.memory_space<hbm>>) target_semaphore(%arg25 : memref<!tpu.dma_semaphore, #tpu.memory_space<semaphore_mem>>)
    %dma_start3A_711 = arith.constant 0 : i32
    %dma_start3A_712 = tpu.memref_slice %arg9[%add3A_698, %dma_start3A_711] : memref<16384x64xf32, #tpu.memory_space<hbm>> -> memref<64x64xf32, #tpu.memory_space<hbm>>
    %dma_start3A_713 = arith.constant 0 : i32
    %dma_start3A_714 = tpu.memref_slice %arg9[%add3A_698, %dma_start3A_713] : memref<16384x64xf32, #tpu.memory_space<hbm>> -> memref<64x64xf32, #tpu.memory_space<hbm>>
    tpu.enqueue_dma source(%arg15 : memref<64x64xf32, #tpu.memory_space<vmem>>) target(%dma_start3A_714 : memref<64x64xf32, #tpu.memory_space<hbm>>) target_semaphore(%arg25 : memref<!tpu.dma_semaphore, #tpu.memory_space<semaphore_mem>>)
    %dma_start3A_715 = arith.constant 0 : i32
    %dma_start3A_716 = tpu.memref_slice %arg10[%add3A_698, %dma_start3A_715] : memref<16384x64xf32, #tpu.memory_space<hbm>> -> memref<64x64xf32, #tpu.memory_space<hbm>>
    %dma_start3A_717 = arith.constant 0 : i32
    %dma_start3A_718 = tpu.memref_slice %arg10[%add3A_698, %dma_start3A_717] : memref<16384x64xf32, #tpu.memory_space<hbm>> -> memref<64x64xf32, #tpu.memory_space<hbm>>
    tpu.enqueue_dma source(%arg16 : memref<64x64xf32, #tpu.memory_space<vmem>>) target(%dma_start3A_718 : memref<64x64xf32, #tpu.memory_space<hbm>>) target_semaphore(%arg25 : memref<!tpu.dma_semaphore, #tpu.memory_space<semaphore_mem>>)
    %dma_start3A_719 = arith.constant 0 : i32
    %dma_start3A_720 = tpu.memref_slice %arg6[%add3A_698, %dma_start3A_719] : memref<16384x64xf32, #tpu.memory_space<hbm>> -> memref<64x64xf32, #tpu.memory_space<hbm>>
    %dma_start3A_721 = arith.constant 0 : i32
    %dma_start3A_722 = tpu.memref_slice %arg6[%add3A_698, %dma_start3A_721] : memref<16384x64xf32, #tpu.memory_space<hbm>> -> memref<64x64xf32, #tpu.memory_space<hbm>>
    tpu.enqueue_dma source(%arg17 : memref<64x64xf32, #tpu.memory_space<vmem>>) target(%dma_start3A_722 : memref<64x64xf32, #tpu.memory_space<hbm>>) target_semaphore(%arg25 : memref<!tpu.dma_semaphore, #tpu.memory_space<semaphore_mem>>)
    %dma_wait3A_723 = arith.constant 0 : i32
    %dma_wait3A_724 = arith.constant 320 : i32
    %dma_wait3A_725 = tpu.memref_slice %arg11[%dma_wait3A_723, %dma_wait3A_724] : memref<6x512xi32, #tpu.memory_space<vmem>> -> memref<1x64xi32, #tpu.memory_space<vmem>>
    %dma_wait3A_726 = tpu.memref_squeeze %dma_wait3A_725 : memref<1x64xi32, #tpu.memory_space<vmem>> -> memref<64xi32, #tpu.memory_space<vmem>>
    %dma_wait3A_727 = arith.constant 0 : i32
    %dma_wait3A_728 = arith.constant 0 : i32
    %dma_wait3A_729 = tpu.memref_slice %arg3[%dma_wait3A_727, %dma_wait3A_728] : memref<1000000x64xf32, #tpu.memory_space<hbm>> -> memref<1000000x64xf32, #tpu.memory_space<hbm>>
    tpu.wait_indirect_dma semaphore(%arg24 : memref<!tpu.dma_semaphore, #tpu.memory_space<semaphore_mem>>) src(%dma_wait3A_729 : memref<1000000x64xf32, #tpu.memory_space<hbm>>) dst(%arg18 : memref<64x64xf32, #tpu.memory_space<vmem>>)
    %dma_wait3A_730 = arith.constant 1 : i32
    %dma_wait3A_731 = arith.constant 320 : i32
    %dma_wait3A_732 = tpu.memref_slice %arg11[%dma_wait3A_730, %dma_wait3A_731] : memref<6x512xi32, #tpu.memory_space<vmem>> -> memref<1x64xi32, #tpu.memory_space<vmem>>
    %dma_wait3A_733 = tpu.memref_squeeze %dma_wait3A_732 : memref<1x64xi32, #tpu.memory_space<vmem>> -> memref<64xi32, #tpu.memory_space<vmem>>
    %dma_wait3A_734 = arith.constant 0 : i32
    %dma_wait3A_735 = arith.constant 0 : i32
    %dma_wait3A_736 = tpu.memref_slice %arg3[%dma_wait3A_734, %dma_wait3A_735] : memref<1000000x64xf32, #tpu.memory_space<hbm>> -> memref<1000000x64xf32, #tpu.memory_space<hbm>>
    tpu.wait_indirect_dma semaphore(%arg24 : memref<!tpu.dma_semaphore, #tpu.memory_space<semaphore_mem>>) src(%dma_wait3A_736 : memref<1000000x64xf32, #tpu.memory_space<hbm>>) dst(%arg19 : memref<64x64xf32, #tpu.memory_space<vmem>>)
    %dma_wait3A_737 = arith.constant 2 : i32
    %dma_wait3A_738 = arith.constant 320 : i32
    %dma_wait3A_739 = tpu.memref_slice %arg11[%dma_wait3A_737, %dma_wait3A_738] : memref<6x512xi32, #tpu.memory_space<vmem>> -> memref<1x64xi32, #tpu.memory_space<vmem>>
    %dma_wait3A_740 = tpu.memref_squeeze %dma_wait3A_739 : memref<1x64xi32, #tpu.memory_space<vmem>> -> memref<64xi32, #tpu.memory_space<vmem>>
    %dma_wait3A_741 = arith.constant 0 : i32
    %dma_wait3A_742 = arith.constant 0 : i32
    %dma_wait3A_743 = tpu.memref_slice %arg4[%dma_wait3A_741, %dma_wait3A_742] : memref<1000x64xf32, #tpu.memory_space<hbm>> -> memref<1000x64xf32, #tpu.memory_space<hbm>>
    tpu.wait_indirect_dma semaphore(%arg24 : memref<!tpu.dma_semaphore, #tpu.memory_space<semaphore_mem>>) src(%dma_wait3A_743 : memref<1000x64xf32, #tpu.memory_space<hbm>>) dst(%arg20 : memref<64x64xf32, #tpu.memory_space<vmem>>)
    %dma_wait3A_744 = arith.constant 3 : i32
    %dma_wait3A_745 = arith.constant 320 : i32
    %dma_wait3A_746 = tpu.memref_slice %arg11[%dma_wait3A_744, %dma_wait3A_745] : memref<6x512xi32, #tpu.memory_space<vmem>> -> memref<1x64xi32, #tpu.memory_space<vmem>>
    %dma_wait3A_747 = tpu.memref_squeeze %dma_wait3A_746 : memref<1x64xi32, #tpu.memory_space<vmem>> -> memref<64xi32, #tpu.memory_space<vmem>>
    %dma_wait3A_748 = arith.constant 0 : i32
    %dma_wait3A_749 = arith.constant 0 : i32
    %dma_wait3A_750 = tpu.memref_slice %arg3[%dma_wait3A_748, %dma_wait3A_749] : memref<1000000x64xf32, #tpu.memory_space<hbm>> -> memref<1000000x64xf32, #tpu.memory_space<hbm>>
    tpu.wait_indirect_dma semaphore(%arg24 : memref<!tpu.dma_semaphore, #tpu.memory_space<semaphore_mem>>) src(%dma_wait3A_750 : memref<1000000x64xf32, #tpu.memory_space<hbm>>) dst(%arg21 : memref<64x64xf32, #tpu.memory_space<vmem>>)
    %dma_wait3A_751 = arith.constant 4 : i32
    %dma_wait3A_752 = arith.constant 320 : i32
    %dma_wait3A_753 = tpu.memref_slice %arg11[%dma_wait3A_751, %dma_wait3A_752] : memref<6x512xi32, #tpu.memory_space<vmem>> -> memref<1x64xi32, #tpu.memory_space<vmem>>
    %dma_wait3A_754 = tpu.memref_squeeze %dma_wait3A_753 : memref<1x64xi32, #tpu.memory_space<vmem>> -> memref<64xi32, #tpu.memory_space<vmem>>
    %dma_wait3A_755 = arith.constant 0 : i32
    %dma_wait3A_756 = arith.constant 0 : i32
    %dma_wait3A_757 = tpu.memref_slice %arg3[%dma_wait3A_755, %dma_wait3A_756] : memref<1000000x64xf32, #tpu.memory_space<hbm>> -> memref<1000000x64xf32, #tpu.memory_space<hbm>>
    tpu.wait_indirect_dma semaphore(%arg24 : memref<!tpu.dma_semaphore, #tpu.memory_space<semaphore_mem>>) src(%dma_wait3A_757 : memref<1000000x64xf32, #tpu.memory_space<hbm>>) dst(%arg22 : memref<64x64xf32, #tpu.memory_space<vmem>>)
    %dma_wait3A_758 = arith.constant 5 : i32
    %dma_wait3A_759 = arith.constant 320 : i32
    %dma_wait3A_760 = tpu.memref_slice %arg11[%dma_wait3A_758, %dma_wait3A_759] : memref<6x512xi32, #tpu.memory_space<vmem>> -> memref<1x64xi32, #tpu.memory_space<vmem>>
    %dma_wait3A_761 = tpu.memref_squeeze %dma_wait3A_760 : memref<1x64xi32, #tpu.memory_space<vmem>> -> memref<64xi32, #tpu.memory_space<vmem>>
    %dma_wait3A_762 = arith.constant 0 : i32
    %dma_wait3A_763 = arith.constant 0 : i32
    %dma_wait3A_764 = tpu.memref_slice %arg4[%dma_wait3A_762, %dma_wait3A_763] : memref<1000x64xf32, #tpu.memory_space<hbm>> -> memref<1000x64xf32, #tpu.memory_space<hbm>>
    tpu.wait_indirect_dma semaphore(%arg24 : memref<!tpu.dma_semaphore, #tpu.memory_space<semaphore_mem>>) src(%dma_wait3A_764 : memref<1000x64xf32, #tpu.memory_space<hbm>>) dst(%arg23 : memref<64x64xf32, #tpu.memory_space<vmem>>)
    %dma_wait3A_765 = arith.constant 0 : i32
    %dma_wait3A_766 = tpu.memref_slice %arg7[%add3A_698, %dma_wait3A_765] : memref<16384x64xf32, #tpu.memory_space<hbm>> -> memref<64x64xf32, #tpu.memory_space<hbm>>
    %dma_wait3A_767 = arith.constant 0 : i32
    %dma_wait3A_768 = tpu.memref_slice %arg7[%add3A_698, %dma_wait3A_767] : memref<16384x64xf32, #tpu.memory_space<hbm>> -> memref<64x64xf32, #tpu.memory_space<hbm>>
    tpu.wait_dma2 semaphore(%arg25 : memref<!tpu.dma_semaphore, #tpu.memory_space<semaphore_mem>>) src(%arg12 : memref<64x64xf32, #tpu.memory_space<vmem>>) dst(%dma_wait3A_768 : memref<64x64xf32, #tpu.memory_space<hbm>>)
    %dma_wait3A_769 = arith.constant 0 : i32
    %dma_wait3A_770 = tpu.memref_slice %arg8[%add3A_698, %dma_wait3A_769] : memref<16384x64xf32, #tpu.memory_space<hbm>> -> memref<64x64xf32, #tpu.memory_space<hbm>>
    %dma_wait3A_771 = arith.constant 0 : i32
    %dma_wait3A_772 = tpu.memref_slice %arg8[%add3A_698, %dma_wait3A_771] : memref<16384x64xf32, #tpu.memory_space<hbm>> -> memref<64x64xf32, #tpu.memory_space<hbm>>
    tpu.wait_dma2 semaphore(%arg25 : memref<!tpu.dma_semaphore, #tpu.memory_space<semaphore_mem>>) src(%arg13 : memref<64x64xf32, #tpu.memory_space<vmem>>) dst(%dma_wait3A_772 : memref<64x64xf32, #tpu.memory_space<hbm>>)
    %dma_wait3A_773 = arith.constant 0 : i32
    %dma_wait3A_774 = tpu.memref_slice %arg5[%add3A_698, %dma_wait3A_773] : memref<16384x64xf32, #tpu.memory_space<hbm>> -> memref<64x64xf32, #tpu.memory_space<hbm>>
    %dma_wait3A_775 = arith.constant 0 : i32
    %dma_wait3A_776 = tpu.memref_slice %arg5[%add3A_698, %dma_wait3A_775] : memref<16384x64xf32, #tpu.memory_space<hbm>> -> memref<64x64xf32, #tpu.memory_space<hbm>>
    tpu.wait_dma2 semaphore(%arg25 : memref<!tpu.dma_semaphore, #tpu.memory_space<semaphore_mem>>) src(%arg14 : memref<64x64xf32, #tpu.memory_space<vmem>>) dst(%dma_wait3A_776 : memref<64x64xf32, #tpu.memory_space<hbm>>)
    %dma_wait3A_777 = arith.constant 0 : i32
    %dma_wait3A_778 = tpu.memref_slice %arg9[%add3A_698, %dma_wait3A_777] : memref<16384x64xf32, #tpu.memory_space<hbm>> -> memref<64x64xf32, #tpu.memory_space<hbm>>
    %dma_wait3A_779 = arith.constant 0 : i32
    %dma_wait3A_780 = tpu.memref_slice %arg9[%add3A_698, %dma_wait3A_779] : memref<16384x64xf32, #tpu.memory_space<hbm>> -> memref<64x64xf32, #tpu.memory_space<hbm>>
    tpu.wait_dma2 semaphore(%arg25 : memref<!tpu.dma_semaphore, #tpu.memory_space<semaphore_mem>>) src(%arg15 : memref<64x64xf32, #tpu.memory_space<vmem>>) dst(%dma_wait3A_780 : memref<64x64xf32, #tpu.memory_space<hbm>>)
    %dma_wait3A_781 = arith.constant 0 : i32
    %dma_wait3A_782 = tpu.memref_slice %arg10[%add3A_698, %dma_wait3A_781] : memref<16384x64xf32, #tpu.memory_space<hbm>> -> memref<64x64xf32, #tpu.memory_space<hbm>>
    %dma_wait3A_783 = arith.constant 0 : i32
    %dma_wait3A_784 = tpu.memref_slice %arg10[%add3A_698, %dma_wait3A_783] : memref<16384x64xf32, #tpu.memory_space<hbm>> -> memref<64x64xf32, #tpu.memory_space<hbm>>
    tpu.wait_dma2 semaphore(%arg25 : memref<!tpu.dma_semaphore, #tpu.memory_space<semaphore_mem>>) src(%arg16 : memref<64x64xf32, #tpu.memory_space<vmem>>) dst(%dma_wait3A_784 : memref<64x64xf32, #tpu.memory_space<hbm>>)
    %dma_wait3A_785 = arith.constant 0 : i32
    %dma_wait3A_786 = tpu.memref_slice %arg6[%add3A_698, %dma_wait3A_785] : memref<16384x64xf32, #tpu.memory_space<hbm>> -> memref<64x64xf32, #tpu.memory_space<hbm>>
    %dma_wait3A_787 = arith.constant 0 : i32
    %dma_wait3A_788 = tpu.memref_slice %arg6[%add3A_698, %dma_wait3A_787] : memref<16384x64xf32, #tpu.memory_space<hbm>> -> memref<64x64xf32, #tpu.memory_space<hbm>>
    tpu.wait_dma2 semaphore(%arg25 : memref<!tpu.dma_semaphore, #tpu.memory_space<semaphore_mem>>) src(%arg17 : memref<64x64xf32, #tpu.memory_space<vmem>>) dst(%dma_wait3A_788 : memref<64x64xf32, #tpu.memory_space<hbm>>)
    %dma_start3A_789 = arith.constant 0 : i32
    %dma_start3A_790 = arith.constant 384 : i32
    %dma_start3A_791 = tpu.memref_slice %arg11[%dma_start3A_789, %dma_start3A_790] : memref<6x512xi32, #tpu.memory_space<vmem>> -> memref<1x64xi32, #tpu.memory_space<vmem>>
    %dma_start3A_792 = tpu.memref_squeeze %dma_start3A_791 : memref<1x64xi32, #tpu.memory_space<vmem>> -> memref<64xi32, #tpu.memory_space<vmem>>
    %dma_start3A_793 = arith.constant 0 : i32
    %dma_start3A_794 = arith.constant 0 : i32
    %dma_start3A_795 = tpu.memref_slice %arg3[%dma_start3A_793, %dma_start3A_794] : memref<1000000x64xf32, #tpu.memory_space<hbm>> -> memref<1000000x64xf32, #tpu.memory_space<hbm>>
    tpu.enqueue_indirect_dma source(%dma_start3A_795 : memref<1000000x64xf32, #tpu.memory_space<hbm>>) target(%arg12 : memref<64x64xf32, #tpu.memory_space<vmem>>) offsets(%dma_start3A_792 : memref<64xi32, #tpu.memory_space<vmem>>) semaphore(%arg24 : memref<!tpu.dma_semaphore, #tpu.memory_space<semaphore_mem>>)
    %dma_start3A_796 = arith.constant 1 : i32
    %dma_start3A_797 = arith.constant 384 : i32
    %dma_start3A_798 = tpu.memref_slice %arg11[%dma_start3A_796, %dma_start3A_797] : memref<6x512xi32, #tpu.memory_space<vmem>> -> memref<1x64xi32, #tpu.memory_space<vmem>>
    %dma_start3A_799 = tpu.memref_squeeze %dma_start3A_798 : memref<1x64xi32, #tpu.memory_space<vmem>> -> memref<64xi32, #tpu.memory_space<vmem>>
    %dma_start3A_800 = arith.constant 0 : i32
    %dma_start3A_801 = arith.constant 0 : i32
    %dma_start3A_802 = tpu.memref_slice %arg3[%dma_start3A_800, %dma_start3A_801] : memref<1000000x64xf32, #tpu.memory_space<hbm>> -> memref<1000000x64xf32, #tpu.memory_space<hbm>>
    tpu.enqueue_indirect_dma source(%dma_start3A_802 : memref<1000000x64xf32, #tpu.memory_space<hbm>>) target(%arg13 : memref<64x64xf32, #tpu.memory_space<vmem>>) offsets(%dma_start3A_799 : memref<64xi32, #tpu.memory_space<vmem>>) semaphore(%arg24 : memref<!tpu.dma_semaphore, #tpu.memory_space<semaphore_mem>>)
    %dma_start3A_803 = arith.constant 2 : i32
    %dma_start3A_804 = arith.constant 384 : i32
    %dma_start3A_805 = tpu.memref_slice %arg11[%dma_start3A_803, %dma_start3A_804] : memref<6x512xi32, #tpu.memory_space<vmem>> -> memref<1x64xi32, #tpu.memory_space<vmem>>
    %dma_start3A_806 = tpu.memref_squeeze %dma_start3A_805 : memref<1x64xi32, #tpu.memory_space<vmem>> -> memref<64xi32, #tpu.memory_space<vmem>>
    %dma_start3A_807 = arith.constant 0 : i32
    %dma_start3A_808 = arith.constant 0 : i32
    %dma_start3A_809 = tpu.memref_slice %arg4[%dma_start3A_807, %dma_start3A_808] : memref<1000x64xf32, #tpu.memory_space<hbm>> -> memref<1000x64xf32, #tpu.memory_space<hbm>>
    tpu.enqueue_indirect_dma source(%dma_start3A_809 : memref<1000x64xf32, #tpu.memory_space<hbm>>) target(%arg14 : memref<64x64xf32, #tpu.memory_space<vmem>>) offsets(%dma_start3A_806 : memref<64xi32, #tpu.memory_space<vmem>>) semaphore(%arg24 : memref<!tpu.dma_semaphore, #tpu.memory_space<semaphore_mem>>)
    %dma_start3A_810 = arith.constant 3 : i32
    %dma_start3A_811 = arith.constant 384 : i32
    %dma_start3A_812 = tpu.memref_slice %arg11[%dma_start3A_810, %dma_start3A_811] : memref<6x512xi32, #tpu.memory_space<vmem>> -> memref<1x64xi32, #tpu.memory_space<vmem>>
    %dma_start3A_813 = tpu.memref_squeeze %dma_start3A_812 : memref<1x64xi32, #tpu.memory_space<vmem>> -> memref<64xi32, #tpu.memory_space<vmem>>
    %dma_start3A_814 = arith.constant 0 : i32
    %dma_start3A_815 = arith.constant 0 : i32
    %dma_start3A_816 = tpu.memref_slice %arg3[%dma_start3A_814, %dma_start3A_815] : memref<1000000x64xf32, #tpu.memory_space<hbm>> -> memref<1000000x64xf32, #tpu.memory_space<hbm>>
    tpu.enqueue_indirect_dma source(%dma_start3A_816 : memref<1000000x64xf32, #tpu.memory_space<hbm>>) target(%arg15 : memref<64x64xf32, #tpu.memory_space<vmem>>) offsets(%dma_start3A_813 : memref<64xi32, #tpu.memory_space<vmem>>) semaphore(%arg24 : memref<!tpu.dma_semaphore, #tpu.memory_space<semaphore_mem>>)
    %dma_start3A_817 = arith.constant 4 : i32
    %dma_start3A_818 = arith.constant 384 : i32
    %dma_start3A_819 = tpu.memref_slice %arg11[%dma_start3A_817, %dma_start3A_818] : memref<6x512xi32, #tpu.memory_space<vmem>> -> memref<1x64xi32, #tpu.memory_space<vmem>>
    %dma_start3A_820 = tpu.memref_squeeze %dma_start3A_819 : memref<1x64xi32, #tpu.memory_space<vmem>> -> memref<64xi32, #tpu.memory_space<vmem>>
    %dma_start3A_821 = arith.constant 0 : i32
    %dma_start3A_822 = arith.constant 0 : i32
    %dma_start3A_823 = tpu.memref_slice %arg3[%dma_start3A_821, %dma_start3A_822] : memref<1000000x64xf32, #tpu.memory_space<hbm>> -> memref<1000000x64xf32, #tpu.memory_space<hbm>>
    tpu.enqueue_indirect_dma source(%dma_start3A_823 : memref<1000000x64xf32, #tpu.memory_space<hbm>>) target(%arg16 : memref<64x64xf32, #tpu.memory_space<vmem>>) offsets(%dma_start3A_820 : memref<64xi32, #tpu.memory_space<vmem>>) semaphore(%arg24 : memref<!tpu.dma_semaphore, #tpu.memory_space<semaphore_mem>>)
    %dma_start3A_824 = arith.constant 5 : i32
    %dma_start3A_825 = arith.constant 384 : i32
    %dma_start3A_826 = tpu.memref_slice %arg11[%dma_start3A_824, %dma_start3A_825] : memref<6x512xi32, #tpu.memory_space<vmem>> -> memref<1x64xi32, #tpu.memory_space<vmem>>
    %dma_start3A_827 = tpu.memref_squeeze %dma_start3A_826 : memref<1x64xi32, #tpu.memory_space<vmem>> -> memref<64xi32, #tpu.memory_space<vmem>>
    %dma_start3A_828 = arith.constant 0 : i32
    %dma_start3A_829 = arith.constant 0 : i32
    %dma_start3A_830 = tpu.memref_slice %arg4[%dma_start3A_828, %dma_start3A_829] : memref<1000x64xf32, #tpu.memory_space<hbm>> -> memref<1000x64xf32, #tpu.memory_space<hbm>>
    tpu.enqueue_indirect_dma source(%dma_start3A_830 : memref<1000x64xf32, #tpu.memory_space<hbm>>) target(%arg17 : memref<64x64xf32, #tpu.memory_space<vmem>>) offsets(%dma_start3A_827 : memref<64xi32, #tpu.memory_space<vmem>>) semaphore(%arg24 : memref<!tpu.dma_semaphore, #tpu.memory_space<semaphore_mem>>)
    %scan3A_831 = arith.constant 0 : i32
    %scan3A_832 = arith.constant 64 : i32
    %scan3A_833 = arith.addi %scan3A_831, %scan3A_832 : i32
    %scan3A_834 = arith.constant 1 : i32
    scf.for %scan3A_1128 = %scan3A_831 to %scan3A_833 step %scan3A_834  : i32 {
      %get3A = arith.index_cast %scan3A_1128 : i32 to index
      %get3A_1129 = arith.constant 0 : index
      %get3A_1130 = tpu.vector_load %arg18[%get3A, %get3A_1129] {strides = array<i32>} : memref<64x64xf32, #tpu.memory_space<vmem>>, vector<1x16xf32>,
      %get3A_1131 = vector.shape_cast %get3A_1130 : vector<1x16xf32> to vector<16xf32>
      %get3A_1132 = arith.index_cast %scan3A_1128 : i32 to index
      %get3A_1133 = arith.constant 0 : index
      %get3A_1134 = tpu.vector_load %arg20[%get3A_1132, %get3A_1133] {strides = array<i32>} : memref<64x64xf32, #tpu.memory_space<vmem>>, vector<1x16xf32>,
      %get3A_1135 = vector.shape_cast %get3A_1134 : vector<1x16xf32> to vector<16xf32>
      %add3A_1136 = arith.addf %get3A_1131, %get3A_1135 : vector<16xf32>
      %get3A_1137 = arith.index_cast %scan3A_1128 : i32 to index
      %get3A_1138 = arith.constant 0 : index
      %get3A_1139 = tpu.vector_load %arg19[%get3A_1137, %get3A_1138] {strides = array<i32>} : memref<64x64xf32, #tpu.memory_space<vmem>>, vector<1x16xf32>,
      %get3A_1140 = vector.shape_cast %get3A_1139 : vector<1x16xf32> to vector<16xf32>
      %sub3A = arith.subf %add3A_1136, %get3A_1140 : vector<16xf32>
      %swap3A = arith.index_cast %scan3A_1128 : i32 to index
      %swap3A_1141 = arith.constant 0 : index
      %swap3A_1142 = tpu.vector_load %arg20[%swap3A, %swap3A_1141] {strides = array<i32>} : memref<64x64xf32, #tpu.memory_space<vmem>>, vector<1x16xf32>,
      %swap3A_1143 = vector.shape_cast %swap3A_1142 : vector<1x16xf32> to vector<16xf32>
      %swap3A_1144 = vector.shape_cast %sub3A : vector<16xf32> to vector<1x16xf32>
      tpu.vector_store %arg20[%swap3A, %swap3A_1141], %swap3A_1144 {strides = array<i32>} : memref<64x64xf32, #tpu.memory_space<vmem>>, vector<1x16xf32>,
      %get3A_1145 = arith.index_cast %scan3A_1128 : i32 to index
      %get3A_1146 = arith.constant 0 : index
      %get3A_1147 = tpu.vector_load %arg21[%get3A_1145, %get3A_1146] {strides = array<i32>} : memref<64x64xf32, #tpu.memory_space<vmem>>, vector<1x16xf32>,
      %get3A_1148 = vector.shape_cast %get3A_1147 : vector<1x16xf32> to vector<16xf32>
      %get3A_1149 = arith.index_cast %scan3A_1128 : i32 to index
      %get3A_1150 = arith.constant 0 : index
      %get3A_1151 = tpu.vector_load %arg23[%get3A_1149, %get3A_1150] {strides = array<i32>} : memref<64x64xf32, #tpu.memory_space<vmem>>, vector<1x16xf32>,
      %get3A_1152 = vector.shape_cast %get3A_1151 : vector<1x16xf32> to vector<16xf32>
      %add3A_1153 = arith.addf %get3A_1148, %get3A_1152 : vector<16xf32>
      %get3A_1154 = arith.index_cast %scan3A_1128 : i32 to index
      %get3A_1155 = arith.constant 0 : index
      %get3A_1156 = tpu.vector_load %arg22[%get3A_1154, %get3A_1155] {strides = array<i32>} : memref<64x64xf32, #tpu.memory_space<vmem>>, vector<1x16xf32>,
      %get3A_1157 = vector.shape_cast %get3A_1156 : vector<1x16xf32> to vector<16xf32>
      %sub3A_1158 = arith.subf %add3A_1153, %get3A_1157 : vector<16xf32>
      %swap3A_1159 = arith.index_cast %scan3A_1128 : i32 to index
      %swap3A_1160 = arith.constant 0 : index
      %swap3A_1161 = tpu.vector_load %arg23[%swap3A_1159, %swap3A_1160] {strides = array<i32>} : memref<64x64xf32, #tpu.memory_space<vmem>>, vector<1x16xf32>,
      %swap3A_1162 = vector.shape_cast %swap3A_1161 : vector<1x16xf32> to vector<16xf32>
      %swap3A_1163 = vector.shape_cast %sub3A_1158 : vector<16xf32> to vector<1x16xf32>
      tpu.vector_store %arg23[%swap3A_1159, %swap3A_1160], %swap3A_1163 {strides = array<i32>} : memref<64x64xf32, #tpu.memory_space<vmem>>, vector<1x16xf32>,
      %get3A_1164 = arith.index_cast %scan3A_1128 : i32 to index
      %get3A_1165 = arith.constant 16 : index
      %get3A_1166 = tpu.vector_load %arg18[%get3A_1164, %get3A_1165] {strides = array<i32>} : memref<64x64xf32, #tpu.memory_space<vmem>>, vector<1x16xf32>,
      %get3A_1167 = vector.shape_cast %get3A_1166 : vector<1x16xf32> to vector<16xf32>
      %get3A_1168 = arith.index_cast %scan3A_1128 : i32 to index
      %get3A_1169 = arith.constant 16 : index
      %get3A_1170 = tpu.vector_load %arg20[%get3A_1168, %get3A_1169] {strides = array<i32>} : memref<64x64xf32, #tpu.memory_space<vmem>>, vector<1x16xf32>,
      %get3A_1171 = vector.shape_cast %get3A_1170 : vector<1x16xf32> to vector<16xf32>
      %add3A_1172 = arith.addf %get3A_1167, %get3A_1171 : vector<16xf32>
      %get3A_1173 = arith.index_cast %scan3A_1128 : i32 to index
      %get3A_1174 = arith.constant 16 : index
      %get3A_1175 = tpu.vector_load %arg19[%get3A_1173, %get3A_1174] {strides = array<i32>} : memref<64x64xf32, #tpu.memory_space<vmem>>, vector<1x16xf32>,
      %get3A_1176 = vector.shape_cast %get3A_1175 : vector<1x16xf32> to vector<16xf32>
      %sub3A_1177 = arith.subf %add3A_1172, %get3A_1176 : vector<16xf32>
      %swap3A_1178 = arith.index_cast %scan3A_1128 : i32 to index
      %swap3A_1179 = arith.constant 16 : index
      %swap3A_1180 = tpu.vector_load %arg20[%swap3A_1178, %swap3A_1179] {strides = array<i32>} : memref<64x64xf32, #tpu.memory_space<vmem>>, vector<1x16xf32>,
      %swap3A_1181 = vector.shape_cast %swap3A_1180 : vector<1x16xf32> to vector<16xf32>
      %swap3A_1182 = vector.shape_cast %sub3A_1177 : vector<16xf32> to vector<1x16xf32>
      tpu.vector_store %arg20[%swap3A_1178, %swap3A_1179], %swap3A_1182 {strides = array<i32>} : memref<64x64xf32, #tpu.memory_space<vmem>>, vector<1x16xf32>,
      %get3A_1183 = arith.index_cast %scan3A_1128 : i32 to index
      %get3A_1184 = arith.constant 16 : index
      %get3A_1185 = tpu.vector_load %arg21[%get3A_1183, %get3A_1184] {strides = array<i32>} : memref<64x64xf32, #tpu.memory_space<vmem>>, vector<1x16xf32>,
      %get3A_1186 = vector.shape_cast %get3A_1185 : vector<1x16xf32> to vector<16xf32>
      %get3A_1187 = arith.index_cast %scan3A_1128 : i32 to index
      %get3A_1188 = arith.constant 16 : index
      %get3A_1189 = tpu.vector_load %arg23[%get3A_1187, %get3A_1188] {strides = array<i32>} : memref<64x64xf32, #tpu.memory_space<vmem>>, vector<1x16xf32>,
      %get3A_1190 = vector.shape_cast %get3A_1189 : vector<1x16xf32> to vector<16xf32>
      %add3A_1191 = arith.addf %get3A_1186, %get3A_1190 : vector<16xf32>
      %get3A_1192 = arith.index_cast %scan3A_1128 : i32 to index
      %get3A_1193 = arith.constant 16 : index
      %get3A_1194 = tpu.vector_load %arg22[%get3A_1192, %get3A_1193] {strides = array<i32>} : memref<64x64xf32, #tpu.memory_space<vmem>>, vector<1x16xf32>,
      %get3A_1195 = vector.shape_cast %get3A_1194 : vector<1x16xf32> to vector<16xf32>
      %sub3A_1196 = arith.subf %add3A_1191, %get3A_1195 : vector<16xf32>
      %swap3A_1197 = arith.index_cast %scan3A_1128 : i32 to index
      %swap3A_1198 = arith.constant 16 : index
      %swap3A_1199 = tpu.vector_load %arg23[%swap3A_1197, %swap3A_1198] {strides = array<i32>} : memref<64x64xf32, #tpu.memory_space<vmem>>, vector<1x16xf32>,
      %swap3A_1200 = vector.shape_cast %swap3A_1199 : vector<1x16xf32> to vector<16xf32>
      %swap3A_1201 = vector.shape_cast %sub3A_1196 : vector<16xf32> to vector<1x16xf32>
      tpu.vector_store %arg23[%swap3A_1197, %swap3A_1198], %swap3A_1201 {strides = array<i32>} : memref<64x64xf32, #tpu.memory_space<vmem>>, vector<1x16xf32>,
      %get3A_1202 = arith.index_cast %scan3A_1128 : i32 to index
      %get3A_1203 = arith.constant 32 : index
      %get3A_1204 = tpu.vector_load %arg18[%get3A_1202, %get3A_1203] {strides = array<i32>} : memref<64x64xf32, #tpu.memory_space<vmem>>, vector<1x16xf32>,
      %get3A_1205 = vector.shape_cast %get3A_1204 : vector<1x16xf32> to vector<16xf32>
      %get3A_1206 = arith.index_cast %scan3A_1128 : i32 to index
      %get3A_1207 = arith.constant 32 : index
      %get3A_1208 = tpu.vector_load %arg20[%get3A_1206, %get3A_1207] {strides = array<i32>} : memref<64x64xf32, #tpu.memory_space<vmem>>, vector<1x16xf32>,
      %get3A_1209 = vector.shape_cast %get3A_1208 : vector<1x16xf32> to vector<16xf32>
      %add3A_1210 = arith.addf %get3A_1205, %get3A_1209 : vector<16xf32>
      %get3A_1211 = arith.index_cast %scan3A_1128 : i32 to index
      %get3A_1212 = arith.constant 32 : index
      %get3A_1213 = tpu.vector_load %arg19[%get3A_1211, %get3A_1212] {strides = array<i32>} : memref<64x64xf32, #tpu.memory_space<vmem>>, vector<1x16xf32>,
      %get3A_1214 = vector.shape_cast %get3A_1213 : vector<1x16xf32> to vector<16xf32>
      %sub3A_1215 = arith.subf %add3A_1210, %get3A_1214 : vector<16xf32>
      %swap3A_1216 = arith.index_cast %scan3A_1128 : i32 to index
      %swap3A_1217 = arith.constant 32 : index
      %swap3A_1218 = tpu.vector_load %arg20[%swap3A_1216, %swap3A_1217] {strides = array<i32>} : memref<64x64xf32, #tpu.memory_space<vmem>>, vector<1x16xf32>,
      %swap3A_1219 = vector.shape_cast %swap3A_1218 : vector<1x16xf32> to vector<16xf32>
      %swap3A_1220 = vector.shape_cast %sub3A_1215 : vector<16xf32> to vector<1x16xf32>
      tpu.vector_store %arg20[%swap3A_1216, %swap3A_1217], %swap3A_1220 {strides = array<i32>} : memref<64x64xf32, #tpu.memory_space<vmem>>, vector<1x16xf32>,
      %get3A_1221 = arith.index_cast %scan3A_1128 : i32 to index
      %get3A_1222 = arith.constant 32 : index
      %get3A_1223 = tpu.vector_load %arg21[%get3A_1221, %get3A_1222] {strides = array<i32>} : memref<64x64xf32, #tpu.memory_space<vmem>>, vector<1x16xf32>,
      %get3A_1224 = vector.shape_cast %get3A_1223 : vector<1x16xf32> to vector<16xf32>
      %get3A_1225 = arith.index_cast %scan3A_1128 : i32 to index
      %get3A_1226 = arith.constant 32 : index
      %get3A_1227 = tpu.vector_load %arg23[%get3A_1225, %get3A_1226] {strides = array<i32>} : memref<64x64xf32, #tpu.memory_space<vmem>>, vector<1x16xf32>,
      %get3A_1228 = vector.shape_cast %get3A_1227 : vector<1x16xf32> to vector<16xf32>
      %add3A_1229 = arith.addf %get3A_1224, %get3A_1228 : vector<16xf32>
      %get3A_1230 = arith.index_cast %scan3A_1128 : i32 to index
      %get3A_1231 = arith.constant 32 : index
      %get3A_1232 = tpu.vector_load %arg22[%get3A_1230, %get3A_1231] {strides = array<i32>} : memref<64x64xf32, #tpu.memory_space<vmem>>, vector<1x16xf32>,
      %get3A_1233 = vector.shape_cast %get3A_1232 : vector<1x16xf32> to vector<16xf32>
      %sub3A_1234 = arith.subf %add3A_1229, %get3A_1233 : vector<16xf32>
      %swap3A_1235 = arith.index_cast %scan3A_1128 : i32 to index
      %swap3A_1236 = arith.constant 32 : index
      %swap3A_1237 = tpu.vector_load %arg23[%swap3A_1235, %swap3A_1236] {strides = array<i32>} : memref<64x64xf32, #tpu.memory_space<vmem>>, vector<1x16xf32>,
      %swap3A_1238 = vector.shape_cast %swap3A_1237 : vector<1x16xf32> to vector<16xf32>
      %swap3A_1239 = vector.shape_cast %sub3A_1234 : vector<16xf32> to vector<1x16xf32>
      tpu.vector_store %arg23[%swap3A_1235, %swap3A_1236], %swap3A_1239 {strides = array<i32>} : memref<64x64xf32, #tpu.memory_space<vmem>>, vector<1x16xf32>,
      %get3A_1240 = arith.index_cast %scan3A_1128 : i32 to index
      %get3A_1241 = arith.constant 48 : index
      %get3A_1242 = tpu.vector_load %arg18[%get3A_1240, %get3A_1241] {strides = array<i32>} : memref<64x64xf32, #tpu.memory_space<vmem>>, vector<1x16xf32>,
      %get3A_1243 = vector.shape_cast %get3A_1242 : vector<1x16xf32> to vector<16xf32>
      %get3A_1244 = arith.index_cast %scan3A_1128 : i32 to index
      %get3A_1245 = arith.constant 48 : index
      %get3A_1246 = tpu.vector_load %arg20[%get3A_1244, %get3A_1245] {strides = array<i32>} : memref<64x64xf32, #tpu.memory_space<vmem>>, vector<1x16xf32>,
      %get3A_1247 = vector.shape_cast %get3A_1246 : vector<1x16xf32> to vector<16xf32>
      %add3A_1248 = arith.addf %get3A_1243, %get3A_1247 : vector<16xf32>
      %get3A_1249 = arith.index_cast %scan3A_1128 : i32 to index
      %get3A_1250 = arith.constant 48 : index
      %get3A_1251 = tpu.vector_load %arg19[%get3A_1249, %get3A_1250] {strides = array<i32>} : memref<64x64xf32, #tpu.memory_space<vmem>>, vector<1x16xf32>,
      %get3A_1252 = vector.shape_cast %get3A_1251 : vector<1x16xf32> to vector<16xf32>
      %sub3A_1253 = arith.subf %add3A_1248, %get3A_1252 : vector<16xf32>
      %swap3A_1254 = arith.index_cast %scan3A_1128 : i32 to index
      %swap3A_1255 = arith.constant 48 : index
      %swap3A_1256 = tpu.vector_load %arg20[%swap3A_1254, %swap3A_1255] {strides = array<i32>} : memref<64x64xf32, #tpu.memory_space<vmem>>, vector<1x16xf32>,
      %swap3A_1257 = vector.shape_cast %swap3A_1256 : vector<1x16xf32> to vector<16xf32>
      %swap3A_1258 = vector.shape_cast %sub3A_1253 : vector<16xf32> to vector<1x16xf32>
      tpu.vector_store %arg20[%swap3A_1254, %swap3A_1255], %swap3A_1258 {strides = array<i32>} : memref<64x64xf32, #tpu.memory_space<vmem>>, vector<1x16xf32>,
      %get3A_1259 = arith.index_cast %scan3A_1128 : i32 to index
      %get3A_1260 = arith.constant 48 : index
      %get3A_1261 = tpu.vector_load %arg21[%get3A_1259, %get3A_1260] {strides = array<i32>} : memref<64x64xf32, #tpu.memory_space<vmem>>, vector<1x16xf32>,
      %get3A_1262 = vector.shape_cast %get3A_1261 : vector<1x16xf32> to vector<16xf32>
      %get3A_1263 = arith.index_cast %scan3A_1128 : i32 to index
      %get3A_1264 = arith.constant 48 : index
      %get3A_1265 = tpu.vector_load %arg23[%get3A_1263, %get3A_1264] {strides = array<i32>} : memref<64x64xf32, #tpu.memory_space<vmem>>, vector<1x16xf32>,
      %get3A_1266 = vector.shape_cast %get3A_1265 : vector<1x16xf32> to vector<16xf32>
      %add3A_1267 = arith.addf %get3A_1262, %get3A_1266 : vector<16xf32>
      %get3A_1268 = arith.index_cast %scan3A_1128 : i32 to index
      %get3A_1269 = arith.constant 48 : index
      %get3A_1270 = tpu.vector_load %arg22[%get3A_1268, %get3A_1269] {strides = array<i32>} : memref<64x64xf32, #tpu.memory_space<vmem>>, vector<1x16xf32>,
      %get3A_1271 = vector.shape_cast %get3A_1270 : vector<1x16xf32> to vector<16xf32>
      %sub3A_1272 = arith.subf %add3A_1267, %get3A_1271 : vector<16xf32>
      %swap3A_1273 = arith.index_cast %scan3A_1128 : i32 to index
      %swap3A_1274 = arith.constant 48 : index
      %swap3A_1275 = tpu.vector_load %arg23[%swap3A_1273, %swap3A_1274] {strides = array<i32>} : memref<64x64xf32, #tpu.memory_space<vmem>>, vector<1x16xf32>,
      %swap3A_1276 = vector.shape_cast %swap3A_1275 : vector<1x16xf32> to vector<16xf32>
      %swap3A_1277 = vector.shape_cast %sub3A_1272 : vector<16xf32> to vector<1x16xf32>
      tpu.vector_store %arg23[%swap3A_1273, %swap3A_1274], %swap3A_1277 {strides = array<i32>} : memref<64x64xf32, #tpu.memory_space<vmem>>, vector<1x16xf32>,
    }
    %scan3A_835 = arith.constant 64 : i32
    %mul3A_836 = arith.constant 512 : i32
    %mul3A_837 = arith.muli %add3A, %mul3A_836 : i32
    %add3A_838 = arith.constant 320 : i32
    %add3A_839 = arith.addi %mul3A_837, %add3A_838 : i32
    %dma_start3A_840 = arith.constant 0 : i32
    %dma_start3A_841 = tpu.memref_slice %arg7[%add3A_839, %dma_start3A_840] : memref<16384x64xf32, #tpu.memory_space<hbm>> -> memref<64x64xf32, #tpu.memory_space<hbm>>
    %dma_start3A_842 = arith.constant 0 : i32
    %dma_start3A_843 = tpu.memref_slice %arg7[%add3A_839, %dma_start3A_842] : memref<16384x64xf32, #tpu.memory_space<hbm>> -> memref<64x64xf32, #tpu.memory_space<hbm>>
    tpu.enqueue_dma source(%arg18 : memref<64x64xf32, #tpu.memory_space<vmem>>) target(%dma_start3A_843 : memref<64x64xf32, #tpu.memory_space<hbm>>) target_semaphore(%arg25 : memref<!tpu.dma_semaphore, #tpu.memory_space<semaphore_mem>>)
    %dma_start3A_844 = arith.constant 0 : i32
    %dma_start3A_845 = tpu.memref_slice %arg8[%add3A_839, %dma_start3A_844] : memref<16384x64xf32, #tpu.memory_space<hbm>> -> memref<64x64xf32, #tpu.memory_space<hbm>>
    %dma_start3A_846 = arith.constant 0 : i32
    %dma_start3A_847 = tpu.memref_slice %arg8[%add3A_839, %dma_start3A_846] : memref<16384x64xf32, #tpu.memory_space<hbm>> -> memref<64x64xf32, #tpu.memory_space<hbm>>
    tpu.enqueue_dma source(%arg19 : memref<64x64xf32, #tpu.memory_space<vmem>>) target(%dma_start3A_847 : memref<64x64xf32, #tpu.memory_space<hbm>>) target_semaphore(%arg25 : memref<!tpu.dma_semaphore, #tpu.memory_space<semaphore_mem>>)
    %dma_start3A_848 = arith.constant 0 : i32
    %dma_start3A_849 = tpu.memref_slice %arg5[%add3A_839, %dma_start3A_848] : memref<16384x64xf32, #tpu.memory_space<hbm>> -> memref<64x64xf32, #tpu.memory_space<hbm>>
    %dma_start3A_850 = arith.constant 0 : i32
    %dma_start3A_851 = tpu.memref_slice %arg5[%add3A_839, %dma_start3A_850] : memref<16384x64xf32, #tpu.memory_space<hbm>> -> memref<64x64xf32, #tpu.memory_space<hbm>>
    tpu.enqueue_dma source(%arg20 : memref<64x64xf32, #tpu.memory_space<vmem>>) target(%dma_start3A_851 : memref<64x64xf32, #tpu.memory_space<hbm>>) target_semaphore(%arg25 : memref<!tpu.dma_semaphore, #tpu.memory_space<semaphore_mem>>)
    %dma_start3A_852 = arith.constant 0 : i32
    %dma_start3A_853 = tpu.memref_slice %arg9[%add3A_839, %dma_start3A_852] : memref<16384x64xf32, #tpu.memory_space<hbm>> -> memref<64x64xf32, #tpu.memory_space<hbm>>
    %dma_start3A_854 = arith.constant 0 : i32
    %dma_start3A_855 = tpu.memref_slice %arg9[%add3A_839, %dma_start3A_854] : memref<16384x64xf32, #tpu.memory_space<hbm>> -> memref<64x64xf32, #tpu.memory_space<hbm>>
    tpu.enqueue_dma source(%arg21 : memref<64x64xf32, #tpu.memory_space<vmem>>) target(%dma_start3A_855 : memref<64x64xf32, #tpu.memory_space<hbm>>) target_semaphore(%arg25 : memref<!tpu.dma_semaphore, #tpu.memory_space<semaphore_mem>>)
    %dma_start3A_856 = arith.constant 0 : i32
    %dma_start3A_857 = tpu.memref_slice %arg10[%add3A_839, %dma_start3A_856] : memref<16384x64xf32, #tpu.memory_space<hbm>> -> memref<64x64xf32, #tpu.memory_space<hbm>>
    %dma_start3A_858 = arith.constant 0 : i32
    %dma_start3A_859 = tpu.memref_slice %arg10[%add3A_839, %dma_start3A_858] : memref<16384x64xf32, #tpu.memory_space<hbm>> -> memref<64x64xf32, #tpu.memory_space<hbm>>
    tpu.enqueue_dma source(%arg22 : memref<64x64xf32, #tpu.memory_space<vmem>>) target(%dma_start3A_859 : memref<64x64xf32, #tpu.memory_space<hbm>>) target_semaphore(%arg25 : memref<!tpu.dma_semaphore, #tpu.memory_space<semaphore_mem>>)
    %dma_start3A_860 = arith.constant 0 : i32
    %dma_start3A_861 = tpu.memref_slice %arg6[%add3A_839, %dma_start3A_860] : memref<16384x64xf32, #tpu.memory_space<hbm>> -> memref<64x64xf32, #tpu.memory_space<hbm>>
    %dma_start3A_862 = arith.constant 0 : i32
    %dma_start3A_863 = tpu.memref_slice %arg6[%add3A_839, %dma_start3A_862] : memref<16384x64xf32, #tpu.memory_space<hbm>> -> memref<64x64xf32, #tpu.memory_space<hbm>>
    tpu.enqueue_dma source(%arg23 : memref<64x64xf32, #tpu.memory_space<vmem>>) target(%dma_start3A_863 : memref<64x64xf32, #tpu.memory_space<hbm>>) target_semaphore(%arg25 : memref<!tpu.dma_semaphore, #tpu.memory_space<semaphore_mem>>)
    %dma_wait3A_864 = arith.constant 0 : i32
    %dma_wait3A_865 = arith.constant 384 : i32
    %dma_wait3A_866 = tpu.memref_slice %arg11[%dma_wait3A_864, %dma_wait3A_865] : memref<6x512xi32, #tpu.memory_space<vmem>> -> memref<1x64xi32, #tpu.memory_space<vmem>>
    %dma_wait3A_867 = tpu.memref_squeeze %dma_wait3A_866 : memref<1x64xi32, #tpu.memory_space<vmem>> -> memref<64xi32, #tpu.memory_space<vmem>>
    %dma_wait3A_868 = arith.constant 0 : i32
    %dma_wait3A_869 = arith.constant 0 : i32
    %dma_wait3A_870 = tpu.memref_slice %arg3[%dma_wait3A_868, %dma_wait3A_869] : memref<1000000x64xf32, #tpu.memory_space<hbm>> -> memref<1000000x64xf32, #tpu.memory_space<hbm>>
    tpu.wait_indirect_dma semaphore(%arg24 : memref<!tpu.dma_semaphore, #tpu.memory_space<semaphore_mem>>) src(%dma_wait3A_870 : memref<1000000x64xf32, #tpu.memory_space<hbm>>) dst(%arg12 : memref<64x64xf32, #tpu.memory_space<vmem>>)
    %dma_wait3A_871 = arith.constant 1 : i32
    %dma_wait3A_872 = arith.constant 384 : i32
    %dma_wait3A_873 = tpu.memref_slice %arg11[%dma_wait3A_871, %dma_wait3A_872] : memref<6x512xi32, #tpu.memory_space<vmem>> -> memref<1x64xi32, #tpu.memory_space<vmem>>
    %dma_wait3A_874 = tpu.memref_squeeze %dma_wait3A_873 : memref<1x64xi32, #tpu.memory_space<vmem>> -> memref<64xi32, #tpu.memory_space<vmem>>
    %dma_wait3A_875 = arith.constant 0 : i32
    %dma_wait3A_876 = arith.constant 0 : i32
    %dma_wait3A_877 = tpu.memref_slice %arg3[%dma_wait3A_875, %dma_wait3A_876] : memref<1000000x64xf32, #tpu.memory_space<hbm>> -> memref<1000000x64xf32, #tpu.memory_space<hbm>>
    tpu.wait_indirect_dma semaphore(%arg24 : memref<!tpu.dma_semaphore, #tpu.memory_space<semaphore_mem>>) src(%dma_wait3A_877 : memref<1000000x64xf32, #tpu.memory_space<hbm>>) dst(%arg13 : memref<64x64xf32, #tpu.memory_space<vmem>>)
    %dma_wait3A_878 = arith.constant 2 : i32
    %dma_wait3A_879 = arith.constant 384 : i32
    %dma_wait3A_880 = tpu.memref_slice %arg11[%dma_wait3A_878, %dma_wait3A_879] : memref<6x512xi32, #tpu.memory_space<vmem>> -> memref<1x64xi32, #tpu.memory_space<vmem>>
    %dma_wait3A_881 = tpu.memref_squeeze %dma_wait3A_880 : memref<1x64xi32, #tpu.memory_space<vmem>> -> memref<64xi32, #tpu.memory_space<vmem>>
    %dma_wait3A_882 = arith.constant 0 : i32
    %dma_wait3A_883 = arith.constant 0 : i32
    %dma_wait3A_884 = tpu.memref_slice %arg4[%dma_wait3A_882, %dma_wait3A_883] : memref<1000x64xf32, #tpu.memory_space<hbm>> -> memref<1000x64xf32, #tpu.memory_space<hbm>>
    tpu.wait_indirect_dma semaphore(%arg24 : memref<!tpu.dma_semaphore, #tpu.memory_space<semaphore_mem>>) src(%dma_wait3A_884 : memref<1000x64xf32, #tpu.memory_space<hbm>>) dst(%arg14 : memref<64x64xf32, #tpu.memory_space<vmem>>)
    %dma_wait3A_885 = arith.constant 3 : i32
    %dma_wait3A_886 = arith.constant 384 : i32
    %dma_wait3A_887 = tpu.memref_slice %arg11[%dma_wait3A_885, %dma_wait3A_886] : memref<6x512xi32, #tpu.memory_space<vmem>> -> memref<1x64xi32, #tpu.memory_space<vmem>>
    %dma_wait3A_888 = tpu.memref_squeeze %dma_wait3A_887 : memref<1x64xi32, #tpu.memory_space<vmem>> -> memref<64xi32, #tpu.memory_space<vmem>>
    %dma_wait3A_889 = arith.constant 0 : i32
    %dma_wait3A_890 = arith.constant 0 : i32
    %dma_wait3A_891 = tpu.memref_slice %arg3[%dma_wait3A_889, %dma_wait3A_890] : memref<1000000x64xf32, #tpu.memory_space<hbm>> -> memref<1000000x64xf32, #tpu.memory_space<hbm>>
    tpu.wait_indirect_dma semaphore(%arg24 : memref<!tpu.dma_semaphore, #tpu.memory_space<semaphore_mem>>) src(%dma_wait3A_891 : memref<1000000x64xf32, #tpu.memory_space<hbm>>) dst(%arg15 : memref<64x64xf32, #tpu.memory_space<vmem>>)
    %dma_wait3A_892 = arith.constant 4 : i32
    %dma_wait3A_893 = arith.constant 384 : i32
    %dma_wait3A_894 = tpu.memref_slice %arg11[%dma_wait3A_892, %dma_wait3A_893] : memref<6x512xi32, #tpu.memory_space<vmem>> -> memref<1x64xi32, #tpu.memory_space<vmem>>
    %dma_wait3A_895 = tpu.memref_squeeze %dma_wait3A_894 : memref<1x64xi32, #tpu.memory_space<vmem>> -> memref<64xi32, #tpu.memory_space<vmem>>
    %dma_wait3A_896 = arith.constant 0 : i32
    %dma_wait3A_897 = arith.constant 0 : i32
    %dma_wait3A_898 = tpu.memref_slice %arg3[%dma_wait3A_896, %dma_wait3A_897] : memref<1000000x64xf32, #tpu.memory_space<hbm>> -> memref<1000000x64xf32, #tpu.memory_space<hbm>>
    tpu.wait_indirect_dma semaphore(%arg24 : memref<!tpu.dma_semaphore, #tpu.memory_space<semaphore_mem>>) src(%dma_wait3A_898 : memref<1000000x64xf32, #tpu.memory_space<hbm>>) dst(%arg16 : memref<64x64xf32, #tpu.memory_space<vmem>>)
    %dma_wait3A_899 = arith.constant 5 : i32
    %dma_wait3A_900 = arith.constant 384 : i32
    %dma_wait3A_901 = tpu.memref_slice %arg11[%dma_wait3A_899, %dma_wait3A_900] : memref<6x512xi32, #tpu.memory_space<vmem>> -> memref<1x64xi32, #tpu.memory_space<vmem>>
    %dma_wait3A_902 = tpu.memref_squeeze %dma_wait3A_901 : memref<1x64xi32, #tpu.memory_space<vmem>> -> memref<64xi32, #tpu.memory_space<vmem>>
    %dma_wait3A_903 = arith.constant 0 : i32
    %dma_wait3A_904 = arith.constant 0 : i32
    %dma_wait3A_905 = tpu.memref_slice %arg4[%dma_wait3A_903, %dma_wait3A_904] : memref<1000x64xf32, #tpu.memory_space<hbm>> -> memref<1000x64xf32, #tpu.memory_space<hbm>>
    tpu.wait_indirect_dma semaphore(%arg24 : memref<!tpu.dma_semaphore, #tpu.memory_space<semaphore_mem>>) src(%dma_wait3A_905 : memref<1000x64xf32, #tpu.memory_space<hbm>>) dst(%arg17 : memref<64x64xf32, #tpu.memory_space<vmem>>)
    %dma_wait3A_906 = arith.constant 0 : i32
    %dma_wait3A_907 = tpu.memref_slice %arg7[%add3A_839, %dma_wait3A_906] : memref<16384x64xf32, #tpu.memory_space<hbm>> -> memref<64x64xf32, #tpu.memory_space<hbm>>
    %dma_wait3A_908 = arith.constant 0 : i32
    %dma_wait3A_909 = tpu.memref_slice %arg7[%add3A_839, %dma_wait3A_908] : memref<16384x64xf32, #tpu.memory_space<hbm>> -> memref<64x64xf32, #tpu.memory_space<hbm>>
    tpu.wait_dma2 semaphore(%arg25 : memref<!tpu.dma_semaphore, #tpu.memory_space<semaphore_mem>>) src(%arg18 : memref<64x64xf32, #tpu.memory_space<vmem>>) dst(%dma_wait3A_909 : memref<64x64xf32, #tpu.memory_space<hbm>>)
    %dma_wait3A_910 = arith.constant 0 : i32
    %dma_wait3A_911 = tpu.memref_slice %arg8[%add3A_839, %dma_wait3A_910] : memref<16384x64xf32, #tpu.memory_space<hbm>> -> memref<64x64xf32, #tpu.memory_space<hbm>>
    %dma_wait3A_912 = arith.constant 0 : i32
    %dma_wait3A_913 = tpu.memref_slice %arg8[%add3A_839, %dma_wait3A_912] : memref<16384x64xf32, #tpu.memory_space<hbm>> -> memref<64x64xf32, #tpu.memory_space<hbm>>
    tpu.wait_dma2 semaphore(%arg25 : memref<!tpu.dma_semaphore, #tpu.memory_space<semaphore_mem>>) src(%arg19 : memref<64x64xf32, #tpu.memory_space<vmem>>) dst(%dma_wait3A_913 : memref<64x64xf32, #tpu.memory_space<hbm>>)
    %dma_wait3A_914 = arith.constant 0 : i32
    %dma_wait3A_915 = tpu.memref_slice %arg5[%add3A_839, %dma_wait3A_914] : memref<16384x64xf32, #tpu.memory_space<hbm>> -> memref<64x64xf32, #tpu.memory_space<hbm>>
    %dma_wait3A_916 = arith.constant 0 : i32
    %dma_wait3A_917 = tpu.memref_slice %arg5[%add3A_839, %dma_wait3A_916] : memref<16384x64xf32, #tpu.memory_space<hbm>> -> memref<64x64xf32, #tpu.memory_space<hbm>>
    tpu.wait_dma2 semaphore(%arg25 : memref<!tpu.dma_semaphore, #tpu.memory_space<semaphore_mem>>) src(%arg20 : memref<64x64xf32, #tpu.memory_space<vmem>>) dst(%dma_wait3A_917 : memref<64x64xf32, #tpu.memory_space<hbm>>)
    %dma_wait3A_918 = arith.constant 0 : i32
    %dma_wait3A_919 = tpu.memref_slice %arg9[%add3A_839, %dma_wait3A_918] : memref<16384x64xf32, #tpu.memory_space<hbm>> -> memref<64x64xf32, #tpu.memory_space<hbm>>
    %dma_wait3A_920 = arith.constant 0 : i32
    %dma_wait3A_921 = tpu.memref_slice %arg9[%add3A_839, %dma_wait3A_920] : memref<16384x64xf32, #tpu.memory_space<hbm>> -> memref<64x64xf32, #tpu.memory_space<hbm>>
    tpu.wait_dma2 semaphore(%arg25 : memref<!tpu.dma_semaphore, #tpu.memory_space<semaphore_mem>>) src(%arg21 : memref<64x64xf32, #tpu.memory_space<vmem>>) dst(%dma_wait3A_921 : memref<64x64xf32, #tpu.memory_space<hbm>>)
    %dma_wait3A_922 = arith.constant 0 : i32
    %dma_wait3A_923 = tpu.memref_slice %arg10[%add3A_839, %dma_wait3A_922] : memref<16384x64xf32, #tpu.memory_space<hbm>> -> memref<64x64xf32, #tpu.memory_space<hbm>>
    %dma_wait3A_924 = arith.constant 0 : i32
    %dma_wait3A_925 = tpu.memref_slice %arg10[%add3A_839, %dma_wait3A_924] : memref<16384x64xf32, #tpu.memory_space<hbm>> -> memref<64x64xf32, #tpu.memory_space<hbm>>
    tpu.wait_dma2 semaphore(%arg25 : memref<!tpu.dma_semaphore, #tpu.memory_space<semaphore_mem>>) src(%arg22 : memref<64x64xf32, #tpu.memory_space<vmem>>) dst(%dma_wait3A_925 : memref<64x64xf32, #tpu.memory_space<hbm>>)
    %dma_wait3A_926 = arith.constant 0 : i32
    %dma_wait3A_927 = tpu.memref_slice %arg6[%add3A_839, %dma_wait3A_926] : memref<16384x64xf32, #tpu.memory_space<hbm>> -> memref<64x64xf32, #tpu.memory_space<hbm>>
    %dma_wait3A_928 = arith.constant 0 : i32
    %dma_wait3A_929 = tpu.memref_slice %arg6[%add3A_839, %dma_wait3A_928] : memref<16384x64xf32, #tpu.memory_space<hbm>> -> memref<64x64xf32, #tpu.memory_space<hbm>>
    tpu.wait_dma2 semaphore(%arg25 : memref<!tpu.dma_semaphore, #tpu.memory_space<semaphore_mem>>) src(%arg23 : memref<64x64xf32, #tpu.memory_space<vmem>>) dst(%dma_wait3A_929 : memref<64x64xf32, #tpu.memory_space<hbm>>)
    %dma_start3A_930 = arith.constant 0 : i32
    %dma_start3A_931 = arith.constant 448 : i32
    %dma_start3A_932 = tpu.memref_slice %arg11[%dma_start3A_930, %dma_start3A_931] : memref<6x512xi32, #tpu.memory_space<vmem>> -> memref<1x64xi32, #tpu.memory_space<vmem>>
    %dma_start3A_933 = tpu.memref_squeeze %dma_start3A_932 : memref<1x64xi32, #tpu.memory_space<vmem>> -> memref<64xi32, #tpu.memory_space<vmem>>
    %dma_start3A_934 = arith.constant 0 : i32
    %dma_start3A_935 = arith.constant 0 : i32
    %dma_start3A_936 = tpu.memref_slice %arg3[%dma_start3A_934, %dma_start3A_935] : memref<1000000x64xf32, #tpu.memory_space<hbm>> -> memref<1000000x64xf32, #tpu.memory_space<hbm>>
    tpu.enqueue_indirect_dma source(%dma_start3A_936 : memref<1000000x64xf32, #tpu.memory_space<hbm>>) target(%arg18 : memref<64x64xf32, #tpu.memory_space<vmem>>) offsets(%dma_start3A_933 : memref<64xi32, #tpu.memory_space<vmem>>) semaphore(%arg24 : memref<!tpu.dma_semaphore, #tpu.memory_space<semaphore_mem>>)
    %dma_start3A_937 = arith.constant 1 : i32
    %dma_start3A_938 = arith.constant 448 : i32
    %dma_start3A_939 = tpu.memref_slice %arg11[%dma_start3A_937, %dma_start3A_938] : memref<6x512xi32, #tpu.memory_space<vmem>> -> memref<1x64xi32, #tpu.memory_space<vmem>>
    %dma_start3A_940 = tpu.memref_squeeze %dma_start3A_939 : memref<1x64xi32, #tpu.memory_space<vmem>> -> memref<64xi32, #tpu.memory_space<vmem>>
    %dma_start3A_941 = arith.constant 0 : i32
    %dma_start3A_942 = arith.constant 0 : i32
    %dma_start3A_943 = tpu.memref_slice %arg3[%dma_start3A_941, %dma_start3A_942] : memref<1000000x64xf32, #tpu.memory_space<hbm>> -> memref<1000000x64xf32, #tpu.memory_space<hbm>>
    tpu.enqueue_indirect_dma source(%dma_start3A_943 : memref<1000000x64xf32, #tpu.memory_space<hbm>>) target(%arg19 : memref<64x64xf32, #tpu.memory_space<vmem>>) offsets(%dma_start3A_940 : memref<64xi32, #tpu.memory_space<vmem>>) semaphore(%arg24 : memref<!tpu.dma_semaphore, #tpu.memory_space<semaphore_mem>>)
    %dma_start3A_944 = arith.constant 2 : i32
    %dma_start3A_945 = arith.constant 448 : i32
    %dma_start3A_946 = tpu.memref_slice %arg11[%dma_start3A_944, %dma_start3A_945] : memref<6x512xi32, #tpu.memory_space<vmem>> -> memref<1x64xi32, #tpu.memory_space<vmem>>
    %dma_start3A_947 = tpu.memref_squeeze %dma_start3A_946 : memref<1x64xi32, #tpu.memory_space<vmem>> -> memref<64xi32, #tpu.memory_space<vmem>>
    %dma_start3A_948 = arith.constant 0 : i32
    %dma_start3A_949 = arith.constant 0 : i32
    %dma_start3A_950 = tpu.memref_slice %arg4[%dma_start3A_948, %dma_start3A_949] : memref<1000x64xf32, #tpu.memory_space<hbm>> -> memref<1000x64xf32, #tpu.memory_space<hbm>>
    tpu.enqueue_indirect_dma source(%dma_start3A_950 : memref<1000x64xf32, #tpu.memory_space<hbm>>) target(%arg20 : memref<64x64xf32, #tpu.memory_space<vmem>>) offsets(%dma_start3A_947 : memref<64xi32, #tpu.memory_space<vmem>>) semaphore(%arg24 : memref<!tpu.dma_semaphore, #tpu.memory_space<semaphore_mem>>)
    %dma_start3A_951 = arith.constant 3 : i32
    %dma_start3A_952 = arith.constant 448 : i32
    %dma_start3A_953 = tpu.memref_slice %arg11[%dma_start3A_951, %dma_start3A_952] : memref<6x512xi32, #tpu.memory_space<vmem>> -> memref<1x64xi32, #tpu.memory_space<vmem>>
    %dma_start3A_954 = tpu.memref_squeeze %dma_start3A_953 : memref<1x64xi32, #tpu.memory_space<vmem>> -> memref<64xi32, #tpu.memory_space<vmem>>
    %dma_start3A_955 = arith.constant 0 : i32
    %dma_start3A_956 = arith.constant 0 : i32
    %dma_start3A_957 = tpu.memref_slice %arg3[%dma_start3A_955, %dma_start3A_956] : memref<1000000x64xf32, #tpu.memory_space<hbm>> -> memref<1000000x64xf32, #tpu.memory_space<hbm>>
    tpu.enqueue_indirect_dma source(%dma_start3A_957 : memref<1000000x64xf32, #tpu.memory_space<hbm>>) target(%arg21 : memref<64x64xf32, #tpu.memory_space<vmem>>) offsets(%dma_start3A_954 : memref<64xi32, #tpu.memory_space<vmem>>) semaphore(%arg24 : memref<!tpu.dma_semaphore, #tpu.memory_space<semaphore_mem>>)
    %dma_start3A_958 = arith.constant 4 : i32
    %dma_start3A_959 = arith.constant 448 : i32
    %dma_start3A_960 = tpu.memref_slice %arg11[%dma_start3A_958, %dma_start3A_959] : memref<6x512xi32, #tpu.memory_space<vmem>> -> memref<1x64xi32, #tpu.memory_space<vmem>>
    %dma_start3A_961 = tpu.memref_squeeze %dma_start3A_960 : memref<1x64xi32, #tpu.memory_space<vmem>> -> memref<64xi32, #tpu.memory_space<vmem>>
    %dma_start3A_962 = arith.constant 0 : i32
    %dma_start3A_963 = arith.constant 0 : i32
    %dma_start3A_964 = tpu.memref_slice %arg3[%dma_start3A_962, %dma_start3A_963] : memref<1000000x64xf32, #tpu.memory_space<hbm>> -> memref<1000000x64xf32, #tpu.memory_space<hbm>>
    tpu.enqueue_indirect_dma source(%dma_start3A_964 : memref<1000000x64xf32, #tpu.memory_space<hbm>>) target(%arg22 : memref<64x64xf32, #tpu.memory_space<vmem>>) offsets(%dma_start3A_961 : memref<64xi32, #tpu.memory_space<vmem>>) semaphore(%arg24 : memref<!tpu.dma_semaphore, #tpu.memory_space<semaphore_mem>>)
    %dma_start3A_965 = arith.constant 5 : i32
    %dma_start3A_966 = arith.constant 448 : i32
    %dma_start3A_967 = tpu.memref_slice %arg11[%dma_start3A_965, %dma_start3A_966] : memref<6x512xi32, #tpu.memory_space<vmem>> -> memref<1x64xi32, #tpu.memory_space<vmem>>
    %dma_start3A_968 = tpu.memref_squeeze %dma_start3A_967 : memref<1x64xi32, #tpu.memory_space<vmem>> -> memref<64xi32, #tpu.memory_space<vmem>>
    %dma_start3A_969 = arith.constant 0 : i32
    %dma_start3A_970 = arith.constant 0 : i32
    %dma_start3A_971 = tpu.memref_slice %arg4[%dma_start3A_969, %dma_start3A_970] : memref<1000x64xf32, #tpu.memory_space<hbm>> -> memref<1000x64xf32, #tpu.memory_space<hbm>>
    tpu.enqueue_indirect_dma source(%dma_start3A_971 : memref<1000x64xf32, #tpu.memory_space<hbm>>) target(%arg23 : memref<64x64xf32, #tpu.memory_space<vmem>>) offsets(%dma_start3A_968 : memref<64xi32, #tpu.memory_space<vmem>>) semaphore(%arg24 : memref<!tpu.dma_semaphore, #tpu.memory_space<semaphore_mem>>)
    %scan3A_972 = arith.constant 0 : i32
    %scan3A_973 = arith.constant 64 : i32
    %scan3A_974 = arith.addi %scan3A_972, %scan3A_973 : i32
    %scan3A_975 = arith.constant 1 : i32
    scf.for %scan3A_1128 = %scan3A_972 to %scan3A_974 step %scan3A_975  : i32 {
      %get3A = arith.index_cast %scan3A_1128 : i32 to index
      %get3A_1129 = arith.constant 0 : index
      %get3A_1130 = tpu.vector_load %arg12[%get3A, %get3A_1129] {strides = array<i32>} : memref<64x64xf32, #tpu.memory_space<vmem>>, vector<1x16xf32>,
      %get3A_1131 = vector.shape_cast %get3A_1130 : vector<1x16xf32> to vector<16xf32>
      %get3A_1132 = arith.index_cast %scan3A_1128 : i32 to index
      %get3A_1133 = arith.constant 0 : index
      %get3A_1134 = tpu.vector_load %arg14[%get3A_1132, %get3A_1133] {strides = array<i32>} : memref<64x64xf32, #tpu.memory_space<vmem>>, vector<1x16xf32>,
      %get3A_1135 = vector.shape_cast %get3A_1134 : vector<1x16xf32> to vector<16xf32>
      %add3A_1136 = arith.addf %get3A_1131, %get3A_1135 : vector<16xf32>
      %get3A_1137 = arith.index_cast %scan3A_1128 : i32 to index
      %get3A_1138 = arith.constant 0 : index
      %get3A_1139 = tpu.vector_load %arg13[%get3A_1137, %get3A_1138] {strides = array<i32>} : memref<64x64xf32, #tpu.memory_space<vmem>>, vector<1x16xf32>,
      %get3A_1140 = vector.shape_cast %get3A_1139 : vector<1x16xf32> to vector<16xf32>
      %sub3A = arith.subf %add3A_1136, %get3A_1140 : vector<16xf32>
      %swap3A = arith.index_cast %scan3A_1128 : i32 to index
      %swap3A_1141 = arith.constant 0 : index
      %swap3A_1142 = tpu.vector_load %arg14[%swap3A, %swap3A_1141] {strides = array<i32>} : memref<64x64xf32, #tpu.memory_space<vmem>>, vector<1x16xf32>,
      %swap3A_1143 = vector.shape_cast %swap3A_1142 : vector<1x16xf32> to vector<16xf32>
      %swap3A_1144 = vector.shape_cast %sub3A : vector<16xf32> to vector<1x16xf32>
      tpu.vector_store %arg14[%swap3A, %swap3A_1141], %swap3A_1144 {strides = array<i32>} : memref<64x64xf32, #tpu.memory_space<vmem>>, vector<1x16xf32>,
      %get3A_1145 = arith.index_cast %scan3A_1128 : i32 to index
      %get3A_1146 = arith.constant 0 : index
      %get3A_1147 = tpu.vector_load %arg15[%get3A_1145, %get3A_1146] {strides = array<i32>} : memref<64x64xf32, #tpu.memory_space<vmem>>, vector<1x16xf32>,
      %get3A_1148 = vector.shape_cast %get3A_1147 : vector<1x16xf32> to vector<16xf32>
      %get3A_1149 = arith.index_cast %scan3A_1128 : i32 to index
      %get3A_1150 = arith.constant 0 : index
      %get3A_1151 = tpu.vector_load %arg17[%get3A_1149, %get3A_1150] {strides = array<i32>} : memref<64x64xf32, #tpu.memory_space<vmem>>, vector<1x16xf32>,
      %get3A_1152 = vector.shape_cast %get3A_1151 : vector<1x16xf32> to vector<16xf32>
      %add3A_1153 = arith.addf %get3A_1148, %get3A_1152 : vector<16xf32>
      %get3A_1154 = arith.index_cast %scan3A_1128 : i32 to index
      %get3A_1155 = arith.constant 0 : index
      %get3A_1156 = tpu.vector_load %arg16[%get3A_1154, %get3A_1155] {strides = array<i32>} : memref<64x64xf32, #tpu.memory_space<vmem>>, vector<1x16xf32>,
      %get3A_1157 = vector.shape_cast %get3A_1156 : vector<1x16xf32> to vector<16xf32>
      %sub3A_1158 = arith.subf %add3A_1153, %get3A_1157 : vector<16xf32>
      %swap3A_1159 = arith.index_cast %scan3A_1128 : i32 to index
      %swap3A_1160 = arith.constant 0 : index
      %swap3A_1161 = tpu.vector_load %arg17[%swap3A_1159, %swap3A_1160] {strides = array<i32>} : memref<64x64xf32, #tpu.memory_space<vmem>>, vector<1x16xf32>,
      %swap3A_1162 = vector.shape_cast %swap3A_1161 : vector<1x16xf32> to vector<16xf32>
      %swap3A_1163 = vector.shape_cast %sub3A_1158 : vector<16xf32> to vector<1x16xf32>
      tpu.vector_store %arg17[%swap3A_1159, %swap3A_1160], %swap3A_1163 {strides = array<i32>} : memref<64x64xf32, #tpu.memory_space<vmem>>, vector<1x16xf32>,
      %get3A_1164 = arith.index_cast %scan3A_1128 : i32 to index
      %get3A_1165 = arith.constant 16 : index
      %get3A_1166 = tpu.vector_load %arg12[%get3A_1164, %get3A_1165] {strides = array<i32>} : memref<64x64xf32, #tpu.memory_space<vmem>>, vector<1x16xf32>,
      %get3A_1167 = vector.shape_cast %get3A_1166 : vector<1x16xf32> to vector<16xf32>
      %get3A_1168 = arith.index_cast %scan3A_1128 : i32 to index
      %get3A_1169 = arith.constant 16 : index
      %get3A_1170 = tpu.vector_load %arg14[%get3A_1168, %get3A_1169] {strides = array<i32>} : memref<64x64xf32, #tpu.memory_space<vmem>>, vector<1x16xf32>,
      %get3A_1171 = vector.shape_cast %get3A_1170 : vector<1x16xf32> to vector<16xf32>
      %add3A_1172 = arith.addf %get3A_1167, %get3A_1171 : vector<16xf32>
      %get3A_1173 = arith.index_cast %scan3A_1128 : i32 to index
      %get3A_1174 = arith.constant 16 : index
      %get3A_1175 = tpu.vector_load %arg13[%get3A_1173, %get3A_1174] {strides = array<i32>} : memref<64x64xf32, #tpu.memory_space<vmem>>, vector<1x16xf32>,
      %get3A_1176 = vector.shape_cast %get3A_1175 : vector<1x16xf32> to vector<16xf32>
      %sub3A_1177 = arith.subf %add3A_1172, %get3A_1176 : vector<16xf32>
      %swap3A_1178 = arith.index_cast %scan3A_1128 : i32 to index
      %swap3A_1179 = arith.constant 16 : index
      %swap3A_1180 = tpu.vector_load %arg14[%swap3A_1178, %swap3A_1179] {strides = array<i32>} : memref<64x64xf32, #tpu.memory_space<vmem>>, vector<1x16xf32>,
      %swap3A_1181 = vector.shape_cast %swap3A_1180 : vector<1x16xf32> to vector<16xf32>
      %swap3A_1182 = vector.shape_cast %sub3A_1177 : vector<16xf32> to vector<1x16xf32>
      tpu.vector_store %arg14[%swap3A_1178, %swap3A_1179], %swap3A_1182 {strides = array<i32>} : memref<64x64xf32, #tpu.memory_space<vmem>>, vector<1x16xf32>,
      %get3A_1183 = arith.index_cast %scan3A_1128 : i32 to index
      %get3A_1184 = arith.constant 16 : index
      %get3A_1185 = tpu.vector_load %arg15[%get3A_1183, %get3A_1184] {strides = array<i32>} : memref<64x64xf32, #tpu.memory_space<vmem>>, vector<1x16xf32>,
      %get3A_1186 = vector.shape_cast %get3A_1185 : vector<1x16xf32> to vector<16xf32>
      %get3A_1187 = arith.index_cast %scan3A_1128 : i32 to index
      %get3A_1188 = arith.constant 16 : index
      %get3A_1189 = tpu.vector_load %arg17[%get3A_1187, %get3A_1188] {strides = array<i32>} : memref<64x64xf32, #tpu.memory_space<vmem>>, vector<1x16xf32>,
      %get3A_1190 = vector.shape_cast %get3A_1189 : vector<1x16xf32> to vector<16xf32>
      %add3A_1191 = arith.addf %get3A_1186, %get3A_1190 : vector<16xf32>
      %get3A_1192 = arith.index_cast %scan3A_1128 : i32 to index
      %get3A_1193 = arith.constant 16 : index
      %get3A_1194 = tpu.vector_load %arg16[%get3A_1192, %get3A_1193] {strides = array<i32>} : memref<64x64xf32, #tpu.memory_space<vmem>>, vector<1x16xf32>,
      %get3A_1195 = vector.shape_cast %get3A_1194 : vector<1x16xf32> to vector<16xf32>
      %sub3A_1196 = arith.subf %add3A_1191, %get3A_1195 : vector<16xf32>
      %swap3A_1197 = arith.index_cast %scan3A_1128 : i32 to index
      %swap3A_1198 = arith.constant 16 : index
      %swap3A_1199 = tpu.vector_load %arg17[%swap3A_1197, %swap3A_1198] {strides = array<i32>} : memref<64x64xf32, #tpu.memory_space<vmem>>, vector<1x16xf32>,
      %swap3A_1200 = vector.shape_cast %swap3A_1199 : vector<1x16xf32> to vector<16xf32>
      %swap3A_1201 = vector.shape_cast %sub3A_1196 : vector<16xf32> to vector<1x16xf32>
      tpu.vector_store %arg17[%swap3A_1197, %swap3A_1198], %swap3A_1201 {strides = array<i32>} : memref<64x64xf32, #tpu.memory_space<vmem>>, vector<1x16xf32>,
      %get3A_1202 = arith.index_cast %scan3A_1128 : i32 to index
      %get3A_1203 = arith.constant 32 : index
      %get3A_1204 = tpu.vector_load %arg12[%get3A_1202, %get3A_1203] {strides = array<i32>} : memref<64x64xf32, #tpu.memory_space<vmem>>, vector<1x16xf32>,
      %get3A_1205 = vector.shape_cast %get3A_1204 : vector<1x16xf32> to vector<16xf32>
      %get3A_1206 = arith.index_cast %scan3A_1128 : i32 to index
      %get3A_1207 = arith.constant 32 : index
      %get3A_1208 = tpu.vector_load %arg14[%get3A_1206, %get3A_1207] {strides = array<i32>} : memref<64x64xf32, #tpu.memory_space<vmem>>, vector<1x16xf32>,
      %get3A_1209 = vector.shape_cast %get3A_1208 : vector<1x16xf32> to vector<16xf32>
      %add3A_1210 = arith.addf %get3A_1205, %get3A_1209 : vector<16xf32>
      %get3A_1211 = arith.index_cast %scan3A_1128 : i32 to index
      %get3A_1212 = arith.constant 32 : index
      %get3A_1213 = tpu.vector_load %arg13[%get3A_1211, %get3A_1212] {strides = array<i32>} : memref<64x64xf32, #tpu.memory_space<vmem>>, vector<1x16xf32>,
      %get3A_1214 = vector.shape_cast %get3A_1213 : vector<1x16xf32> to vector<16xf32>
      %sub3A_1215 = arith.subf %add3A_1210, %get3A_1214 : vector<16xf32>
      %swap3A_1216 = arith.index_cast %scan3A_1128 : i32 to index
      %swap3A_1217 = arith.constant 32 : index
      %swap3A_1218 = tpu.vector_load %arg14[%swap3A_1216, %swap3A_1217] {strides = array<i32>} : memref<64x64xf32, #tpu.memory_space<vmem>>, vector<1x16xf32>,
      %swap3A_1219 = vector.shape_cast %swap3A_1218 : vector<1x16xf32> to vector<16xf32>
      %swap3A_1220 = vector.shape_cast %sub3A_1215 : vector<16xf32> to vector<1x16xf32>
      tpu.vector_store %arg14[%swap3A_1216, %swap3A_1217], %swap3A_1220 {strides = array<i32>} : memref<64x64xf32, #tpu.memory_space<vmem>>, vector<1x16xf32>,
      %get3A_1221 = arith.index_cast %scan3A_1128 : i32 to index
      %get3A_1222 = arith.constant 32 : index
      %get3A_1223 = tpu.vector_load %arg15[%get3A_1221, %get3A_1222] {strides = array<i32>} : memref<64x64xf32, #tpu.memory_space<vmem>>, vector<1x16xf32>,
      %get3A_1224 = vector.shape_cast %get3A_1223 : vector<1x16xf32> to vector<16xf32>
      %get3A_1225 = arith.index_cast %scan3A_1128 : i32 to index
      %get3A_1226 = arith.constant 32 : index
      %get3A_1227 = tpu.vector_load %arg17[%get3A_1225, %get3A_1226] {strides = array<i32>} : memref<64x64xf32, #tpu.memory_space<vmem>>, vector<1x16xf32>,
      %get3A_1228 = vector.shape_cast %get3A_1227 : vector<1x16xf32> to vector<16xf32>
      %add3A_1229 = arith.addf %get3A_1224, %get3A_1228 : vector<16xf32>
      %get3A_1230 = arith.index_cast %scan3A_1128 : i32 to index
      %get3A_1231 = arith.constant 32 : index
      %get3A_1232 = tpu.vector_load %arg16[%get3A_1230, %get3A_1231] {strides = array<i32>} : memref<64x64xf32, #tpu.memory_space<vmem>>, vector<1x16xf32>,
      %get3A_1233 = vector.shape_cast %get3A_1232 : vector<1x16xf32> to vector<16xf32>
      %sub3A_1234 = arith.subf %add3A_1229, %get3A_1233 : vector<16xf32>
      %swap3A_1235 = arith.index_cast %scan3A_1128 : i32 to index
      %swap3A_1236 = arith.constant 32 : index
      %swap3A_1237 = tpu.vector_load %arg17[%swap3A_1235, %swap3A_1236] {strides = array<i32>} : memref<64x64xf32, #tpu.memory_space<vmem>>, vector<1x16xf32>,
      %swap3A_1238 = vector.shape_cast %swap3A_1237 : vector<1x16xf32> to vector<16xf32>
      %swap3A_1239 = vector.shape_cast %sub3A_1234 : vector<16xf32> to vector<1x16xf32>
      tpu.vector_store %arg17[%swap3A_1235, %swap3A_1236], %swap3A_1239 {strides = array<i32>} : memref<64x64xf32, #tpu.memory_space<vmem>>, vector<1x16xf32>,
      %get3A_1240 = arith.index_cast %scan3A_1128 : i32 to index
      %get3A_1241 = arith.constant 48 : index
      %get3A_1242 = tpu.vector_load %arg12[%get3A_1240, %get3A_1241] {strides = array<i32>} : memref<64x64xf32, #tpu.memory_space<vmem>>, vector<1x16xf32>,
      %get3A_1243 = vector.shape_cast %get3A_1242 : vector<1x16xf32> to vector<16xf32>
      %get3A_1244 = arith.index_cast %scan3A_1128 : i32 to index
      %get3A_1245 = arith.constant 48 : index
      %get3A_1246 = tpu.vector_load %arg14[%get3A_1244, %get3A_1245] {strides = array<i32>} : memref<64x64xf32, #tpu.memory_space<vmem>>, vector<1x16xf32>,
      %get3A_1247 = vector.shape_cast %get3A_1246 : vector<1x16xf32> to vector<16xf32>
      %add3A_1248 = arith.addf %get3A_1243, %get3A_1247 : vector<16xf32>
      %get3A_1249 = arith.index_cast %scan3A_1128 : i32 to index
      %get3A_1250 = arith.constant 48 : index
      %get3A_1251 = tpu.vector_load %arg13[%get3A_1249, %get3A_1250] {strides = array<i32>} : memref<64x64xf32, #tpu.memory_space<vmem>>, vector<1x16xf32>,
      %get3A_1252 = vector.shape_cast %get3A_1251 : vector<1x16xf32> to vector<16xf32>
      %sub3A_1253 = arith.subf %add3A_1248, %get3A_1252 : vector<16xf32>
      %swap3A_1254 = arith.index_cast %scan3A_1128 : i32 to index
      %swap3A_1255 = arith.constant 48 : index
      %swap3A_1256 = tpu.vector_load %arg14[%swap3A_1254, %swap3A_1255] {strides = array<i32>} : memref<64x64xf32, #tpu.memory_space<vmem>>, vector<1x16xf32>,
      %swap3A_1257 = vector.shape_cast %swap3A_1256 : vector<1x16xf32> to vector<16xf32>
      %swap3A_1258 = vector.shape_cast %sub3A_1253 : vector<16xf32> to vector<1x16xf32>
      tpu.vector_store %arg14[%swap3A_1254, %swap3A_1255], %swap3A_1258 {strides = array<i32>} : memref<64x64xf32, #tpu.memory_space<vmem>>, vector<1x16xf32>,
      %get3A_1259 = arith.index_cast %scan3A_1128 : i32 to index
      %get3A_1260 = arith.constant 48 : index
      %get3A_1261 = tpu.vector_load %arg15[%get3A_1259, %get3A_1260] {strides = array<i32>} : memref<64x64xf32, #tpu.memory_space<vmem>>, vector<1x16xf32>,
      %get3A_1262 = vector.shape_cast %get3A_1261 : vector<1x16xf32> to vector<16xf32>
      %get3A_1263 = arith.index_cast %scan3A_1128 : i32 to index
      %get3A_1264 = arith.constant 48 : index
      %get3A_1265 = tpu.vector_load %arg17[%get3A_1263, %get3A_1264] {strides = array<i32>} : memref<64x64xf32, #tpu.memory_space<vmem>>, vector<1x16xf32>,
      %get3A_1266 = vector.shape_cast %get3A_1265 : vector<1x16xf32> to vector<16xf32>
      %add3A_1267 = arith.addf %get3A_1262, %get3A_1266 : vector<16xf32>
      %get3A_1268 = arith.index_cast %scan3A_1128 : i32 to index
      %get3A_1269 = arith.constant 48 : index
      %get3A_1270 = tpu.vector_load %arg16[%get3A_1268, %get3A_1269] {strides = array<i32>} : memref<64x64xf32, #tpu.memory_space<vmem>>, vector<1x16xf32>,
      %get3A_1271 = vector.shape_cast %get3A_1270 : vector<1x16xf32> to vector<16xf32>
      %sub3A_1272 = arith.subf %add3A_1267, %get3A_1271 : vector<16xf32>
      %swap3A_1273 = arith.index_cast %scan3A_1128 : i32 to index
      %swap3A_1274 = arith.constant 48 : index
      %swap3A_1275 = tpu.vector_load %arg17[%swap3A_1273, %swap3A_1274] {strides = array<i32>} : memref<64x64xf32, #tpu.memory_space<vmem>>, vector<1x16xf32>,
      %swap3A_1276 = vector.shape_cast %swap3A_1275 : vector<1x16xf32> to vector<16xf32>
      %swap3A_1277 = vector.shape_cast %sub3A_1272 : vector<16xf32> to vector<1x16xf32>
      tpu.vector_store %arg17[%swap3A_1273, %swap3A_1274], %swap3A_1277 {strides = array<i32>} : memref<64x64xf32, #tpu.memory_space<vmem>>, vector<1x16xf32>,
    }
    %scan3A_976 = arith.constant 64 : i32
    %mul3A_977 = arith.constant 512 : i32
    %mul3A_978 = arith.muli %add3A, %mul3A_977 : i32
    %add3A_979 = arith.constant 384 : i32
    %add3A_980 = arith.addi %mul3A_978, %add3A_979 : i32
    %dma_start3A_981 = arith.constant 0 : i32
    %dma_start3A_982 = tpu.memref_slice %arg7[%add3A_980, %dma_start3A_981] : memref<16384x64xf32, #tpu.memory_space<hbm>> -> memref<64x64xf32, #tpu.memory_space<hbm>>
    %dma_start3A_983 = arith.constant 0 : i32
    %dma_start3A_984 = tpu.memref_slice %arg7[%add3A_980, %dma_start3A_983] : memref<16384x64xf32, #tpu.memory_space<hbm>> -> memref<64x64xf32, #tpu.memory_space<hbm>>
    tpu.enqueue_dma source(%arg12 : memref<64x64xf32, #tpu.memory_space<vmem>>) target(%dma_start3A_984 : memref<64x64xf32, #tpu.memory_space<hbm>>) target_semaphore(%arg25 : memref<!tpu.dma_semaphore, #tpu.memory_space<semaphore_mem>>)
    %dma_start3A_985 = arith.constant 0 : i32
    %dma_start3A_986 = tpu.memref_slice %arg8[%add3A_980, %dma_start3A_985] : memref<16384x64xf32, #tpu.memory_space<hbm>> -> memref<64x64xf32, #tpu.memory_space<hbm>>
    %dma_start3A_987 = arith.constant 0 : i32
    %dma_start3A_988 = tpu.memref_slice %arg8[%add3A_980, %dma_start3A_987] : memref<16384x64xf32, #tpu.memory_space<hbm>> -> memref<64x64xf32, #tpu.memory_space<hbm>>
    tpu.enqueue_dma source(%arg13 : memref<64x64xf32, #tpu.memory_space<vmem>>) target(%dma_start3A_988 : memref<64x64xf32, #tpu.memory_space<hbm>>) target_semaphore(%arg25 : memref<!tpu.dma_semaphore, #tpu.memory_space<semaphore_mem>>)
    %dma_start3A_989 = arith.constant 0 : i32
    %dma_start3A_990 = tpu.memref_slice %arg5[%add3A_980, %dma_start3A_989] : memref<16384x64xf32, #tpu.memory_space<hbm>> -> memref<64x64xf32, #tpu.memory_space<hbm>>
    %dma_start3A_991 = arith.constant 0 : i32
    %dma_start3A_992 = tpu.memref_slice %arg5[%add3A_980, %dma_start3A_991] : memref<16384x64xf32, #tpu.memory_space<hbm>> -> memref<64x64xf32, #tpu.memory_space<hbm>>
    tpu.enqueue_dma source(%arg14 : memref<64x64xf32, #tpu.memory_space<vmem>>) target(%dma_start3A_992 : memref<64x64xf32, #tpu.memory_space<hbm>>) target_semaphore(%arg25 : memref<!tpu.dma_semaphore, #tpu.memory_space<semaphore_mem>>)
    %dma_start3A_993 = arith.constant 0 : i32
    %dma_start3A_994 = tpu.memref_slice %arg9[%add3A_980, %dma_start3A_993] : memref<16384x64xf32, #tpu.memory_space<hbm>> -> memref<64x64xf32, #tpu.memory_space<hbm>>
    %dma_start3A_995 = arith.constant 0 : i32
    %dma_start3A_996 = tpu.memref_slice %arg9[%add3A_980, %dma_start3A_995] : memref<16384x64xf32, #tpu.memory_space<hbm>> -> memref<64x64xf32, #tpu.memory_space<hbm>>
    tpu.enqueue_dma source(%arg15 : memref<64x64xf32, #tpu.memory_space<vmem>>) target(%dma_start3A_996 : memref<64x64xf32, #tpu.memory_space<hbm>>) target_semaphore(%arg25 : memref<!tpu.dma_semaphore, #tpu.memory_space<semaphore_mem>>)
    %dma_start3A_997 = arith.constant 0 : i32
    %dma_start3A_998 = tpu.memref_slice %arg10[%add3A_980, %dma_start3A_997] : memref<16384x64xf32, #tpu.memory_space<hbm>> -> memref<64x64xf32, #tpu.memory_space<hbm>>
    %dma_start3A_999 = arith.constant 0 : i32
    %dma_start3A_1000 = tpu.memref_slice %arg10[%add3A_980, %dma_start3A_999] : memref<16384x64xf32, #tpu.memory_space<hbm>> -> memref<64x64xf32, #tpu.memory_space<hbm>>
    tpu.enqueue_dma source(%arg16 : memref<64x64xf32, #tpu.memory_space<vmem>>) target(%dma_start3A_1000 : memref<64x64xf32, #tpu.memory_space<hbm>>) target_semaphore(%arg25 : memref<!tpu.dma_semaphore, #tpu.memory_space<semaphore_mem>>)
    %dma_start3A_1001 = arith.constant 0 : i32
    %dma_start3A_1002 = tpu.memref_slice %arg6[%add3A_980, %dma_start3A_1001] : memref<16384x64xf32, #tpu.memory_space<hbm>> -> memref<64x64xf32, #tpu.memory_space<hbm>>
    %dma_start3A_1003 = arith.constant 0 : i32
    %dma_start3A_1004 = tpu.memref_slice %arg6[%add3A_980, %dma_start3A_1003] : memref<16384x64xf32, #tpu.memory_space<hbm>> -> memref<64x64xf32, #tpu.memory_space<hbm>>
    tpu.enqueue_dma source(%arg17 : memref<64x64xf32, #tpu.memory_space<vmem>>) target(%dma_start3A_1004 : memref<64x64xf32, #tpu.memory_space<hbm>>) target_semaphore(%arg25 : memref<!tpu.dma_semaphore, #tpu.memory_space<semaphore_mem>>)
    %dma_wait3A_1005 = arith.constant 0 : i32
    %dma_wait3A_1006 = arith.constant 448 : i32
    %dma_wait3A_1007 = tpu.memref_slice %arg11[%dma_wait3A_1005, %dma_wait3A_1006] : memref<6x512xi32, #tpu.memory_space<vmem>> -> memref<1x64xi32, #tpu.memory_space<vmem>>
    %dma_wait3A_1008 = tpu.memref_squeeze %dma_wait3A_1007 : memref<1x64xi32, #tpu.memory_space<vmem>> -> memref<64xi32, #tpu.memory_space<vmem>>
    %dma_wait3A_1009 = arith.constant 0 : i32
    %dma_wait3A_1010 = arith.constant 0 : i32
    %dma_wait3A_1011 = tpu.memref_slice %arg3[%dma_wait3A_1009, %dma_wait3A_1010] : memref<1000000x64xf32, #tpu.memory_space<hbm>> -> memref<1000000x64xf32, #tpu.memory_space<hbm>>
    tpu.wait_indirect_dma semaphore(%arg24 : memref<!tpu.dma_semaphore, #tpu.memory_space<semaphore_mem>>) src(%dma_wait3A_1011 : memref<1000000x64xf32, #tpu.memory_space<hbm>>) dst(%arg18 : memref<64x64xf32, #tpu.memory_space<vmem>>)
    %dma_wait3A_1012 = arith.constant 1 : i32
    %dma_wait3A_1013 = arith.constant 448 : i32
    %dma_wait3A_1014 = tpu.memref_slice %arg11[%dma_wait3A_1012, %dma_wait3A_1013] : memref<6x512xi32, #tpu.memory_space<vmem>> -> memref<1x64xi32, #tpu.memory_space<vmem>>
    %dma_wait3A_1015 = tpu.memref_squeeze %dma_wait3A_1014 : memref<1x64xi32, #tpu.memory_space<vmem>> -> memref<64xi32, #tpu.memory_space<vmem>>
    %dma_wait3A_1016 = arith.constant 0 : i32
    %dma_wait3A_1017 = arith.constant 0 : i32
    %dma_wait3A_1018 = tpu.memref_slice %arg3[%dma_wait3A_1016, %dma_wait3A_1017] : memref<1000000x64xf32, #tpu.memory_space<hbm>> -> memref<1000000x64xf32, #tpu.memory_space<hbm>>
    tpu.wait_indirect_dma semaphore(%arg24 : memref<!tpu.dma_semaphore, #tpu.memory_space<semaphore_mem>>) src(%dma_wait3A_1018 : memref<1000000x64xf32, #tpu.memory_space<hbm>>) dst(%arg19 : memref<64x64xf32, #tpu.memory_space<vmem>>)
    %dma_wait3A_1019 = arith.constant 2 : i32
    %dma_wait3A_1020 = arith.constant 448 : i32
    %dma_wait3A_1021 = tpu.memref_slice %arg11[%dma_wait3A_1019, %dma_wait3A_1020] : memref<6x512xi32, #tpu.memory_space<vmem>> -> memref<1x64xi32, #tpu.memory_space<vmem>>
    %dma_wait3A_1022 = tpu.memref_squeeze %dma_wait3A_1021 : memref<1x64xi32, #tpu.memory_space<vmem>> -> memref<64xi32, #tpu.memory_space<vmem>>
    %dma_wait3A_1023 = arith.constant 0 : i32
    %dma_wait3A_1024 = arith.constant 0 : i32
    %dma_wait3A_1025 = tpu.memref_slice %arg4[%dma_wait3A_1023, %dma_wait3A_1024] : memref<1000x64xf32, #tpu.memory_space<hbm>> -> memref<1000x64xf32, #tpu.memory_space<hbm>>
    tpu.wait_indirect_dma semaphore(%arg24 : memref<!tpu.dma_semaphore, #tpu.memory_space<semaphore_mem>>) src(%dma_wait3A_1025 : memref<1000x64xf32, #tpu.memory_space<hbm>>) dst(%arg20 : memref<64x64xf32, #tpu.memory_space<vmem>>)
    %dma_wait3A_1026 = arith.constant 3 : i32
    %dma_wait3A_1027 = arith.constant 448 : i32
    %dma_wait3A_1028 = tpu.memref_slice %arg11[%dma_wait3A_1026, %dma_wait3A_1027] : memref<6x512xi32, #tpu.memory_space<vmem>> -> memref<1x64xi32, #tpu.memory_space<vmem>>
    %dma_wait3A_1029 = tpu.memref_squeeze %dma_wait3A_1028 : memref<1x64xi32, #tpu.memory_space<vmem>> -> memref<64xi32, #tpu.memory_space<vmem>>
    %dma_wait3A_1030 = arith.constant 0 : i32
    %dma_wait3A_1031 = arith.constant 0 : i32
    %dma_wait3A_1032 = tpu.memref_slice %arg3[%dma_wait3A_1030, %dma_wait3A_1031] : memref<1000000x64xf32, #tpu.memory_space<hbm>> -> memref<1000000x64xf32, #tpu.memory_space<hbm>>
    tpu.wait_indirect_dma semaphore(%arg24 : memref<!tpu.dma_semaphore, #tpu.memory_space<semaphore_mem>>) src(%dma_wait3A_1032 : memref<1000000x64xf32, #tpu.memory_space<hbm>>) dst(%arg21 : memref<64x64xf32, #tpu.memory_space<vmem>>)
    %dma_wait3A_1033 = arith.constant 4 : i32
    %dma_wait3A_1034 = arith.constant 448 : i32
    %dma_wait3A_1035 = tpu.memref_slice %arg11[%dma_wait3A_1033, %dma_wait3A_1034] : memref<6x512xi32, #tpu.memory_space<vmem>> -> memref<1x64xi32, #tpu.memory_space<vmem>>
    %dma_wait3A_1036 = tpu.memref_squeeze %dma_wait3A_1035 : memref<1x64xi32, #tpu.memory_space<vmem>> -> memref<64xi32, #tpu.memory_space<vmem>>
    %dma_wait3A_1037 = arith.constant 0 : i32
    %dma_wait3A_1038 = arith.constant 0 : i32
    %dma_wait3A_1039 = tpu.memref_slice %arg3[%dma_wait3A_1037, %dma_wait3A_1038] : memref<1000000x64xf32, #tpu.memory_space<hbm>> -> memref<1000000x64xf32, #tpu.memory_space<hbm>>
    tpu.wait_indirect_dma semaphore(%arg24 : memref<!tpu.dma_semaphore, #tpu.memory_space<semaphore_mem>>) src(%dma_wait3A_1039 : memref<1000000x64xf32, #tpu.memory_space<hbm>>) dst(%arg22 : memref<64x64xf32, #tpu.memory_space<vmem>>)
    %dma_wait3A_1040 = arith.constant 5 : i32
    %dma_wait3A_1041 = arith.constant 448 : i32
    %dma_wait3A_1042 = tpu.memref_slice %arg11[%dma_wait3A_1040, %dma_wait3A_1041] : memref<6x512xi32, #tpu.memory_space<vmem>> -> memref<1x64xi32, #tpu.memory_space<vmem>>
    %dma_wait3A_1043 = tpu.memref_squeeze %dma_wait3A_1042 : memref<1x64xi32, #tpu.memory_space<vmem>> -> memref<64xi32, #tpu.memory_space<vmem>>
    %dma_wait3A_1044 = arith.constant 0 : i32
    %dma_wait3A_1045 = arith.constant 0 : i32
    %dma_wait3A_1046 = tpu.memref_slice %arg4[%dma_wait3A_1044, %dma_wait3A_1045] : memref<1000x64xf32, #tpu.memory_space<hbm>> -> memref<1000x64xf32, #tpu.memory_space<hbm>>
    tpu.wait_indirect_dma semaphore(%arg24 : memref<!tpu.dma_semaphore, #tpu.memory_space<semaphore_mem>>) src(%dma_wait3A_1046 : memref<1000x64xf32, #tpu.memory_space<hbm>>) dst(%arg23 : memref<64x64xf32, #tpu.memory_space<vmem>>)
    %dma_wait3A_1047 = arith.constant 0 : i32
    %dma_wait3A_1048 = tpu.memref_slice %arg7[%add3A_980, %dma_wait3A_1047] : memref<16384x64xf32, #tpu.memory_space<hbm>> -> memref<64x64xf32, #tpu.memory_space<hbm>>
    %dma_wait3A_1049 = arith.constant 0 : i32
    %dma_wait3A_1050 = tpu.memref_slice %arg7[%add3A_980, %dma_wait3A_1049] : memref<16384x64xf32, #tpu.memory_space<hbm>> -> memref<64x64xf32, #tpu.memory_space<hbm>>
    tpu.wait_dma2 semaphore(%arg25 : memref<!tpu.dma_semaphore, #tpu.memory_space<semaphore_mem>>) src(%arg12 : memref<64x64xf32, #tpu.memory_space<vmem>>) dst(%dma_wait3A_1050 : memref<64x64xf32, #tpu.memory_space<hbm>>)
    %dma_wait3A_1051 = arith.constant 0 : i32
    %dma_wait3A_1052 = tpu.memref_slice %arg8[%add3A_980, %dma_wait3A_1051] : memref<16384x64xf32, #tpu.memory_space<hbm>> -> memref<64x64xf32, #tpu.memory_space<hbm>>
    %dma_wait3A_1053 = arith.constant 0 : i32
    %dma_wait3A_1054 = tpu.memref_slice %arg8[%add3A_980, %dma_wait3A_1053] : memref<16384x64xf32, #tpu.memory_space<hbm>> -> memref<64x64xf32, #tpu.memory_space<hbm>>
    tpu.wait_dma2 semaphore(%arg25 : memref<!tpu.dma_semaphore, #tpu.memory_space<semaphore_mem>>) src(%arg13 : memref<64x64xf32, #tpu.memory_space<vmem>>) dst(%dma_wait3A_1054 : memref<64x64xf32, #tpu.memory_space<hbm>>)
    %dma_wait3A_1055 = arith.constant 0 : i32
    %dma_wait3A_1056 = tpu.memref_slice %arg5[%add3A_980, %dma_wait3A_1055] : memref<16384x64xf32, #tpu.memory_space<hbm>> -> memref<64x64xf32, #tpu.memory_space<hbm>>
    %dma_wait3A_1057 = arith.constant 0 : i32
    %dma_wait3A_1058 = tpu.memref_slice %arg5[%add3A_980, %dma_wait3A_1057] : memref<16384x64xf32, #tpu.memory_space<hbm>> -> memref<64x64xf32, #tpu.memory_space<hbm>>
    tpu.wait_dma2 semaphore(%arg25 : memref<!tpu.dma_semaphore, #tpu.memory_space<semaphore_mem>>) src(%arg14 : memref<64x64xf32, #tpu.memory_space<vmem>>) dst(%dma_wait3A_1058 : memref<64x64xf32, #tpu.memory_space<hbm>>)
    %dma_wait3A_1059 = arith.constant 0 : i32
    %dma_wait3A_1060 = tpu.memref_slice %arg9[%add3A_980, %dma_wait3A_1059] : memref<16384x64xf32, #tpu.memory_space<hbm>> -> memref<64x64xf32, #tpu.memory_space<hbm>>
    %dma_wait3A_1061 = arith.constant 0 : i32
    %dma_wait3A_1062 = tpu.memref_slice %arg9[%add3A_980, %dma_wait3A_1061] : memref<16384x64xf32, #tpu.memory_space<hbm>> -> memref<64x64xf32, #tpu.memory_space<hbm>>
    tpu.wait_dma2 semaphore(%arg25 : memref<!tpu.dma_semaphore, #tpu.memory_space<semaphore_mem>>) src(%arg15 : memref<64x64xf32, #tpu.memory_space<vmem>>) dst(%dma_wait3A_1062 : memref<64x64xf32, #tpu.memory_space<hbm>>)
    %dma_wait3A_1063 = arith.constant 0 : i32
    %dma_wait3A_1064 = tpu.memref_slice %arg10[%add3A_980, %dma_wait3A_1063] : memref<16384x64xf32, #tpu.memory_space<hbm>> -> memref<64x64xf32, #tpu.memory_space<hbm>>
    %dma_wait3A_1065 = arith.constant 0 : i32
    %dma_wait3A_1066 = tpu.memref_slice %arg10[%add3A_980, %dma_wait3A_1065] : memref<16384x64xf32, #tpu.memory_space<hbm>> -> memref<64x64xf32, #tpu.memory_space<hbm>>
    tpu.wait_dma2 semaphore(%arg25 : memref<!tpu.dma_semaphore, #tpu.memory_space<semaphore_mem>>) src(%arg16 : memref<64x64xf32, #tpu.memory_space<vmem>>) dst(%dma_wait3A_1066 : memref<64x64xf32, #tpu.memory_space<hbm>>)
    %dma_wait3A_1067 = arith.constant 0 : i32
    %dma_wait3A_1068 = tpu.memref_slice %arg6[%add3A_980, %dma_wait3A_1067] : memref<16384x64xf32, #tpu.memory_space<hbm>> -> memref<64x64xf32, #tpu.memory_space<hbm>>
    %dma_wait3A_1069 = arith.constant 0 : i32
    %dma_wait3A_1070 = tpu.memref_slice %arg6[%add3A_980, %dma_wait3A_1069] : memref<16384x64xf32, #tpu.memory_space<hbm>> -> memref<64x64xf32, #tpu.memory_space<hbm>>
    tpu.wait_dma2 semaphore(%arg25 : memref<!tpu.dma_semaphore, #tpu.memory_space<semaphore_mem>>) src(%arg17 : memref<64x64xf32, #tpu.memory_space<vmem>>) dst(%dma_wait3A_1070 : memref<64x64xf32, #tpu.memory_space<hbm>>)
    %scan3A_1071 = arith.constant 0 : i32
    %scan3A_1072 = arith.constant 64 : i32
    %scan3A_1073 = arith.addi %scan3A_1071, %scan3A_1072 : i32
    %scan3A_1074 = arith.constant 1 : i32
    scf.for %scan3A_1128 = %scan3A_1071 to %scan3A_1073 step %scan3A_1074  : i32 {
      %get3A = arith.index_cast %scan3A_1128 : i32 to index
      %get3A_1129 = arith.constant 0 : index
      %get3A_1130 = tpu.vector_load %arg18[%get3A, %get3A_1129] {strides = array<i32>} : memref<64x64xf32, #tpu.memory_space<vmem>>, vector<1x16xf32>,
      %get3A_1131 = vector.shape_cast %get3A_1130 : vector<1x16xf32> to vector<16xf32>
      %get3A_1132 = arith.index_cast %scan3A_1128 : i32 to index
      %get3A_1133 = arith.constant 0 : index
      %get3A_1134 = tpu.vector_load %arg20[%get3A_1132, %get3A_1133] {strides = array<i32>} : memref<64x64xf32, #tpu.memory_space<vmem>>, vector<1x16xf32>,
      %get3A_1135 = vector.shape_cast %get3A_1134 : vector<1x16xf32> to vector<16xf32>
      %add3A_1136 = arith.addf %get3A_1131, %get3A_1135 : vector<16xf32>
      %get3A_1137 = arith.index_cast %scan3A_1128 : i32 to index
      %get3A_1138 = arith.constant 0 : index
      %get3A_1139 = tpu.vector_load %arg19[%get3A_1137, %get3A_1138] {strides = array<i32>} : memref<64x64xf32, #tpu.memory_space<vmem>>, vector<1x16xf32>,
      %get3A_1140 = vector.shape_cast %get3A_1139 : vector<1x16xf32> to vector<16xf32>
      %sub3A = arith.subf %add3A_1136, %get3A_1140 : vector<16xf32>
      %swap3A = arith.index_cast %scan3A_1128 : i32 to index
      %swap3A_1141 = arith.constant 0 : index
      %swap3A_1142 = tpu.vector_load %arg20[%swap3A, %swap3A_1141] {strides = array<i32>} : memref<64x64xf32, #tpu.memory_space<vmem>>, vector<1x16xf32>,
      %swap3A_1143 = vector.shape_cast %swap3A_1142 : vector<1x16xf32> to vector<16xf32>
      %swap3A_1144 = vector.shape_cast %sub3A : vector<16xf32> to vector<1x16xf32>
      tpu.vector_store %arg20[%swap3A, %swap3A_1141], %swap3A_1144 {strides = array<i32>} : memref<64x64xf32, #tpu.memory_space<vmem>>, vector<1x16xf32>,
      %get3A_1145 = arith.index_cast %scan3A_1128 : i32 to index
      %get3A_1146 = arith.constant 0 : index
      %get3A_1147 = tpu.vector_load %arg21[%get3A_1145, %get3A_1146] {strides = array<i32>} : memref<64x64xf32, #tpu.memory_space<vmem>>, vector<1x16xf32>,
      %get3A_1148 = vector.shape_cast %get3A_1147 : vector<1x16xf32> to vector<16xf32>
      %get3A_1149 = arith.index_cast %scan3A_1128 : i32 to index
      %get3A_1150 = arith.constant 0 : index
      %get3A_1151 = tpu.vector_load %arg23[%get3A_1149, %get3A_1150] {strides = array<i32>} : memref<64x64xf32, #tpu.memory_space<vmem>>, vector<1x16xf32>,
      %get3A_1152 = vector.shape_cast %get3A_1151 : vector<1x16xf32> to vector<16xf32>
      %add3A_1153 = arith.addf %get3A_1148, %get3A_1152 : vector<16xf32>
      %get3A_1154 = arith.index_cast %scan3A_1128 : i32 to index
      %get3A_1155 = arith.constant 0 : index
      %get3A_1156 = tpu.vector_load %arg22[%get3A_1154, %get3A_1155] {strides = array<i32>} : memref<64x64xf32, #tpu.memory_space<vmem>>, vector<1x16xf32>,
      %get3A_1157 = vector.shape_cast %get3A_1156 : vector<1x16xf32> to vector<16xf32>
      %sub3A_1158 = arith.subf %add3A_1153, %get3A_1157 : vector<16xf32>
      %swap3A_1159 = arith.index_cast %scan3A_1128 : i32 to index
      %swap3A_1160 = arith.constant 0 : index
      %swap3A_1161 = tpu.vector_load %arg23[%swap3A_1159, %swap3A_1160] {strides = array<i32>} : memref<64x64xf32, #tpu.memory_space<vmem>>, vector<1x16xf32>,
      %swap3A_1162 = vector.shape_cast %swap3A_1161 : vector<1x16xf32> to vector<16xf32>
      %swap3A_1163 = vector.shape_cast %sub3A_1158 : vector<16xf32> to vector<1x16xf32>
      tpu.vector_store %arg23[%swap3A_1159, %swap3A_1160], %swap3A_1163 {strides = array<i32>} : memref<64x64xf32, #tpu.memory_space<vmem>>, vector<1x16xf32>,
      %get3A_1164 = arith.index_cast %scan3A_1128 : i32 to index
      %get3A_1165 = arith.constant 16 : index
      %get3A_1166 = tpu.vector_load %arg18[%get3A_1164, %get3A_1165] {strides = array<i32>} : memref<64x64xf32, #tpu.memory_space<vmem>>, vector<1x16xf32>,
      %get3A_1167 = vector.shape_cast %get3A_1166 : vector<1x16xf32> to vector<16xf32>
      %get3A_1168 = arith.index_cast %scan3A_1128 : i32 to index
      %get3A_1169 = arith.constant 16 : index
      %get3A_1170 = tpu.vector_load %arg20[%get3A_1168, %get3A_1169] {strides = array<i32>} : memref<64x64xf32, #tpu.memory_space<vmem>>, vector<1x16xf32>,
      %get3A_1171 = vector.shape_cast %get3A_1170 : vector<1x16xf32> to vector<16xf32>
      %add3A_1172 = arith.addf %get3A_1167, %get3A_1171 : vector<16xf32>
      %get3A_1173 = arith.index_cast %scan3A_1128 : i32 to index
      %get3A_1174 = arith.constant 16 : index
      %get3A_1175 = tpu.vector_load %arg19[%get3A_1173, %get3A_1174] {strides = array<i32>} : memref<64x64xf32, #tpu.memory_space<vmem>>, vector<1x16xf32>,
      %get3A_1176 = vector.shape_cast %get3A_1175 : vector<1x16xf32> to vector<16xf32>
      %sub3A_1177 = arith.subf %add3A_1172, %get3A_1176 : vector<16xf32>
      %swap3A_1178 = arith.index_cast %scan3A_1128 : i32 to index
      %swap3A_1179 = arith.constant 16 : index
      %swap3A_1180 = tpu.vector_load %arg20[%swap3A_1178, %swap3A_1179] {strides = array<i32>} : memref<64x64xf32, #tpu.memory_space<vmem>>, vector<1x16xf32>,
      %swap3A_1181 = vector.shape_cast %swap3A_1180 : vector<1x16xf32> to vector<16xf32>
      %swap3A_1182 = vector.shape_cast %sub3A_1177 : vector<16xf32> to vector<1x16xf32>
      tpu.vector_store %arg20[%swap3A_1178, %swap3A_1179], %swap3A_1182 {strides = array<i32>} : memref<64x64xf32, #tpu.memory_space<vmem>>, vector<1x16xf32>,
      %get3A_1183 = arith.index_cast %scan3A_1128 : i32 to index
      %get3A_1184 = arith.constant 16 : index
      %get3A_1185 = tpu.vector_load %arg21[%get3A_1183, %get3A_1184] {strides = array<i32>} : memref<64x64xf32, #tpu.memory_space<vmem>>, vector<1x16xf32>,
      %get3A_1186 = vector.shape_cast %get3A_1185 : vector<1x16xf32> to vector<16xf32>
      %get3A_1187 = arith.index_cast %scan3A_1128 : i32 to index
      %get3A_1188 = arith.constant 16 : index
      %get3A_1189 = tpu.vector_load %arg23[%get3A_1187, %get3A_1188] {strides = array<i32>} : memref<64x64xf32, #tpu.memory_space<vmem>>, vector<1x16xf32>,
      %get3A_1190 = vector.shape_cast %get3A_1189 : vector<1x16xf32> to vector<16xf32>
      %add3A_1191 = arith.addf %get3A_1186, %get3A_1190 : vector<16xf32>
      %get3A_1192 = arith.index_cast %scan3A_1128 : i32 to index
      %get3A_1193 = arith.constant 16 : index
      %get3A_1194 = tpu.vector_load %arg22[%get3A_1192, %get3A_1193] {strides = array<i32>} : memref<64x64xf32, #tpu.memory_space<vmem>>, vector<1x16xf32>,
      %get3A_1195 = vector.shape_cast %get3A_1194 : vector<1x16xf32> to vector<16xf32>
      %sub3A_1196 = arith.subf %add3A_1191, %get3A_1195 : vector<16xf32>
      %swap3A_1197 = arith.index_cast %scan3A_1128 : i32 to index
      %swap3A_1198 = arith.constant 16 : index
      %swap3A_1199 = tpu.vector_load %arg23[%swap3A_1197, %swap3A_1198] {strides = array<i32>} : memref<64x64xf32, #tpu.memory_space<vmem>>, vector<1x16xf32>,
      %swap3A_1200 = vector.shape_cast %swap3A_1199 : vector<1x16xf32> to vector<16xf32>
      %swap3A_1201 = vector.shape_cast %sub3A_1196 : vector<16xf32> to vector<1x16xf32>
      tpu.vector_store %arg23[%swap3A_1197, %swap3A_1198], %swap3A_1201 {strides = array<i32>} : memref<64x64xf32, #tpu.memory_space<vmem>>, vector<1x16xf32>,
      %get3A_1202 = arith.index_cast %scan3A_1128 : i32 to index
      %get3A_1203 = arith.constant 32 : index
      %get3A_1204 = tpu.vector_load %arg18[%get3A_1202, %get3A_1203] {strides = array<i32>} : memref<64x64xf32, #tpu.memory_space<vmem>>, vector<1x16xf32>,
      %get3A_1205 = vector.shape_cast %get3A_1204 : vector<1x16xf32> to vector<16xf32>
      %get3A_1206 = arith.index_cast %scan3A_1128 : i32 to index
      %get3A_1207 = arith.constant 32 : index
      %get3A_1208 = tpu.vector_load %arg20[%get3A_1206, %get3A_1207] {strides = array<i32>} : memref<64x64xf32, #tpu.memory_space<vmem>>, vector<1x16xf32>,
      %get3A_1209 = vector.shape_cast %get3A_1208 : vector<1x16xf32> to vector<16xf32>
      %add3A_1210 = arith.addf %get3A_1205, %get3A_1209 : vector<16xf32>
      %get3A_1211 = arith.index_cast %scan3A_1128 : i32 to index
      %get3A_1212 = arith.constant 32 : index
      %get3A_1213 = tpu.vector_load %arg19[%get3A_1211, %get3A_1212] {strides = array<i32>} : memref<64x64xf32, #tpu.memory_space<vmem>>, vector<1x16xf32>,
      %get3A_1214 = vector.shape_cast %get3A_1213 : vector<1x16xf32> to vector<16xf32>
      %sub3A_1215 = arith.subf %add3A_1210, %get3A_1214 : vector<16xf32>
      %swap3A_1216 = arith.index_cast %scan3A_1128 : i32 to index
      %swap3A_1217 = arith.constant 32 : index
      %swap3A_1218 = tpu.vector_load %arg20[%swap3A_1216, %swap3A_1217] {strides = array<i32>} : memref<64x64xf32, #tpu.memory_space<vmem>>, vector<1x16xf32>,
      %swap3A_1219 = vector.shape_cast %swap3A_1218 : vector<1x16xf32> to vector<16xf32>
      %swap3A_1220 = vector.shape_cast %sub3A_1215 : vector<16xf32> to vector<1x16xf32>
      tpu.vector_store %arg20[%swap3A_1216, %swap3A_1217], %swap3A_1220 {strides = array<i32>} : memref<64x64xf32, #tpu.memory_space<vmem>>, vector<1x16xf32>,
      %get3A_1221 = arith.index_cast %scan3A_1128 : i32 to index
      %get3A_1222 = arith.constant 32 : index
      %get3A_1223 = tpu.vector_load %arg21[%get3A_1221, %get3A_1222] {strides = array<i32>} : memref<64x64xf32, #tpu.memory_space<vmem>>, vector<1x16xf32>,
      %get3A_1224 = vector.shape_cast %get3A_1223 : vector<1x16xf32> to vector<16xf32>
      %get3A_1225 = arith.index_cast %scan3A_1128 : i32 to index
      %get3A_1226 = arith.constant 32 : index
      %get3A_1227 = tpu.vector_load %arg23[%get3A_1225, %get3A_1226] {strides = array<i32>} : memref<64x64xf32, #tpu.memory_space<vmem>>, vector<1x16xf32>,
      %get3A_1228 = vector.shape_cast %get3A_1227 : vector<1x16xf32> to vector<16xf32>
      %add3A_1229 = arith.addf %get3A_1224, %get3A_1228 : vector<16xf32>
      %get3A_1230 = arith.index_cast %scan3A_1128 : i32 to index
      %get3A_1231 = arith.constant 32 : index
      %get3A_1232 = tpu.vector_load %arg22[%get3A_1230, %get3A_1231] {strides = array<i32>} : memref<64x64xf32, #tpu.memory_space<vmem>>, vector<1x16xf32>,
      %get3A_1233 = vector.shape_cast %get3A_1232 : vector<1x16xf32> to vector<16xf32>
      %sub3A_1234 = arith.subf %add3A_1229, %get3A_1233 : vector<16xf32>
      %swap3A_1235 = arith.index_cast %scan3A_1128 : i32 to index
      %swap3A_1236 = arith.constant 32 : index
      %swap3A_1237 = tpu.vector_load %arg23[%swap3A_1235, %swap3A_1236] {strides = array<i32>} : memref<64x64xf32, #tpu.memory_space<vmem>>, vector<1x16xf32>,
      %swap3A_1238 = vector.shape_cast %swap3A_1237 : vector<1x16xf32> to vector<16xf32>
      %swap3A_1239 = vector.shape_cast %sub3A_1234 : vector<16xf32> to vector<1x16xf32>
      tpu.vector_store %arg23[%swap3A_1235, %swap3A_1236], %swap3A_1239 {strides = array<i32>} : memref<64x64xf32, #tpu.memory_space<vmem>>, vector<1x16xf32>,
      %get3A_1240 = arith.index_cast %scan3A_1128 : i32 to index
      %get3A_1241 = arith.constant 48 : index
      %get3A_1242 = tpu.vector_load %arg18[%get3A_1240, %get3A_1241] {strides = array<i32>} : memref<64x64xf32, #tpu.memory_space<vmem>>, vector<1x16xf32>,
      %get3A_1243 = vector.shape_cast %get3A_1242 : vector<1x16xf32> to vector<16xf32>
      %get3A_1244 = arith.index_cast %scan3A_1128 : i32 to index
      %get3A_1245 = arith.constant 48 : index
      %get3A_1246 = tpu.vector_load %arg20[%get3A_1244, %get3A_1245] {strides = array<i32>} : memref<64x64xf32, #tpu.memory_space<vmem>>, vector<1x16xf32>,
      %get3A_1247 = vector.shape_cast %get3A_1246 : vector<1x16xf32> to vector<16xf32>
      %add3A_1248 = arith.addf %get3A_1243, %get3A_1247 : vector<16xf32>
      %get3A_1249 = arith.index_cast %scan3A_1128 : i32 to index
      %get3A_1250 = arith.constant 48 : index
      %get3A_1251 = tpu.vector_load %arg19[%get3A_1249, %get3A_1250] {strides = array<i32>} : memref<64x64xf32, #tpu.memory_space<vmem>>, vector<1x16xf32>,
      %get3A_1252 = vector.shape_cast %get3A_1251 : vector<1x16xf32> to vector<16xf32>
      %sub3A_1253 = arith.subf %add3A_1248, %get3A_1252 : vector<16xf32>
      %swap3A_1254 = arith.index_cast %scan3A_1128 : i32 to index
      %swap3A_1255 = arith.constant 48 : index
      %swap3A_1256 = tpu.vector_load %arg20[%swap3A_1254, %swap3A_1255] {strides = array<i32>} : memref<64x64xf32, #tpu.memory_space<vmem>>, vector<1x16xf32>,
      %swap3A_1257 = vector.shape_cast %swap3A_1256 : vector<1x16xf32> to vector<16xf32>
      %swap3A_1258 = vector.shape_cast %sub3A_1253 : vector<16xf32> to vector<1x16xf32>
      tpu.vector_store %arg20[%swap3A_1254, %swap3A_1255], %swap3A_1258 {strides = array<i32>} : memref<64x64xf32, #tpu.memory_space<vmem>>, vector<1x16xf32>,
      %get3A_1259 = arith.index_cast %scan3A_1128 : i32 to index
      %get3A_1260 = arith.constant 48 : index
      %get3A_1261 = tpu.vector_load %arg21[%get3A_1259, %get3A_1260] {strides = array<i32>} : memref<64x64xf32, #tpu.memory_space<vmem>>, vector<1x16xf32>,
      %get3A_1262 = vector.shape_cast %get3A_1261 : vector<1x16xf32> to vector<16xf32>
      %get3A_1263 = arith.index_cast %scan3A_1128 : i32 to index
      %get3A_1264 = arith.constant 48 : index
      %get3A_1265 = tpu.vector_load %arg23[%get3A_1263, %get3A_1264] {strides = array<i32>} : memref<64x64xf32, #tpu.memory_space<vmem>>, vector<1x16xf32>,
      %get3A_1266 = vector.shape_cast %get3A_1265 : vector<1x16xf32> to vector<16xf32>
      %add3A_1267 = arith.addf %get3A_1262, %get3A_1266 : vector<16xf32>
      %get3A_1268 = arith.index_cast %scan3A_1128 : i32 to index
      %get3A_1269 = arith.constant 48 : index
      %get3A_1270 = tpu.vector_load %arg22[%get3A_1268, %get3A_1269] {strides = array<i32>} : memref<64x64xf32, #tpu.memory_space<vmem>>, vector<1x16xf32>,
      %get3A_1271 = vector.shape_cast %get3A_1270 : vector<1x16xf32> to vector<16xf32>
      %sub3A_1272 = arith.subf %add3A_1267, %get3A_1271 : vector<16xf32>
      %swap3A_1273 = arith.index_cast %scan3A_1128 : i32 to index
      %swap3A_1274 = arith.constant 48 : index
      %swap3A_1275 = tpu.vector_load %arg23[%swap3A_1273, %swap3A_1274] {strides = array<i32>} : memref<64x64xf32, #tpu.memory_space<vmem>>, vector<1x16xf32>,
      %swap3A_1276 = vector.shape_cast %swap3A_1275 : vector<1x16xf32> to vector<16xf32>
      %swap3A_1277 = vector.shape_cast %sub3A_1272 : vector<16xf32> to vector<1x16xf32>
      tpu.vector_store %arg23[%swap3A_1273, %swap3A_1274], %swap3A_1277 {strides = array<i32>} : memref<64x64xf32, #tpu.memory_space<vmem>>, vector<1x16xf32>,
    }
    %scan3A_1075 = arith.constant 64 : i32
    %mul3A_1076 = arith.constant 512 : i32
    %mul3A_1077 = arith.muli %add3A, %mul3A_1076 : i32
    %add3A_1078 = arith.constant 448 : i32
    %add3A_1079 = arith.addi %mul3A_1077, %add3A_1078 : i32
    %dma_start3A_1080 = arith.constant 0 : i32
    %dma_start3A_1081 = tpu.memref_slice %arg7[%add3A_1079, %dma_start3A_1080] : memref<16384x64xf32, #tpu.memory_space<hbm>> -> memref<64x64xf32, #tpu.memory_space<hbm>>
    %dma_start3A_1082 = arith.constant 0 : i32
    %dma_start3A_1083 = tpu.memref_slice %arg7[%add3A_1079, %dma_start3A_1082] : memref<16384x64xf32, #tpu.memory_space<hbm>> -> memref<64x64xf32, #tpu.memory_space<hbm>>
    tpu.enqueue_dma source(%arg18 : memref<64x64xf32, #tpu.memory_space<vmem>>) target(%dma_start3A_1083 : memref<64x64xf32, #tpu.memory_space<hbm>>) target_semaphore(%arg25 : memref<!tpu.dma_semaphore, #tpu.memory_space<semaphore_mem>>)
    %dma_start3A_1084 = arith.constant 0 : i32
    %dma_start3A_1085 = tpu.memref_slice %arg8[%add3A_1079, %dma_start3A_1084] : memref<16384x64xf32, #tpu.memory_space<hbm>> -> memref<64x64xf32, #tpu.memory_space<hbm>>
    %dma_start3A_1086 = arith.constant 0 : i32
    %dma_start3A_1087 = tpu.memref_slice %arg8[%add3A_1079, %dma_start3A_1086] : memref<16384x64xf32, #tpu.memory_space<hbm>> -> memref<64x64xf32, #tpu.memory_space<hbm>>
    tpu.enqueue_dma source(%arg19 : memref<64x64xf32, #tpu.memory_space<vmem>>) target(%dma_start3A_1087 : memref<64x64xf32, #tpu.memory_space<hbm>>) target_semaphore(%arg25 : memref<!tpu.dma_semaphore, #tpu.memory_space<semaphore_mem>>)
    %dma_start3A_1088 = arith.constant 0 : i32
    %dma_start3A_1089 = tpu.memref_slice %arg5[%add3A_1079, %dma_start3A_1088] : memref<16384x64xf32, #tpu.memory_space<hbm>> -> memref<64x64xf32, #tpu.memory_space<hbm>>
    %dma_start3A_1090 = arith.constant 0 : i32
    %dma_start3A_1091 = tpu.memref_slice %arg5[%add3A_1079, %dma_start3A_1090] : memref<16384x64xf32, #tpu.memory_space<hbm>> -> memref<64x64xf32, #tpu.memory_space<hbm>>
    tpu.enqueue_dma source(%arg20 : memref<64x64xf32, #tpu.memory_space<vmem>>) target(%dma_start3A_1091 : memref<64x64xf32, #tpu.memory_space<hbm>>) target_semaphore(%arg25 : memref<!tpu.dma_semaphore, #tpu.memory_space<semaphore_mem>>)
    %dma_start3A_1092 = arith.constant 0 : i32
    %dma_start3A_1093 = tpu.memref_slice %arg9[%add3A_1079, %dma_start3A_1092] : memref<16384x64xf32, #tpu.memory_space<hbm>> -> memref<64x64xf32, #tpu.memory_space<hbm>>
    %dma_start3A_1094 = arith.constant 0 : i32
    %dma_start3A_1095 = tpu.memref_slice %arg9[%add3A_1079, %dma_start3A_1094] : memref<16384x64xf32, #tpu.memory_space<hbm>> -> memref<64x64xf32, #tpu.memory_space<hbm>>
    tpu.enqueue_dma source(%arg21 : memref<64x64xf32, #tpu.memory_space<vmem>>) target(%dma_start3A_1095 : memref<64x64xf32, #tpu.memory_space<hbm>>) target_semaphore(%arg25 : memref<!tpu.dma_semaphore, #tpu.memory_space<semaphore_mem>>)
    %dma_start3A_1096 = arith.constant 0 : i32
    %dma_start3A_1097 = tpu.memref_slice %arg10[%add3A_1079, %dma_start3A_1096] : memref<16384x64xf32, #tpu.memory_space<hbm>> -> memref<64x64xf32, #tpu.memory_space<hbm>>
    %dma_start3A_1098 = arith.constant 0 : i32
    %dma_start3A_1099 = tpu.memref_slice %arg10[%add3A_1079, %dma_start3A_1098] : memref<16384x64xf32, #tpu.memory_space<hbm>> -> memref<64x64xf32, #tpu.memory_space<hbm>>
    tpu.enqueue_dma source(%arg22 : memref<64x64xf32, #tpu.memory_space<vmem>>) target(%dma_start3A_1099 : memref<64x64xf32, #tpu.memory_space<hbm>>) target_semaphore(%arg25 : memref<!tpu.dma_semaphore, #tpu.memory_space<semaphore_mem>>)
    %dma_start3A_1100 = arith.constant 0 : i32
    %dma_start3A_1101 = tpu.memref_slice %arg6[%add3A_1079, %dma_start3A_1100] : memref<16384x64xf32, #tpu.memory_space<hbm>> -> memref<64x64xf32, #tpu.memory_space<hbm>>
    %dma_start3A_1102 = arith.constant 0 : i32
    %dma_start3A_1103 = tpu.memref_slice %arg6[%add3A_1079, %dma_start3A_1102] : memref<16384x64xf32, #tpu.memory_space<hbm>> -> memref<64x64xf32, #tpu.memory_space<hbm>>
    tpu.enqueue_dma source(%arg23 : memref<64x64xf32, #tpu.memory_space<vmem>>) target(%dma_start3A_1103 : memref<64x64xf32, #tpu.memory_space<hbm>>) target_semaphore(%arg25 : memref<!tpu.dma_semaphore, #tpu.memory_space<semaphore_mem>>)
    %dma_wait3A_1104 = arith.constant 0 : i32
    %dma_wait3A_1105 = tpu.memref_slice %arg7[%add3A_1079, %dma_wait3A_1104] : memref<16384x64xf32, #tpu.memory_space<hbm>> -> memref<64x64xf32, #tpu.memory_space<hbm>>
    %dma_wait3A_1106 = arith.constant 0 : i32
    %dma_wait3A_1107 = tpu.memref_slice %arg7[%add3A_1079, %dma_wait3A_1106] : memref<16384x64xf32, #tpu.memory_space<hbm>> -> memref<64x64xf32, #tpu.memory_space<hbm>>
    tpu.wait_dma2 semaphore(%arg25 : memref<!tpu.dma_semaphore, #tpu.memory_space<semaphore_mem>>) src(%arg18 : memref<64x64xf32, #tpu.memory_space<vmem>>) dst(%dma_wait3A_1107 : memref<64x64xf32, #tpu.memory_space<hbm>>)
    %dma_wait3A_1108 = arith.constant 0 : i32
    %dma_wait3A_1109 = tpu.memref_slice %arg8[%add3A_1079, %dma_wait3A_1108] : memref<16384x64xf32, #tpu.memory_space<hbm>> -> memref<64x64xf32, #tpu.memory_space<hbm>>
    %dma_wait3A_1110 = arith.constant 0 : i32
    %dma_wait3A_1111 = tpu.memref_slice %arg8[%add3A_1079, %dma_wait3A_1110] : memref<16384x64xf32, #tpu.memory_space<hbm>> -> memref<64x64xf32, #tpu.memory_space<hbm>>
    tpu.wait_dma2 semaphore(%arg25 : memref<!tpu.dma_semaphore, #tpu.memory_space<semaphore_mem>>) src(%arg19 : memref<64x64xf32, #tpu.memory_space<vmem>>) dst(%dma_wait3A_1111 : memref<64x64xf32, #tpu.memory_space<hbm>>)
    %dma_wait3A_1112 = arith.constant 0 : i32
    %dma_wait3A_1113 = tpu.memref_slice %arg5[%add3A_1079, %dma_wait3A_1112] : memref<16384x64xf32, #tpu.memory_space<hbm>> -> memref<64x64xf32, #tpu.memory_space<hbm>>
    %dma_wait3A_1114 = arith.constant 0 : i32
    %dma_wait3A_1115 = tpu.memref_slice %arg5[%add3A_1079, %dma_wait3A_1114] : memref<16384x64xf32, #tpu.memory_space<hbm>> -> memref<64x64xf32, #tpu.memory_space<hbm>>
    tpu.wait_dma2 semaphore(%arg25 : memref<!tpu.dma_semaphore, #tpu.memory_space<semaphore_mem>>) src(%arg20 : memref<64x64xf32, #tpu.memory_space<vmem>>) dst(%dma_wait3A_1115 : memref<64x64xf32, #tpu.memory_space<hbm>>)
    %dma_wait3A_1116 = arith.constant 0 : i32
    %dma_wait3A_1117 = tpu.memref_slice %arg9[%add3A_1079, %dma_wait3A_1116] : memref<16384x64xf32, #tpu.memory_space<hbm>> -> memref<64x64xf32, #tpu.memory_space<hbm>>
    %dma_wait3A_1118 = arith.constant 0 : i32
    %dma_wait3A_1119 = tpu.memref_slice %arg9[%add3A_1079, %dma_wait3A_1118] : memref<16384x64xf32, #tpu.memory_space<hbm>> -> memref<64x64xf32, #tpu.memory_space<hbm>>
    tpu.wait_dma2 semaphore(%arg25 : memref<!tpu.dma_semaphore, #tpu.memory_space<semaphore_mem>>) src(%arg21 : memref<64x64xf32, #tpu.memory_space<vmem>>) dst(%dma_wait3A_1119 : memref<64x64xf32, #tpu.memory_space<hbm>>)
    %dma_wait3A_1120 = arith.constant 0 : i32
    %dma_wait3A_1121 = tpu.memref_slice %arg10[%add3A_1079, %dma_wait3A_1120] : memref<16384x64xf32, #tpu.memory_space<hbm>> -> memref<64x64xf32, #tpu.memory_space<hbm>>
    %dma_wait3A_1122 = arith.constant 0 : i32
    %dma_wait3A_1123 = tpu.memref_slice %arg10[%add3A_1079, %dma_wait3A_1122] : memref<16384x64xf32, #tpu.memory_space<hbm>> -> memref<64x64xf32, #tpu.memory_space<hbm>>
    tpu.wait_dma2 semaphore(%arg25 : memref<!tpu.dma_semaphore, #tpu.memory_space<semaphore_mem>>) src(%arg22 : memref<64x64xf32, #tpu.memory_space<vmem>>) dst(%dma_wait3A_1123 : memref<64x64xf32, #tpu.memory_space<hbm>>)
    %dma_wait3A_1124 = arith.constant 0 : i32
    %dma_wait3A_1125 = tpu.memref_slice %arg6[%add3A_1079, %dma_wait3A_1124] : memref<16384x64xf32, #tpu.memory_space<hbm>> -> memref<64x64xf32, #tpu.memory_space<hbm>>
    %dma_wait3A_1126 = arith.constant 0 : i32
    %dma_wait3A_1127 = tpu.memref_slice %arg6[%add3A_1079, %dma_wait3A_1126] : memref<16384x64xf32, #tpu.memory_space<hbm>> -> memref<64x64xf32, #tpu.memory_space<hbm>>
    tpu.wait_dma2 semaphore(%arg25 : memref<!tpu.dma_semaphore, #tpu.memory_space<semaphore_mem>>) src(%arg23 : memref<64x64xf32, #tpu.memory_space<vmem>>) dst(%dma_wait3A_1127 : memref<64x64xf32, #tpu.memory_space<hbm>>)
    return
  }
}

</mosaic_0001>

<sc_bundles>
// kernel: kernel.3.cloned.1.call-start
scs
__scs_entry_jumppad:
0x0: {  	(pc) =	sbr.rel $0x88, $3  }
0x1: {  	(tag) =	ssettag $0x0;
	lr =	simm.s32 $0x1  }
0x2: {  	[smem:$0x3F99] =	sst lr;
	_ =	strace $0xD0000000  }
0x3: {  	_ = 	snop  }
0x4: {  	_ = 	snop  }
0x5: {  	_ = 	snop  }
0x6: {  	_ = 	snop  }
0x7: {  	_ = 	snop  }
__scs_overlays_trampoline_lowered:
0x8: {  	[smem:$0x3FA8] =	sst s0  }
0x9: {  	[smem:$0x3FA9] =	sst s1  }
0xa: {  	[smem:$0x3FAA] =	sst s2  }
0xb: {  	[smem:$0x3FAB] =	sst s3  }
0xc: {  	[smem:$0x3FAC] =	sst s4  }
0xd: {  	[smem:$0x3FAD] =	sst s5  }
0xe: {  	[smem:$0x3FAE] =	sst s6  }
0xf: {  	[smem:$0x3FAF] =	sst s7  }
0x10: {  	[smem:$0x3FB0] =	sst s8  }
0x11: {  	[smem:$0x3FB1] =	sst s9;
	s0 =	simm.s32 @!p0 $0x0  }
0x12: {  	s1 =	sld [smem:$0x3F97];
	s0 =	simm.s32 @p0 $0x1  }
0x13: {  	[smem:$0x3FB2] =	sst s0;
	s0 =	simm.s32 @!p1 $0x0  }
0x14: {  	s2 =	sld [smem:$0x3F96];
	s0 =	simm.s32 @p1 $0x1  }
0x15: {  	[smem:$0x3FB3] =	sst s0;
	s0 =	simm.s32 @!p2 $0x0  }
0x16: {  	s3 =	sld [smem:$0x3FDB];
	s0 =	simm.s32 @p2 $0x1  }
0x17: {  	s4 =	simm.s32 $0x1BF5;
	[smem:$0x3FB5] =	sst s0  }
0x18: {  	s0 =	sld [smem:$0x3F98];
	_ =	swait.ge [sflag:s4], $0x0  }
0x19: {  	s7 =	sld [smem:$0x3F99]  }
0x1a: {  	s8 =	sadd.s32 $0xFFFFE003, lr  }
0x1b: {  	s9 =	sadd.s32 $0xFFFFFEF7, lr;
	s5 =	simm.s32 $0xFFFFFFFF;
	p2 =	slt.u32 s8, $0xFFFFF086  }
0x1c: {  	p1 =	slt.u32 s9, $0xF7A;
	s5 =	simm.s32 @!p2 $0x0  }
0x1d: {  	s5 =	simm.s32 @p1 $0x1;
	p0 =	seq.s32 s7, s2  }
0x1e: {  	s7 =	smul.u32 @!p0 $0xF7A, s2;
	p2 =	seq.s32 @!p0 s5, $0x0  }
0x1f: {  	s9 =	smul.u32 $0xF7A, s1;
	s8 =	simm.s32 @!p0 $0x1BF5;
	p2 =	por !p2, p0  }
0x20: {  	[sflag:s8] =	ssyncset.s32 @!p0 $0xFFFFF086;
	s6 =	sadd.s32 @!p0 s3, s7;
	s7 =	simm.s32 @!p0 $0x108  }
0x21: {  	s3 =	sadd.s32 s3, s9;
	s6 =	sadd.s32 @!p0 $0x88, s6;
	s7 =	simm.s32 @p2 $0x1082  }
0x22: {  	[simem:s7], [sflag:s8] =	dma.local @!p0 [hbm:s6], $0xF7A  }
0x23: {  	s9 =	sor.u32 $0xD0000000, s2;
	s6 =	simm.s32 $0x108;
	_ =	swait.ge @!p0 [sflag:s8], $0x0  }
0x24: {  	s3 =	sadd.s32 $0x88, s3;
	s6 =	simm.s32 @!p1 $0x1082;
	[sflag:s4] =	ssyncset.s32 $0xFFFFF086  }
0x25: {  	[simem:s6], [sflag:s4] =	dma.local [hbm:s3], $0xF7A  }
0x26: {  	[smem:$0x3F99] =	sst s1;
	(tag) =	ssettag s2;
	_ =	strace s9  }
0x27: {  	s1 =	sld [smem:$0x3FA9]  }
0x28: {  	s2 =	sld [smem:$0x3FAA]  }
0x29: {  	s4 =	sld [smem:$0x3FAC]  }
0x2a: {  	p0 =	seq.s32 s5, $0x0;
	s5 =	sld [smem:$0x3FAD]  }
0x2b: {  	s6 =	sld [smem:$0x3FAE]  }
0x2c: {  	s7 =	sld [smem:$0x3FAF]  }
0x2d: {  	s3 =	simm.s32 $0x108;
	s8 =	sld [smem:$0x3FB0]  }
0x2e: {  	s3 =	simm.s32 @!p0 $0x1082;
	s9 =	sld [smem:$0x3FB1]  }
0x2f: {  	lr =	sadd.s32 s0, s3;
	s0 =	sld [smem:$0x3FA8]  }
0x30: {  	s3 =	sld [smem:$0x3FAB]  }
0x31: {  	[smem:$0x3FB4] =	sst s10  }
0x32: {  	s10 =	sld [smem:$0x3FB2];
	_ =	sdelay $0x3  }
0x33: {  	p0 =	seq.s32 s10, $0x1;
	s10 =	sld [smem:$0x3FB4];
	_ =	sdelay $0x3  }
0x34: {  	[smem:$0x3FB4] =	sst s10  }
0x35: {  	s10 =	sld [smem:$0x3FB3];
	_ =	sdelay $0x3  }
0x36: {  	p1 =	seq.s32 s10, $0x1;
	s10 =	sld [smem:$0x3FB4];
	_ =	sdelay $0x3  }
0x37: {  	[smem:$0x3FB4] =	sst s10  }
0x38: {  	s10 =	sld [smem:$0x3FB5]  }
0x39: {  	_ = 	snop;
	(pc) =	sbr.ind lr, $3  }
0x3a: {  	_ = 	snop  }
0x3b: {  	_ = 	snop  }
0x3c: {  	p2 =	seq.s32 s10, $0x1;
	s10 =	sld [smem:$0x3FB4]  }
0x3d: {  	_ =	shalt  }
0x3e: {  	_ =	shalt  }
0x3f: {  	_ =	shalt  }
0x40: {  	_ =	shalt  }
0x41: {  	_ =	shalt  }
0x42: {  	_ =	shalt  }
0x43: {  	_ =	shalt  }
0x44: {  	_ =	shalt  }
0x45: {  	_ =	shalt  }
0x46: {  	_ =	shalt  }
0x47: {  	_ =	shalt  }
0x48: {  	_ =	shalt  }
0x49: {  	_ =	shalt  }
0x4a: {  	_ =	shalt  }
0x4b: {  	_ =	shalt  }
0x4c: {  	_ =	shalt  }
0x4d: {  	_ =	shalt  }
0x4e: {  	_ =	shalt  }
0x4f: {  	_ =	shalt  }
0x50: {  	_ =	shalt  }
0x51: {  	_ =	shalt  }
0x52: {  	_ =	shalt  }
0x53: {  	_ =	shalt  }
0x54: {  	_ =	shalt  }
0x55: {  	_ =	shalt  }
0x56: {  	_ =	shalt  }
0x57: {  	_ =	shalt  }
0x58: {  	_ =	shalt  }
0x59: {  	_ =	shalt  }
0x5a: {  	_ =	shalt  }
0x5b: {  	_ =	shalt  }
0x5c: {  	_ =	shalt  }
0x5d: {  	_ =	shalt  }
0x5e: {  	_ =	shalt  }
0x5f: {  	_ =	shalt  }
0x60: {  	_ =	shalt  }
0x61: {  	_ =	shalt  }
0x62: {  	_ =	shalt  }
0x63: {  	_ =	shalt  }
0x64: {  	_ =	shalt  }
0x65: {  	_ =	shalt  }
0x66: {  	_ =	shalt  }
0x67: {  	_ =	shalt  }
0x68: {  	_ =	shalt  }
0x69: {  	_ =	shalt  }
0x6a: {  	_ =	shalt  }
0x6b: {  	_ =	shalt  }
0x6c: {  	_ =	shalt  }
0x6d: {  	_ =	shalt  }
0x6e: {  	_ =	shalt  }
0x6f: {  	_ =	shalt  }
0x70: {  	_ =	shalt  }
0x71: {  	_ =	shalt  }
0x72: {  	_ =	shalt  }
0x73: {  	_ =	shalt  }
0x74: {  	_ =	shalt  }
0x75: {  	_ =	shalt  }
0x76: {  	_ =	shalt  }
0x77: {  	_ =	shalt  }
0x78: {  	_ =	shalt  }
0x79: {  	_ =	shalt  }
0x7a: {  	_ =	shalt  }
0x7b: {  	_ =	shalt  }
0x7c: {  	_ =	shalt  }
0x7d: {  	_ =	shalt  }
0x7e: {  	_ =	shalt  }
0x7f: {  	_ =	shalt  }
0x80: {  	_ =	shalt  }
0x81: {  	_ =	shalt  }
0x82: {  	_ =	shalt  }
0x83: {  	_ =	shalt  }
0x84: {  	_ =	shalt  }
0x85: {  	_ =	shalt  }
0x86: {  	_ =	shalt  }
0x87: {  	_ =	shalt  }
.Lfunc_end0:
.L_simem_size_0:
called_computation_lowered:
.L_overlay_start_0:
0x88: {  	s2 =	sld [smem:$0x3FD9]  }
0x89: {  	s3 =	sld [smem:$0x3FFE];
	_ =	sdelay $0x1  }
0x8a: {  	s1 =	srdreg.scid  }
0x8b: {  	s0 =	sand.u32 $0x1, s1  }
0x8c: {  	s14 =	sshll.u32 s0, $0xA;
	s2 =	sadd.s32 s3, s2  }
0x8d: {  	s2 =	sadd.s32 s2, s14  }
0x8e: {  	[smem:$0x3FC0] =	sst s2  }
0x8f: {  	_ = 	snop  }
0x90: {  	s2 =	sld [smem:$0x3FD0];
	_ =	sdelay $0x2  }
0x91: {  	s15 =	simm.s32 $0xA;
	s4 =	simm.s32 $0x10  }
0x92: {  	[smem:s4], [sflag:s15] =	dma.local [hbm:s2], $0x1  }
0x93: {  	_ =	swait.eq [sflag:s15], $0x1  }
0x94: {  	s16 =	sld [smem:$0x11]  }
0x95: {  	s17 =	sld [smem:$0x12]  }
0x96: {  	s5 =	sld [smem:$0x13];
	[sflag:s15] =	ssyncset.done $0x0  }
0x97: {  	s6 =	sld [smem:$0x14];
	[sflag:s15] =	ssyncadd.s32 $0xFFFFFFFF  }
0x98: {  	s18 =	sld [smem:$0x15];
	(tm) =	ssettm $0x1  }
0x99: {  	s7 =	sld [smem:$0x3FFB];
	_ =	sdelay $0x3  }
0x9a: {  	_ =	strace s7  }
0x9b: {  	s7 =	sld [smem:$0x3FFC];
	_ =	sdelay $0x3  }
0x9c: {  	_ =	strace s7  }
0x9d: {  	s7 =	sld [smem:$0x3FFD];
	_ =	sdelay $0x3  }
0x9e: {  	_ =	strace s7  }
0x9f: {  	_ =	strace $0x8FFFFFFF  }
0xa0: {  	s19 =	sld [smem:$0x3FDB];
	_ =	sdelay $0x1  }
0xa1: {  	s8 =	simm.s32 $_scs_section_size  }
0xa2: {  	s9 =	simm.s32 $_size__tile_overlayer_lowered;
	s10 =	simm.s32 $_tile_overlayer_lowered  }
0xa3: {  	s22 =	simm.s32 $0x1BFF;
	s21 =	sshll.u32 s10, $0x1;
	s7 =	sadd.s32 s8, s19  }
0xa4: {  	s11 =	simm.s32 $0x0;
	s20 =	sshll.u32 s9, $0x1;
	s9 =	sadd.s32 s21, s7  }
0xa5: {  	[timem:s11], [sflag:s22] =	dma.local [hbm:s9], s20  }
0xa6: {  	_ =	swait.ge [sflag:s22], s20  }
0xa7: {  	s8 =	ssub.s32 $0x0, s20;
	[sflag:s22] =	ssyncset.done $0x0  }
0xa8: {  	[sflag:s22] =	ssyncadd.s32 s8;
	_ =	sdelay $0x1  }
0xa9: {  	s23 =	simm.s32 $0x1B8B  }
0xaa: {  	_ =	swait.ge [sflag:s23], $0x1  }
0xab: {  	[sflag:s23] =	ssyncset.done $0x0  }
0xac: {  	s25 =	simm.s32 $0x1B8E;
	s24 =	sld [smem:$0x3FFE];
	[sflag:s23] =	ssyncadd.s32 $0xFFFFFFFF  }
0xad: {  	s26 =	simm.s32 $execute0_lowered;
	[smem:$0x3FD2] =	sst s25  }
0xae: {  	s9 =	sshll.u32 s26, $0x1;
	_ =	strace $0x80000046;
	[dreg:$0x1] =	wrdreg $0xFFFFFFFF  }
0xaf: {  	s28 =	simm.s32 $_size_execute0_lowered;
	s7 =	sadd.s32 s7, s9;
	[dreg:$0x0] =	wrdreg $0x0  }
0xb0: {  	s9 =	sshll.u32 s28, $0x1;
	[dreg:$0x2] =	wrdreg s7  }
0xb1: {  	[dreg:$0x3] =	wrdreg s9  }
0xb2: {  	[dreg:$0x4] =	wrdreg $0xC0  }
0xb3: {  	_ =	task [dreg:s11], $0x5FFFF  }
0xb4: {  	[dreg:$0x1] =	wrdreg $0xFFFFFFFF  }
0xb5: {  	[dreg:$0x0] =	wrdreg $0x60  }
0xb6: {  	[dreg:$0x2] =	wrdreg s17  }
0xb7: {  	[dreg:$0x3] =	wrdreg s24  }
0xb8: {  	[dreg:$0x4] =	wrdreg s16  }
0xb9: {  	[dreg:$0x5] =	wrdreg s18  }
0xba: {  	[dreg:$0x6] =	wrdreg s6  }
0xbb: {  	[dreg:$0x7] =	wrdreg s5  }
0xbc: {  	[dreg:$0x8] =	wrdreg $0x9  }
0xbd: {  	_ =	task.clear_ibuf [dreg:s11], $0x9FFFF;
	_ =	strace $0x90000046  }
0xbe: {  	s29 =	simm.s32 $0x9;
	_ =	strace $0x80000048  }
0xbf: {  	_ =	swait.ge [sflag:s29], $0x1  }
0xc0: {  	[sflag:s29] =	ssyncadd.s32 $0xFFFFFFFF  }
0xc1: {  	_ =	strace $0x90000048  }
0xc2: {  	_ =	sfence  }
0xc3: {  	s30 =	sld [smem:$0x0];
	_ =	sdelay $0x2  }
0xc4: {  	s31 =	sshll.u32 s1, $0xD;
	s1 =	sshrl.u32 s1, $0x2  }
0xc5: {  	s3 =	sand.u32 $0x4000, s31;
	s1 =	sadd.s32 s1, s30  }
0xc6: {  	s0 =	sor.u32 s3, s0;
	s1 =	sshll.u32 s1, $0x11  }
0xc7: {  	s0 =	sor.u32 s1, s0  }
0xc8: {  	s0 =	sadd.s32 $0x8F2B, s0  }
0xc9: {  	[sflag:s0] =	ssyncadd.remote.s32 $0x1  }
0xca: {  	_ =	sfence.sel $0xFFFF  }
0xcb: {  	[dreg:$0x0] =	wrdreg $0xFFFFFFFF;
	(pc) =	sbr.abs _section_cstart, $3  }
0xcc: {  	[dreg:$0x1] =	wrdreg $0xFFFFFFFF  }
0xcd: {  	_ =	task.clear_ibuf [dreg:s11], $0x2FFFF;
	_ =	strace $0x9FFFFFFF  }
0xce: {  	(tm) =	ssettm $0x7FFFFFFF  }
0xcf: {  	_ =	shalt  }
tec
execute0_lowered:
.L_overlay_start_1:
0x0: {  	(tag) =	ssettag $0x1  }
0x1: {  	s8 =	rddreg [dreg:$0x0]  }
0x2: {  	s0 =	rddreg [dreg:$0x1];
	s6 =	srdreg.scid  }
0x3: {  	s3 =	rddreg [dreg:$0x3];
	s7 =	stileid.u32;
	s9 =	sand.u32 $0x1, s6  }
0x4: {  	s2 =	rddreg [dreg:$0x4];
	s10 =	sshll.u32 s7, $0xA;
	s11 =	sshll.u32 s9, $0x9  }
0x5: {  	s4 =	rddreg [dreg:$0x5];
	s10 =	sor.u32 s11, s10  }
0x6: {  	s1 =	simm.s32 $0x0;
	s12 =	sshrl.u32 s10, $0x3;
	s10 =	sshll.u32 s10, $0x3  }
0x7: {  	[smem:$0x7FF] =	sst s1;
	s8 =	sadd.s32 s8, s12;
	s14 =	sor.u32 $0x200, s10  }
0x8: {  	s5 =	sadd.s32 $0x2000, s0;
	[dreg:$0x7] =	wrdreg s8;
	s15 =	sadd.s32 s4, s14  }
0x9: {  	s16 =	sadd.s32 s5, s14;
	[dreg:$0x8] =	wrdreg s15  }
0xa: {  	s6 =	sadd.s32 $0x22000, s0;
	s17 =	sadd.s32 s3, s14;
	[dreg:$0x9] =	wrdreg s16  }
0xb: {  	s7 =	sadd.s32 $0x42000, s0;
	s18 =	sadd.s32 s6, s14;
	[dreg:$0xa] =	wrdreg s17  }
0xc: {  	s19 =	sadd.s32 s7, s14;
	[dreg:$0xb] =	wrdreg s18  }
0xd: {  	s20 =	sor.u32 $0x400, s10;
	s8 =	sadd.s32 s2, s14;
	[dreg:$0xc] =	wrdreg s19  }
0xe: {  	s21 =	sadd.s32 s4, s20;
	[dreg:$0xd] =	wrdreg s8  }
0xf: {  	s22 =	sadd.s32 s5, s20;
	[dreg:$0xe] =	wrdreg s21  }
0x10: {  	s23 =	sadd.s32 s3, s20;
	[dreg:$0xf] =	wrdreg s22  }
0x11: {  	s9 =	ssub.s32 $0x2, s9;
	s24 =	sadd.s32 s6, s20;
	[dreg:$0x10] =	wrdreg s23  }
0x12: {  	s13 =	sshrl.u32 s9, $0x1;
	s26 =	sadd.s32 s7, s20;
	[dreg:$0x11] =	wrdreg s24  }
0x13: {  	s25 =	sor.u32 $0x600, s10;
	s11 =	sadd.s32 s2, s20;
	[dreg:$0x12] =	wrdreg s26  }
0x14: {  	s9 =	ssub.s32 s9, s13;
	s13 =	sadd.s32 s4, s25;
	[dreg:$0x13] =	wrdreg s11  }
0x15: {  	s14 =	sadd.s32 s5, s25;
	[dreg:$0x14] =	wrdreg s13  }
0x16: {  	[dreg:$0x15] =	wrdreg s14;
	s15 =	sadd.s32 s3, s25  }
0x17: {  	s16 =	sadd.s32 s6, s25;
	[dreg:$0x16] =	wrdreg s15  }
0x18: {  	s17 =	sadd.s32 s7, s25;
	[dreg:$0x17] =	wrdreg s16  }
0x19: {  	s8 =	sadd.s32 s2, s25;
	s18 =	sor.u32 $0x800, s10;
	[dreg:$0x18] =	wrdreg s17  }
0x1a: {  	[dreg:$0x19] =	wrdreg s8;
	s19 =	sadd.s32 s4, s18  }
0x1b: {  	s20 =	sadd.s32 s5, s18;
	[dreg:$0x1a] =	wrdreg s19  }
0x1c: {  	s21 =	sadd.s32 s3, s18;
	[dreg:$0x1b] =	wrdreg s20  }
0x1d: {  	s22 =	sadd.s32 s6, s18;
	[dreg:$0x1c] =	wrdreg s21  }
0x1e: {  	s23 =	sadd.s32 s7, s18;
	[dreg:$0x1d] =	wrdreg s22  }
0x1f: {  	s24 =	sor.u32 $0xA00, s10;
	s8 =	sadd.s32 s2, s18;
	[dreg:$0x1e] =	wrdreg s23  }
0x20: {  	s25 =	sadd.s32 s4, s24;
	[dreg:$0x1f] =	wrdreg s8  }
0x21: {  	s26 =	sadd.s32 s5, s24;
	[smem:$0x7ED] =	sst s25  }
0x22: {  	s12 =	sadd.s32 s3, s24;
	[smem:$0x7EE] =	sst s26  }
0x23: {  	s13 =	sadd.s32 s6, s24;
	[smem:$0x7EF] =	sst s12  }
0x24: {  	s15 =	sadd.s32 s7, s24;
	[smem:$0x7F0] =	sst s13  }
0x25: {  	s14 =	sor.u32 $0xC00, s10;
	s11 =	sadd.s32 s2, s24;
	[smem:$0x7F1] =	sst s15  }
0x26: {  	s16 =	sadd.s32 s4, s14;
	[smem:$0x7F2] =	sst s11  }
0x27: {  	s17 =	sadd.s32 s5, s14;
	[smem:$0x7F3] =	sst s16  }
0x28: {  	s18 =	sadd.s32 s3, s14;
	[smem:$0x7F4] =	sst s17  }
0x29: {  	s24 =	sadd.s32 s6, s10;
	[smem:$0x7F5] =	sst s18  }
0x2a: {  	s28 =	simm.s32 $0xC00;
	[smem:$0x7FC] =	sst s24  }
0x2b: {  	s29 =	simm.s32 $0x1C00;
	s19 =	sadd.s32 s6, s14;
	s17 =	rddreg [dreg:$0x2]  }
0x2c: {  	s30 =	simm.s32 $0x2C00;
	s20 =	sadd.s32 s7, s14;
	[smem:$0x7F6] =	sst s19  }
0x2d: {  	s31 =	simm.s32 $0x3C00;
	s8 =	sadd.s32 s2, s14;
	[smem:$0x7F7] =	sst s20  }
0x2e: {  	s21 =	sadd.s32 s4, s10;
	s22 =	sadd.s32 s5, s10;
	[smem:$0x7F8] =	sst s8  }
0x2f: {  	s23 =	sadd.s32 s3, s10;
	s25 =	sadd.s32 s7, s10;
	[smem:$0x7F9] =	sst s21  }
0x30: {  	s14 =	sadd.s32 s2, s10;
	s26 =	sor.u32 $0xE00, s10;
	[smem:$0x7FA] =	sst s22  }
0x31: {  	s24 =	simm.s32 $0x6C00;
	s10 =	simm.s32 $0x0;
	[smem:$0x7FB] =	sst s23  }
0x32: {  	[smem:$0x7FD] =	sst s25;
	s15 =	sadd.s32 s4, s26;
	s16 =	sadd.s32 s5, s26  }
0x33: {  	s18 =	sadd.s32 s3, s26;
	s19 =	sadd.s32 s6, s26;
	s20 =	sadd.s32 s7, s26  }
0x34: {  	s21 =	sadd.s32 s2, s26;
	s22 =	sadd.s32 $0xF44400, s0;
	s23 =	smax.u32 s9, $0x1  }
0x35: {  	s25 =	simm.s32 $0x3;
	s26 =	simm.s32 $0x40;
	s0 =	simm.s32 $0x4C00  }
0x36: {  	s2 =	simm.s32 $0x5C00;
	s3 =	simm.s32 $0x1;
	s4 =	simm.s32 $0x7C00  }
0x37: {  	s5 =	simm.s32 $0x8C00;
	s6 =	simm.s32 $0x9C00;
	s7 =	simm.s32 $0xAC00  }
0x38: {  	s8 =	simm.s32 $0xBC00;
	s9 =	simm.s32 $0x2;
	_ =	strace $0x80000047  }
.LBB2_1:
0x39: {  	s11 =	rddreg [dreg:$0x7];
	s12 =	simm.s32 $0x200;
	s13 =	simm.s32 $0x4000  }
0x3a: {  	[tilespmem:s1], [sflag:$0x3] =	stream.strided.gather [hbm4b:s11+s12], $0xC00, s13, s12, $0x38;
	[tilespmem:$0xCC00] =	vst v63  }
0x3b: {  	_ =	swait.ge [sflag:s25], $0xC00  }
0x3c: {  	[sflag:s25] =	ssyncset.done $0x0  }
0x3d: {  	[sflag:s25] =	ssyncadd.s32 $0xFFFFF400  }
0x3e: {  	[tilespmem:s28], [sflag:$0x1] =	stream.indirect.gather [hbm4b:s22+s26], $0x40, s1, s26, $0xb8;
	[tilespmem:$0xCC00] =	vst v63  }
0x3f: {  	_ = 	snop  }
0x40: {  	[tilespmem:s29], [sflag:$0x1] =	stream.indirect.gather [hbm4b:s22+s26], $0x40, s12, s26, $0xb8;
	[tilespmem:$0xCC00] =	vst v63  }
0x41: {  	s13 =	simm.s32 $0x400  }
0x42: {  	[tilespmem:s30], [sflag:$0x1] =	stream.indirect.gather [hbm4b:s17+s26], $0x40, s13, s26, $0xb8;
	[tilespmem:$0xCC00] =	vst v63  }
0x43: {  	s12 =	simm.s32 $0x600  }
0x44: {  	[tilespmem:s31], [sflag:$0x1] =	stream.indirect.gather [hbm4b:s22+s26], $0x40, s12, s26, $0xb8;
	[tilespmem:$0xCC00] =	vst v63  }
0x45: {  	s13 =	simm.s32 $0x800  }
0x46: {  	[tilespmem:s0], [sflag:$0x1] =	stream.indirect.gather [hbm4b:s22+s26], $0x40, s13, s26, $0xb8;
	[tilespmem:$0xCC00] =	vst v63  }
0x47: {  	s12 =	simm.s32 $0xA00  }
0x48: {  	[tilespmem:s2], [sflag:$0x1] =	stream.indirect.gather [hbm4b:s17+s26], $0x40, s12, s26, $0xb8;
	[tilespmem:$0xCC00] =	vst v63  }
0x49: {  	_ =	swait.ge [sflag:s3], $0x1000  }
0x4a: {  	[sflag:s3] =	ssyncset.done $0x0  }
0x4b: {  	[sflag:s3] =	ssyncadd.s32 $0xFFFFF000  }
0x4c: {  	_ =	swait.ge [sflag:s3], $0x1000  }
0x4d: {  	[sflag:s3] =	ssyncset.done $0x0  }
0x4e: {  	[sflag:s3] =	ssyncadd.s32 $0xFFFFF000  }
0x4f: {  	_ =	swait.ge [sflag:s3], $0x1000  }
0x50: {  	[sflag:s3] =	ssyncset.done $0x0  }
0x51: {  	[sflag:s3] =	ssyncadd.s32 $0xFFFFF000  }
0x52: {  	_ =	swait.ge [sflag:s3], $0x1000  }
0x53: {  	[sflag:s3] =	ssyncset.done $0x0  }
0x54: {  	[sflag:s3] =	ssyncadd.s32 $0xFFFFF000  }
0x55: {  	_ =	swait.ge [sflag:s3], $0x1000  }
0x56: {  	[sflag:s3] =	ssyncset.done $0x0  }
0x57: {  	[sflag:s3] =	ssyncadd.s32 $0xFFFFF000  }
0x58: {  	_ =	swait.ge [sflag:s3], $0x1000  }
0x59: {  	[sflag:s3] =	ssyncset.done $0x0  }
0x5a: {  	[sflag:s3] =	ssyncadd.s32 $0xFFFFF000  }
0x5b: {  	[tilespmem:s24], [sflag:$0x1] =	stream.indirect.gather [hbm4b:s22+s26], $0x40, s26, s26, $0xb8;
	[tilespmem:$0xCC00] =	vst v63  }
0x5c: {  	s13 =	simm.s32 $0x240  }
0x5d: {  	[tilespmem:s4], [sflag:$0x1] =	stream.indirect.gather [hbm4b:s22+s26], $0x40, s13, s26, $0xb8;
	[tilespmem:$0xCC00] =	vst v63  }
0x5e: {  	s12 =	simm.s32 $0x440  }
0x5f: {  	[tilespmem:s5], [sflag:$0x1] =	stream.indirect.gather [hbm4b:s17+s26], $0x40, s12, s26, $0xb8;
	[tilespmem:$0xCC00] =	vst v63  }
0x60: {  	s13 =	simm.s32 $0x640  }
0x61: {  	[tilespmem:s6], [sflag:$0x1] =	stream.indirect.gather [hbm4b:s22+s26], $0x40, s13, s26, $0xb8;
	[tilespmem:$0xCC00] =	vst v63  }
0x62: {  	s12 =	simm.s32 $0x840  }
0x63: {  	[tilespmem:s7], [sflag:$0x1] =	stream.indirect.gather [hbm4b:s22+s26], $0x40, s12, s26, $0xb8;
	[tilespmem:$0xCC00] =	vst v63  }
0x64: {  	s11 =	simm.s32 $0x0;
	s13 =	simm.s32 $0xA40  }
0x65: {  	[tilespmem:s8], [sflag:$0x1] =	stream.indirect.gather [hbm4b:s17+s26], $0x40, s13, s26, $0xb8;
	[tilespmem:$0xCC00] =	vst v63  }
0x66: {  	v5 =	vld [tilespmem:s11+$0x1C00]  }
0x67: {  	v4 =	vld [tilespmem:s11+$0x4C00]  }
0x68: {  	v3 =	vld [tilespmem:s11+$0x1C10]  }
0x69: {  	v2 =	vld [tilespmem:s11+$0x4C10]  }
0x6a: {  	v1 =	vld [tilespmem:s11+$0x1C20]  }
0x6b: {  	v0 =	vld [tilespmem:s11+$0x4C20]  }
0x6c: {  	v12 =	vld [tilespmem:s11+$0xC00]  }
0x6d: {  	v17 =	vld [tilespmem:s11+$0x3C00]  }
0x6e: {  	v11 =	vld [tilespmem:s11+$0xC10]  }
0x6f: {  	v10 =	vld [tilespmem:s11+$0x3C10]  }
0x70: {  	v9 =	vld [tilespmem:s11+$0xC20]  }
0x71: {  	v8 =	vld [tilespmem:s11+$0x3C20]  }
0x72: {  	v7 =	vld [tilespmem:s11+$0xC30]  }
0x73: {  	v6 =	vld [tilespmem:s11+$0x3C30]  }
0x74: {  	v18 =	vld [tilespmem:s11+$0x2C00]  }
0x75: {  	v19 =	vld [tilespmem:s11+$0x5C00]  }
0x76: {  	v16 =	vld [tilespmem:s11+$0x2C10]  }
0x77: {  	v15 =	vld [tilespmem:s11+$0x5C10]  }
0x78: {  	v14 =	vld [tilespmem:s11+$0x2C20]  }
0x79: {  	v13 =	vld [tilespmem:s11+$0x5C20];
	v18 =	vadd.f32 v18, v12  }
0x7a: {  	s12 =	simm.s32 $0x100;
	v17 =	vadd.f32 v19, v17;
	v12 =	vld [tilespmem:s11+$0x2C30]  }
.LBB2_2:
0x7b: {  	p0 =	sne.s32 s12, $0x3F00;
	v5 =	vsub.f32 v18, v5;
	v11 =	vadd.f32 v16, v11;
	v16 =	vld [tilespmem:s11+$0x5C30]  }
0x7c: {  	v4 =	vsub.f32 v17, v4;
	v10 =	vadd.f32 v15, v10;
	v15 =	vld [tilespmem:s11+$0x1C30]  }
0x7d: {  	s13 =	sshra.s32 s12, $0x2;
	[tilespmem:s11+$0x2C00] =	vst v5;
	v3 =	vsub.f32 v11, v3;
	v9 =	vadd.f32 v14, v9;
	v11 =	vld [tilespmem:s11+$0x4C30]  }
0x7e: {  	v5 =	vld [tilespmem:s13+$0x1C00];
	[tilespmem:s11+$0x5C00] =	vst v4;
	v2 =	vsub.f32 v10, v2;
	v8 =	vadd.f32 v13, v8  }
0x7f: {  	v4 =	vld [tilespmem:s13+$0x4C00];
	[tilespmem:s11+$0x2C10] =	vst v3;
	v1 =	vsub.f32 v9, v1;
	v7 =	vadd.f32 v12, v7  }
0x80: {  	v3 =	vld [tilespmem:s13+$0x1C10];
	[tilespmem:s11+$0x5C10] =	vst v2;
	v0 =	vsub.f32 v8, v0;
	v6 =	vadd.f32 v16, v6  }
0x81: {  	v2 =	vld [tilespmem:s13+$0x4C10];
	[tilespmem:s11+$0x2C20] =	vst v1;
	v7 =	vsub.f32 v7, v15  }
0x82: {  	v1 =	vld [tilespmem:s13+$0x1C20];
	[tilespmem:s11+$0x5C20] =	vst v0;
	v6 =	vsub.f32 v6, v11  }
0x83: {  	v0 =	vld [tilespmem:s13+$0x4C20];
	[tilespmem:s11+$0x2C30] =	vst v7  }
0x84: {  	v12 =	vld [tilespmem:s13+$0xC00];
	[tilespmem:s11+$0x5C30] =	vst v6;
	s11 =	smov.u32 s13  }
0x85: {  	v17 =	vld [tilespmem:s11+$0x3C00]  }
0x86: {  	v11 =	vld [tilespmem:s11+$0xC10]  }
0x87: {  	v10 =	vld [tilespmem:s11+$0x3C10]  }
0x88: {  	v9 =	vld [tilespmem:s11+$0xC20]  }
0x89: {  	v8 =	vld [tilespmem:s11+$0x3C20]  }
0x8a: {  	v7 =	vld [tilespmem:s11+$0xC30]  }
0x8b: {  	v6 =	vld [tilespmem:s11+$0x3C30]  }
0x8c: {  	v13 =	vld [tilespmem:s11+$0x2C00]  }
0x8d: {  	v19 =	vld [tilespmem:s11+$0x5C00]  }
.Ltmp0:
0x8e: {  	v16 =	vld [tilespmem:s11+$0x2C10];
	(pc) =	sbr.rel @p0 .LBB2_2-.Ltmp0, $4  }
0x8f: {  	v15 =	vld [tilespmem:s11+$0x5C10]  }
0x90: {  	v14 =	vld [tilespmem:s11+$0x2C20]  }
0x91: {  	v18 =	vadd.f32 v13, v12;
	v13 =	vld [tilespmem:s11+$0x5C20]  }
0x92: {  	s12 =	sadd.s32 $0x100, s12;
	v17 =	vadd.f32 v19, v17;
	v12 =	vld [tilespmem:s11+$0x2C30]  }
0x93: {  	v5 =	vsub.f32 v18, v5;
	v18 =	vld [tilespmem:s11+$0x5C30];
	v11 =	vadd.f32 v16, v11  }
0x94: {  	v16 =	vld [tilespmem:s11+$0x1C30];
	v4 =	vsub.f32 v17, v4;
	v10 =	vadd.f32 v15, v10  }
0x95: {  	[tilespmem:s11+$0x2C00] =	vst v5;
	v3 =	vsub.f32 v11, v3;
	v5 =	vadd.f32 v14, v9;
	v9 =	vld [tilespmem:s11+$0x4C30]  }
0x96: {  	[tilespmem:s11+$0x5C00] =	vst v4;
	v2 =	vsub.f32 v10, v2;
	v4 =	vadd.f32 v13, v8  }
0x97: {  	[tilespmem:s11+$0x2C10] =	vst v3;
	v1 =	vsub.f32 v5, v1;
	v3 =	vadd.f32 v12, v7  }
0x98: {  	[tilespmem:s11+$0x5C10] =	vst v2;
	v0 =	vsub.f32 v4, v0;
	v2 =	vadd.f32 v18, v6  }
0x99: {  	[tilespmem:s11+$0x2C20] =	vst v1;
	v1 =	vsub.f32 v3, v16  }
0x9a: {  	s12 =	sld [smem:$0x7F9];
	[tilespmem:s11+$0x5C20] =	vst v0;
	v0 =	vsub.f32 v2, v9  }
0x9b: {  	[tilespmem:s11+$0x2C30] =	vst v1  }
0x9c: {  	s13 =	sld [smem:$0x7FA];
	[tilespmem:s11+$0x5C30] =	vst v0;
	s11 =	simm.s32 $0x0  }
0x9d: {  	[hbm4b:s12+s11] =	stream.linear.scatter [tilespmem:s28], [sflag:$0x2], $0x1000, $0x38;
	[tilespmem:$0xCC00] =	vst v63  }
0x9e: {  	_ = 	snop  }
0x9f: {  	[hbm4b:s13+s11] =	stream.linear.scatter [tilespmem:s29], [sflag:$0x2], $0x1000, $0x38;
	[tilespmem:$0xCC00] =	vst v63  }
0xa0: {  	s13 =	sld [smem:$0x7FB];
	_ =	sdelay $0x2  }
0xa1: {  	[hbm4b:s13+s11] =	stream.linear.scatter [tilespmem:s30], [sflag:$0x2], $0x1000, $0x38;
	[tilespmem:$0xCC00] =	vst v63  }
0xa2: {  	s13 =	sld [smem:$0x7FC];
	_ =	sdelay $0x2  }
0xa3: {  	[hbm4b:s13+s11] =	stream.linear.scatter [tilespmem:s31], [sflag:$0x2], $0x1000, $0x38;
	[tilespmem:$0xCC00] =	vst v63  }
0xa4: {  	s13 =	sld [smem:$0x7FD];
	_ =	sdelay $0x2  }
0xa5: {  	[hbm4b:s13+s11] =	stream.linear.scatter [tilespmem:s0], [sflag:$0x2], $0x1000, $0x38;
	[tilespmem:$0xCC00] =	vst v63  }
0xa6: {  	_ = 	snop  }
0xa7: {  	[hbm4b:s14+s11] =	stream.linear.scatter [tilespmem:s2], [sflag:$0x2], $0x1000, $0x38;
	[tilespmem:$0xCC00] =	vst v63  }
0xa8: {  	_ =	swait.ge [sflag:s3], $0x1000  }
0xa9: {  	[sflag:s3] =	ssyncset.done $0x0  }
0xaa: {  	[sflag:s3] =	ssyncadd.s32 $0xFFFFF000  }
0xab: {  	_ =	swait.ge [sflag:s3], $0x1000  }
0xac: {  	[sflag:s3] =	ssyncset.done $0x0  }
0xad: {  	[sflag:s3] =	ssyncadd.s32 $0xFFFFF000  }
0xae: {  	_ =	swait.ge [sflag:s3], $0x1000  }
0xaf: {  	[sflag:s3] =	ssyncset.done $0x0  }
0xb0: {  	[sflag:s3] =	ssyncadd.s32 $0xFFFFF000  }
0xb1: {  	_ =	swait.ge [sflag:s3], $0x1000  }
0xb2: {  	[sflag:s3] =	ssyncset.done $0x0  }
0xb3: {  	[sflag:s3] =	ssyncadd.s32 $0xFFFFF000  }
0xb4: {  	_ =	swait.ge [sflag:s3], $0x1000  }
0xb5: {  	[sflag:s3] =	ssyncset.done $0x0  }
0xb6: {  	[sflag:s3] =	ssyncadd.s32 $0xFFFFF000  }
0xb7: {  	_ =	swait.ge [sflag:s3], $0x1000  }
0xb8: {  	[sflag:s3] =	ssyncset.done $0x0  }
0xb9: {  	[sflag:s3] =	ssyncadd.s32 $0xFFFFF000  }
0xba: {  	_ =	swait.ge [sflag:s9], $0x1000  }
0xbb: {  	[sflag:s9] =	ssyncset.done $0x0  }
0xbc: {  	[sflag:s9] =	ssyncadd.s32 $0xFFFFF000  }
0xbd: {  	_ =	swait.ge [sflag:s9], $0x1000  }
0xbe: {  	[sflag:s9] =	ssyncset.done $0x0  }
0xbf: {  	[sflag:s9] =	ssyncadd.s32 $0xFFFFF000  }
0xc0: {  	_ =	swait.ge [sflag:s9], $0x1000  }
0xc1: {  	[sflag:s9] =	ssyncset.done $0x0  }
0xc2: {  	[sflag:s9] =	ssyncadd.s32 $0xFFFFF000  }
0xc3: {  	_ =	swait.ge [sflag:s9], $0x1000  }
0xc4: {  	[sflag:s9] =	ssyncset.done $0x0  }
0xc5: {  	[sflag:s9] =	ssyncadd.s32 $0xFFFFF000  }
0xc6: {  	_ =	swait.ge [sflag:s9], $0x1000  }
0xc7: {  	[sflag:s9] =	ssyncset.done $0x0  }
0xc8: {  	[sflag:s9] =	ssyncadd.s32 $0xFFFFF000  }
0xc9: {  	_ =	swait.ge [sflag:s9], $0x1000  }
0xca: {  	[sflag:s9] =	ssyncset.done $0x0  }
0xcb: {  	s12 =	simm.s32 $0x80;
	[sflag:s9] =	ssyncadd.s32 $0xFFFFF000  }
0xcc: {  	[tilespmem:s28], [sflag:$0x1] =	stream.indirect.gather [hbm4b:s22+s26], $0x40, s12, s26, $0xb8;
	[tilespmem:$0xCC00] =	vst v63  }
0xcd: {  	s13 =	simm.s32 $0x280  }
0xce: {  	[tilespmem:s29], [sflag:$0x1] =	stream.indirect.gather [hbm4b:s22+s26], $0x40, s13, s26, $0xb8;
	[tilespmem:$0xCC00] =	vst v63  }
0xcf: {  	s12 =	simm.s32 $0x480  }
0xd0: {  	[tilespmem:s30], [sflag:$0x1] =	stream.indirect.gather [hbm4b:s17+s26], $0x40, s12, s26, $0xb8;
	[tilespmem:$0xCC00] =	vst v63  }
0xd1: {  	s13 =	simm.s32 $0x680  }
0xd2: {  	[tilespmem:s31], [sflag:$0x1] =	stream.indirect.gather [hbm4b:s22+s26], $0x40, s13, s26, $0xb8;
	[tilespmem:$0xCC00] =	vst v63  }
0xd3: {  	s12 =	simm.s32 $0x880  }
0xd4: {  	[tilespmem:s0], [sflag:$0x1] =	stream.indirect.gather [hbm4b:s22+s26], $0x40, s12, s26, $0xb8;
	[tilespmem:$0xCC00] =	vst v63  }
0xd5: {  	s11 =	simm.s32 $0x0;
	s13 =	simm.s32 $0xA80  }
0xd6: {  	[tilespmem:s2], [sflag:$0x1] =	stream.indirect.gather [hbm4b:s17+s26], $0x40, s13, s26, $0xb8;
	[tilespmem:$0xCC00] =	vst v63  }
0xd7: {  	v5 =	vld [tilespmem:s11+$0x7C00]  }
0xd8: {  	v4 =	vld [tilespmem:s11+$0xAC00]  }
0xd9: {  	v3 =	vld [tilespmem:s11+$0x7C10]  }
0xda: {  	v2 =	vld [tilespmem:s11+$0xAC10]  }
0xdb: {  	v1 =	vld [tilespmem:s11+$0x7C20]  }
0xdc: {  	v0 =	vld [tilespmem:s11+$0xAC20]  }
0xdd: {  	v12 =	vld [tilespmem:s11+$0x6C00]  }
0xde: {  	v17 =	vld [tilespmem:s11+$0x9C00]  }
0xdf: {  	v11 =	vld [tilespmem:s11+$0x6C10]  }
0xe0: {  	v10 =	vld [tilespmem:s11+$0x9C10]  }
0xe1: {  	v9 =	vld [tilespmem:s11+$0x6C20]  }
0xe2: {  	v8 =	vld [tilespmem:s11+$0x9C20]  }
0xe3: {  	v7 =	vld [tilespmem:s11+$0x6C30]  }
0xe4: {  	v6 =	vld [tilespmem:s11+$0x9C30]  }
0xe5: {  	v18 =	vld [tilespmem:s11+$0x8C00]  }
0xe6: {  	v19 =	vld [tilespmem:s11+$0xBC00]  }
0xe7: {  	v16 =	vld [tilespmem:s11+$0x8C10]  }
0xe8: {  	v15 =	vld [tilespmem:s11+$0xBC10]  }
0xe9: {  	v14 =	vld [tilespmem:s11+$0x8C20]  }
0xea: {  	v13 =	vld [tilespmem:s11+$0xBC20];
	v18 =	vadd.f32 v18, v12  }
0xeb: {  	s12 =	simm.s32 $0x100;
	v17 =	vadd.f32 v19, v17;
	v12 =	vld [tilespmem:s11+$0x8C30]  }
.LBB2_4:
0xec: {  	p0 =	sne.s32 s12, $0x3F00;
	v5 =	vsub.f32 v18, v5;
	v11 =	vadd.f32 v16, v11;
	v16 =	vld [tilespmem:s11+$0xBC30]  }
0xed: {  	v4 =	vsub.f32 v17, v4;
	v10 =	vadd.f32 v15, v10;
	v15 =	vld [tilespmem:s11+$0x7C30]  }
0xee: {  	s13 =	sshra.s32 s12, $0x2;
	[tilespmem:s11+$0x8C00] =	vst v5;
	v3 =	vsub.f32 v11, v3;
	v9 =	vadd.f32 v14, v9;
	v11 =	vld [tilespmem:s11+$0xAC30]  }
0xef: {  	v5 =	vld [tilespmem:s13+$0x7C00];
	[tilespmem:s11+$0xBC00] =	vst v4;
	v2 =	vsub.f32 v10, v2;
	v8 =	vadd.f32 v13, v8  }
0xf0: {  	v4 =	vld [tilespmem:s13+$0xAC00];
	[tilespmem:s11+$0x8C10] =	vst v3;
	v1 =	vsub.f32 v9, v1;
	v7 =	vadd.f32 v12, v7  }
0xf1: {  	v3 =	vld [tilespmem:s13+$0x7C10];
	[tilespmem:s11+$0xBC10] =	vst v2;
	v0 =	vsub.f32 v8, v0;
	v6 =	vadd.f32 v16, v6  }
0xf2: {  	v2 =	vld [tilespmem:s13+$0xAC10];
	[tilespmem:s11+$0x8C20] =	vst v1;
	v7 =	vsub.f32 v7, v15  }
0xf3: {  	v1 =	vld [tilespmem:s13+$0x7C20];
	[tilespmem:s11+$0xBC20] =	vst v0;
	v6 =	vsub.f32 v6, v11  }
0xf4: {  	v0 =	vld [tilespmem:s13+$0xAC20];
	[tilespmem:s11+$0x8C30] =	vst v7  }
0xf5: {  	v12 =	vld [tilespmem:s13+$0x6C00];
	[tilespmem:s11+$0xBC30] =	vst v6;
	s11 =	smov.u32 s13  }
0xf6: {  	v17 =	vld [tilespmem:s11+$0x9C00]  }
0xf7: {  	v11 =	vld [tilespmem:s11+$0x6C10]  }
0xf8: {  	v10 =	vld [tilespmem:s11+$0x9C10]  }
0xf9: {  	v9 =	vld [tilespmem:s11+$0x6C20]  }
0xfa: {  	v8 =	vld [tilespmem:s11+$0x9C20]  }
0xfb: {  	v7 =	vld [tilespmem:s11+$0x6C30]  }
0xfc: {  	v6 =	vld [tilespmem:s11+$0x9C30]  }
0xfd: {  	v13 =	vld [tilespmem:s11+$0x8C00]  }
0xfe: {  	v19 =	vld [tilespmem:s11+$0xBC00]  }
.Ltmp1:
0xff: {  	v16 =	vld [tilespmem:s11+$0x8C10];
	(pc) =	sbr.rel @p0 .LBB2_4-.Ltmp1, $4  }
0x100: {  	v15 =	vld [tilespmem:s11+$0xBC10]  }
0x101: {  	v14 =	vld [tilespmem:s11+$0x8C20]  }
0x102: {  	v18 =	vadd.f32 v13, v12;
	v13 =	vld [tilespmem:s11+$0xBC20]  }
0x103: {  	s12 =	sadd.s32 $0x100, s12;
	v17 =	vadd.f32 v19, v17;
	v12 =	vld [tilespmem:s11+$0x8C30]  }
0x104: {  	v5 =	vsub.f32 v18, v5;
	v18 =	vld [tilespmem:s11+$0xBC30];
	v11 =	vadd.f32 v16, v11  }
0x105: {  	v16 =	vld [tilespmem:s11+$0x7C30];
	v4 =	vsub.f32 v17, v4;
	v10 =	vadd.f32 v15, v10  }
0x106: {  	[tilespmem:s11+$0x8C00] =	vst v5;
	v3 =	vsub.f32 v11, v3;
	v5 =	vadd.f32 v14, v9;
	v9 =	vld [tilespmem:s11+$0xAC30]  }
0x107: {  	[tilespmem:s11+$0xBC00] =	vst v4;
	v2 =	vsub.f32 v10, v2;
	v4 =	vadd.f32 v13, v8  }
0x108: {  	[tilespmem:s11+$0x8C10] =	vst v3;
	v1 =	vsub.f32 v5, v1;
	v3 =	vadd.f32 v12, v7  }
0x109: {  	[tilespmem:s11+$0xBC10] =	vst v2;
	v0 =	vsub.f32 v4, v0;
	v2 =	vadd.f32 v18, v6  }
0x10a: {  	[tilespmem:s11+$0x8C20] =	vst v1;
	v1 =	vsub.f32 v3, v16  }
0x10b: {  	[tilespmem:s11+$0xBC20] =	vst v0;
	v0 =	vsub.f32 v2, v9  }
0x10c: {  	[tilespmem:s11+$0x8C30] =	vst v1  }
0x10d: {  	s12 =	rddreg [dreg:$0x8];
	[tilespmem:s11+$0xBC30] =	vst v0;
	s11 =	simm.s32 $0x0  }
0x10e: {  	[hbm4b:s12+s11] =	stream.linear.scatter [tilespmem:s24], [sflag:$0x2], $0x1000, $0x38;
	[tilespmem:$0xCC00] =	vst v63  }
0x10f: {  	s13 =	rddreg [dreg:$0x9]  }
0x110: {  	[hbm4b:s13+s11] =	stream.linear.scatter [tilespmem:s4], [sflag:$0x2], $0x1000, $0x38;
	[tilespmem:$0xCC00] =	vst v63  }
0x111: {  	s13 =	rddreg [dreg:$0xa]  }
0x112: {  	[hbm4b:s13+s11] =	stream.linear.scatter [tilespmem:s5], [sflag:$0x2], $0x1000, $0x38;
	[tilespmem:$0xCC00] =	vst v63  }
0x113: {  	s13 =	rddreg [dreg:$0xb]  }
0x114: {  	[hbm4b:s13+s11] =	stream.linear.scatter [tilespmem:s6], [sflag:$0x2], $0x1000, $0x38;
	[tilespmem:$0xCC00] =	vst v63  }
0x115: {  	s13 =	rddreg [dreg:$0xc]  }
0x116: {  	[hbm4b:s13+s11] =	stream.linear.scatter [tilespmem:s7], [sflag:$0x2], $0x1000, $0x38;
	[tilespmem:$0xCC00] =	vst v63  }
0x117: {  	s13 =	rddreg [dreg:$0xd]  }
0x118: {  	[hbm4b:s13+s11] =	stream.linear.scatter [tilespmem:s8], [sflag:$0x2], $0x1000, $0x38;
	[tilespmem:$0xCC00] =	vst v63  }
0x119: {  	_ =	swait.ge [sflag:s3], $0x1000  }
0x11a: {  	[sflag:s3] =	ssyncset.done $0x0  }
0x11b: {  	[sflag:s3] =	ssyncadd.s32 $0xFFFFF000  }
0x11c: {  	_ =	swait.ge [sflag:s3], $0x1000  }
0x11d: {  	[sflag:s3] =	ssyncset.done $0x0  }
0x11e: {  	[sflag:s3] =	ssyncadd.s32 $0xFFFFF000  }
0x11f: {  	_ =	swait.ge [sflag:s3], $0x1000  }
0x120: {  	[sflag:s3] =	ssyncset.done $0x0  }
0x121: {  	[sflag:s3] =	ssyncadd.s32 $0xFFFFF000  }
0x122: {  	_ =	swait.ge [sflag:s3], $0x1000  }
0x123: {  	[sflag:s3] =	ssyncset.done $0x0  }
0x124: {  	[sflag:s3] =	ssyncadd.s32 $0xFFFFF000  }
0x125: {  	_ =	swait.ge [sflag:s3], $0x1000  }
0x126: {  	[sflag:s3] =	ssyncset.done $0x0  }
0x127: {  	[sflag:s3] =	ssyncadd.s32 $0xFFFFF000  }
0x128: {  	_ =	swait.ge [sflag:s3], $0x1000  }
0x129: {  	[sflag:s3] =	ssyncset.done $0x0  }
0x12a: {  	[sflag:s3] =	ssyncadd.s32 $0xFFFFF000  }
0x12b: {  	_ =	swait.ge [sflag:s9], $0x1000  }
0x12c: {  	[sflag:s9] =	ssyncset.done $0x0  }
0x12d: {  	[sflag:s9] =	ssyncadd.s32 $0xFFFFF000  }
0x12e: {  	_ =	swait.ge [sflag:s9], $0x1000  }
0x12f: {  	[sflag:s9] =	ssyncset.done $0x0  }
0x130: {  	[sflag:s9] =	ssyncadd.s32 $0xFFFFF000  }
0x131: {  	_ =	swait.ge [sflag:s9], $0x1000  }
0x132: {  	[sflag:s9] =	ssyncset.done $0x0  }
0x133: {  	[sflag:s9] =	ssyncadd.s32 $0xFFFFF000  }
0x134: {  	_ =	swait.ge [sflag:s9], $0x1000  }
0x135: {  	[sflag:s9] =	ssyncset.done $0x0  }
0x136: {  	[sflag:s9] =	ssyncadd.s32 $0xFFFFF000  }
0x137: {  	_ =	swait.ge [sflag:s9], $0x1000  }
0x138: {  	[sflag:s9] =	ssyncset.done $0x0  }
0x139: {  	[sflag:s9] =	ssyncadd.s32 $0xFFFFF000  }
0x13a: {  	_ =	swait.ge [sflag:s9], $0x1000  }
0x13b: {  	[sflag:s9] =	ssyncset.done $0x0  }
0x13c: {  	s12 =	simm.s32 $0xC0;
	[sflag:s9] =	ssyncadd.s32 $0xFFFFF000  }
0x13d: {  	[tilespmem:s24], [sflag:$0x1] =	stream.indirect.gather [hbm4b:s22+s26], $0x40, s12, s26, $0xb8;
	[tilespmem:$0xCC00] =	vst v63  }
0x13e: {  	s13 =	simm.s32 $0x2C0  }
0x13f: {  	[tilespmem:s4], [sflag:$0x1] =	stream.indirect.gather [hbm4b:s22+s26], $0x40, s13, s26, $0xb8;
	[tilespmem:$0xCC00] =	vst v63  }
0x140: {  	s12 =	simm.s32 $0x4C0  }
0x141: {  	[tilespmem:s5], [sflag:$0x1] =	stream.indirect.gather [hbm4b:s17+s26], $0x40, s12, s26, $0xb8;
	[tilespmem:$0xCC00] =	vst v63  }
0x142: {  	s13 =	simm.s32 $0x6C0  }
0x143: {  	[tilespmem:s6], [sflag:$0x1] =	stream.indirect.gather [hbm4b:s22+s26], $0x40, s13, s26, $0xb8;
	[tilespmem:$0xCC00] =	vst v63  }
0x144: {  	s12 =	simm.s32 $0x8C0  }
0x145: {  	[tilespmem:s7], [sflag:$0x1] =	stream.indirect.gather [hbm4b:s22+s26], $0x40, s12, s26, $0xb8;
	[tilespmem:$0xCC00] =	vst v63  }
0x146: {  	s11 =	simm.s32 $0x0;
	s13 =	simm.s32 $0xAC0  }
0x147: {  	[tilespmem:s8], [sflag:$0x1] =	stream.indirect.gather [hbm4b:s17+s26], $0x40, s13, s26, $0xb8;
	[tilespmem:$0xCC00] =	vst v63  }
0x148: {  	v5 =	vld [tilespmem:s11+$0x1C00]  }
0x149: {  	v4 =	vld [tilespmem:s11+$0x4C00]  }
0x14a: {  	v3 =	vld [tilespmem:s11+$0x1C10]  }
0x14b: {  	v2 =	vld [tilespmem:s11+$0x4C10]  }
0x14c: {  	v1 =	vld [tilespmem:s11+$0x1C20]  }
0x14d: {  	v0 =	vld [tilespmem:s11+$0x4C20]  }
0x14e: {  	v12 =	vld [tilespmem:s11+$0xC00]  }
0x14f: {  	v17 =	vld [tilespmem:s11+$0x3C00]  }
0x150: {  	v11 =	vld [tilespmem:s11+$0xC10]  }
0x151: {  	v10 =	vld [tilespmem:s11+$0x3C10]  }
0x152: {  	v9 =	vld [tilespmem:s11+$0xC20]  }
0x153: {  	v8 =	vld [tilespmem:s11+$0x3C20]  }
0x154: {  	v7 =	vld [tilespmem:s11+$0xC30]  }
0x155: {  	v6 =	vld [tilespmem:s11+$0x3C30]  }
0x156: {  	v18 =	vld [tilespmem:s11+$0x2C00]  }
0x157: {  	v19 =	vld [tilespmem:s11+$0x5C00]  }
0x158: {  	v16 =	vld [tilespmem:s11+$0x2C10]  }
0x159: {  	v15 =	vld [tilespmem:s11+$0x5C10]  }
0x15a: {  	v14 =	vld [tilespmem:s11+$0x2C20]  }
0x15b: {  	v13 =	vld [tilespmem:s11+$0x5C20];
	v18 =	vadd.f32 v18, v12  }
0x15c: {  	s12 =	simm.s32 $0x100;
	v17 =	vadd.f32 v19, v17;
	v12 =	vld [tilespmem:s11+$0x2C30]  }
.LBB2_6:
0x15d: {  	p0 =	sne.s32 s12, $0x3F00;
	v5 =	vsub.f32 v18, v5;
	v11 =	vadd.f32 v16, v11;
	v16 =	vld [tilespmem:s11+$0x5C30]  }
0x15e: {  	v4 =	vsub.f32 v17, v4;
	v10 =	vadd.f32 v15, v10;
	v15 =	vld [tilespmem:s11+$0x1C30]  }
0x15f: {  	s13 =	sshra.s32 s12, $0x2;
	[tilespmem:s11+$0x2C00] =	vst v5;
	v3 =	vsub.f32 v11, v3;
	v9 =	vadd.f32 v14, v9;
	v11 =	vld [tilespmem:s11+$0x4C30]  }
0x160: {  	v5 =	vld [tilespmem:s13+$0x1C00];
	[tilespmem:s11+$0x5C00] =	vst v4;
	v2 =	vsub.f32 v10, v2;
	v8 =	vadd.f32 v13, v8  }
0x161: {  	v4 =	vld [tilespmem:s13+$0x4C00];
	[tilespmem:s11+$0x2C10] =	vst v3;
	v1 =	vsub.f32 v9, v1;
	v7 =	vadd.f32 v12, v7  }
0x162: {  	v3 =	vld [tilespmem:s13+$0x1C10];
	[tilespmem:s11+$0x5C10] =	vst v2;
	v0 =	vsub.f32 v8, v0;
	v6 =	vadd.f32 v16, v6  }
0x163: {  	v2 =	vld [tilespmem:s13+$0x4C10];
	[tilespmem:s11+$0x2C20] =	vst v1;
	v7 =	vsub.f32 v7, v15  }
0x164: {  	v1 =	vld [tilespmem:s13+$0x1C20];
	[tilespmem:s11+$0x5C20] =	vst v0;
	v6 =	vsub.f32 v6, v11  }
0x165: {  	v0 =	vld [tilespmem:s13+$0x4C20];
	[tilespmem:s11+$0x2C30] =	vst v7  }
0x166: {  	v12 =	vld [tilespmem:s13+$0xC00];
	[tilespmem:s11+$0x5C30] =	vst v6;
	s11 =	smov.u32 s13  }
0x167: {  	v17 =	vld [tilespmem:s11+$0x3C00]  }
0x168: {  	v11 =	vld [tilespmem:s11+$0xC10]  }
0x169: {  	v10 =	vld [tilespmem:s11+$0x3C10]  }
0x16a: {  	v9 =	vld [tilespmem:s11+$0xC20]  }
0x16b: {  	v8 =	vld [tilespmem:s11+$0x3C20]  }
0x16c: {  	v7 =	vld [tilespmem:s11+$0xC30]  }
0x16d: {  	v6 =	vld [tilespmem:s11+$0x3C30]  }
0x16e: {  	v13 =	vld [tilespmem:s11+$0x2C00]  }
0x16f: {  	v19 =	vld [tilespmem:s11+$0x5C00]  }
.Ltmp2:
0x170: {  	v16 =	vld [tilespmem:s11+$0x2C10];
	(pc) =	sbr.rel @p0 .LBB2_6-.Ltmp2, $4  }
0x171: {  	v15 =	vld [tilespmem:s11+$0x5C10]  }
0x172: {  	v14 =	vld [tilespmem:s11+$0x2C20]  }
0x173: {  	v18 =	vadd.f32 v13, v12;
	v13 =	vld [tilespmem:s11+$0x5C20]  }
0x174: {  	s12 =	sadd.s32 $0x100, s12;
	v17 =	vadd.f32 v19, v17;
	v12 =	vld [tilespmem:s11+$0x2C30]  }
0x175: {  	v5 =	vsub.f32 v18, v5;
	v18 =	vld [tilespmem:s11+$0x5C30];
	v11 =	vadd.f32 v16, v11  }
0x176: {  	v16 =	vld [tilespmem:s11+$0x1C30];
	v4 =	vsub.f32 v17, v4;
	v10 =	vadd.f32 v15, v10  }
0x177: {  	[tilespmem:s11+$0x2C00] =	vst v5;
	v3 =	vsub.f32 v11, v3;
	v5 =	vadd.f32 v14, v9;
	v9 =	vld [tilespmem:s11+$0x4C30]  }
0x178: {  	[tilespmem:s11+$0x5C00] =	vst v4;
	v2 =	vsub.f32 v10, v2;
	v4 =	vadd.f32 v13, v8  }
0x179: {  	[tilespmem:s11+$0x2C10] =	vst v3;
	v1 =	vsub.f32 v5, v1;
	v3 =	vadd.f32 v12, v7  }
0x17a: {  	[tilespmem:s11+$0x5C10] =	vst v2;
	v0 =	vsub.f32 v4, v0;
	v2 =	vadd.f32 v18, v6  }
0x17b: {  	[tilespmem:s11+$0x2C20] =	vst v1;
	v1 =	vsub.f32 v3, v16  }
0x17c: {  	[tilespmem:s11+$0x5C20] =	vst v0;
	v0 =	vsub.f32 v2, v9  }
0x17d: {  	[tilespmem:s11+$0x2C30] =	vst v1  }
0x17e: {  	s12 =	rddreg [dreg:$0xe];
	[tilespmem:s11+$0x5C30] =	vst v0;
	s11 =	simm.s32 $0x0  }
0x17f: {  	[hbm4b:s12+s11] =	stream.linear.scatter [tilespmem:s28], [sflag:$0x2], $0x1000, $0x38;
	[tilespmem:$0xCC00] =	vst v63  }
0x180: {  	s13 =	rddreg [dreg:$0xf]  }
0x181: {  	[hbm4b:s13+s11] =	stream.linear.scatter [tilespmem:s29], [sflag:$0x2], $0x1000, $0x38;
	[tilespmem:$0xCC00] =	vst v63  }
0x182: {  	s13 =	rddreg [dreg:$0x10]  }
0x183: {  	[hbm4b:s13+s11] =	stream.linear.scatter [tilespmem:s30], [sflag:$0x2], $0x1000, $0x38;
	[tilespmem:$0xCC00] =	vst v63  }
0x184: {  	s13 =	rddreg [dreg:$0x11]  }
0x185: {  	[hbm4b:s13+s11] =	stream.linear.scatter [tilespmem:s31], [sflag:$0x2], $0x1000, $0x38;
	[tilespmem:$0xCC00] =	vst v63  }
0x186: {  	s13 =	rddreg [dreg:$0x12]  }
0x187: {  	[hbm4b:s13+s11] =	stream.linear.scatter [tilespmem:s0], [sflag:$0x2], $0x1000, $0x38;
	[tilespmem:$0xCC00] =	vst v63  }
0x188: {  	s13 =	rddreg [dreg:$0x13]  }
0x189: {  	[hbm4b:s13+s11] =	stream.linear.scatter [tilespmem:s2], [sflag:$0x2], $0x1000, $0x38;
	[tilespmem:$0xCC00] =	vst v63  }
0x18a: {  	_ =	swait.ge [sflag:s3], $0x1000  }
0x18b: {  	[sflag:s3] =	ssyncset.done $0x0  }
0x18c: {  	[sflag:s3] =	ssyncadd.s32 $0xFFFFF000  }
0x18d: {  	_ =	swait.ge [sflag:s3], $0x1000  }
0x18e: {  	[sflag:s3] =	ssyncset.done $0x0  }
0x18f: {  	[sflag:s3] =	ssyncadd.s32 $0xFFFFF000  }
0x190: {  	_ =	swait.ge [sflag:s3], $0x1000  }
0x191: {  	[sflag:s3] =	ssyncset.done $0x0  }
0x192: {  	[sflag:s3] =	ssyncadd.s32 $0xFFFFF000  }
0x193: {  	_ =	swait.ge [sflag:s3], $0x1000  }
0x194: {  	[sflag:s3] =	ssyncset.done $0x0  }
0x195: {  	[sflag:s3] =	ssyncadd.s32 $0xFFFFF000  }
0x196: {  	_ =	swait.ge [sflag:s3], $0x1000  }
0x197: {  	[sflag:s3] =	ssyncset.done $0x0  }
0x198: {  	[sflag:s3] =	ssyncadd.s32 $0xFFFFF000  }
0x199: {  	_ =	swait.ge [sflag:s3], $0x1000  }
0x19a: {  	[sflag:s3] =	ssyncset.done $0x0  }
0x19b: {  	[sflag:s3] =	ssyncadd.s32 $0xFFFFF000  }
0x19c: {  	_ =	swait.ge [sflag:s9], $0x1000  }
0x19d: {  	[sflag:s9] =	ssyncset.done $0x0  }
0x19e: {  	[sflag:s9] =	ssyncadd.s32 $0xFFFFF000  }
0x19f: {  	_ =	swait.ge [sflag:s9], $0x1000  }
0x1a0: {  	[sflag:s9] =	ssyncset.done $0x0  }
0x1a1: {  	[sflag:s9] =	ssyncadd.s32 $0xFFFFF000  }
0x1a2: {  	_ =	swait.ge [sflag:s9], $0x1000  }
0x1a3: {  	[sflag:s9] =	ssyncset.done $0x0  }
0x1a4: {  	[sflag:s9] =	ssyncadd.s32 $0xFFFFF000  }
0x1a5: {  	_ =	swait.ge [sflag:s9], $0x1000  }
0x1a6: {  	[sflag:s9] =	ssyncset.done $0x0  }
0x1a7: {  	[sflag:s9] =	ssyncadd.s32 $0xFFFFF000  }
0x1a8: {  	_ =	swait.ge [sflag:s9], $0x1000  }
0x1a9: {  	[sflag:s9] =	ssyncset.done $0x0  }
0x1aa: {  	[sflag:s9] =	ssyncadd.s32 $0xFFFFF000  }
0x1ab: {  	_ =	swait.ge [sflag:s9], $0x1000  }
0x1ac: {  	[sflag:s9] =	ssyncset.done $0x0  }
0x1ad: {  	s12 =	simm.s32 $0x100;
	[sflag:s9] =	ssyncadd.s32 $0xFFFFF000  }
0x1ae: {  	[tilespmem:s28], [sflag:$0x1] =	stream.indirect.gather [hbm4b:s22+s26], $0x40, s12, s26, $0xb8;
	[tilespmem:$0xCC00] =	vst v63  }
0x1af: {  	s13 =	simm.s32 $0x300  }
0x1b0: {  	[tilespmem:s29], [sflag:$0x1] =	stream.indirect.gather [hbm4b:s22+s26], $0x40, s13, s26, $0xb8;
	[tilespmem:$0xCC00] =	vst v63  }
0x1b1: {  	s12 =	simm.s32 $0x500  }
0x1b2: {  	[tilespmem:s30], [sflag:$0x1] =	stream.indirect.gather [hbm4b:s17+s26], $0x40, s12, s26, $0xb8;
	[tilespmem:$0xCC00] =	vst v63  }
0x1b3: {  	s13 =	simm.s32 $0x700  }
0x1b4: {  	[tilespmem:s31], [sflag:$0x1] =	stream.indirect.gather [hbm4b:s22+s26], $0x40, s13, s26, $0xb8;
	[tilespmem:$0xCC00] =	vst v63  }
0x1b5: {  	s12 =	simm.s32 $0x900  }
0x1b6: {  	[tilespmem:s0], [sflag:$0x1] =	stream.indirect.gather [hbm4b:s22+s26], $0x40, s12, s26, $0xb8;
	[tilespmem:$0xCC00] =	vst v63  }
0x1b7: {  	s11 =	simm.s32 $0x0;
	s13 =	simm.s32 $0xB00  }
0x1b8: {  	[tilespmem:s2], [sflag:$0x1] =	stream.indirect.gather [hbm4b:s17+s26], $0x40, s13, s26, $0xb8;
	[tilespmem:$0xCC00] =	vst v63  }
0x1b9: {  	v5 =	vld [tilespmem:s11+$0x7C00]  }
0x1ba: {  	v4 =	vld [tilespmem:s11+$0xAC00]  }
0x1bb: {  	v3 =	vld [tilespmem:s11+$0x7C10]  }
0x1bc: {  	v2 =	vld [tilespmem:s11+$0xAC10]  }
0x1bd: {  	v1 =	vld [tilespmem:s11+$0x7C20]  }
0x1be: {  	v0 =	vld [tilespmem:s11+$0xAC20]  }
0x1bf: {  	v12 =	vld [tilespmem:s11+$0x6C00]  }
0x1c0: {  	v17 =	vld [tilespmem:s11+$0x9C00]  }
0x1c1: {  	v11 =	vld [tilespmem:s11+$0x6C10]  }
0x1c2: {  	v10 =	vld [tilespmem:s11+$0x9C10]  }
0x1c3: {  	v9 =	vld [tilespmem:s11+$0x6C20]  }
0x1c4: {  	v8 =	vld [tilespmem:s11+$0x9C20]  }
0x1c5: {  	v7 =	vld [tilespmem:s11+$0x6C30]  }
0x1c6: {  	v6 =	vld [tilespmem:s11+$0x9C30]  }
0x1c7: {  	v18 =	vld [tilespmem:s11+$0x8C00]  }
0x1c8: {  	v19 =	vld [tilespmem:s11+$0xBC00]  }
0x1c9: {  	v16 =	vld [tilespmem:s11+$0x8C10]  }
0x1ca: {  	v15 =	vld [tilespmem:s11+$0xBC10]  }
0x1cb: {  	v14 =	vld [tilespmem:s11+$0x8C20]  }
0x1cc: {  	v13 =	vld [tilespmem:s11+$0xBC20];
	v18 =	vadd.f32 v18, v12  }
0x1cd: {  	s12 =	simm.s32 $0x100;
	v17 =	vadd.f32 v19, v17;
	v12 =	vld [tilespmem:s11+$0x8C30]  }
.LBB2_8:
0x1ce: {  	p0 =	sne.s32 s12, $0x3F00;
	v5 =	vsub.f32 v18, v5;
	v11 =	vadd.f32 v16, v11;
	v16 =	vld [tilespmem:s11+$0xBC30]  }
0x1cf: {  	v4 =	vsub.f32 v17, v4;
	v10 =	vadd.f32 v15, v10;
	v15 =	vld [tilespmem:s11+$0x7C30]  }
0x1d0: {  	s13 =	sshra.s32 s12, $0x2;
	[tilespmem:s11+$0x8C00] =	vst v5;
	v3 =	vsub.f32 v11, v3;
	v9 =	vadd.f32 v14, v9;
	v11 =	vld [tilespmem:s11+$0xAC30]  }
0x1d1: {  	v5 =	vld [tilespmem:s13+$0x7C00];
	[tilespmem:s11+$0xBC00] =	vst v4;
	v2 =	vsub.f32 v10, v2;
	v8 =	vadd.f32 v13, v8  }
0x1d2: {  	v4 =	vld [tilespmem:s13+$0xAC00];
	[tilespmem:s11+$0x8C10] =	vst v3;
	v1 =	vsub.f32 v9, v1;
	v7 =	vadd.f32 v12, v7  }
0x1d3: {  	v3 =	vld [tilespmem:s13+$0x7C10];
	[tilespmem:s11+$0xBC10] =	vst v2;
	v0 =	vsub.f32 v8, v0;
	v6 =	vadd.f32 v16, v6  }
0x1d4: {  	v2 =	vld [tilespmem:s13+$0xAC10];
	[tilespmem:s11+$0x8C20] =	vst v1;
	v7 =	vsub.f32 v7, v15  }
0x1d5: {  	v1 =	vld [tilespmem:s13+$0x7C20];
	[tilespmem:s11+$0xBC20] =	vst v0;
	v6 =	vsub.f32 v6, v11  }
0x1d6: {  	v0 =	vld [tilespmem:s13+$0xAC20];
	[tilespmem:s11+$0x8C30] =	vst v7  }
0x1d7: {  	v12 =	vld [tilespmem:s13+$0x6C00];
	[tilespmem:s11+$0xBC30] =	vst v6;
	s11 =	smov.u32 s13  }
0x1d8: {  	v17 =	vld [tilespmem:s11+$0x9C00]  }
0x1d9: {  	v11 =	vld [tilespmem:s11+$0x6C10]  }
0x1da: {  	v10 =	vld [tilespmem:s11+$0x9C10]  }
0x1db: {  	v9 =	vld [tilespmem:s11+$0x6C20]  }
0x1dc: {  	v8 =	vld [tilespmem:s11+$0x9C20]  }
0x1dd: {  	v7 =	vld [tilespmem:s11+$0x6C30]  }
0x1de: {  	v6 =	vld [tilespmem:s11+$0x9C30]  }
0x1df: {  	v13 =	vld [tilespmem:s11+$0x8C00]  }
0x1e0: {  	v19 =	vld [tilespmem:s11+$0xBC00]  }
.Ltmp3:
0x1e1: {  	v16 =	vld [tilespmem:s11+$0x8C10];
	(pc) =	sbr.rel @p0 .LBB2_8-.Ltmp3, $4  }
0x1e2: {  	v15 =	vld [tilespmem:s11+$0xBC10]  }
0x1e3: {  	v14 =	vld [tilespmem:s11+$0x8C20]  }
0x1e4: {  	v18 =	vadd.f32 v13, v12;
	v13 =	vld [tilespmem:s11+$0xBC20]  }
0x1e5: {  	s12 =	sadd.s32 $0x100, s12;
	v17 =	vadd.f32 v19, v17;
	v12 =	vld [tilespmem:s11+$0x8C30]  }
0x1e6: {  	v5 =	vsub.f32 v18, v5;
	v18 =	vld [tilespmem:s11+$0xBC30];
	v11 =	vadd.f32 v16, v11  }
0x1e7: {  	v16 =	vld [tilespmem:s11+$0x7C30];
	v4 =	vsub.f32 v17, v4;
	v10 =	vadd.f32 v15, v10  }
0x1e8: {  	[tilespmem:s11+$0x8C00] =	vst v5;
	v3 =	vsub.f32 v11, v3;
	v5 =	vadd.f32 v14, v9;
	v9 =	vld [tilespmem:s11+$0xAC30]  }
0x1e9: {  	[tilespmem:s11+$0xBC00] =	vst v4;
	v2 =	vsub.f32 v10, v2;
	v4 =	vadd.f32 v13, v8  }
0x1ea: {  	[tilespmem:s11+$0x8C10] =	vst v3;
	v1 =	vsub.f32 v5, v1;
	v3 =	vadd.f32 v12, v7  }
0x1eb: {  	[tilespmem:s11+$0xBC10] =	vst v2;
	v0 =	vsub.f32 v4, v0;
	v2 =	vadd.f32 v18, v6  }
0x1ec: {  	[tilespmem:s11+$0x8C20] =	vst v1;
	v1 =	vsub.f32 v3, v16  }
0x1ed: {  	[tilespmem:s11+$0xBC20] =	vst v0;
	v0 =	vsub.f32 v2, v9  }
0x1ee: {  	[tilespmem:s11+$0x8C30] =	vst v1  }
0x1ef: {  	s12 =	rddreg [dreg:$0x14];
	[tilespmem:s11+$0xBC30] =	vst v0;
	s11 =	simm.s32 $0x0  }
0x1f0: {  	[hbm4b:s12+s11] =	stream.linear.scatter [tilespmem:s24], [sflag:$0x2], $0x1000, $0x38;
	[tilespmem:$0xCC00] =	vst v63  }
0x1f1: {  	s13 =	rddreg [dreg:$0x15]  }
0x1f2: {  	[hbm4b:s13+s11] =	stream.linear.scatter [tilespmem:s4], [sflag:$0x2], $0x1000, $0x38;
	[tilespmem:$0xCC00] =	vst v63  }
0x1f3: {  	s13 =	rddreg [dreg:$0x16]  }
0x1f4: {  	[hbm4b:s13+s11] =	stream.linear.scatter [tilespmem:s5], [sflag:$0x2], $0x1000, $0x38;
	[tilespmem:$0xCC00] =	vst v63  }
0x1f5: {  	s13 =	rddreg [dreg:$0x17]  }
0x1f6: {  	[hbm4b:s13+s11] =	stream.linear.scatter [tilespmem:s6], [sflag:$0x2], $0x1000, $0x38;
	[tilespmem:$0xCC00] =	vst v63  }
0x1f7: {  	s13 =	rddreg [dreg:$0x18]  }
0x1f8: {  	[hbm4b:s13+s11] =	stream.linear.scatter [tilespmem:s7], [sflag:$0x2], $0x1000, $0x38;
	[tilespmem:$0xCC00] =	vst v63  }
0x1f9: {  	s13 =	rddreg [dreg:$0x19]  }
0x1fa: {  	[hbm4b:s13+s11] =	stream.linear.scatter [tilespmem:s8], [sflag:$0x2], $0x1000, $0x38;
	[tilespmem:$0xCC00] =	vst v63  }
0x1fb: {  	_ =	swait.ge [sflag:s3], $0x1000  }
0x1fc: {  	[sflag:s3] =	ssyncset.done $0x0  }
0x1fd: {  	[sflag:s3] =	ssyncadd.s32 $0xFFFFF000  }
0x1fe: {  	_ =	swait.ge [sflag:s3], $0x1000  }
0x1ff: {  	[sflag:s3] =	ssyncset.done $0x0  }
0x200: {  	[sflag:s3] =	ssyncadd.s32 $0xFFFFF000  }
0x201: {  	_ =	swait.ge [sflag:s3], $0x1000  }
0x202: {  	[sflag:s3] =	ssyncset.done $0x0  }
0x203: {  	[sflag:s3] =	ssyncadd.s32 $0xFFFFF000  }
0x204: {  	_ =	swait.ge [sflag:s3], $0x1000  }
0x205: {  	[sflag:s3] =	ssyncset.done $0x0  }
0x206: {  	[sflag:s3] =	ssyncadd.s32 $0xFFFFF000  }
0x207: {  	_ =	swait.ge [sflag:s3], $0x1000  }
0x208: {  	[sflag:s3] =	ssyncset.done $0x0  }
0x209: {  	[sflag:s3] =	ssyncadd.s32 $0xFFFFF000  }
0x20a: {  	_ =	swait.ge [sflag:s3], $0x1000  }
0x20b: {  	[sflag:s3] =	ssyncset.done $0x0  }
0x20c: {  	[sflag:s3] =	ssyncadd.s32 $0xFFFFF000  }
0x20d: {  	_ =	swait.ge [sflag:s9], $0x1000  }
0x20e: {  	[sflag:s9] =	ssyncset.done $0x0  }
0x20f: {  	[sflag:s9] =	ssyncadd.s32 $0xFFFFF000  }
0x210: {  	_ =	swait.ge [sflag:s9], $0x1000  }
0x211: {  	[sflag:s9] =	ssyncset.done $0x0  }
0x212: {  	[sflag:s9] =	ssyncadd.s32 $0xFFFFF000  }
0x213: {  	_ =	swait.ge [sflag:s9], $0x1000  }
0x214: {  	[sflag:s9] =	ssyncset.done $0x0  }
0x215: {  	[sflag:s9] =	ssyncadd.s32 $0xFFFFF000  }
0x216: {  	_ =	swait.ge [sflag:s9], $0x1000  }
0x217: {  	[sflag:s9] =	ssyncset.done $0x0  }
0x218: {  	[sflag:s9] =	ssyncadd.s32 $0xFFFFF000  }
0x219: {  	_ =	swait.ge [sflag:s9], $0x1000  }
0x21a: {  	[sflag:s9] =	ssyncset.done $0x0  }
0x21b: {  	[sflag:s9] =	ssyncadd.s32 $0xFFFFF000  }
0x21c: {  	_ =	swait.ge [sflag:s9], $0x1000  }
0x21d: {  	[sflag:s9] =	ssyncset.done $0x0  }
0x21e: {  	s12 =	simm.s32 $0x140;
	[sflag:s9] =	ssyncadd.s32 $0xFFFFF000  }
0x21f: {  	[tilespmem:s24], [sflag:$0x1] =	stream.indirect.gather [hbm4b:s22+s26], $0x40, s12, s26, $0xb8;
	[tilespmem:$0xCC00] =	vst v63  }
0x220: {  	s13 =	simm.s32 $0x340  }
0x221: {  	[tilespmem:s4], [sflag:$0x1] =	stream.indirect.gather [hbm4b:s22+s26], $0x40, s13, s26, $0xb8;
	[tilespmem:$0xCC00] =	vst v63  }
0x222: {  	s12 =	simm.s32 $0x540  }
0x223: {  	[tilespmem:s5], [sflag:$0x1] =	stream.indirect.gather [hbm4b:s17+s26], $0x40, s12, s26, $0xb8;
	[tilespmem:$0xCC00] =	vst v63  }
0x224: {  	s13 =	simm.s32 $0x740  }
0x225: {  	[tilespmem:s6], [sflag:$0x1] =	stream.indirect.gather [hbm4b:s22+s26], $0x40, s13, s26, $0xb8;
	[tilespmem:$0xCC00] =	vst v63  }
0x226: {  	s12 =	simm.s32 $0x940  }
0x227: {  	[tilespmem:s7], [sflag:$0x1] =	stream.indirect.gather [hbm4b:s22+s26], $0x40, s12, s26, $0xb8;
	[tilespmem:$0xCC00] =	vst v63  }
0x228: {  	s11 =	simm.s32 $0x0;
	s13 =	simm.s32 $0xB40  }
0x229: {  	[tilespmem:s8], [sflag:$0x1] =	stream.indirect.gather [hbm4b:s17+s26], $0x40, s13, s26, $0xb8;
	[tilespmem:$0xCC00] =	vst v63  }
0x22a: {  	v5 =	vld [tilespmem:s11+$0x1C00]  }
0x22b: {  	v4 =	vld [tilespmem:s11+$0x4C00]  }
0x22c: {  	v3 =	vld [tilespmem:s11+$0x1C10]  }
0x22d: {  	v2 =	vld [tilespmem:s11+$0x4C10]  }
0x22e: {  	v1 =	vld [tilespmem:s11+$0x1C20]  }
0x22f: {  	v0 =	vld [tilespmem:s11+$0x4C20]  }
0x230: {  	v12 =	vld [tilespmem:s11+$0xC00]  }
0x231: {  	v17 =	vld [tilespmem:s11+$0x3C00]  }
0x232: {  	v11 =	vld [tilespmem:s11+$0xC10]  }
0x233: {  	v10 =	vld [tilespmem:s11+$0x3C10]  }
0x234: {  	v9 =	vld [tilespmem:s11+$0xC20]  }
0x235: {  	v8 =	vld [tilespmem:s11+$0x3C20]  }
0x236: {  	v7 =	vld [tilespmem:s11+$0xC30]  }
0x237: {  	v6 =	vld [tilespmem:s11+$0x3C30]  }
0x238: {  	v18 =	vld [tilespmem:s11+$0x2C00]  }
0x239: {  	v19 =	vld [tilespmem:s11+$0x5C00]  }
0x23a: {  	v16 =	vld [tilespmem:s11+$0x2C10]  }
0x23b: {  	v15 =	vld [tilespmem:s11+$0x5C10]  }
0x23c: {  	v14 =	vld [tilespmem:s11+$0x2C20]  }
0x23d: {  	v13 =	vld [tilespmem:s11+$0x5C20];
	v18 =	vadd.f32 v18, v12  }
0x23e: {  	s12 =	simm.s32 $0x100;
	v17 =	vadd.f32 v19, v17;
	v12 =	vld [tilespmem:s11+$0x2C30]  }
.LBB2_10:
0x23f: {  	p0 =	sne.s32 s12, $0x3F00;
	v5 =	vsub.f32 v18, v5;
	v11 =	vadd.f32 v16, v11;
	v16 =	vld [tilespmem:s11+$0x5C30]  }
0x240: {  	v4 =	vsub.f32 v17, v4;
	v10 =	vadd.f32 v15, v10;
	v15 =	vld [tilespmem:s11+$0x1C30]  }
0x241: {  	s13 =	sshra.s32 s12, $0x2;
	[tilespmem:s11+$0x2C00] =	vst v5;
	v3 =	vsub.f32 v11, v3;
	v9 =	vadd.f32 v14, v9;
	v11 =	vld [tilespmem:s11+$0x4C30]  }
0x242: {  	v5 =	vld [tilespmem:s13+$0x1C00];
	[tilespmem:s11+$0x5C00] =	vst v4;
	v2 =	vsub.f32 v10, v2;
	v8 =	vadd.f32 v13, v8  }
0x243: {  	v4 =	vld [tilespmem:s13+$0x4C00];
	[tilespmem:s11+$0x2C10] =	vst v3;
	v1 =	vsub.f32 v9, v1;
	v7 =	vadd.f32 v12, v7  }
0x244: {  	v3 =	vld [tilespmem:s13+$0x1C10];
	[tilespmem:s11+$0x5C10] =	vst v2;
	v0 =	vsub.f32 v8, v0;
	v6 =	vadd.f32 v16, v6  }
0x245: {  	v2 =	vld [tilespmem:s13+$0x4C10];
	[tilespmem:s11+$0x2C20] =	vst v1;
	v7 =	vsub.f32 v7, v15  }
0x246: {  	v1 =	vld [tilespmem:s13+$0x1C20];
	[tilespmem:s11+$0x5C20] =	vst v0;
	v6 =	vsub.f32 v6, v11  }
0x247: {  	v0 =	vld [tilespmem:s13+$0x4C20];
	[tilespmem:s11+$0x2C30] =	vst v7  }
0x248: {  	v12 =	vld [tilespmem:s13+$0xC00];
	[tilespmem:s11+$0x5C30] =	vst v6;
	s11 =	smov.u32 s13  }
0x249: {  	v17 =	vld [tilespmem:s11+$0x3C00]  }
0x24a: {  	v11 =	vld [tilespmem:s11+$0xC10]  }
0x24b: {  	v10 =	vld [tilespmem:s11+$0x3C10]  }
0x24c: {  	v9 =	vld [tilespmem:s11+$0xC20]  }
0x24d: {  	v8 =	vld [tilespmem:s11+$0x3C20]  }
0x24e: {  	v7 =	vld [tilespmem:s11+$0xC30]  }
0x24f: {  	v6 =	vld [tilespmem:s11+$0x3C30]  }
0x250: {  	v13 =	vld [tilespmem:s11+$0x2C00]  }
0x251: {  	v19 =	vld [tilespmem:s11+$0x5C00]  }
.Ltmp4:
0x252: {  	v16 =	vld [tilespmem:s11+$0x2C10];
	(pc) =	sbr.rel @p0 .LBB2_10-.Ltmp4, $4  }
0x253: {  	v15 =	vld [tilespmem:s11+$0x5C10]  }
0x254: {  	v14 =	vld [tilespmem:s11+$0x2C20]  }
0x255: {  	v18 =	vadd.f32 v13, v12;
	v13 =	vld [tilespmem:s11+$0x5C20]  }
0x256: {  	s12 =	sadd.s32 $0x100, s12;
	v17 =	vadd.f32 v19, v17;
	v12 =	vld [tilespmem:s11+$0x2C30]  }
0x257: {  	v5 =	vsub.f32 v18, v5;
	v18 =	vld [tilespmem:s11+$0x5C30];
	v11 =	vadd.f32 v16, v11  }
0x258: {  	v16 =	vld [tilespmem:s11+$0x1C30];
	v4 =	vsub.f32 v17, v4;
	v10 =	vadd.f32 v15, v10  }
0x259: {  	[tilespmem:s11+$0x2C00] =	vst v5;
	v3 =	vsub.f32 v11, v3;
	v5 =	vadd.f32 v14, v9;
	v9 =	vld [tilespmem:s11+$0x4C30]  }
0x25a: {  	[tilespmem:s11+$0x5C00] =	vst v4;
	v2 =	vsub.f32 v10, v2;
	v4 =	vadd.f32 v13, v8  }
0x25b: {  	[tilespmem:s11+$0x2C10] =	vst v3;
	v1 =	vsub.f32 v5, v1;
	v3 =	vadd.f32 v12, v7  }
0x25c: {  	[tilespmem:s11+$0x5C10] =	vst v2;
	v0 =	vsub.f32 v4, v0;
	v2 =	vadd.f32 v18, v6  }
0x25d: {  	[tilespmem:s11+$0x2C20] =	vst v1;
	v1 =	vsub.f32 v3, v16  }
0x25e: {  	[tilespmem:s11+$0x5C20] =	vst v0;
	v0 =	vsub.f32 v2, v9  }
0x25f: {  	[tilespmem:s11+$0x2C30] =	vst v1  }
0x260: {  	s12 =	rddreg [dreg:$0x1a];
	[tilespmem:s11+$0x5C30] =	vst v0;
	s11 =	simm.s32 $0x0  }
0x261: {  	[hbm4b:s12+s11] =	stream.linear.scatter [tilespmem:s28], [sflag:$0x2], $0x1000, $0x38;
	[tilespmem:$0xCC00] =	vst v63  }
0x262: {  	s13 =	rddreg [dreg:$0x1b]  }
0x263: {  	[hbm4b:s13+s11] =	stream.linear.scatter [tilespmem:s29], [sflag:$0x2], $0x1000, $0x38;
	[tilespmem:$0xCC00] =	vst v63  }
0x264: {  	s13 =	rddreg [dreg:$0x1c]  }
0x265: {  	[hbm4b:s13+s11] =	stream.linear.scatter [tilespmem:s30], [sflag:$0x2], $0x1000, $0x38;
	[tilespmem:$0xCC00] =	vst v63  }
0x266: {  	s13 =	rddreg [dreg:$0x1d]  }
0x267: {  	[hbm4b:s13+s11] =	stream.linear.scatter [tilespmem:s31], [sflag:$0x2], $0x1000, $0x38;
	[tilespmem:$0xCC00] =	vst v63  }
0x268: {  	s13 =	rddreg [dreg:$0x1e]  }
0x269: {  	[hbm4b:s13+s11] =	stream.linear.scatter [tilespmem:s0], [sflag:$0x2], $0x1000, $0x38;
	[tilespmem:$0xCC00] =	vst v63  }
0x26a: {  	s13 =	rddreg [dreg:$0x1f]  }
0x26b: {  	[hbm4b:s13+s11] =	stream.linear.scatter [tilespmem:s2], [sflag:$0x2], $0x1000, $0x38;
	[tilespmem:$0xCC00] =	vst v63  }
0x26c: {  	_ =	swait.ge [sflag:s3], $0x1000  }
0x26d: {  	[sflag:s3] =	ssyncset.done $0x0  }
0x26e: {  	[sflag:s3] =	ssyncadd.s32 $0xFFFFF000  }
0x26f: {  	_ =	swait.ge [sflag:s3], $0x1000  }
0x270: {  	[sflag:s3] =	ssyncset.done $0x0  }
0x271: {  	[sflag:s3] =	ssyncadd.s32 $0xFFFFF000  }
0x272: {  	_ =	swait.ge [sflag:s3], $0x1000  }
0x273: {  	[sflag:s3] =	ssyncset.done $0x0  }
0x274: {  	[sflag:s3] =	ssyncadd.s32 $0xFFFFF000  }
0x275: {  	_ =	swait.ge [sflag:s3], $0x1000  }
0x276: {  	[sflag:s3] =	ssyncset.done $0x0  }
0x277: {  	[sflag:s3] =	ssyncadd.s32 $0xFFFFF000  }
0x278: {  	_ =	swait.ge [sflag:s3], $0x1000  }
0x279: {  	[sflag:s3] =	ssyncset.done $0x0  }
0x27a: {  	[sflag:s3] =	ssyncadd.s32 $0xFFFFF000  }
0x27b: {  	_ =	swait.ge [sflag:s3], $0x1000  }
0x27c: {  	[sflag:s3] =	ssyncset.done $0x0  }
0x27d: {  	[sflag:s3] =	ssyncadd.s32 $0xFFFFF000  }
0x27e: {  	_ =	swait.ge [sflag:s9], $0x1000  }
0x27f: {  	[sflag:s9] =	ssyncset.done $0x0  }
0x280: {  	[sflag:s9] =	ssyncadd.s32 $0xFFFFF000  }
0x281: {  	_ =	swait.ge [sflag:s9], $0x1000  }
0x282: {  	[sflag:s9] =	ssyncset.done $0x0  }
0x283: {  	[sflag:s9] =	ssyncadd.s32 $0xFFFFF000  }
0x284: {  	_ =	swait.ge [sflag:s9], $0x1000  }
0x285: {  	[sflag:s9] =	ssyncset.done $0x0  }
0x286: {  	[sflag:s9] =	ssyncadd.s32 $0xFFFFF000  }
0x287: {  	_ =	swait.ge [sflag:s9], $0x1000  }
0x288: {  	[sflag:s9] =	ssyncset.done $0x0  }
0x289: {  	[sflag:s9] =	ssyncadd.s32 $0xFFFFF000  }
0x28a: {  	_ =	swait.ge [sflag:s9], $0x1000  }
0x28b: {  	[sflag:s9] =	ssyncset.done $0x0  }
0x28c: {  	[sflag:s9] =	ssyncadd.s32 $0xFFFFF000  }
0x28d: {  	_ =	swait.ge [sflag:s9], $0x1000  }
0x28e: {  	[sflag:s9] =	ssyncset.done $0x0  }
0x28f: {  	s12 =	simm.s32 $0x180;
	[sflag:s9] =	ssyncadd.s32 $0xFFFFF000  }
0x290: {  	[tilespmem:s28], [sflag:$0x1] =	stream.indirect.gather [hbm4b:s22+s26], $0x40, s12, s26, $0xb8;
	[tilespmem:$0xCC00] =	vst v63  }
0x291: {  	s13 =	simm.s32 $0x380  }
0x292: {  	[tilespmem:s29], [sflag:$0x1] =	stream.indirect.gather [hbm4b:s22+s26], $0x40, s13, s26, $0xb8;
	[tilespmem:$0xCC00] =	vst v63  }
0x293: {  	s12 =	simm.s32 $0x580  }
0x294: {  	[tilespmem:s30], [sflag:$0x1] =	stream.indirect.gather [hbm4b:s17+s26], $0x40, s12, s26, $0xb8;
	[tilespmem:$0xCC00] =	vst v63  }
0x295: {  	s13 =	simm.s32 $0x780  }
0x296: {  	[tilespmem:s31], [sflag:$0x1] =	stream.indirect.gather [hbm4b:s22+s26], $0x40, s13, s26, $0xb8;
	[tilespmem:$0xCC00] =	vst v63  }
0x297: {  	s12 =	simm.s32 $0x980  }
0x298: {  	[tilespmem:s0], [sflag:$0x1] =	stream.indirect.gather [hbm4b:s22+s26], $0x40, s12, s26, $0xb8;
	[tilespmem:$0xCC00] =	vst v63  }
0x299: {  	s11 =	simm.s32 $0x0;
	s13 =	simm.s32 $0xB80  }
0x29a: {  	[tilespmem:s2], [sflag:$0x1] =	stream.indirect.gather [hbm4b:s17+s26], $0x40, s13, s26, $0xb8;
	[tilespmem:$0xCC00] =	vst v63  }
0x29b: {  	v5 =	vld [tilespmem:s11+$0x7C00]  }
0x29c: {  	v4 =	vld [tilespmem:s11+$0xAC00]  }
0x29d: {  	v3 =	vld [tilespmem:s11+$0x7C10]  }
0x29e: {  	v2 =	vld [tilespmem:s11+$0xAC10]  }
0x29f: {  	v1 =	vld [tilespmem:s11+$0x7C20]  }
0x2a0: {  	v0 =	vld [tilespmem:s11+$0xAC20]  }
0x2a1: {  	v12 =	vld [tilespmem:s11+$0x6C00]  }
0x2a2: {  	v17 =	vld [tilespmem:s11+$0x9C00]  }
0x2a3: {  	v11 =	vld [tilespmem:s11+$0x6C10]  }
0x2a4: {  	v10 =	vld [tilespmem:s11+$0x9C10]  }
0x2a5: {  	v9 =	vld [tilespmem:s11+$0x6C20]  }
0x2a6: {  	v8 =	vld [tilespmem:s11+$0x9C20]  }
0x2a7: {  	v7 =	vld [tilespmem:s11+$0x6C30]  }
0x2a8: {  	v6 =	vld [tilespmem:s11+$0x9C30]  }
0x2a9: {  	v18 =	vld [tilespmem:s11+$0x8C00]  }
0x2aa: {  	v19 =	vld [tilespmem:s11+$0xBC00]  }
0x2ab: {  	v16 =	vld [tilespmem:s11+$0x8C10]  }
0x2ac: {  	v15 =	vld [tilespmem:s11+$0xBC10]  }
0x2ad: {  	v14 =	vld [tilespmem:s11+$0x8C20]  }
0x2ae: {  	v13 =	vld [tilespmem:s11+$0xBC20];
	v18 =	vadd.f32 v18, v12  }
0x2af: {  	s12 =	simm.s32 $0x100;
	v17 =	vadd.f32 v19, v17;
	v12 =	vld [tilespmem:s11+$0x8C30]  }
.LBB2_12:
0x2b0: {  	p0 =	sne.s32 s12, $0x3F00;
	v5 =	vsub.f32 v18, v5;
	v11 =	vadd.f32 v16, v11;
	v16 =	vld [tilespmem:s11+$0xBC30]  }
0x2b1: {  	v4 =	vsub.f32 v17, v4;
	v10 =	vadd.f32 v15, v10;
	v15 =	vld [tilespmem:s11+$0x7C30]  }
0x2b2: {  	s13 =	sshra.s32 s12, $0x2;
	[tilespmem:s11+$0x8C00] =	vst v5;
	v3 =	vsub.f32 v11, v3;
	v9 =	vadd.f32 v14, v9;
	v11 =	vld [tilespmem:s11+$0xAC30]  }
0x2b3: {  	v5 =	vld [tilespmem:s13+$0x7C00];
	[tilespmem:s11+$0xBC00] =	vst v4;
	v2 =	vsub.f32 v10, v2;
	v8 =	vadd.f32 v13, v8  }
0x2b4: {  	v4 =	vld [tilespmem:s13+$0xAC00];
	[tilespmem:s11+$0x8C10] =	vst v3;
	v1 =	vsub.f32 v9, v1;
	v7 =	vadd.f32 v12, v7  }
0x2b5: {  	v3 =	vld [tilespmem:s13+$0x7C10];
	[tilespmem:s11+$0xBC10] =	vst v2;
	v0 =	vsub.f32 v8, v0;
	v6 =	vadd.f32 v16, v6  }
0x2b6: {  	v2 =	vld [tilespmem:s13+$0xAC10];
	[tilespmem:s11+$0x8C20] =	vst v1;
	v7 =	vsub.f32 v7, v15  }
0x2b7: {  	v1 =	vld [tilespmem:s13+$0x7C20];
	[tilespmem:s11+$0xBC20] =	vst v0;
	v6 =	vsub.f32 v6, v11  }
0x2b8: {  	v0 =	vld [tilespmem:s13+$0xAC20];
	[tilespmem:s11+$0x8C30] =	vst v7  }
0x2b9: {  	v12 =	vld [tilespmem:s13+$0x6C00];
	[tilespmem:s11+$0xBC30] =	vst v6;
	s11 =	smov.u32 s13  }
0x2ba: {  	v17 =	vld [tilespmem:s11+$0x9C00]  }
0x2bb: {  	v11 =	vld [tilespmem:s11+$0x6C10]  }
0x2bc: {  	v10 =	vld [tilespmem:s11+$0x9C10]  }
0x2bd: {  	v9 =	vld [tilespmem:s11+$0x6C20]  }
0x2be: {  	v8 =	vld [tilespmem:s11+$0x9C20]  }
0x2bf: {  	v7 =	vld [tilespmem:s11+$0x6C30]  }
0x2c0: {  	v6 =	vld [tilespmem:s11+$0x9C30]  }
0x2c1: {  	v13 =	vld [tilespmem:s11+$0x8C00]  }
0x2c2: {  	v19 =	vld [tilespmem:s11+$0xBC00]  }
.Ltmp5:
0x2c3: {  	v16 =	vld [tilespmem:s11+$0x8C10];
	(pc) =	sbr.rel @p0 .LBB2_12-.Ltmp5, $4  }
0x2c4: {  	v15 =	vld [tilespmem:s11+$0xBC10]  }
0x2c5: {  	v14 =	vld [tilespmem:s11+$0x8C20]  }
0x2c6: {  	v18 =	vadd.f32 v13, v12;
	v13 =	vld [tilespmem:s11+$0xBC20]  }
0x2c7: {  	s12 =	sadd.s32 $0x100, s12;
	v17 =	vadd.f32 v19, v17;
	v12 =	vld [tilespmem:s11+$0x8C30]  }
0x2c8: {  	v5 =	vsub.f32 v18, v5;
	v18 =	vld [tilespmem:s11+$0xBC30];
	v11 =	vadd.f32 v16, v11  }
0x2c9: {  	v16 =	vld [tilespmem:s11+$0x7C30];
	v4 =	vsub.f32 v17, v4;
	v10 =	vadd.f32 v15, v10  }
0x2ca: {  	[tilespmem:s11+$0x8C00] =	vst v5;
	v3 =	vsub.f32 v11, v3;
	v5 =	vadd.f32 v14, v9;
	v9 =	vld [tilespmem:s11+$0xAC30]  }
0x2cb: {  	[tilespmem:s11+$0xBC00] =	vst v4;
	v2 =	vsub.f32 v10, v2;
	v4 =	vadd.f32 v13, v8  }
0x2cc: {  	[tilespmem:s11+$0x8C10] =	vst v3;
	v1 =	vsub.f32 v5, v1;
	v3 =	vadd.f32 v12, v7  }
0x2cd: {  	[tilespmem:s11+$0xBC10] =	vst v2;
	v0 =	vsub.f32 v4, v0;
	v2 =	vadd.f32 v18, v6  }
0x2ce: {  	[tilespmem:s11+$0x8C20] =	vst v1;
	v1 =	vsub.f32 v3, v16  }
0x2cf: {  	s12 =	sld [smem:$0x7ED];
	[tilespmem:s11+$0xBC20] =	vst v0;
	v0 =	vsub.f32 v2, v9  }
0x2d0: {  	[tilespmem:s11+$0x8C30] =	vst v1  }
0x2d1: {  	s13 =	sld [smem:$0x7EE];
	[tilespmem:s11+$0xBC30] =	vst v0;
	s11 =	simm.s32 $0x0  }
0x2d2: {  	[hbm4b:s12+s11] =	stream.linear.scatter [tilespmem:s24], [sflag:$0x2], $0x1000, $0x38;
	[tilespmem:$0xCC00] =	vst v63  }
0x2d3: {  	_ = 	snop  }
0x2d4: {  	[hbm4b:s13+s11] =	stream.linear.scatter [tilespmem:s4], [sflag:$0x2], $0x1000, $0x38;
	[tilespmem:$0xCC00] =	vst v63  }
0x2d5: {  	s13 =	sld [smem:$0x7EF];
	_ =	sdelay $0x2  }
0x2d6: {  	[hbm4b:s13+s11] =	stream.linear.scatter [tilespmem:s5], [sflag:$0x2], $0x1000, $0x38;
	[tilespmem:$0xCC00] =	vst v63  }
0x2d7: {  	s13 =	sld [smem:$0x7F0];
	_ =	sdelay $0x2  }
0x2d8: {  	[hbm4b:s13+s11] =	stream.linear.scatter [tilespmem:s6], [sflag:$0x2], $0x1000, $0x38;
	[tilespmem:$0xCC00] =	vst v63  }
0x2d9: {  	s13 =	sld [smem:$0x7F1];
	_ =	sdelay $0x2  }
0x2da: {  	[hbm4b:s13+s11] =	stream.linear.scatter [tilespmem:s7], [sflag:$0x2], $0x1000, $0x38;
	[tilespmem:$0xCC00] =	vst v63  }
0x2db: {  	s13 =	sld [smem:$0x7F2];
	_ =	sdelay $0x2  }
0x2dc: {  	[hbm4b:s13+s11] =	stream.linear.scatter [tilespmem:s8], [sflag:$0x2], $0x1000, $0x38;
	[tilespmem:$0xCC00] =	vst v63  }
0x2dd: {  	_ =	swait.ge [sflag:s3], $0x1000  }
0x2de: {  	[sflag:s3] =	ssyncset.done $0x0  }
0x2df: {  	[sflag:s3] =	ssyncadd.s32 $0xFFFFF000  }
0x2e0: {  	_ =	swait.ge [sflag:s3], $0x1000  }
0x2e1: {  	[sflag:s3] =	ssyncset.done $0x0  }
0x2e2: {  	[sflag:s3] =	ssyncadd.s32 $0xFFFFF000  }
0x2e3: {  	_ =	swait.ge [sflag:s3], $0x1000  }
0x2e4: {  	[sflag:s3] =	ssyncset.done $0x0  }
0x2e5: {  	[sflag:s3] =	ssyncadd.s32 $0xFFFFF000  }
0x2e6: {  	_ =	swait.ge [sflag:s3], $0x1000  }
0x2e7: {  	[sflag:s3] =	ssyncset.done $0x0  }
0x2e8: {  	[sflag:s3] =	ssyncadd.s32 $0xFFFFF000  }
0x2e9: {  	_ =	swait.ge [sflag:s3], $0x1000  }
0x2ea: {  	[sflag:s3] =	ssyncset.done $0x0  }
0x2eb: {  	[sflag:s3] =	ssyncadd.s32 $0xFFFFF000  }
0x2ec: {  	_ =	swait.ge [sflag:s3], $0x1000  }
0x2ed: {  	[sflag:s3] =	ssyncset.done $0x0  }
0x2ee: {  	[sflag:s3] =	ssyncadd.s32 $0xFFFFF000  }
0x2ef: {  	_ =	swait.ge [sflag:s9], $0x1000  }
0x2f0: {  	[sflag:s9] =	ssyncset.done $0x0  }
0x2f1: {  	[sflag:s9] =	ssyncadd.s32 $0xFFFFF000  }
0x2f2: {  	_ =	swait.ge [sflag:s9], $0x1000  }
0x2f3: {  	[sflag:s9] =	ssyncset.done $0x0  }
0x2f4: {  	[sflag:s9] =	ssyncadd.s32 $0xFFFFF000  }
0x2f5: {  	_ =	swait.ge [sflag:s9], $0x1000  }
0x2f6: {  	[sflag:s9] =	ssyncset.done $0x0  }
0x2f7: {  	[sflag:s9] =	ssyncadd.s32 $0xFFFFF000  }
0x2f8: {  	_ =	swait.ge [sflag:s9], $0x1000  }
0x2f9: {  	[sflag:s9] =	ssyncset.done $0x0  }
0x2fa: {  	[sflag:s9] =	ssyncadd.s32 $0xFFFFF000  }
0x2fb: {  	_ =	swait.ge [sflag:s9], $0x1000  }
0x2fc: {  	[sflag:s9] =	ssyncset.done $0x0  }
0x2fd: {  	[sflag:s9] =	ssyncadd.s32 $0xFFFFF000  }
0x2fe: {  	_ =	swait.ge [sflag:s9], $0x1000  }
0x2ff: {  	[sflag:s9] =	ssyncset.done $0x0  }
0x300: {  	s12 =	simm.s32 $0x1C0;
	[sflag:s9] =	ssyncadd.s32 $0xFFFFF000  }
0x301: {  	[tilespmem:s24], [sflag:$0x1] =	stream.indirect.gather [hbm4b:s22+s26], $0x40, s12, s26, $0xb8;
	[tilespmem:$0xCC00] =	vst v63  }
0x302: {  	s13 =	simm.s32 $0x3C0  }
0x303: {  	[tilespmem:s4], [sflag:$0x1] =	stream.indirect.gather [hbm4b:s22+s26], $0x40, s13, s26, $0xb8;
	[tilespmem:$0xCC00] =	vst v63  }
0x304: {  	s12 =	simm.s32 $0x5C0  }
0x305: {  	[tilespmem:s5], [sflag:$0x1] =	stream.indirect.gather [hbm4b:s17+s26], $0x40, s12, s26, $0xb8;
	[tilespmem:$0xCC00] =	vst v63  }
0x306: {  	s13 =	simm.s32 $0x7C0  }
0x307: {  	[tilespmem:s6], [sflag:$0x1] =	stream.indirect.gather [hbm4b:s22+s26], $0x40, s13, s26, $0xb8;
	[tilespmem:$0xCC00] =	vst v63  }
0x308: {  	s12 =	simm.s32 $0x9C0  }
0x309: {  	[tilespmem:s7], [sflag:$0x1] =	stream.indirect.gather [hbm4b:s22+s26], $0x40, s12, s26, $0xb8;
	[tilespmem:$0xCC00] =	vst v63  }
0x30a: {  	s11 =	simm.s32 $0x0;
	s13 =	simm.s32 $0xBC0  }
0x30b: {  	[tilespmem:s8], [sflag:$0x1] =	stream.indirect.gather [hbm4b:s17+s26], $0x40, s13, s26, $0xb8;
	[tilespmem:$0xCC00] =	vst v63  }
0x30c: {  	v5 =	vld [tilespmem:s11+$0x1C00]  }
0x30d: {  	v4 =	vld [tilespmem:s11+$0x4C00]  }
0x30e: {  	v3 =	vld [tilespmem:s11+$0x1C10]  }
0x30f: {  	v2 =	vld [tilespmem:s11+$0x4C10]  }
0x310: {  	v1 =	vld [tilespmem:s11+$0x1C20]  }
0x311: {  	v0 =	vld [tilespmem:s11+$0x4C20]  }
0x312: {  	v12 =	vld [tilespmem:s11+$0xC00]  }
0x313: {  	v17 =	vld [tilespmem:s11+$0x3C00]  }
0x314: {  	v11 =	vld [tilespmem:s11+$0xC10]  }
0x315: {  	v10 =	vld [tilespmem:s11+$0x3C10]  }
0x316: {  	v9 =	vld [tilespmem:s11+$0xC20]  }
0x317: {  	v8 =	vld [tilespmem:s11+$0x3C20]  }
0x318: {  	v7 =	vld [tilespmem:s11+$0xC30]  }
0x319: {  	v6 =	vld [tilespmem:s11+$0x3C30]  }
0x31a: {  	v18 =	vld [tilespmem:s11+$0x2C00]  }
0x31b: {  	v19 =	vld [tilespmem:s11+$0x5C00]  }
0x31c: {  	v16 =	vld [tilespmem:s11+$0x2C10]  }
0x31d: {  	v15 =	vld [tilespmem:s11+$0x5C10]  }
0x31e: {  	v14 =	vld [tilespmem:s11+$0x2C20]  }
0x31f: {  	v13 =	vld [tilespmem:s11+$0x5C20];
	v18 =	vadd.f32 v18, v12  }
0x320: {  	s12 =	simm.s32 $0x100;
	v17 =	vadd.f32 v19, v17;
	v12 =	vld [tilespmem:s11+$0x2C30]  }
.LBB2_14:
0x321: {  	p0 =	sne.s32 s12, $0x3F00;
	v5 =	vsub.f32 v18, v5;
	v11 =	vadd.f32 v16, v11;
	v16 =	vld [tilespmem:s11+$0x5C30]  }
0x322: {  	v4 =	vsub.f32 v17, v4;
	v10 =	vadd.f32 v15, v10;
	v15 =	vld [tilespmem:s11+$0x1C30]  }
0x323: {  	s13 =	sshra.s32 s12, $0x2;
	[tilespmem:s11+$0x2C00] =	vst v5;
	v3 =	vsub.f32 v11, v3;
	v9 =	vadd.f32 v14, v9;
	v11 =	vld [tilespmem:s11+$0x4C30]  }
0x324: {  	v5 =	vld [tilespmem:s13+$0x1C00];
	[tilespmem:s11+$0x5C00] =	vst v4;
	v2 =	vsub.f32 v10, v2;
	v8 =	vadd.f32 v13, v8  }
0x325: {  	v4 =	vld [tilespmem:s13+$0x4C00];
	[tilespmem:s11+$0x2C10] =	vst v3;
	v1 =	vsub.f32 v9, v1;
	v7 =	vadd.f32 v12, v7  }
0x326: {  	v3 =	vld [tilespmem:s13+$0x1C10];
	[tilespmem:s11+$0x5C10] =	vst v2;
	v0 =	vsub.f32 v8, v0;
	v6 =	vadd.f32 v16, v6  }
0x327: {  	v2 =	vld [tilespmem:s13+$0x4C10];
	[tilespmem:s11+$0x2C20] =	vst v1;
	v7 =	vsub.f32 v7, v15  }
0x328: {  	v1 =	vld [tilespmem:s13+$0x1C20];
	[tilespmem:s11+$0x5C20] =	vst v0;
	v6 =	vsub.f32 v6, v11  }
0x329: {  	v0 =	vld [tilespmem:s13+$0x4C20];
	[tilespmem:s11+$0x2C30] =	vst v7  }
0x32a: {  	v12 =	vld [tilespmem:s13+$0xC00];
	[tilespmem:s11+$0x5C30] =	vst v6;
	s11 =	smov.u32 s13  }
0x32b: {  	v17 =	vld [tilespmem:s11+$0x3C00]  }
0x32c: {  	v11 =	vld [tilespmem:s11+$0xC10]  }
0x32d: {  	v10 =	vld [tilespmem:s11+$0x3C10]  }
0x32e: {  	v9 =	vld [tilespmem:s11+$0xC20]  }
0x32f: {  	v8 =	vld [tilespmem:s11+$0x3C20]  }
0x330: {  	v7 =	vld [tilespmem:s11+$0xC30]  }
0x331: {  	v6 =	vld [tilespmem:s11+$0x3C30]  }
0x332: {  	v13 =	vld [tilespmem:s11+$0x2C00]  }
0x333: {  	v19 =	vld [tilespmem:s11+$0x5C00]  }
.Ltmp6:
0x334: {  	v16 =	vld [tilespmem:s11+$0x2C10];
	(pc) =	sbr.rel @p0 .LBB2_14-.Ltmp6, $4  }
0x335: {  	v15 =	vld [tilespmem:s11+$0x5C10]  }
0x336: {  	v14 =	vld [tilespmem:s11+$0x2C20]  }
0x337: {  	v18 =	vadd.f32 v13, v12;
	v13 =	vld [tilespmem:s11+$0x5C20]  }
0x338: {  	s12 =	sadd.s32 $0x100, s12;
	v17 =	vadd.f32 v19, v17;
	v12 =	vld [tilespmem:s11+$0x2C30]  }
0x339: {  	v5 =	vsub.f32 v18, v5;
	v18 =	vld [tilespmem:s11+$0x5C30];
	v11 =	vadd.f32 v16, v11  }
0x33a: {  	v16 =	vld [tilespmem:s11+$0x1C30];
	v4 =	vsub.f32 v17, v4;
	v10 =	vadd.f32 v15, v10  }
0x33b: {  	[tilespmem:s11+$0x2C00] =	vst v5;
	v3 =	vsub.f32 v11, v3;
	v5 =	vadd.f32 v14, v9;
	v9 =	vld [tilespmem:s11+$0x4C30]  }
0x33c: {  	[tilespmem:s11+$0x5C00] =	vst v4;
	v2 =	vsub.f32 v10, v2;
	v4 =	vadd.f32 v13, v8  }
0x33d: {  	[tilespmem:s11+$0x2C10] =	vst v3;
	v1 =	vsub.f32 v5, v1;
	v3 =	vadd.f32 v12, v7  }
0x33e: {  	[tilespmem:s11+$0x5C10] =	vst v2;
	v0 =	vsub.f32 v4, v0;
	v2 =	vadd.f32 v18, v6  }
0x33f: {  	[tilespmem:s11+$0x2C20] =	vst v1;
	v1 =	vsub.f32 v3, v16  }
0x340: {  	s12 =	sld [smem:$0x7F3];
	[tilespmem:s11+$0x5C20] =	vst v0;
	v0 =	vsub.f32 v2, v9  }
0x341: {  	[tilespmem:s11+$0x2C30] =	vst v1  }
0x342: {  	s13 =	sld [smem:$0x7F4];
	[tilespmem:s11+$0x5C30] =	vst v0;
	s11 =	simm.s32 $0x0  }
0x343: {  	[hbm4b:s12+s11] =	stream.linear.scatter [tilespmem:s28], [sflag:$0x2], $0x1000, $0x38;
	[tilespmem:$0xCC00] =	vst v63  }
0x344: {  	_ = 	snop  }
0x345: {  	[hbm4b:s13+s11] =	stream.linear.scatter [tilespmem:s29], [sflag:$0x2], $0x1000, $0x38;
	[tilespmem:$0xCC00] =	vst v63  }
0x346: {  	s13 =	sld [smem:$0x7F5];
	_ =	sdelay $0x2  }
0x347: {  	[hbm4b:s13+s11] =	stream.linear.scatter [tilespmem:s30], [sflag:$0x2], $0x1000, $0x38;
	[tilespmem:$0xCC00] =	vst v63  }
0x348: {  	s13 =	sld [smem:$0x7F6];
	_ =	sdelay $0x2  }
0x349: {  	[hbm4b:s13+s11] =	stream.linear.scatter [tilespmem:s31], [sflag:$0x2], $0x1000, $0x38;
	[tilespmem:$0xCC00] =	vst v63  }
0x34a: {  	s13 =	sld [smem:$0x7F7];
	_ =	sdelay $0x2  }
0x34b: {  	[hbm4b:s13+s11] =	stream.linear.scatter [tilespmem:s0], [sflag:$0x2], $0x1000, $0x38;
	[tilespmem:$0xCC00] =	vst v63  }
0x34c: {  	s13 =	sld [smem:$0x7F8];
	_ =	sdelay $0x2  }
0x34d: {  	[hbm4b:s13+s11] =	stream.linear.scatter [tilespmem:s2], [sflag:$0x2], $0x1000, $0x38;
	[tilespmem:$0xCC00] =	vst v63  }
0x34e: {  	_ =	swait.ge [sflag:s3], $0x1000  }
0x34f: {  	[sflag:s3] =	ssyncset.done $0x0  }
0x350: {  	[sflag:s3] =	ssyncadd.s32 $0xFFFFF000  }
0x351: {  	_ =	swait.ge [sflag:s3], $0x1000  }
0x352: {  	[sflag:s3] =	ssyncset.done $0x0  }
0x353: {  	[sflag:s3] =	ssyncadd.s32 $0xFFFFF000  }
0x354: {  	_ =	swait.ge [sflag:s3], $0x1000  }
0x355: {  	[sflag:s3] =	ssyncset.done $0x0  }
0x356: {  	[sflag:s3] =	ssyncadd.s32 $0xFFFFF000  }
0x357: {  	_ =	swait.ge [sflag:s3], $0x1000  }
0x358: {  	[sflag:s3] =	ssyncset.done $0x0  }
0x359: {  	[sflag:s3] =	ssyncadd.s32 $0xFFFFF000  }
0x35a: {  	_ =	swait.ge [sflag:s3], $0x1000  }
0x35b: {  	[sflag:s3] =	ssyncset.done $0x0  }
0x35c: {  	[sflag:s3] =	ssyncadd.s32 $0xFFFFF000  }
0x35d: {  	_ =	swait.ge [sflag:s3], $0x1000  }
0x35e: {  	[sflag:s3] =	ssyncset.done $0x0  }
0x35f: {  	[sflag:s3] =	ssyncadd.s32 $0xFFFFF000  }
0x360: {  	_ =	swait.ge [sflag:s9], $0x1000  }
0x361: {  	[sflag:s9] =	ssyncset.done $0x0  }
0x362: {  	[sflag:s9] =	ssyncadd.s32 $0xFFFFF000  }
0x363: {  	_ =	swait.ge [sflag:s9], $0x1000  }
0x364: {  	[sflag:s9] =	ssyncset.done $0x0  }
0x365: {  	[sflag:s9] =	ssyncadd.s32 $0xFFFFF000  }
0x366: {  	_ =	swait.ge [sflag:s9], $0x1000  }
0x367: {  	[sflag:s9] =	ssyncset.done $0x0  }
0x368: {  	[sflag:s9] =	ssyncadd.s32 $0xFFFFF000  }
0x369: {  	_ =	swait.ge [sflag:s9], $0x1000  }
0x36a: {  	[sflag:s9] =	ssyncset.done $0x0  }
0x36b: {  	[sflag:s9] =	ssyncadd.s32 $0xFFFFF000  }
0x36c: {  	_ =	swait.ge [sflag:s9], $0x1000  }
0x36d: {  	[sflag:s9] =	ssyncset.done $0x0  }
0x36e: {  	[sflag:s9] =	ssyncadd.s32 $0xFFFFF000  }
0x36f: {  	_ =	swait.ge [sflag:s9], $0x1000  }
0x370: {  	[sflag:s9] =	ssyncset.done $0x0  }
0x371: {  	s11 =	simm.s32 $0x0;
	[sflag:s9] =	ssyncadd.s32 $0xFFFFF000  }
0x372: {  	v5 =	vld [tilespmem:s11+$0x7C00]  }
0x373: {  	v4 =	vld [tilespmem:s11+$0xAC00]  }
0x374: {  	v3 =	vld [tilespmem:s11+$0x7C10]  }
0x375: {  	v2 =	vld [tilespmem:s11+$0xAC10]  }
0x376: {  	v1 =	vld [tilespmem:s11+$0x7C20]  }
0x377: {  	v0 =	vld [tilespmem:s11+$0xAC20]  }
0x378: {  	v12 =	vld [tilespmem:s11+$0x6C00]  }
0x379: {  	v17 =	vld [tilespmem:s11+$0x9C00]  }
0x37a: {  	v11 =	vld [tilespmem:s11+$0x6C10]  }
0x37b: {  	v10 =	vld [tilespmem:s11+$0x9C10]  }
0x37c: {  	v9 =	vld [tilespmem:s11+$0x6C20]  }
0x37d: {  	v8 =	vld [tilespmem:s11+$0x9C20]  }
0x37e: {  	v7 =	vld [tilespmem:s11+$0x6C30]  }
0x37f: {  	v6 =	vld [tilespmem:s11+$0x9C30]  }
0x380: {  	v18 =	vld [tilespmem:s11+$0x8C00]  }
0x381: {  	v19 =	vld [tilespmem:s11+$0xBC00]  }
0x382: {  	v16 =	vld [tilespmem:s11+$0x8C10]  }
0x383: {  	v15 =	vld [tilespmem:s11+$0xBC10]  }
0x384: {  	v14 =	vld [tilespmem:s11+$0x8C20]  }
0x385: {  	v13 =	vld [tilespmem:s11+$0xBC20];
	v18 =	vadd.f32 v18, v12  }
0x386: {  	s12 =	simm.s32 $0x100;
	v17 =	vadd.f32 v19, v17;
	v12 =	vld [tilespmem:s11+$0x8C30]  }
.LBB2_16:
0x387: {  	p0 =	sne.s32 s12, $0x3F00;
	v5 =	vsub.f32 v18, v5;
	v11 =	vadd.f32 v16, v11;
	v16 =	vld [tilespmem:s11+$0xBC30]  }
0x388: {  	v4 =	vsub.f32 v17, v4;
	v10 =	vadd.f32 v15, v10;
	v15 =	vld [tilespmem:s11+$0x7C30]  }
0x389: {  	s13 =	sshra.s32 s12, $0x2;
	[tilespmem:s11+$0x8C00] =	vst v5;
	v3 =	vsub.f32 v11, v3;
	v9 =	vadd.f32 v14, v9;
	v11 =	vld [tilespmem:s11+$0xAC30]  }
0x38a: {  	v5 =	vld [tilespmem:s13+$0x7C00];
	[tilespmem:s11+$0xBC00] =	vst v4;
	v2 =	vsub.f32 v10, v2;
	v8 =	vadd.f32 v13, v8  }
0x38b: {  	v4 =	vld [tilespmem:s13+$0xAC00];
	[tilespmem:s11+$0x8C10] =	vst v3;
	v1 =	vsub.f32 v9, v1;
	v7 =	vadd.f32 v12, v7  }
0x38c: {  	v3 =	vld [tilespmem:s13+$0x7C10];
	[tilespmem:s11+$0xBC10] =	vst v2;
	v0 =	vsub.f32 v8, v0;
	v6 =	vadd.f32 v16, v6  }
0x38d: {  	v2 =	vld [tilespmem:s13+$0xAC10];
	[tilespmem:s11+$0x8C20] =	vst v1;
	v7 =	vsub.f32 v7, v15  }
0x38e: {  	v1 =	vld [tilespmem:s13+$0x7C20];
	[tilespmem:s11+$0xBC20] =	vst v0;
	v6 =	vsub.f32 v6, v11  }
0x38f: {  	v0 =	vld [tilespmem:s13+$0xAC20];
	[tilespmem:s11+$0x8C30] =	vst v7  }
0x390: {  	v12 =	vld [tilespmem:s13+$0x6C00];
	[tilespmem:s11+$0xBC30] =	vst v6;
	s11 =	smov.u32 s13  }
0x391: {  	v17 =	vld [tilespmem:s11+$0x9C00]  }
0x392: {  	v11 =	vld [tilespmem:s11+$0x6C10]  }
0x393: {  	v10 =	vld [tilespmem:s11+$0x9C10]  }
0x394: {  	v9 =	vld [tilespmem:s11+$0x6C20]  }
0x395: {  	v8 =	vld [tilespmem:s11+$0x9C20]  }
0x396: {  	v7 =	vld [tilespmem:s11+$0x6C30]  }
0x397: {  	v6 =	vld [tilespmem:s11+$0x9C30]  }
0x398: {  	v13 =	vld [tilespmem:s11+$0x8C00]  }
0x399: {  	v19 =	vld [tilespmem:s11+$0xBC00]  }
.Ltmp7:
0x39a: {  	v16 =	vld [tilespmem:s11+$0x8C10];
	(pc) =	sbr.rel @p0 .LBB2_16-.Ltmp7, $4  }
0x39b: {  	v15 =	vld [tilespmem:s11+$0xBC10]  }
0x39c: {  	v14 =	vld [tilespmem:s11+$0x8C20]  }
0x39d: {  	v18 =	vadd.f32 v13, v12;
	v13 =	vld [tilespmem:s11+$0xBC20]  }
0x39e: {  	s12 =	sadd.s32 $0x100, s12;
	v17 =	vadd.f32 v19, v17;
	v12 =	vld [tilespmem:s11+$0x8C30]  }
0x39f: {  	v5 =	vsub.f32 v18, v5;
	v55 =	vld [tilespmem:s11+$0xBC30];
	v11 =	vadd.f32 v16, v11  }
0x3a0: {  	v56 =	vld [tilespmem:s11+$0x7C30];
	v4 =	vsub.f32 v17, v4;
	v10 =	vadd.f32 v15, v10  }
0x3a1: {  	v58 =	vld [tilespmem:s11+$0xAC30];
	[tilespmem:s11+$0x8C00] =	vst v5;
	v3 =	vsub.f32 v11, v3;
	v57 =	vadd.f32 v14, v9  }
0x3a2: {  	[tilespmem:s11+$0xBC00] =	vst v4;
	v2 =	vsub.f32 v10, v2;
	v59 =	vadd.f32 v13, v8  }
0x3a3: {  	[tilespmem:s11+$0x8C10] =	vst v3;
	v1 =	vsub.f32 v57, v1;
	v60 =	vadd.f32 v12, v7  }
0x3a4: {  	[tilespmem:s11+$0xBC10] =	vst v2;
	v0 =	vsub.f32 v59, v0;
	v61 =	vadd.f32 v55, v6  }
0x3a5: {  	[tilespmem:s11+$0x8C20] =	vst v1;
	v62 =	vsub.f32 v60, v56  }
0x3a6: {  	[tilespmem:s11+$0xBC20] =	vst v0;
	v63 =	vsub.f32 v61, v58  }
0x3a7: {  	[tilespmem:s11+$0x8C30] =	vst v62  }
0x3a8: {  	[tilespmem:s11+$0xBC30] =	vst v63  }
0x3a9: {  	[hbm4b:s15+s1] =	stream.linear.scatter [tilespmem:s24], [sflag:$0x2], $0x1000, $0x38;
	[tilespmem:$0xCC00] =	vst v63  }
0x3aa: {  	_ = 	snop  }
0x3ab: {  	[hbm4b:s16+s1] =	stream.linear.scatter [tilespmem:s4], [sflag:$0x2], $0x1000, $0x38;
	[tilespmem:$0xCC00] =	vst v63  }
0x3ac: {  	_ = 	snop  }
0x3ad: {  	[hbm4b:s18+s1] =	stream.linear.scatter [tilespmem:s5], [sflag:$0x2], $0x1000, $0x38;
	[tilespmem:$0xCC00] =	vst v63  }
0x3ae: {  	_ = 	snop  }
0x3af: {  	[hbm4b:s19+s1] =	stream.linear.scatter [tilespmem:s6], [sflag:$0x2], $0x1000, $0x38;
	[tilespmem:$0xCC00] =	vst v63  }
0x3b0: {  	_ = 	snop  }
0x3b1: {  	[hbm4b:s20+s1] =	stream.linear.scatter [tilespmem:s7], [sflag:$0x2], $0x1000, $0x38;
	[tilespmem:$0xCC00] =	vst v63  }
0x3b2: {  	_ = 	snop  }
0x3b3: {  	[hbm4b:s21+s1] =	stream.linear.scatter [tilespmem:s8], [sflag:$0x2], $0x1000, $0x38;
	[tilespmem:$0xCC00] =	vst v63  }
0x3b4: {  	_ =	swait.ge [sflag:s9], $0x1000  }
0x3b5: {  	[sflag:s9] =	ssyncset.done $0x0  }
0x3b6: {  	[sflag:s9] =	ssyncadd.s32 $0xFFFFF000  }
0x3b7: {  	_ =	swait.ge [sflag:s9], $0x1000  }
0x3b8: {  	[sflag:s9] =	ssyncset.done $0x0  }
0x3b9: {  	[sflag:s9] =	ssyncadd.s32 $0xFFFFF000  }
0x3ba: {  	_ =	swait.ge [sflag:s9], $0x1000  }
0x3bb: {  	[sflag:s9] =	ssyncset.done $0x0  }
0x3bc: {  	[sflag:s9] =	ssyncadd.s32 $0xFFFFF000  }
0x3bd: {  	_ =	swait.ge [sflag:s9], $0x1000  }
0x3be: {  	[sflag:s9] =	ssyncset.done $0x0  }
0x3bf: {  	s10 =	sadd.s32 $0x1, s10;
	[sflag:s9] =	ssyncadd.s32 $0xFFFFF000  }
0x3c0: {  	p0 =	sne.s32 s10, s23;
	_ =	swait.ge [sflag:s9], $0x1000  }
.Ltmp8:
0x3c1: {  	[sflag:s9] =	ssyncset.done $0x0;
	(pc) =	sbr.rel @p0 .LBB2_1-.Ltmp8, $4  }
0x3c2: {  	[sflag:s9] =	ssyncadd.s32 $0xFFFFF000  }
0x3c3: {  	_ =	swait.ge [sflag:s9], $0x1000  }
0x3c4: {  	[sflag:s9] =	ssyncset.done $0x0  }
0x3c5: {  	[sflag:s9] =	ssyncadd.s32 $0xFFFFF000  }
0x3c6: {  	_ =	sfence.sel $0x180000  }
0x3c7: {  	[bflag:$0x0] =	sbarrier.arrive $0xFFFF  }
0x3c8: {  	_ =	strace $0x90000047  }
0x3c9: {  	s0 =	stileid.u32;
	[bflag:$0x2] =	sbarrier.arrive $0xFFFF  }
0x3ca: {  	p0 =	sne.s32 s0, $0x0;
	s0 =	rddreg [dreg:$0x6]  }
0x3cb: {  	s0 =	sadd.s32 @!p0 $0x100000, s0  }
0x3cc: {  	[sflag:s0] =	ssyncadd.tile.s32 @!p0 $0x1;
	_ =	shalt  }
.Lfunc_end2:
_tile_overlayer_lowered:
.L_overlay_start_2:
0x3cd: {  	(tag) =	ssettag $0x2  }
0x3ce: {  	s0 =	rddreg [dreg:$0x0];
	s2 =	stileid.u32  }
0x3cf: {  	s1 =	rddreg [dreg:$0x1];
	p0 =	sne.s32 s2, $0x0  }
0x3d0: {  	s3 =	rddreg [dreg:$0x2];
	[bflag:$0x3] =	sbarrier.arrive $0xFFFF;
	s2 =	simm.s32 @!p0 $0x1C03  }
0x3d1: {  	[timem:s3], [sflag:s2] =	dma.local @!p0 [hbm:s0], s1  }
0x3d2: {  	s0 =	simm.s32 @!p0 $0x3  }
0x3d3: {  	_ =	swait.ge @!p0 [sflag:s0], s1  }
0x3d4: {  	s1 =	ssub.s32 @!p0 $0x0, s1;
	[sflag:s0] =	ssyncset.done @!p0 $0x0  }
0x3d5: {  	[sflag:s0] =	ssyncadd.s32 @!p0 s1  }
0x3d6: {  	[bflag:$0x3] =	sbarrier.arrive $0xFFFF  }
0x3d7: {  	_ =	shalt  }

</sc_bundles>
